<compile_context>
chip_gen: v7x
topology: tpu7x:2x2x1
jax: 0.10.2.dev20260603
libtpu: 0.0.44.dev20260713+nightly
codegen_flags: <defaults>
</compile_context>

<pallas_src>
import functools

import jax
import jax.numpy as jnp
from jax import lax
from jax.experimental import pallas as pl
from jax.experimental.pallas import tpu as pltpu
from jax.experimental.pallas import tpu_sc as plsc

_N, _E, _G, _NPER = 10000, 320000, 50, 200
_PAD = 256
_NCLS = 10

_NSUB = 16
_EPT = _E // _NSUB
_ECH = 2000
_NCH = _EPT // _ECH
_ROWS = (_ECH + 127) // 128
_SLOT = _ROWS * 128
_HALF = _N // 2
_HALFE = _HALF * _PAD
_STRIPE = _HALFE // _NSUB
_ZCH = 2048
_NZ = _STRIPE // _ZCH


def _build_adj(edge_index):
    mesh = plsc.VectorSubcoreMesh(core_axis_name="c", subcore_axis_name="s")

    @functools.partial(
        pl.kernel,
        mesh=mesh,
        out_type=jax.ShapeDtypeStruct((_N * _PAD,), jnp.float32),
        scratch_types=[
            pltpu.VMEM((2 * _SLOT,), jnp.int32),
            pltpu.VMEM((2 * _SLOT,), jnp.int32),
            pltpu.VMEM((_NCH * _ROWS, 128), jnp.int32),
            pltpu.VMEM((128,), jnp.float32),
            pltpu.VMEM((_ZCH,), jnp.float32),
            pltpu.VMEM_SHARED((_HALFE,), jnp.float32),
            pltpu.SemaphoreType.DMA,
            pltpu.SemaphoreType.DMA,
            pltpu.SemaphoreType.DMA,
        ],
    )
    def build(src_hbm, dst_hbm, out_hbm, src_v, dst_v, idx_v, ones_v, z_v,
              shared, sem_z, sem_in, sem_sc):
        c = lax.axis_index("c")
        s = lax.axis_index("s")

        def fill_ones(i, _):
            ones_v[pl.ds(i * 16, 16)] = jnp.ones((16,), jnp.float32)
            return 0

        lax.fori_loop(0, 128 // 16, fill_ones, 0)

        def fill_z(i, _):
            z_v[pl.ds(i * 16, 16)] = jnp.zeros((16,), jnp.float32)
            return 0

        lax.fori_loop(0, _ZCH // 16, fill_z, 0)

        def zfire(q, _):
            pltpu.async_copy(
                z_v, shared.at[pl.ds(s * _STRIPE + q * _ZCH, _ZCH)], sem_z)
            return 0

        lax.fori_loop(0, _NZ, zfire, 0)

        pltpu.async_copy(src_hbm.at[pl.ds(s * _EPT, _ECH)],
                         src_v.at[pl.ds(0, _ECH)], sem_in)
        pltpu.async_copy(dst_hbm.at[pl.ds(s * _EPT, _ECH)],
                         dst_v.at[pl.ds(0, _ECH)], sem_in)

        def zdrain(q, _):
            pltpu.make_async_copy(
                z_v, shared.at[pl.ds(s * _STRIPE, _ZCH)], sem_z).wait()
            return 0

        lax.fori_loop(0, _NZ, zdrain, 0)
        plsc.subcore_barrier()
        lo = c * _HALF

        def chunk(q, _):
            p = lax.rem(q, 2)
            pltpu.make_async_copy(src_hbm.at[pl.ds(0, _ECH)],
                                  src_v.at[pl.ds(p * _SLOT, _ECH)], sem_in).wait()
            pltpu.make_async_copy(dst_hbm.at[pl.ds(0, _ECH)],
                                  dst_v.at[pl.ds(p * _SLOT, _ECH)], sem_in).wait()

            @pl.when(q + 1 < _NCH)
            def _():
                off = s * _EPT + (q + 1) * _ECH
                pltpu.async_copy(src_hbm.at[pl.ds(off, _ECH)],
                                 src_v.at[pl.ds((1 - p) * _SLOT, _ECH)], sem_in)
                pltpu.async_copy(dst_hbm.at[pl.ds(off, _ECH)],
                                 dst_v.at[pl.ds((1 - p) * _SLOT, _ECH)], sem_in)

            @pl.when(q >= 2)
            def _():
                def scdrain(i, _):
                    pltpu.make_async_copy(
                        ones_v, shared.at[idx_v.at[0]], sem_sc).wait()
                    return 0

                lax.fori_loop(0, _ROWS, scdrain, 0)

            def rowfn(j, _):
                for v in range(8):
                    base = j * 128 + v * 16
                    sv = src_v[pl.ds(p * _SLOT + base, 16)]
                    dv = dst_v[pl.ds(p * _SLOT + base, 16)]
                    col = lax.rem(sv, 200)
                    dl = dv - lo
                    lane = base + lax.iota(jnp.int32, 16)
                    ok = (dl >= 0) & (dl < _HALF) & (lane < _ECH)
                    idx_v[q * _ROWS + j, pl.ds(v * 16, 16)] = jnp.where(
                        ok, dl * _PAD + col, 255)
                pltpu.async_copy(
                    ones_v, shared.at[idx_v.at[q * _ROWS + j]], sem_sc,
                    add=True)
                return 0

            lax.fori_loop(0, _ROWS, rowfn, 0)
            return 0

        lax.fori_loop(0, _NCH, chunk, 0)

        def scdrain_tail(i, _):
            pltpu.make_async_copy(
                ones_v, shared.at[idx_v.at[0]], sem_sc).wait()
            return 0

        lax.fori_loop(0, 2 * _ROWS, scdrain_tail, 0)
        plsc.subcore_barrier()
        pltpu.sync_copy(shared.at[pl.ds(s * _STRIPE, _STRIPE)],
                        out_hbm.at[pl.ds(c * _HALFE + s * _STRIPE, _STRIPE)])

    return build(edge_index[0], edge_index[1])



def _dinv_t(A, active):
    ap = jnp.concatenate(
        [active, jnp.zeros((_PAD - _NPER, 1), jnp.float32)], axis=0)
    deg = jnp.dot(A, ap, preferred_element_type=jnp.float32) * active + active
    return jnp.where(deg > 0, 1.0 / jnp.sqrt(jnp.maximum(deg, 1e-12)), 0.0)


def _gcn_t(A, h, W, b, active, dinv):
    hw = jnp.dot(h, W, preferred_element_type=jnp.float32)
    hp = jnp.concatenate(
        [dinv * hw, jnp.zeros((_PAD - _NPER, hw.shape[1]), jnp.float32)], axis=0)
    agg = jnp.dot(A, hp, preferred_element_type=jnp.float32) * dinv
    return (agg + (dinv * dinv * active) * hw + b) * active


_GPB = 5


def _layer_multi(As, hs_in, acts, W, b, Ws, bs, k, eye, ilt):
    f32 = jnp.float32
    zpad1 = jnp.zeros((_PAD - _NPER, 1), f32)
    aps = [jnp.concatenate([a, zpad1], axis=0) for a in acts]
    degs = [jnp.dot(A, ap, preferred_element_type=f32)
            for A, ap in zip(As, aps)]
    degs = [d * a + a for d, a in zip(degs, acts)]
    dinvs = [jnp.where(d > 0, 1.0 / jnp.sqrt(jnp.maximum(d, 1e-12)), 0.0)
             for d in degs]
    hws = [jnp.dot(h, W, preferred_element_type=f32) for h in hs_in]
    zpadF = jnp.zeros((_PAD - _NPER, hws[0].shape[1]), f32)
    hps = [jnp.concatenate([di * hw, zpadF], axis=0)
           for di, hw in zip(dinvs, hws)]
    aggs = [jnp.dot(A, hp, preferred_element_type=f32) * di
            for A, hp, di in zip(As, hps, dinvs)]
    hs = [jax.nn.relu((ag + (di * di * a) * hw + b) * a)
          for ag, di, a, hw in zip(aggs, dinvs, acts, hws)]
    hss = [jnp.dot(h, Ws, preferred_element_type=f32) for h in hs]
    hpss = [jnp.concatenate([di * hw, zpad1], axis=0)
            for di, hw in zip(dinvs, hss)]
    aggss = [jnp.dot(A, hp, preferred_element_type=f32) * di
             for A, hp, di in zip(As, hpss, dinvs)]
    scs = [(ag + (di * di * a) * hw + bs) * a
           for ag, di, a, hw in zip(aggss, dinvs, acts, hss)]
    sms = [jnp.where(a > 0, s, -1e9) for s, a in zip(scs, acts)]
    smTs = [lax.dot_general(sm, eye, (((0,), (0,)), ((), ()))) for sm in sms]
    cnts = [jnp.sum(jnp.where((smT > sm) | ((smT == sm) & ilt), 1.0, 0.0),
                    axis=1, keepdims=True)
            for smT, sm in zip(smTs, sms)]
    nas = [jnp.where(c < k, 1.0, 0.0) * a for c, a in zip(cnts, acts)]
    hns = [h * jnp.tanh(s) * na for h, s, na in zip(hs, scs, nas)]
    xmaxs = [jnp.max(jnp.where(na > 0, hn, -1e9), axis=0, keepdims=True)
             for hn, na in zip(hns, nas)]
    cntns = [jnp.maximum(jnp.sum(na), 1.0) for na in nas]
    xmeans = [jnp.sum(hn, axis=0, keepdims=True) / cn
              for hn, cn in zip(hns, cntns)]
    Ts = [jnp.concatenate([xm, xme], axis=1)
          for xm, xme in zip(xmaxs, xmeans)]
    return hns, nas, Ts


def _fwd_body(a_ref, x_ref, W1r, b1r, Ws1r, bs1r, W2r, b2r, Ws2r, bs2r,
              W3r, b3r, Ws3r, bs3r, Wl1r, bl1r, Wl2r, bl2r, Wl3r, bl3r,
              o_ref):
    f32 = jnp.float32
    ii = lax.broadcasted_iota(jnp.int32, (_NPER, _NPER), 0)
    jj = lax.broadcasted_iota(jnp.int32, (_NPER, _NPER), 1)
    eye = jnp.where(ii == jj, 1.0, 0.0).astype(f32)
    ilt = jj < ii
    As = [a_ref[b] for b in range(_GPB)]
    hs = [x_ref[b] for b in range(_GPB)]
    acts = [jnp.ones((_NPER, 1), f32) for _ in range(_GPB)]
    hs, acts, T1s = _layer_multi(As, hs, acts, W1r[...], b1r[...], Ws1r[...],
                                 bs1r[...], 100, eye, ilt)
    hs, acts, T2s = _layer_multi(As, hs, acts, W2r[...], b2r[...], Ws2r[...],
                                 bs2r[...], 50, eye, ilt)
    hs, acts, T3s = _layer_multi(As, hs, acts, W3r[...], b3r[...], Ws3r[...],
                                 bs3r[...], 25, eye, ilt)
    zs = [jnp.concatenate([t1, t2, t3], axis=1)
          for t1, t2, t3 in zip(T1s, T2s, T3s)]
    zs = [jax.nn.relu(jnp.dot(z, Wl1r[...], preferred_element_type=f32)
                      + bl1r[...]) for z in zs]
    zs = [jax.nn.relu(jnp.dot(z, Wl2r[...], preferred_element_type=f32)
                      + bl2r[...]) for z in zs]
    zs = [jnp.dot(z, Wl3r[...], preferred_element_type=f32) + bl3r[...]
          for z in zs]
    for bi, z in enumerate(zs):
        m = jnp.max(z, axis=1, keepdims=True)
        o_ref[bi] = (z - m) - jnp.log(
            jnp.sum(jnp.exp(z - m), axis=1, keepdims=True))


def _forward_tc(A3, x3, *weights):
    def fullspec(arr):
        nd = arr.ndim
        return pl.BlockSpec(arr.shape, lambda g, _nd=nd: (0,) * _nd)

    in_specs = [
        pl.BlockSpec((_GPB, _NPER, _PAD), lambda g: (g, 0, 0)),
        pl.BlockSpec((_GPB, _NPER, 128), lambda g: (g, 0, 0)),
    ] + [fullspec(w) for w in weights]
    return pl.pallas_call(
        _fwd_body,
        grid=(_G // _GPB,),
        in_specs=in_specs,
        out_specs=pl.BlockSpec((_GPB, 1, _NCLS), lambda g: (g, 0, 0)),
        out_shape=jax.ShapeDtypeStruct((_G, 1, _NCLS), jnp.float32),
    )(A3, x3, *weights)


def kernel(x, edge_index, batch, W1, b1, Ws1, bs1, W2, b2, Ws2, bs2,
           W3, b3, Ws3, bs3, Wl1, bl1, Wl2, bl2, Wl3, bl3):
    del batch
    A3 = _build_adj(edge_index).reshape(_G, _NPER, _PAD)
    x3 = x.reshape(_G, _NPER, 128)
    out = _forward_tc(
        A3, x3, W1, b1.reshape(1, -1), Ws1, bs1.reshape(1, -1),
        W2, b2.reshape(1, -1), Ws2, bs2.reshape(1, -1),
        W3, b3.reshape(1, -1), Ws3, bs3.reshape(1, -1),
        Wl1, bl1.reshape(1, -1), Wl2, bl2.reshape(1, -1),
        Wl3, bl3.reshape(1, -1))
    return out.reshape(_G, _NCLS)

# --- scband reference (transcript-rebuilt; emitter-appended) ---
"""Pipeline reference for scband-net-56882546868358 (READ-ONLY COPY).

The authoritative reference and input builder live on the scoring server;
editing this copy changes nothing except your own understanding.
"""

import jax, jax.numpy as jnp
import numpy as np

N = 10000
E = 320000
G = 50
NPER = 200
F_IN = 128
NHID = 128
NCLS = 10
K1, K2, K3 = 100, 50, 25


def _p(key, shape, scale=0.05):
    return jax.random.normal(key, shape, dtype=jnp.float32) * scale


def setup_inputs(seed: int = 0):
    key = jax.random.key(seed)
    ks = jax.random.split(key, 26)
    x = jax.random.normal(ks[0], (N, F_IN), dtype=jnp.float32)
    gid = jax.random.randint(ks[1], (E,), 0, G)
    src = gid * NPER + jax.random.randint(ks[2], (E,), 0, NPER)
    dst = gid * NPER + jax.random.randint(ks[3], (E,), 0, NPER)
    edge_index = jnp.stack([src, dst]).astype(jnp.int32)
    batch = jnp.repeat(jnp.arange(G, dtype=jnp.int32), NPER)
    inp = {"x": x, "edge_index": edge_index, "batch": batch}
    names = ["W1", "Ws1", "W2", "Ws2", "W3", "Ws3"]
    dims = [(F_IN, NHID), (NHID, 1), (NHID, NHID), (NHID, 1), (NHID, NHID), (NHID, 1)]
    i = 4
    for n, d in zip(names, dims):
        inp[n] = _p(ks[i], d)
        inp["b" + n[1:]] = jnp.zeros((d[1],), dtype=jnp.float32)
        i += 1
    inp["Wl1"] = _p(ks[i], (NHID * 6, NHID)); i += 1
    inp["bl1"] = jnp.zeros((NHID,), jnp.float32)
    inp["Wl2"] = _p(ks[i], (NHID, NHID // 2)); i += 1
    inp["bl2"] = jnp.zeros((NHID // 2,), jnp.float32)
    inp["Wl3"] = _p(ks[i], (NHID // 2, NCLS)); i += 1
    inp["bl3"] = jnp.zeros((NCLS,), jnp.float32)
    return inp


def _gcn(x, src, dst, emask, active, W, b):
    # GCNConv with self-loops and symmetric normalization, on the masked
    # (induced) subgraph defined by `active` nodes / `emask` edges.
    h = x @ W
    deg = jax.ops.segment_sum(emask, dst, num_segments=N) + active
    dinv = jnp.where(deg > 0, 1.0 / jnp.sqrt(jnp.maximum(deg, 1e-12)), 0.0)
    coef = dinv[src] * dinv[dst] * emask
    agg = jax.ops.segment_sum(coef[:, None] * h[src], dst, num_segments=N)
    out = agg + (dinv * dinv * active)[:, None] * h + b
    return out * active[:, None]


def _sagpool(x, src, dst, emask, active, Ws, bs, k):
    score = _gcn(x, src, dst, emask, active, Ws, bs)[:, 0]
    smask = jnp.where(active > 0, score, -1e9).reshape(G, NPER)
    _, idx = jax.lax.top_k(smask, k)
    sel = jnp.zeros((G, NPER), dtype=x.dtype).at[jnp.arange(G)[:, None], idx].set(1.0)
    new_active = sel.reshape(-1) * active
    x_new = x * jnp.tanh(score)[:, None] * new_active[:, None]
    emask_new = emask * new_active[src] * new_active[dst]
    return x_new, emask_new, new_active


def _readout(x, active):
    xg = x.reshape(G, NPER, -1)
    ag = active.reshape(G, NPER)
    xmax = jnp.max(jnp.where(ag[:, :, None] > 0, xg, -1e9), axis=1)
    cnt = jnp.maximum(jnp.sum(ag, axis=1), 1.0)
    xmean = jnp.sum(xg * ag[:, :, None], axis=1) / cnt[:, None]
    return jnp.concatenate([xmax, xmean], axis=1)


def _forward(x, edge_index, W1, b1, Ws1, bs1, W2, b2, Ws2, bs2, W3, b3, Ws3, bs3, Wl1, bl1, Wl2, bl2, Wl3, bl3):
    src, dst = edge_index[0], edge_index[1]
    active = jnp.ones((N,), jnp.float32)
    emask = jnp.ones((E,), jnp.float32)
    h = jax.nn.relu(_gcn(x, src, dst, emask, active, W1, b1))
    h, emask, active = _sagpool(h, src, dst, emask, active, Ws1, bs1, K1)
    T1 = _readout(h, active)
    h = jax.nn.relu(_gcn(h, src, dst, emask, active, W2, b2))
    h, emask, active = _sagpool(h, src, dst, emask, active, Ws2, bs2, K2)
    T2 = _readout(h, active)
    h = jax.nn.relu(_gcn(h, src, dst, emask, active, W3, b3))
    h, emask, active = _sagpool(h, src, dst, emask, active, Ws3, bs3, K3)
    T3 = _readout(h, active)
    z = jnp.concatenate([T1, T2, T3], axis=1)
    z = jax.nn.relu(z @ Wl1 + bl1)
    # dropout: eval mode (identity)
    z = jax.nn.relu(z @ Wl2 + bl2)
    return jax.nn.log_softmax(z @ Wl3 + bl3, axis=-1)


def reference(x, edge_index, batch, W1, b1, Ws1, bs1, W2, b2, Ws2, bs2, W3, b3, Ws3, bs3, Wl1, bl1, Wl2, bl2, Wl3, bl3):
    del batch  # graphs are uniform (G graphs x NPER nodes); batch implied by layout
    return _forward(x, edge_index, W1, b1, Ws1, bs1, W2, b2, Ws2, bs2, W3, b3, Ws3, bs3, Wl1, bl1, Wl2, bl2, Wl3, bl3)

if __name__ == "__main__":
    import jax
    _d = setup_inputs()
    print(jax.jit(kernel)(*tuple(_d.values())))

</pallas_src>

<mosaic_0001>
#map = affine_map<(d0, d1) -> (0)>
module attributes {stable_mosaic.version = 14 : i64} {
  func.func @build(%arg0: i32, %arg1: i32, %arg2: memref<320000xi32, #tpu.memory_space<hbm>>, %arg3: memref<320000xi32, #tpu.memory_space<hbm>>, %arg4: memref<2560000xf32, #tpu.memory_space<hbm>>, %arg5: memref<4096xi32, #tpu.memory_space<vmem>>, %arg6: memref<4096xi32, #tpu.memory_space<vmem>>, %arg7: memref<160x128xi32, #tpu.memory_space<vmem>>, %arg8: memref<128xf32, #tpu.memory_space<vmem>>, %arg9: memref<2048xf32, #tpu.memory_space<vmem>>, %arg10: memref<1280000xf32, #tpu.memory_space<vmem_shared>>, %arg11: memref<!tpu.dma_semaphore, #tpu.memory_space<semaphore_mem>>, %arg12: memref<!tpu.dma_semaphore, #tpu.memory_space<semaphore_mem>>, %arg13: memref<!tpu.dma_semaphore, #tpu.memory_space<semaphore_mem>>) attributes {dimension_semantics = [#tpu.dimension_semantics<core_parallel>, #tpu.dimension_semantics<subcore_parallel>], iteration_bounds = array<i64: 2, 16>, scalar_prefetch = 0 : i64, scratch_operands = 9 : i64, tpu.core_type = #tpu.core_type<sc_vector_subcore>, window_params = [{transform_indices = #map}, {transform_indices = #map}, {transform_indices = #map}]} {
    %scan3A = arith.constant 0 : i32
    %scan3A_0 = arith.constant 0 : i32
    %scan3A_1 = arith.constant 8 : i32
    %scan3A_2 = arith.addi %scan3A_0, %scan3A_1 : i32
    %scan3A_3 = arith.constant 1 : i32
    %scan3A_4 = scf.for %scan3A_64 = %scan3A_0 to %scan3A_2 step %scan3A_3 iter_args(%scan3A_65 = %scan3A) -> (i32)  : i32 {
      %broadcast_in_dim3A = arith.constant 1.000000e+00 : f32
      %broadcast_in_dim3A_66 = vector.broadcast %broadcast_in_dim3A : f32 to vector<16xf32>
      %mul3A_67 = arith.constant 16 : i32
      %mul3A_68 = arith.muli %scan3A_64, %mul3A_67 : i32
      %swap3A = arith.index_cast %mul3A_68 : i32 to index
      %swap3A_69 = tpu.vector_load %arg8[%swap3A] {strides = array<i32>} : memref<128xf32, #tpu.memory_space<vmem>>, vector<16xf32>,
      %swap3A_70 = vector.shape_cast %swap3A_69 : vector<16xf32> to vector<16xf32>
      %swap3A_71 = vector.shape_cast %broadcast_in_dim3A_66 : vector<16xf32> to vector<16xf32>
      tpu.vector_store %arg8[%swap3A], %swap3A_71 {strides = array<i32>} : memref<128xf32, #tpu.memory_space<vmem>>, vector<16xf32>,
      %scan3A_72 = arith.constant 0 : i32
      scf.yield %scan3A_72 : i32
    }
    %scan3A_5 = arith.constant 8 : i32
    %scan3A_6 = arith.constant 0 : i32
    %scan3A_7 = arith.constant 0 : i32
    %scan3A_8 = arith.constant 128 : i32
    %scan3A_9 = arith.addi %scan3A_7, %scan3A_8 : i32
    %scan3A_10 = arith.constant 1 : i32
    %scan3A_11 = scf.for %scan3A_64 = %scan3A_7 to %scan3A_9 step %scan3A_10 iter_args(%scan3A_65 = %scan3A_6) -> (i32)  : i32 {
      %broadcast_in_dim3A = arith.constant 0.000000e+00 : f32
      %broadcast_in_dim3A_66 = vector.broadcast %broadcast_in_dim3A : f32 to vector<16xf32>
      %mul3A_67 = arith.constant 16 : i32
      %mul3A_68 = arith.muli %scan3A_64, %mul3A_67 : i32
      %swap3A = arith.index_cast %mul3A_68 : i32 to index
      %swap3A_69 = tpu.vector_load %arg9[%swap3A] {strides = array<i32>} : memref<2048xf32, #tpu.memory_space<vmem>>, vector<16xf32>,
      %swap3A_70 = vector.shape_cast %swap3A_69 : vector<16xf32> to vector<16xf32>
      %swap3A_71 = vector.shape_cast %broadcast_in_dim3A_66 : vector<16xf32> to vector<16xf32>
      tpu.vector_store %arg9[%swap3A], %swap3A_71 {strides = array<i32>} : memref<2048xf32, #tpu.memory_space<vmem>>, vector<16xf32>,
      %scan3A_72 = arith.constant 0 : i32
      scf.yield %scan3A_72 : i32
    }
    %scan3A_12 = arith.constant 128 : i32
    %scan3A_13 = arith.constant 0 : i32
    %scan3A_14 = arith.constant 0 : i32
    %scan3A_15 = arith.constant 39 : i32
    %scan3A_16 = arith.addi %scan3A_14, %scan3A_15 : i32
    %scan3A_17 = arith.constant 1 : i32
    %scan3A_18 = scf.for %scan3A_64 = %scan3A_14 to %scan3A_16 step %scan3A_17 iter_args(%scan3A_65 = %scan3A_13) -> (i32)  : i32 {
      %mul3A_66 = arith.constant 80000 : i32
      %mul3A_67 = arith.muli %arg1, %mul3A_66 : i32
      %mul3A_68 = arith.constant 2048 : i32
      %mul3A_69 = arith.muli %scan3A_64, %mul3A_68 : i32
      %add3A_70 = arith.addi %mul3A_67, %mul3A_69 : i32
      %dma_start3A_71 = tpu.memref_slice %arg10[%add3A_70] : memref<1280000xf32, #tpu.memory_space<vmem_shared>> -> memref<2048xf32, #tpu.memory_space<vmem_shared>>
      %dma_start3A_72 = tpu.memref_slice %arg10[%add3A_70] : memref<1280000xf32, #tpu.memory_space<vmem_shared>> -> memref<2048xf32, #tpu.memory_space<vmem_shared>>
      tpu.enqueue_dma source(%arg9 : memref<2048xf32, #tpu.memory_space<vmem>>) target(%dma_start3A_72 : memref<2048xf32, #tpu.memory_space<vmem_shared>>) target_semaphore(%arg11 : memref<!tpu.dma_semaphore, #tpu.memory_space<semaphore_mem>>)
      %scan3A_73 = arith.constant 0 : i32
      scf.yield %scan3A_73 : i32
    }
    %scan3A_19 = arith.constant 39 : i32
    %mul3A = arith.constant 20000 : i32
    %mul3A_20 = arith.muli %arg1, %mul3A : i32
    %dma_start3A = arith.constant 0 : i32
    %dma_start3A_21 = tpu.memref_slice %arg5[%dma_start3A] : memref<4096xi32, #tpu.memory_space<vmem>> -> memref<2000xi32, #tpu.memory_space<vmem>>
    %dma_start3A_22 = tpu.memref_slice %arg2[%mul3A_20] : memref<320000xi32, #tpu.memory_space<hbm>> -> memref<2000xi32, #tpu.memory_space<hbm>>
    %dma_start3A_23 = arith.constant 0 : i32
    %dma_start3A_24 = tpu.memref_slice %arg5[%dma_start3A_23] : memref<4096xi32, #tpu.memory_space<vmem>> -> memref<2000xi32, #tpu.memory_space<vmem>>
    %dma_start3A_25 = tpu.memref_slice %arg2[%mul3A_20] : memref<320000xi32, #tpu.memory_space<hbm>> -> memref<2000xi32, #tpu.memory_space<hbm>>
    tpu.enqueue_dma source(%dma_start3A_25 : memref<2000xi32, #tpu.memory_space<hbm>>) target(%dma_start3A_24 : memref<2000xi32, #tpu.memory_space<vmem>>) target_semaphore(%arg12 : memref<!tpu.dma_semaphore, #tpu.memory_space<semaphore_mem>>)
    %mul3A_26 = arith.constant 20000 : i32
    %mul3A_27 = arith.muli %arg1, %mul3A_26 : i32
    %dma_start3A_28 = arith.constant 0 : i32
    %dma_start3A_29 = tpu.memref_slice %arg6[%dma_start3A_28] : memref<4096xi32, #tpu.memory_space<vmem>> -> memref<2000xi32, #tpu.memory_space<vmem>>
    %dma_start3A_30 = tpu.memref_slice %arg3[%mul3A_27] : memref<320000xi32, #tpu.memory_space<hbm>> -> memref<2000xi32, #tpu.memory_space<hbm>>
    %dma_start3A_31 = arith.constant 0 : i32
    %dma_start3A_32 = tpu.memref_slice %arg6[%dma_start3A_31] : memref<4096xi32, #tpu.memory_space<vmem>> -> memref<2000xi32, #tpu.memory_space<vmem>>
    %dma_start3A_33 = tpu.memref_slice %arg3[%mul3A_27] : memref<320000xi32, #tpu.memory_space<hbm>> -> memref<2000xi32, #tpu.memory_space<hbm>>
    tpu.enqueue_dma source(%dma_start3A_33 : memref<2000xi32, #tpu.memory_space<hbm>>) target(%dma_start3A_32 : memref<2000xi32, #tpu.memory_space<vmem>>) target_semaphore(%arg12 : memref<!tpu.dma_semaphore, #tpu.memory_space<semaphore_mem>>)
    %scan3A_34 = arith.constant 0 : i32
    %scan3A_35 = arith.constant 0 : i32
    %scan3A_36 = arith.constant 39 : i32
    %scan3A_37 = arith.addi %scan3A_35, %scan3A_36 : i32
    %scan3A_38 = arith.constant 1 : i32
    %scan3A_39 = scf.for %scan3A_64 = %scan3A_35 to %scan3A_37 step %scan3A_38 iter_args(%scan3A_65 = %scan3A_34) -> (i32)  : i32 {
      %mul3A_66 = arith.constant 80000 : i32
      %mul3A_67 = arith.muli %arg1, %mul3A_66 : i32
      %dma_wait3A = tpu.memref_slice %arg10[%mul3A_67] : memref<1280000xf32, #tpu.memory_space<vmem_shared>> -> memref<2048xf32, #tpu.memory_space<vmem_shared>>
      %dma_wait3A_68 = tpu.memref_slice %arg10[%mul3A_67] : memref<1280000xf32, #tpu.memory_space<vmem_shared>> -> memref<2048xf32, #tpu.memory_space<vmem_shared>>
      tpu.wait_dma2 semaphore(%arg11 : memref<!tpu.dma_semaphore, #tpu.memory_space<semaphore_mem>>) src(%arg9 : memref<2048xf32, #tpu.memory_space<vmem>>) dst(%dma_wait3A_68 : memref<2048xf32, #tpu.memory_space<vmem_shared>>)
      %scan3A_69 = arith.constant 0 : i32
      scf.yield %scan3A_69 : i32
    }
    %scan3A_40 = arith.constant 39 : i32
    %barrier3A = arith.constant 0 : index
    tpu.barrier barrier_id(%barrier3A)
    %mul3A_41 = arith.constant 5000 : i32
    %mul3A_42 = arith.muli %arg0, %mul3A_41 : i32
    %scan3A_43 = arith.constant 0 : i32
    %scan3A_44 = arith.constant 0 : i32
    %scan3A_45 = arith.constant 10 : i32
    %scan3A_46 = arith.addi %scan3A_44, %scan3A_45 : i32
    %scan3A_47 = arith.constant 1 : i32
    %scan3A_48 = scf.for %scan3A_64 = %scan3A_44 to %scan3A_46 step %scan3A_47 iter_args(%scan3A_65 = %scan3A_43) -> (i32)  : i32 {
      %rem3A = arith.constant 2 : i32
      %rem3A_66 = arith.remsi %scan3A_64, %rem3A : i32
      %mul3A_67 = arith.constant 2048 : i32
      %mul3A_68 = arith.muli %rem3A_66, %mul3A_67 : i32
      %dma_wait3A = tpu.memref_slice %arg5[%mul3A_68] : memref<4096xi32, #tpu.memory_space<vmem>> -> memref<2000xi32, #tpu.memory_space<vmem>>
      %dma_wait3A_69 = arith.constant 0 : i32
      %dma_wait3A_70 = tpu.memref_slice %arg2[%dma_wait3A_69] : memref<320000xi32, #tpu.memory_space<hbm>> -> memref<2000xi32, #tpu.memory_space<hbm>>
      %dma_wait3A_71 = tpu.memref_slice %arg5[%mul3A_68] : memref<4096xi32, #tpu.memory_space<vmem>> -> memref<2000xi32, #tpu.memory_space<vmem>>
      %dma_wait3A_72 = arith.constant 0 : i32
      %dma_wait3A_73 = tpu.memref_slice %arg2[%dma_wait3A_72] : memref<320000xi32, #tpu.memory_space<hbm>> -> memref<2000xi32, #tpu.memory_space<hbm>>
      tpu.wait_dma2 semaphore(%arg12 : memref<!tpu.dma_semaphore, #tpu.memory_space<semaphore_mem>>) src(%dma_wait3A_73 : memref<2000xi32, #tpu.memory_space<hbm>>) dst(%dma_wait3A_71 : memref<2000xi32, #tpu.memory_space<vmem>>)
      %mul3A_74 = arith.constant 2048 : i32
      %mul3A_75 = arith.muli %rem3A_66, %mul3A_74 : i32
      %dma_wait3A_76 = tpu.memref_slice %arg6[%mul3A_75] : memref<4096xi32, #tpu.memory_space<vmem>> -> memref<2000xi32, #tpu.memory_space<vmem>>
      %dma_wait3A_77 = arith.constant 0 : i32
      %dma_wait3A_78 = tpu.memref_slice %arg3[%dma_wait3A_77] : memref<320000xi32, #tpu.memory_space<hbm>> -> memref<2000xi32, #tpu.memory_space<hbm>>
      %dma_wait3A_79 = tpu.memref_slice %arg6[%mul3A_75] : memref<4096xi32, #tpu.memory_space<vmem>> -> memref<2000xi32, #tpu.memory_space<vmem>>
      %dma_wait3A_80 = arith.constant 0 : i32
      %dma_wait3A_81 = tpu.memref_slice %arg3[%dma_wait3A_80] : memref<320000xi32, #tpu.memory_space<hbm>> -> memref<2000xi32, #tpu.memory_space<hbm>>
      tpu.wait_dma2 semaphore(%arg12 : memref<!tpu.dma_semaphore, #tpu.memory_space<semaphore_mem>>) src(%dma_wait3A_81 : memref<2000xi32, #tpu.memory_space<hbm>>) dst(%dma_wait3A_79 : memref<2000xi32, #tpu.memory_space<vmem>>)
      %add3A_82 = arith.constant 1 : i32
      %add3A_83 = arith.addi %scan3A_64, %add3A_82 : i32
      %lt3A = arith.constant 10 : i32
      %lt3A_84 = arith.cmpi slt, %add3A_83, %lt3A : i32
      %convert_element_type3A = arith.extui %lt3A_84 : i1 to i32
      %cond3A = arith.constant 0 : i32
      %cond3A_85 = arith.cmpi ne, %convert_element_type3A, %cond3A : i32
      scf.if %cond3A_85 {
        %mul3A_98 = arith.constant 20000 : i32
        %mul3A_99 = arith.muli %arg1, %mul3A_98 : i32
        %add3A_100 = arith.constant 1 : i32
        %add3A_101 = arith.addi %scan3A_64, %add3A_100 : i32
        %mul3A_102 = arith.constant 2000 : i32
        %mul3A_103 = arith.muli %add3A_101, %mul3A_102 : i32
        %add3A_104 = arith.addi %mul3A_99, %mul3A_103 : i32
        %sub3A = arith.constant 1 : i32
        %sub3A_105 = arith.subi %sub3A, %rem3A_66 : i32
        %mul3A_106 = arith.constant 2048 : i32
        %mul3A_107 = arith.muli %sub3A_105, %mul3A_106 : i32
        %dma_start3A_108 = tpu.memref_slice %arg5[%mul3A_107] : memref<4096xi32, #tpu.memory_space<vmem>> -> memref<2000xi32, #tpu.memory_space<vmem>>
        %dma_start3A_109 = tpu.memref_slice %arg2[%add3A_104] : memref<320000xi32, #tpu.memory_space<hbm>> -> memref<2000xi32, #tpu.memory_space<hbm>>
        %dma_start3A_110 = tpu.memref_slice %arg5[%mul3A_107] : memref<4096xi32, #tpu.memory_space<vmem>> -> memref<2000xi32, #tpu.memory_space<vmem>>
        %dma_start3A_111 = tpu.memref_slice %arg2[%add3A_104] : memref<320000xi32, #tpu.memory_space<hbm>> -> memref<2000xi32, #tpu.memory_space<hbm>>
        tpu.enqueue_dma source(%dma_start3A_111 : memref<2000xi32, #tpu.memory_space<hbm>>) target(%dma_start3A_110 : memref<2000xi32, #tpu.memory_space<vmem>>) target_semaphore(%arg12 : memref<!tpu.dma_semaphore, #tpu.memory_space<semaphore_mem>>)
        %sub3A_112 = arith.constant 1 : i32
        %sub3A_113 = arith.subi %sub3A_112, %rem3A_66 : i32
        %mul3A_114 = arith.constant 2048 : i32
        %mul3A_115 = arith.muli %sub3A_113, %mul3A_114 : i32
        %dma_start3A_116 = tpu.memref_slice %arg6[%mul3A_115] : memref<4096xi32, #tpu.memory_space<vmem>> -> memref<2000xi32, #tpu.memory_space<vmem>>
        %dma_start3A_117 = tpu.memref_slice %arg3[%add3A_104] : memref<320000xi32, #tpu.memory_space<hbm>> -> memref<2000xi32, #tpu.memory_space<hbm>>
        %dma_start3A_118 = tpu.memref_slice %arg6[%mul3A_115] : memref<4096xi32, #tpu.memory_space<vmem>> -> memref<2000xi32, #tpu.memory_space<vmem>>
        %dma_start3A_119 = tpu.memref_slice %arg3[%add3A_104] : memref<320000xi32, #tpu.memory_space<hbm>> -> memref<2000xi32, #tpu.memory_space<hbm>>
        tpu.enqueue_dma source(%dma_start3A_119 : memref<2000xi32, #tpu.memory_space<hbm>>) target(%dma_start3A_118 : memref<2000xi32, #tpu.memory_space<vmem>>) target_semaphore(%arg12 : memref<!tpu.dma_semaphore, #tpu.memory_space<semaphore_mem>>)
      } else {
      }
      %ge3A = arith.constant 2 : i32
      %ge3A_86 = arith.cmpi sge, %scan3A_64, %ge3A : i32
      %convert_element_type3A_87 = arith.extui %ge3A_86 : i1 to i32
      %cond3A_88 = arith.constant 0 : i32
      %cond3A_89 = arith.cmpi ne, %convert_element_type3A_87, %cond3A_88 : i32
      scf.if %cond3A_89 {
        %scan3A_98 = arith.constant 0 : i32
        %scan3A_99 = arith.constant 0 : i32
        %scan3A_100 = arith.constant 16 : i32
        %scan3A_101 = arith.addi %scan3A_99, %scan3A_100 : i32
        %scan3A_102 = arith.constant 1 : i32
        %scan3A_103 = scf.for %scan3A_105 = %scan3A_99 to %scan3A_101 step %scan3A_102 iter_args(%scan3A_106 = %scan3A_98) -> (i32)  : i32 {
          %dma_wait3A_107 = arith.constant 0 : i32
          %dma_wait3A_108 = arith.constant 0 : i32
          %dma_wait3A_109 = tpu.memref_slice %arg7[%dma_wait3A_107, %dma_wait3A_108] : memref<160x128xi32, #tpu.memory_space<vmem>> -> memref<1x128xi32, #tpu.memory_space<vmem>>
          %dma_wait3A_110 = tpu.memref_squeeze %dma_wait3A_109 : memref<1x128xi32, #tpu.memory_space<vmem>> -> memref<128xi32, #tpu.memory_space<vmem>>
          %dma_wait3A_111 = arith.constant 0 : i32
          %dma_wait3A_112 = tpu.memref_slice %arg10[%dma_wait3A_111] : memref<1280000xf32, #tpu.memory_space<vmem_shared>> -> memref<1280000xf32, #tpu.memory_space<vmem_shared>>
          tpu.wait_indirect_dma semaphore(%arg13 : memref<!tpu.dma_semaphore, #tpu.memory_space<semaphore_mem>>) src(%arg8 : memref<128xf32, #tpu.memory_space<vmem>>) dst(%dma_wait3A_112 : memref<1280000xf32, #tpu.memory_space<vmem_shared>>)
          %scan3A_113 = arith.constant 0 : i32
          scf.yield %scan3A_113 : i32
        }
        %scan3A_104 = arith.constant 16 : i32
      } else {
      }
      %scan3A_90 = arith.constant 0 : i32
      %scan3A_91 = arith.constant 0 : i32
      %scan3A_92 = arith.constant 16 : i32
      %scan3A_93 = arith.addi %scan3A_91, %scan3A_92 : i32
      %scan3A_94 = arith.constant 1 : i32
      %scan3A_95 = scf.for %scan3A_98 = %scan3A_91 to %scan3A_93 step %scan3A_94 iter_args(%scan3A_99 = %scan3A_90) -> (i32)  : i32 {
        %mul3A_100 = arith.constant 128 : i32
        %mul3A_101 = arith.muli %scan3A_98, %mul3A_100 : i32
        %add3A_102 = arith.constant 0 : i32
        %add3A_103 = arith.addi %mul3A_101, %add3A_102 : i32
        %mul3A_104 = arith.constant 2048 : i32
        %mul3A_105 = arith.muli %rem3A_66, %mul3A_104 : i32
        %add3A_106 = arith.addi %mul3A_105, %add3A_103 : i32
        %get3A = arith.index_cast %add3A_106 : i32 to index
        %get3A_107 = tpu.vector_load %arg5[%get3A] {strides = array<i32>} : memref<4096xi32, #tpu.memory_space<vmem>>, vector<16xi32>,
        %get3A_108 = vector.shape_cast %get3A_107 : vector<16xi32> to vector<16xi32>
        %mul3A_109 = arith.constant 2048 : i32
        %mul3A_110 = arith.muli %rem3A_66, %mul3A_109 : i32
        %add3A_111 = arith.addi %mul3A_110, %add3A_103 : i32
        %get3A_112 = arith.index_cast %add3A_111 : i32 to index
        %get3A_113 = tpu.vector_load %arg6[%get3A_112] {strides = array<i32>} : memref<4096xi32, #tpu.memory_space<vmem>>, vector<16xi32>,
        %get3A_114 = vector.shape_cast %get3A_113 : vector<16xi32> to vector<16xi32>
        %rem3A_115 = arith.constant 200 : i32
        %rem3A_116 = vector.broadcast %rem3A_115 : i32 to vector<16xi32>
        %rem3A_117 = arith.remsi %get3A_108, %rem3A_116 : vector<16xi32>
        %sub3A = vector.broadcast %mul3A_42 : i32 to vector<16xi32>
        %sub3A_118 = arith.subi %get3A_114, %sub3A : vector<16xi32>
        %iota3A = tpu.iota {dimensions = array<i32: 0>} : vector<16xi32>
        %add3A_119 = vector.broadcast %add3A_103 : i32 to vector<16xi32>
        %add3A_120 = arith.addi %add3A_119, %iota3A : vector<16xi32>
        %ge3A_121 = arith.constant 0 : i32
        %ge3A_122 = vector.broadcast %ge3A_121 : i32 to vector<16xi32>
        %ge3A_123 = arith.cmpi sge, %sub3A_118, %ge3A_122 : vector<16xi32>
        %lt3A_124 = arith.constant 5000 : i32
        %lt3A_125 = vector.broadcast %lt3A_124 : i32 to vector<16xi32>
        %lt3A_126 = arith.cmpi slt, %sub3A_118, %lt3A_125 : vector<16xi32>
        %and3A = arith.andi %ge3A_123, %lt3A_126 : vector<16xi1>
        %lt3A_127 = arith.constant 2000 : i32
        %lt3A_128 = vector.broadcast %lt3A_127 : i32 to vector<16xi32>
        %lt3A_129 = arith.cmpi slt, %add3A_120, %lt3A_128 : vector<16xi32>
        %and3A_130 = arith.andi %and3A, %lt3A_129 : vector<16xi1>
        %mul3A_131 = arith.constant 256 : i32
        %mul3A_132 = vector.broadcast %mul3A_131 : i32 to vector<16xi32>
        %mul3A_133 = arith.muli %sub3A_118, %mul3A_132 : vector<16xi32>
        %add3A_134 = arith.addi %mul3A_133, %rem3A_117 : vector<16xi32>
        %jit3A = arith.constant 255 : i32
        %broadcast_in_dim3A = vector.broadcast %jit3A : i32 to vector<16xi32>
        %select_n3A = arith.select %and3A_130, %add3A_134, %broadcast_in_dim3A : vector<16xi1>, vector<16xi32>
        %mul3A_135 = arith.constant 16 : i32
        %mul3A_136 = arith.muli %scan3A_64, %mul3A_135 : i32
        %add3A_137 = arith.addi %mul3A_136, %scan3A_98 : i32
        %swap3A = arith.index_cast %add3A_137 : i32 to index
        %swap3A_138 = arith.constant 0 : index
        %swap3A_139 = tpu.vector_load %arg7[%swap3A, %swap3A_138] {strides = array<i32>} : memref<160x128xi32, #tpu.memory_space<vmem>>, vector<1x16xi32>,
        %swap3A_140 = vector.shape_cast %swap3A_139 : vector<1x16xi32> to vector<16xi32>
        %swap3A_141 = vector.shape_cast %select_n3A : vector<16xi32> to vector<1x16xi32>
        tpu.vector_store %arg7[%swap3A, %swap3A_138], %swap3A_141 {strides = array<i32>} : memref<160x128xi32, #tpu.memory_space<vmem>>, vector<1x16xi32>,
        %mul3A_142 = arith.constant 128 : i32
        %mul3A_143 = arith.muli %scan3A_98, %mul3A_142 : i32
        %add3A_144 = arith.constant 16 : i32
        %add3A_145 = arith.addi %mul3A_143, %add3A_144 : i32
        %mul3A_146 = arith.constant 2048 : i32
        %mul3A_147 = arith.muli %rem3A_66, %mul3A_146 : i32
        %add3A_148 = arith.addi %mul3A_147, %add3A_145 : i32
        %get3A_149 = arith.index_cast %add3A_148 : i32 to index
        %get3A_150 = tpu.vector_load %arg5[%get3A_149] {strides = array<i32>} : memref<4096xi32, #tpu.memory_space<vmem>>, vector<16xi32>,
        %get3A_151 = vector.shape_cast %get3A_150 : vector<16xi32> to vector<16xi32>
        %mul3A_152 = arith.constant 2048 : i32
        %mul3A_153 = arith.muli %rem3A_66, %mul3A_152 : i32
        %add3A_154 = arith.addi %mul3A_153, %add3A_145 : i32
        %get3A_155 = arith.index_cast %add3A_154 : i32 to index
        %get3A_156 = tpu.vector_load %arg6[%get3A_155] {strides = array<i32>} : memref<4096xi32, #tpu.memory_space<vmem>>, vector<16xi32>,
        %get3A_157 = vector.shape_cast %get3A_156 : vector<16xi32> to vector<16xi32>
        %rem3A_158 = arith.constant 200 : i32
        %rem3A_159 = vector.broadcast %rem3A_158 : i32 to vector<16xi32>
        %rem3A_160 = arith.remsi %get3A_151, %rem3A_159 : vector<16xi32>
        %sub3A_161 = vector.broadcast %mul3A_42 : i32 to vector<16xi32>
        %sub3A_162 = arith.subi %get3A_157, %sub3A_161 : vector<16xi32>
        %iota3A_163 = tpu.iota {dimensions = array<i32: 0>} : vector<16xi32>
        %add3A_164 = vector.broadcast %add3A_145 : i32 to vector<16xi32>
        %add3A_165 = arith.addi %add3A_164, %iota3A_163 : vector<16xi32>
        %ge3A_166 = arith.constant 0 : i32
        %ge3A_167 = vector.broadcast %ge3A_166 : i32 to vector<16xi32>
        %ge3A_168 = arith.cmpi sge, %sub3A_162, %ge3A_167 : vector<16xi32>
        %lt3A_169 = arith.constant 5000 : i32
        %lt3A_170 = vector.broadcast %lt3A_169 : i32 to vector<16xi32>
        %lt3A_171 = arith.cmpi slt, %sub3A_162, %lt3A_170 : vector<16xi32>
        %and3A_172 = arith.andi %ge3A_168, %lt3A_171 : vector<16xi1>
        %lt3A_173 = arith.constant 2000 : i32
        %lt3A_174 = vector.broadcast %lt3A_173 : i32 to vector<16xi32>
        %lt3A_175 = arith.cmpi slt, %add3A_165, %lt3A_174 : vector<16xi32>
        %and3A_176 = arith.andi %and3A_172, %lt3A_175 : vector<16xi1>
        %mul3A_177 = arith.constant 256 : i32
        %mul3A_178 = vector.broadcast %mul3A_177 : i32 to vector<16xi32>
        %mul3A_179 = arith.muli %sub3A_162, %mul3A_178 : vector<16xi32>
        %add3A_180 = arith.addi %mul3A_179, %rem3A_160 : vector<16xi32>
        %jit3A_181 = arith.constant 255 : i32
        %broadcast_in_dim3A_182 = vector.broadcast %jit3A_181 : i32 to vector<16xi32>
        %select_n3A_183 = arith.select %and3A_176, %add3A_180, %broadcast_in_dim3A_182 : vector<16xi1>, vector<16xi32>
        %mul3A_184 = arith.constant 16 : i32
        %mul3A_185 = arith.muli %scan3A_64, %mul3A_184 : i32
        %add3A_186 = arith.addi %mul3A_185, %scan3A_98 : i32
        %swap3A_187 = arith.index_cast %add3A_186 : i32 to index
        %swap3A_188 = arith.constant 16 : index
        %swap3A_189 = tpu.vector_load %arg7[%swap3A_187, %swap3A_188] {strides = array<i32>} : memref<160x128xi32, #tpu.memory_space<vmem>>, vector<1x16xi32>,
        %swap3A_190 = vector.shape_cast %swap3A_189 : vector<1x16xi32> to vector<16xi32>
        %swap3A_191 = vector.shape_cast %select_n3A_183 : vector<16xi32> to vector<1x16xi32>
        tpu.vector_store %arg7[%swap3A_187, %swap3A_188], %swap3A_191 {strides = array<i32>} : memref<160x128xi32, #tpu.memory_space<vmem>>, vector<1x16xi32>,
        %mul3A_192 = arith.constant 128 : i32
        %mul3A_193 = arith.muli %scan3A_98, %mul3A_192 : i32
        %add3A_194 = arith.constant 32 : i32
        %add3A_195 = arith.addi %mul3A_193, %add3A_194 : i32
        %mul3A_196 = arith.constant 2048 : i32
        %mul3A_197 = arith.muli %rem3A_66, %mul3A_196 : i32
        %add3A_198 = arith.addi %mul3A_197, %add3A_195 : i32
        %get3A_199 = arith.index_cast %add3A_198 : i32 to index
        %get3A_200 = tpu.vector_load %arg5[%get3A_199] {strides = array<i32>} : memref<4096xi32, #tpu.memory_space<vmem>>, vector<16xi32>,
        %get3A_201 = vector.shape_cast %get3A_200 : vector<16xi32> to vector<16xi32>
        %mul3A_202 = arith.constant 2048 : i32
        %mul3A_203 = arith.muli %rem3A_66, %mul3A_202 : i32
        %add3A_204 = arith.addi %mul3A_203, %add3A_195 : i32
        %get3A_205 = arith.index_cast %add3A_204 : i32 to index
        %get3A_206 = tpu.vector_load %arg6[%get3A_205] {strides = array<i32>} : memref<4096xi32, #tpu.memory_space<vmem>>, vector<16xi32>,
        %get3A_207 = vector.shape_cast %get3A_206 : vector<16xi32> to vector<16xi32>
        %rem3A_208 = arith.constant 200 : i32
        %rem3A_209 = vector.broadcast %rem3A_208 : i32 to vector<16xi32>
        %rem3A_210 = arith.remsi %get3A_201, %rem3A_209 : vector<16xi32>
        %sub3A_211 = vector.broadcast %mul3A_42 : i32 to vector<16xi32>
        %sub3A_212 = arith.subi %get3A_207, %sub3A_211 : vector<16xi32>
        %iota3A_213 = tpu.iota {dimensions = array<i32: 0>} : vector<16xi32>
        %add3A_214 = vector.broadcast %add3A_195 : i32 to vector<16xi32>
        %add3A_215 = arith.addi %add3A_214, %iota3A_213 : vector<16xi32>
        %ge3A_216 = arith.constant 0 : i32
        %ge3A_217 = vector.broadcast %ge3A_216 : i32 to vector<16xi32>
        %ge3A_218 = arith.cmpi sge, %sub3A_212, %ge3A_217 : vector<16xi32>
        %lt3A_219 = arith.constant 5000 : i32
        %lt3A_220 = vector.broadcast %lt3A_219 : i32 to vector<16xi32>
        %lt3A_221 = arith.cmpi slt, %sub3A_212, %lt3A_220 : vector<16xi32>
        %and3A_222 = arith.andi %ge3A_218, %lt3A_221 : vector<16xi1>
        %lt3A_223 = arith.constant 2000 : i32
        %lt3A_224 = vector.broadcast %lt3A_223 : i32 to vector<16xi32>
        %lt3A_225 = arith.cmpi slt, %add3A_215, %lt3A_224 : vector<16xi32>
        %and3A_226 = arith.andi %and3A_222, %lt3A_225 : vector<16xi1>
        %mul3A_227 = arith.constant 256 : i32
        %mul3A_228 = vector.broadcast %mul3A_227 : i32 to vector<16xi32>
        %mul3A_229 = arith.muli %sub3A_212, %mul3A_228 : vector<16xi32>
        %add3A_230 = arith.addi %mul3A_229, %rem3A_210 : vector<16xi32>
        %jit3A_231 = arith.constant 255 : i32
        %broadcast_in_dim3A_232 = vector.broadcast %jit3A_231 : i32 to vector<16xi32>
        %select_n3A_233 = arith.select %and3A_226, %add3A_230, %broadcast_in_dim3A_232 : vector<16xi1>, vector<16xi32>
        %mul3A_234 = arith.constant 16 : i32
        %mul3A_235 = arith.muli %scan3A_64, %mul3A_234 : i32
        %add3A_236 = arith.addi %mul3A_235, %scan3A_98 : i32
        %swap3A_237 = arith.index_cast %add3A_236 : i32 to index
        %swap3A_238 = arith.constant 32 : index
        %swap3A_239 = tpu.vector_load %arg7[%swap3A_237, %swap3A_238] {strides = array<i32>} : memref<160x128xi32, #tpu.memory_space<vmem>>, vector<1x16xi32>,
        %swap3A_240 = vector.shape_cast %swap3A_239 : vector<1x16xi32> to vector<16xi32>
        %swap3A_241 = vector.shape_cast %select_n3A_233 : vector<16xi32> to vector<1x16xi32>
        tpu.vector_store %arg7[%swap3A_237, %swap3A_238], %swap3A_241 {strides = array<i32>} : memref<160x128xi32, #tpu.memory_space<vmem>>, vector<1x16xi32>,
        %mul3A_242 = arith.constant 128 : i32
        %mul3A_243 = arith.muli %scan3A_98, %mul3A_242 : i32
        %add3A_244 = arith.constant 48 : i32
        %add3A_245 = arith.addi %mul3A_243, %add3A_244 : i32
        %mul3A_246 = arith.constant 2048 : i32
        %mul3A_247 = arith.muli %rem3A_66, %mul3A_246 : i32
        %add3A_248 = arith.addi %mul3A_247, %add3A_245 : i32
        %get3A_249 = arith.index_cast %add3A_248 : i32 to index
        %get3A_250 = tpu.vector_load %arg5[%get3A_249] {strides = array<i32>} : memref<4096xi32, #tpu.memory_space<vmem>>, vector<16xi32>,
        %get3A_251 = vector.shape_cast %get3A_250 : vector<16xi32> to vector<16xi32>
        %mul3A_252 = arith.constant 2048 : i32
        %mul3A_253 = arith.muli %rem3A_66, %mul3A_252 : i32
        %add3A_254 = arith.addi %mul3A_253, %add3A_245 : i32
        %get3A_255 = arith.index_cast %add3A_254 : i32 to index
        %get3A_256 = tpu.vector_load %arg6[%get3A_255] {strides = array<i32>} : memref<4096xi32, #tpu.memory_space<vmem>>, vector<16xi32>,
        %get3A_257 = vector.shape_cast %get3A_256 : vector<16xi32> to vector<16xi32>
        %rem3A_258 = arith.constant 200 : i32
        %rem3A_259 = vector.broadcast %rem3A_258 : i32 to vector<16xi32>
        %rem3A_260 = arith.remsi %get3A_251, %rem3A_259 : vector<16xi32>
        %sub3A_261 = vector.broadcast %mul3A_42 : i32 to vector<16xi32>
        %sub3A_262 = arith.subi %get3A_257, %sub3A_261 : vector<16xi32>
        %iota3A_263 = tpu.iota {dimensions = array<i32: 0>} : vector<16xi32>
        %add3A_264 = vector.broadcast %add3A_245 : i32 to vector<16xi32>
        %add3A_265 = arith.addi %add3A_264, %iota3A_263 : vector<16xi32>
        %ge3A_266 = arith.constant 0 : i32
        %ge3A_267 = vector.broadcast %ge3A_266 : i32 to vector<16xi32>
        %ge3A_268 = arith.cmpi sge, %sub3A_262, %ge3A_267 : vector<16xi32>
        %lt3A_269 = arith.constant 5000 : i32
        %lt3A_270 = vector.broadcast %lt3A_269 : i32 to vector<16xi32>
        %lt3A_271 = arith.cmpi slt, %sub3A_262, %lt3A_270 : vector<16xi32>
        %and3A_272 = arith.andi %ge3A_268, %lt3A_271 : vector<16xi1>
        %lt3A_273 = arith.constant 2000 : i32
        %lt3A_274 = vector.broadcast %lt3A_273 : i32 to vector<16xi32>
        %lt3A_275 = arith.cmpi slt, %add3A_265, %lt3A_274 : vector<16xi32>
        %and3A_276 = arith.andi %and3A_272, %lt3A_275 : vector<16xi1>
        %mul3A_277 = arith.constant 256 : i32
        %mul3A_278 = vector.broadcast %mul3A_277 : i32 to vector<16xi32>
        %mul3A_279 = arith.muli %sub3A_262, %mul3A_278 : vector<16xi32>
        %add3A_280 = arith.addi %mul3A_279, %rem3A_260 : vector<16xi32>
        %jit3A_281 = arith.constant 255 : i32
        %broadcast_in_dim3A_282 = vector.broadcast %jit3A_281 : i32 to vector<16xi32>
        %select_n3A_283 = arith.select %and3A_276, %add3A_280, %broadcast_in_dim3A_282 : vector<16xi1>, vector<16xi32>
        %mul3A_284 = arith.constant 16 : i32
        %mul3A_285 = arith.muli %scan3A_64, %mul3A_284 : i32
        %add3A_286 = arith.addi %mul3A_285, %scan3A_98 : i32
        %swap3A_287 = arith.index_cast %add3A_286 : i32 to index
        %swap3A_288 = arith.constant 48 : index
        %swap3A_289 = tpu.vector_load %arg7[%swap3A_287, %swap3A_288] {strides = array<i32>} : memref<160x128xi32, #tpu.memory_space<vmem>>, vector<1x16xi32>,
        %swap3A_290 = vector.shape_cast %swap3A_289 : vector<1x16xi32> to vector<16xi32>
        %swap3A_291 = vector.shape_cast %select_n3A_283 : vector<16xi32> to vector<1x16xi32>
        tpu.vector_store %arg7[%swap3A_287, %swap3A_288], %swap3A_291 {strides = array<i32>} : memref<160x128xi32, #tpu.memory_space<vmem>>, vector<1x16xi32>,
        %mul3A_292 = arith.constant 128 : i32
        %mul3A_293 = arith.muli %scan3A_98, %mul3A_292 : i32
        %add3A_294 = arith.constant 64 : i32
        %add3A_295 = arith.addi %mul3A_293, %add3A_294 : i32
        %mul3A_296 = arith.constant 2048 : i32
        %mul3A_297 = arith.muli %rem3A_66, %mul3A_296 : i32
        %add3A_298 = arith.addi %mul3A_297, %add3A_295 : i32
        %get3A_299 = arith.index_cast %add3A_298 : i32 to index
        %get3A_300 = tpu.vector_load %arg5[%get3A_299] {strides = array<i32>} : memref<4096xi32, #tpu.memory_space<vmem>>, vector<16xi32>,
        %get3A_301 = vector.shape_cast %get3A_300 : vector<16xi32> to vector<16xi32>
        %mul3A_302 = arith.constant 2048 : i32
        %mul3A_303 = arith.muli %rem3A_66, %mul3A_302 : i32
        %add3A_304 = arith.addi %mul3A_303, %add3A_295 : i32
        %get3A_305 = arith.index_cast %add3A_304 : i32 to index
        %get3A_306 = tpu.vector_load %arg6[%get3A_305] {strides = array<i32>} : memref<4096xi32, #tpu.memory_space<vmem>>, vector<16xi32>,
        %get3A_307 = vector.shape_cast %get3A_306 : vector<16xi32> to vector<16xi32>
        %rem3A_308 = arith.constant 200 : i32
        %rem3A_309 = vector.broadcast %rem3A_308 : i32 to vector<16xi32>
        %rem3A_310 = arith.remsi %get3A_301, %rem3A_309 : vector<16xi32>
        %sub3A_311 = vector.broadcast %mul3A_42 : i32 to vector<16xi32>
        %sub3A_312 = arith.subi %get3A_307, %sub3A_311 : vector<16xi32>
        %iota3A_313 = tpu.iota {dimensions = array<i32: 0>} : vector<16xi32>
        %add3A_314 = vector.broadcast %add3A_295 : i32 to vector<16xi32>
        %add3A_315 = arith.addi %add3A_314, %iota3A_313 : vector<16xi32>
        %ge3A_316 = arith.constant 0 : i32
        %ge3A_317 = vector.broadcast %ge3A_316 : i32 to vector<16xi32>
        %ge3A_318 = arith.cmpi sge, %sub3A_312, %ge3A_317 : vector<16xi32>
        %lt3A_319 = arith.constant 5000 : i32
        %lt3A_320 = vector.broadcast %lt3A_319 : i32 to vector<16xi32>
        %lt3A_321 = arith.cmpi slt, %sub3A_312, %lt3A_320 : vector<16xi32>
        %and3A_322 = arith.andi %ge3A_318, %lt3A_321 : vector<16xi1>
        %lt3A_323 = arith.constant 2000 : i32
        %lt3A_324 = vector.broadcast %lt3A_323 : i32 to vector<16xi32>
        %lt3A_325 = arith.cmpi slt, %add3A_315, %lt3A_324 : vector<16xi32>
        %and3A_326 = arith.andi %and3A_322, %lt3A_325 : vector<16xi1>
        %mul3A_327 = arith.constant 256 : i32
        %mul3A_328 = vector.broadcast %mul3A_327 : i32 to vector<16xi32>
        %mul3A_329 = arith.muli %sub3A_312, %mul3A_328 : vector<16xi32>
        %add3A_330 = arith.addi %mul3A_329, %rem3A_310 : vector<16xi32>
        %jit3A_331 = arith.constant 255 : i32
        %broadcast_in_dim3A_332 = vector.broadcast %jit3A_331 : i32 to vector<16xi32>
        %select_n3A_333 = arith.select %and3A_326, %add3A_330, %broadcast_in_dim3A_332 : vector<16xi1>, vector<16xi32>
        %mul3A_334 = arith.constant 16 : i32
        %mul3A_335 = arith.muli %scan3A_64, %mul3A_334 : i32
        %add3A_336 = arith.addi %mul3A_335, %scan3A_98 : i32
        %swap3A_337 = arith.index_cast %add3A_336 : i32 to index
        %swap3A_338 = arith.constant 64 : index
        %swap3A_339 = tpu.vector_load %arg7[%swap3A_337, %swap3A_338] {strides = array<i32>} : memref<160x128xi32, #tpu.memory_space<vmem>>, vector<1x16xi32>,
        %swap3A_340 = vector.shape_cast %swap3A_339 : vector<1x16xi32> to vector<16xi32>
        %swap3A_341 = vector.shape_cast %select_n3A_333 : vector<16xi32> to vector<1x16xi32>
        tpu.vector_store %arg7[%swap3A_337, %swap3A_338], %swap3A_341 {strides = array<i32>} : memref<160x128xi32, #tpu.memory_space<vmem>>, vector<1x16xi32>,
        %mul3A_342 = arith.constant 128 : i32
        %mul3A_343 = arith.muli %scan3A_98, %mul3A_342 : i32
        %add3A_344 = arith.constant 80 : i32
        %add3A_345 = arith.addi %mul3A_343, %add3A_344 : i32
        %mul3A_346 = arith.constant 2048 : i32
        %mul3A_347 = arith.muli %rem3A_66, %mul3A_346 : i32
        %add3A_348 = arith.addi %mul3A_347, %add3A_345 : i32
        %get3A_349 = arith.index_cast %add3A_348 : i32 to index
        %get3A_350 = tpu.vector_load %arg5[%get3A_349] {strides = array<i32>} : memref<4096xi32, #tpu.memory_space<vmem>>, vector<16xi32>,
        %get3A_351 = vector.shape_cast %get3A_350 : vector<16xi32> to vector<16xi32>
        %mul3A_352 = arith.constant 2048 : i32
        %mul3A_353 = arith.muli %rem3A_66, %mul3A_352 : i32
        %add3A_354 = arith.addi %mul3A_353, %add3A_345 : i32
        %get3A_355 = arith.index_cast %add3A_354 : i32 to index
        %get3A_356 = tpu.vector_load %arg6[%get3A_355] {strides = array<i32>} : memref<4096xi32, #tpu.memory_space<vmem>>, vector<16xi32>,
        %get3A_357 = vector.shape_cast %get3A_356 : vector<16xi32> to vector<16xi32>
        %rem3A_358 = arith.constant 200 : i32
        %rem3A_359 = vector.broadcast %rem3A_358 : i32 to vector<16xi32>
        %rem3A_360 = arith.remsi %get3A_351, %rem3A_359 : vector<16xi32>
        %sub3A_361 = vector.broadcast %mul3A_42 : i32 to vector<16xi32>
        %sub3A_362 = arith.subi %get3A_357, %sub3A_361 : vector<16xi32>
        %iota3A_363 = tpu.iota {dimensions = array<i32: 0>} : vector<16xi32>
        %add3A_364 = vector.broadcast %add3A_345 : i32 to vector<16xi32>
        %add3A_365 = arith.addi %add3A_364, %iota3A_363 : vector<16xi32>
        %ge3A_366 = arith.constant 0 : i32
        %ge3A_367 = vector.broadcast %ge3A_366 : i32 to vector<16xi32>
        %ge3A_368 = arith.cmpi sge, %sub3A_362, %ge3A_367 : vector<16xi32>
        %lt3A_369 = arith.constant 5000 : i32
        %lt3A_370 = vector.broadcast %lt3A_369 : i32 to vector<16xi32>
        %lt3A_371 = arith.cmpi slt, %sub3A_362, %lt3A_370 : vector<16xi32>
        %and3A_372 = arith.andi %ge3A_368, %lt3A_371 : vector<16xi1>
        %lt3A_373 = arith.constant 2000 : i32
        %lt3A_374 = vector.broadcast %lt3A_373 : i32 to vector<16xi32>
        %lt3A_375 = arith.cmpi slt, %add3A_365, %lt3A_374 : vector<16xi32>
        %and3A_376 = arith.andi %and3A_372, %lt3A_375 : vector<16xi1>
        %mul3A_377 = arith.constant 256 : i32
        %mul3A_378 = vector.broadcast %mul3A_377 : i32 to vector<16xi32>
        %mul3A_379 = arith.muli %sub3A_362, %mul3A_378 : vector<16xi32>
        %add3A_380 = arith.addi %mul3A_379, %rem3A_360 : vector<16xi32>
        %jit3A_381 = arith.constant 255 : i32
        %broadcast_in_dim3A_382 = vector.broadcast %jit3A_381 : i32 to vector<16xi32>
        %select_n3A_383 = arith.select %and3A_376, %add3A_380, %broadcast_in_dim3A_382 : vector<16xi1>, vector<16xi32>
        %mul3A_384 = arith.constant 16 : i32
        %mul3A_385 = arith.muli %scan3A_64, %mul3A_384 : i32
        %add3A_386 = arith.addi %mul3A_385, %scan3A_98 : i32
        %swap3A_387 = arith.index_cast %add3A_386 : i32 to index
        %swap3A_388 = arith.constant 80 : index
        %swap3A_389 = tpu.vector_load %arg7[%swap3A_387, %swap3A_388] {strides = array<i32>} : memref<160x128xi32, #tpu.memory_space<vmem>>, vector<1x16xi32>,
        %swap3A_390 = vector.shape_cast %swap3A_389 : vector<1x16xi32> to vector<16xi32>
        %swap3A_391 = vector.shape_cast %select_n3A_383 : vector<16xi32> to vector<1x16xi32>
        tpu.vector_store %arg7[%swap3A_387, %swap3A_388], %swap3A_391 {strides = array<i32>} : memref<160x128xi32, #tpu.memory_space<vmem>>, vector<1x16xi32>,
        %mul3A_392 = arith.constant 128 : i32
        %mul3A_393 = arith.muli %scan3A_98, %mul3A_392 : i32
        %add3A_394 = arith.constant 96 : i32
        %add3A_395 = arith.addi %mul3A_393, %add3A_394 : i32
        %mul3A_396 = arith.constant 2048 : i32
        %mul3A_397 = arith.muli %rem3A_66, %mul3A_396 : i32
        %add3A_398 = arith.addi %mul3A_397, %add3A_395 : i32
        %get3A_399 = arith.index_cast %add3A_398 : i32 to index
        %get3A_400 = tpu.vector_load %arg5[%get3A_399] {strides = array<i32>} : memref<4096xi32, #tpu.memory_space<vmem>>, vector<16xi32>,
        %get3A_401 = vector.shape_cast %get3A_400 : vector<16xi32> to vector<16xi32>
        %mul3A_402 = arith.constant 2048 : i32
        %mul3A_403 = arith.muli %rem3A_66, %mul3A_402 : i32
        %add3A_404 = arith.addi %mul3A_403, %add3A_395 : i32
        %get3A_405 = arith.index_cast %add3A_404 : i32 to index
        %get3A_406 = tpu.vector_load %arg6[%get3A_405] {strides = array<i32>} : memref<4096xi32, #tpu.memory_space<vmem>>, vector<16xi32>,
        %get3A_407 = vector.shape_cast %get3A_406 : vector<16xi32> to vector<16xi32>
        %rem3A_408 = arith.constant 200 : i32
        %rem3A_409 = vector.broadcast %rem3A_408 : i32 to vector<16xi32>
        %rem3A_410 = arith.remsi %get3A_401, %rem3A_409 : vector<16xi32>
        %sub3A_411 = vector.broadcast %mul3A_42 : i32 to vector<16xi32>
        %sub3A_412 = arith.subi %get3A_407, %sub3A_411 : vector<16xi32>
        %iota3A_413 = tpu.iota {dimensions = array<i32: 0>} : vector<16xi32>
        %add3A_414 = vector.broadcast %add3A_395 : i32 to vector<16xi32>
        %add3A_415 = arith.addi %add3A_414, %iota3A_413 : vector<16xi32>
        %ge3A_416 = arith.constant 0 : i32
        %ge3A_417 = vector.broadcast %ge3A_416 : i32 to vector<16xi32>
        %ge3A_418 = arith.cmpi sge, %sub3A_412, %ge3A_417 : vector<16xi32>
        %lt3A_419 = arith.constant 5000 : i32
        %lt3A_420 = vector.broadcast %lt3A_419 : i32 to vector<16xi32>
        %lt3A_421 = arith.cmpi slt, %sub3A_412, %lt3A_420 : vector<16xi32>
        %and3A_422 = arith.andi %ge3A_418, %lt3A_421 : vector<16xi1>
        %lt3A_423 = arith.constant 2000 : i32
        %lt3A_424 = vector.broadcast %lt3A_423 : i32 to vector<16xi32>
        %lt3A_425 = arith.cmpi slt, %add3A_415, %lt3A_424 : vector<16xi32>
        %and3A_426 = arith.andi %and3A_422, %lt3A_425 : vector<16xi1>
        %mul3A_427 = arith.constant 256 : i32
        %mul3A_428 = vector.broadcast %mul3A_427 : i32 to vector<16xi32>
        %mul3A_429 = arith.muli %sub3A_412, %mul3A_428 : vector<16xi32>
        %add3A_430 = arith.addi %mul3A_429, %rem3A_410 : vector<16xi32>
        %jit3A_431 = arith.constant 255 : i32
        %broadcast_in_dim3A_432 = vector.broadcast %jit3A_431 : i32 to vector<16xi32>
        %select_n3A_433 = arith.select %and3A_426, %add3A_430, %broadcast_in_dim3A_432 : vector<16xi1>, vector<16xi32>
        %mul3A_434 = arith.constant 16 : i32
        %mul3A_435 = arith.muli %scan3A_64, %mul3A_434 : i32
        %add3A_436 = arith.addi %mul3A_435, %scan3A_98 : i32
        %swap3A_437 = arith.index_cast %add3A_436 : i32 to index
        %swap3A_438 = arith.constant 96 : index
        %swap3A_439 = tpu.vector_load %arg7[%swap3A_437, %swap3A_438] {strides = array<i32>} : memref<160x128xi32, #tpu.memory_space<vmem>>, vector<1x16xi32>,
        %swap3A_440 = vector.shape_cast %swap3A_439 : vector<1x16xi32> to vector<16xi32>
        %swap3A_441 = vector.shape_cast %select_n3A_433 : vector<16xi32> to vector<1x16xi32>
        tpu.vector_store %arg7[%swap3A_437, %swap3A_438], %swap3A_441 {strides = array<i32>} : memref<160x128xi32, #tpu.memory_space<vmem>>, vector<1x16xi32>,
        %mul3A_442 = arith.constant 128 : i32
        %mul3A_443 = arith.muli %scan3A_98, %mul3A_442 : i32
        %add3A_444 = arith.constant 112 : i32
        %add3A_445 = arith.addi %mul3A_443, %add3A_444 : i32
        %mul3A_446 = arith.constant 2048 : i32
        %mul3A_447 = arith.muli %rem3A_66, %mul3A_446 : i32
        %add3A_448 = arith.addi %mul3A_447, %add3A_445 : i32
        %get3A_449 = arith.index_cast %add3A_448 : i32 to index
        %get3A_450 = tpu.vector_load %arg5[%get3A_449] {strides = array<i32>} : memref<4096xi32, #tpu.memory_space<vmem>>, vector<16xi32>,
        %get3A_451 = vector.shape_cast %get3A_450 : vector<16xi32> to vector<16xi32>
        %mul3A_452 = arith.constant 2048 : i32
        %mul3A_453 = arith.muli %rem3A_66, %mul3A_452 : i32
        %add3A_454 = arith.addi %mul3A_453, %add3A_445 : i32
        %get3A_455 = arith.index_cast %add3A_454 : i32 to index
        %get3A_456 = tpu.vector_load %arg6[%get3A_455] {strides = array<i32>} : memref<4096xi32, #tpu.memory_space<vmem>>, vector<16xi32>,
        %get3A_457 = vector.shape_cast %get3A_456 : vector<16xi32> to vector<16xi32>
        %rem3A_458 = arith.constant 200 : i32
        %rem3A_459 = vector.broadcast %rem3A_458 : i32 to vector<16xi32>
        %rem3A_460 = arith.remsi %get3A_451, %rem3A_459 : vector<16xi32>
        %sub3A_461 = vector.broadcast %mul3A_42 : i32 to vector<16xi32>
        %sub3A_462 = arith.subi %get3A_457, %sub3A_461 : vector<16xi32>
        %iota3A_463 = tpu.iota {dimensions = array<i32: 0>} : vector<16xi32>
        %add3A_464 = vector.broadcast %add3A_445 : i32 to vector<16xi32>
        %add3A_465 = arith.addi %add3A_464, %iota3A_463 : vector<16xi32>
        %ge3A_466 = arith.constant 0 : i32
        %ge3A_467 = vector.broadcast %ge3A_466 : i32 to vector<16xi32>
        %ge3A_468 = arith.cmpi sge, %sub3A_462, %ge3A_467 : vector<16xi32>
        %lt3A_469 = arith.constant 5000 : i32
        %lt3A_470 = vector.broadcast %lt3A_469 : i32 to vector<16xi32>
        %lt3A_471 = arith.cmpi slt, %sub3A_462, %lt3A_470 : vector<16xi32>
        %and3A_472 = arith.andi %ge3A_468, %lt3A_471 : vector<16xi1>
        %lt3A_473 = arith.constant 2000 : i32
        %lt3A_474 = vector.broadcast %lt3A_473 : i32 to vector<16xi32>
        %lt3A_475 = arith.cmpi slt, %add3A_465, %lt3A_474 : vector<16xi32>
        %and3A_476 = arith.andi %and3A_472, %lt3A_475 : vector<16xi1>
        %mul3A_477 = arith.constant 256 : i32
        %mul3A_478 = vector.broadcast %mul3A_477 : i32 to vector<16xi32>
        %mul3A_479 = arith.muli %sub3A_462, %mul3A_478 : vector<16xi32>
        %add3A_480 = arith.addi %mul3A_479, %rem3A_460 : vector<16xi32>
        %jit3A_481 = arith.constant 255 : i32
        %broadcast_in_dim3A_482 = vector.broadcast %jit3A_481 : i32 to vector<16xi32>
        %select_n3A_483 = arith.select %and3A_476, %add3A_480, %broadcast_in_dim3A_482 : vector<16xi1>, vector<16xi32>
        %mul3A_484 = arith.constant 16 : i32
        %mul3A_485 = arith.muli %scan3A_64, %mul3A_484 : i32
        %add3A_486 = arith.addi %mul3A_485, %scan3A_98 : i32
        %swap3A_487 = arith.index_cast %add3A_486 : i32 to index
        %swap3A_488 = arith.constant 112 : index
        %swap3A_489 = tpu.vector_load %arg7[%swap3A_487, %swap3A_488] {strides = array<i32>} : memref<160x128xi32, #tpu.memory_space<vmem>>, vector<1x16xi32>,
        %swap3A_490 = vector.shape_cast %swap3A_489 : vector<1x16xi32> to vector<16xi32>
        %swap3A_491 = vector.shape_cast %select_n3A_483 : vector<16xi32> to vector<1x16xi32>
        tpu.vector_store %arg7[%swap3A_487, %swap3A_488], %swap3A_491 {strides = array<i32>} : memref<160x128xi32, #tpu.memory_space<vmem>>, vector<1x16xi32>,
        %mul3A_492 = arith.constant 16 : i32
        %mul3A_493 = arith.muli %scan3A_64, %mul3A_492 : i32
        %add3A_494 = arith.addi %mul3A_493, %scan3A_98 : i32
        %dma_start3A_495 = arith.constant 0 : i32
        %dma_start3A_496 = tpu.memref_slice %arg7[%add3A_494, %dma_start3A_495] : memref<160x128xi32, #tpu.memory_space<vmem>> -> memref<1x128xi32, #tpu.memory_space<vmem>>
        %dma_start3A_497 = tpu.memref_squeeze %dma_start3A_496 : memref<1x128xi32, #tpu.memory_space<vmem>> -> memref<128xi32, #tpu.memory_space<vmem>>
        %dma_start3A_498 = arith.constant 0 : i32
        %dma_start3A_499 = tpu.memref_slice %arg10[%dma_start3A_498] : memref<1280000xf32, #tpu.memory_space<vmem_shared>> -> memref<1280000xf32, #tpu.memory_space<vmem_shared>>
        tpu.enqueue_indirect_dma source(%arg8 : memref<128xf32, #tpu.memory_space<vmem>>) target(%dma_start3A_499 : memref<1280000xf32, #tpu.memory_space<vmem_shared>>) offsets(%dma_start3A_497 : memref<128xi32, #tpu.memory_space<vmem>>) semaphore(%arg13 : memref<!tpu.dma_semaphore, #tpu.memory_space<semaphore_mem>>) {add = true}
        %scan3A_500 = arith.constant 0 : i32
        scf.yield %scan3A_500 : i32
      }
      %scan3A_96 = arith.constant 16 : i32
      %scan3A_97 = arith.constant 0 : i32
      scf.yield %scan3A_97 : i32
    }
    %scan3A_49 = arith.constant 10 : i32
    %scan3A_50 = arith.constant 0 : i32
    %scan3A_51 = arith.constant 0 : i32
    %scan3A_52 = arith.constant 32 : i32
    %scan3A_53 = arith.addi %scan3A_51, %scan3A_52 : i32
    %scan3A_54 = arith.constant 1 : i32
    %scan3A_55 = scf.for %scan3A_64 = %scan3A_51 to %scan3A_53 step %scan3A_54 iter_args(%scan3A_65 = %scan3A_50) -> (i32)  : i32 {
      %dma_wait3A = arith.constant 0 : i32
      %dma_wait3A_66 = arith.constant 0 : i32
      %dma_wait3A_67 = tpu.memref_slice %arg7[%dma_wait3A, %dma_wait3A_66] : memref<160x128xi32, #tpu.memory_space<vmem>> -> memref<1x128xi32, #tpu.memory_space<vmem>>
      %dma_wait3A_68 = tpu.memref_squeeze %dma_wait3A_67 : memref<1x128xi32, #tpu.memory_space<vmem>> -> memref<128xi32, #tpu.memory_space<vmem>>
      %dma_wait3A_69 = arith.constant 0 : i32
      %dma_wait3A_70 = tpu.memref_slice %arg10[%dma_wait3A_69] : memref<1280000xf32, #tpu.memory_space<vmem_shared>> -> memref<1280000xf32, #tpu.memory_space<vmem_shared>>
      tpu.wait_indirect_dma semaphore(%arg13 : memref<!tpu.dma_semaphore, #tpu.memory_space<semaphore_mem>>) src(%arg8 : memref<128xf32, #tpu.memory_space<vmem>>) dst(%dma_wait3A_70 : memref<1280000xf32, #tpu.memory_space<vmem_shared>>)
      %scan3A_71 = arith.constant 0 : i32
      scf.yield %scan3A_71 : i32
    }
    %scan3A_56 = arith.constant 32 : i32
    %barrier3A_57 = arith.constant 0 : index
    tpu.barrier barrier_id(%barrier3A_57)
    %mul3A_58 = arith.constant 80000 : i32
    %mul3A_59 = arith.muli %arg1, %mul3A_58 : i32
    %mul3A_60 = arith.constant 1280000 : i32
    %mul3A_61 = arith.muli %arg0, %mul3A_60 : i32
    %mul3A_62 = arith.constant 80000 : i32
    %mul3A_63 = arith.muli %arg1, %mul3A_62 : i32
    %add3A = arith.addi %mul3A_61, %mul3A_63 : i32
    "tpu.region"() ({
      %run_scoped3A = tpu.sem_alloc : memref<!tpu.dma_semaphore, #tpu.memory_space<semaphore_mem>>
      %dma_start3A_64 = tpu.memref_slice %arg4[%add3A] : memref<2560000xf32, #tpu.memory_space<hbm>> -> memref<80000xf32, #tpu.memory_space<hbm>>
      %dma_start3A_65 = tpu.memref_slice %arg10[%mul3A_59] : memref<1280000xf32, #tpu.memory_space<vmem_shared>> -> memref<80000xf32, #tpu.memory_space<vmem_shared>>
      tpu.enqueue_dma source(%dma_start3A_65 : memref<80000xf32, #tpu.memory_space<vmem_shared>>) target(%dma_start3A_64 : memref<80000xf32, #tpu.memory_space<hbm>>) target_semaphore(%run_scoped3A : memref<!tpu.dma_semaphore, #tpu.memory_space<semaphore_mem>>)
      %dma_wait3A = tpu.memref_slice %arg4[%add3A] : memref<2560000xf32, #tpu.memory_space<hbm>> -> memref<80000xf32, #tpu.memory_space<hbm>>
      %dma_wait3A_66 = tpu.memref_slice %arg10[%mul3A_59] : memref<1280000xf32, #tpu.memory_space<vmem_shared>> -> memref<80000xf32, #tpu.memory_space<vmem_shared>>
      tpu.wait_dma2 semaphore(%run_scoped3A : memref<!tpu.dma_semaphore, #tpu.memory_space<semaphore_mem>>) src(%dma_wait3A_66 : memref<80000xf32, #tpu.memory_space<vmem_shared>>) dst(%dma_wait3A : memref<80000xf32, #tpu.memory_space<hbm>>)
      tpu.yield
    }) : () -> ()
    return
  }
}

module attributes {stable_mosaic.version = 14 : i64} {
  func.func @_fwd_body(%arg0: i32, %arg1: memref<5x200x256xf32, #tpu.memory_space<vmem>>, %arg2: memref<5x200x128xf32, #tpu.memory_space<vmem>>, %arg3: memref<128x128xf32, #tpu.memory_space<vmem>>, %arg4: memref<1x128xf32, #tpu.memory_space<vmem>>, %arg5: memref<128x1xf32, #tpu.memory_space<vmem>>, %arg6: memref<1x1xf32, #tpu.memory_space<vmem>>, %arg7: memref<128x128xf32, #tpu.memory_space<vmem>>, %arg8: memref<1x128xf32, #tpu.memory_space<vmem>>, %arg9: memref<128x1xf32, #tpu.memory_space<vmem>>, %arg10: memref<1x1xf32, #tpu.memory_space<vmem>>, %arg11: memref<128x128xf32, #tpu.memory_space<vmem>>, %arg12: memref<1x128xf32, #tpu.memory_space<vmem>>, %arg13: memref<128x1xf32, #tpu.memory_space<vmem>>, %arg14: memref<1x1xf32, #tpu.memory_space<vmem>>, %arg15: memref<768x128xf32, #tpu.memory_space<vmem>>, %arg16: memref<1x128xf32, #tpu.memory_space<vmem>>, %arg17: memref<128x64xf32, #tpu.memory_space<vmem>>, %arg18: memref<1x64xf32, #tpu.memory_space<vmem>>, %arg19: memref<64x10xf32, #tpu.memory_space<vmem>>, %arg20: memref<1x10xf32, #tpu.memory_space<vmem>>, %arg21: memref<5x1x10xf32, #tpu.memory_space<vmem>>) attributes {dimension_semantics = [#tpu.dimension_semantics<arbitrary>], iteration_bounds = array<i64: 10>, scalar_prefetch = 0 : i64, scratch_operands = 0 : i64, tpu.core_type = #tpu.core_type<tc>, window_params = [{transform_indices = @transform_0, window_bounds = array<i64: 5, 200, 256>}, {transform_indices = @transform_1, window_bounds = array<i64: 5, 200, 128>}, {pipeline_mode = #tpu.pipeline_mode<synchronous>, transform_indices = @transform_2, window_bounds = array<i64: 128, 128>}, {pipeline_mode = #tpu.pipeline_mode<synchronous>, transform_indices = @transform_3, window_bounds = array<i64: 1, 128>}, {pipeline_mode = #tpu.pipeline_mode<synchronous>, transform_indices = @transform_4, window_bounds = array<i64: 128, 1>}, {pipeline_mode = #tpu.pipeline_mode<synchronous>, transform_indices = @transform_5, window_bounds = array<i64: 1, 1>}, {pipeline_mode = #tpu.pipeline_mode<synchronous>, transform_indices = @transform_6, window_bounds = array<i64: 128, 128>}, {pipeline_mode = #tpu.pipeline_mode<synchronous>, transform_indices = @transform_7, window_bounds = array<i64: 1, 128>}, {pipeline_mode = #tpu.pipeline_mode<synchronous>, transform_indices = @transform_8, window_bounds = array<i64: 128, 1>}, {pipeline_mode = #tpu.pipeline_mode<synchronous>, transform_indices = @transform_9, window_bounds = array<i64: 1, 1>}, {pipeline_mode = #tpu.pipeline_mode<synchronous>, transform_indices = @transform_10, window_bounds = array<i64: 128, 128>}, {pipeline_mode = #tpu.pipeline_mode<synchronous>, transform_indices = @transform_11, window_bounds = array<i64: 1, 128>}, {pipeline_mode = #tpu.pipeline_mode<synchronous>, transform_indices = @transform_12, window_bounds = array<i64: 128, 1>}, {pipeline_mode = #tpu.pipeline_mode<synchronous>, transform_indices = @transform_13, window_bounds = array<i64: 1, 1>}, {pipeline_mode = #tpu.pipeline_mode<synchronous>, transform_indices = @transform_14, window_bounds = array<i64: 768, 128>}, {pipeline_mode = #tpu.pipeline_mode<synchronous>, transform_indices = @transform_15, window_bounds = array<i64: 1, 128>}, {pipeline_mode = #tpu.pipeline_mode<synchronous>, transform_indices = @transform_16, window_bounds = array<i64: 128, 64>}, {pipeline_mode = #tpu.pipeline_mode<synchronous>, transform_indices = @transform_17, window_bounds = array<i64: 1, 64>}, {pipeline_mode = #tpu.pipeline_mode<synchronous>, transform_indices = @transform_18, window_bounds = array<i64: 64, 10>}, {pipeline_mode = #tpu.pipeline_mode<synchronous>, transform_indices = @transform_19, window_bounds = array<i64: 1, 10>}, {transform_indices = @transform_20, window_bounds = array<i64: 5, 1, 10>}]} {
    %iota3A = tpu.iota {dimensions = array<i32: 0>} : vector<200x200xi32>
    %iota3A_0 = tpu.iota {dimensions = array<i32: 1>} : vector<200x200xi32>
    %eq3A = arith.cmpi eq, %iota3A, %iota3A_0 : vector<200x200xi32>
    %jit3A = arith.constant 1.000000e+00 : f32
    %jit3A_1 = arith.constant 0.000000e+00 : f32
    %broadcast_in_dim3A = vector.broadcast %jit3A : f32 to vector<200x200xf32>
    %broadcast_in_dim3A_2 = vector.broadcast %jit3A_1 : f32 to vector<200x200xf32>
    %select_n3A = arith.select %eq3A, %broadcast_in_dim3A, %broadcast_in_dim3A_2 : vector<200x200xi1>, vector<200x200xf32>
    %lt3A = arith.cmpi slt, %iota3A_0, %iota3A : vector<200x200xi32>
    %get3A = arith.constant 0 : index
    %get3A_3 = arith.constant 0 : index
    %get3A_4 = arith.constant 0 : index
    %get3A_5 = vector.load %arg1[%get3A, %get3A_3, %get3A_4] : memref<5x200x256xf32, #tpu.memory_space<vmem>>, vector<1x200x256xf32>
    %get3A_6 = vector.shape_cast %get3A_5 : vector<1x200x256xf32> to vector<200x256xf32>
    %get3A_7 = arith.constant 1 : index
    %get3A_8 = arith.constant 0 : index
    %get3A_9 = arith.constant 0 : index
    %get3A_10 = vector.load %arg1[%get3A_7, %get3A_8, %get3A_9] : memref<5x200x256xf32, #tpu.memory_space<vmem>>, vector<1x200x256xf32>
    %get3A_11 = vector.shape_cast %get3A_10 : vector<1x200x256xf32> to vector<200x256xf32>
    %get3A_12 = arith.constant 2 : index
    %get3A_13 = arith.constant 0 : index
    %get3A_14 = arith.constant 0 : index
    %get3A_15 = vector.load %arg1[%get3A_12, %get3A_13, %get3A_14] : memref<5x200x256xf32, #tpu.memory_space<vmem>>, vector<1x200x256xf32>
    %get3A_16 = vector.shape_cast %get3A_15 : vector<1x200x256xf32> to vector<200x256xf32>
    %get3A_17 = arith.constant 3 : index
    %get3A_18 = arith.constant 0 : index
    %get3A_19 = arith.constant 0 : index
    %get3A_20 = vector.load %arg1[%get3A_17, %get3A_18, %get3A_19] : memref<5x200x256xf32, #tpu.memory_space<vmem>>, vector<1x200x256xf32>
    %get3A_21 = vector.shape_cast %get3A_20 : vector<1x200x256xf32> to vector<200x256xf32>
    %get3A_22 = arith.constant 4 : index
    %get3A_23 = arith.constant 0 : index
    %get3A_24 = arith.constant 0 : index
    %get3A_25 = vector.load %arg1[%get3A_22, %get3A_23, %get3A_24] : memref<5x200x256xf32, #tpu.memory_space<vmem>>, vector<1x200x256xf32>
    %get3A_26 = vector.shape_cast %get3A_25 : vector<1x200x256xf32> to vector<200x256xf32>
    %get3A_27 = arith.constant 0 : index
    %get3A_28 = arith.constant 0 : index
    %get3A_29 = arith.constant 0 : index
    %get3A_30 = vector.load %arg2[%get3A_27, %get3A_28, %get3A_29] : memref<5x200x128xf32, #tpu.memory_space<vmem>>, vector<1x200x128xf32>
    %get3A_31 = vector.shape_cast %get3A_30 : vector<1x200x128xf32> to vector<200x128xf32>
    %get3A_32 = arith.constant 1 : index
    %get3A_33 = arith.constant 0 : index
    %get3A_34 = arith.constant 0 : index
    %get3A_35 = vector.load %arg2[%get3A_32, %get3A_33, %get3A_34] : memref<5x200x128xf32, #tpu.memory_space<vmem>>, vector<1x200x128xf32>
    %get3A_36 = vector.shape_cast %get3A_35 : vector<1x200x128xf32> to vector<200x128xf32>
    %get3A_37 = arith.constant 2 : index
    %get3A_38 = arith.constant 0 : index
    %get3A_39 = arith.constant 0 : index
    %get3A_40 = vector.load %arg2[%get3A_37, %get3A_38, %get3A_39] : memref<5x200x128xf32, #tpu.memory_space<vmem>>, vector<1x200x128xf32>
    %get3A_41 = vector.shape_cast %get3A_40 : vector<1x200x128xf32> to vector<200x128xf32>
    %get3A_42 = arith.constant 3 : index
    %get3A_43 = arith.constant 0 : index
    %get3A_44 = arith.constant 0 : index
    %get3A_45 = vector.load %arg2[%get3A_42, %get3A_43, %get3A_44] : memref<5x200x128xf32, #tpu.memory_space<vmem>>, vector<1x200x128xf32>
    %get3A_46 = vector.shape_cast %get3A_45 : vector<1x200x128xf32> to vector<200x128xf32>
    %get3A_47 = arith.constant 4 : index
    %get3A_48 = arith.constant 0 : index
    %get3A_49 = arith.constant 0 : index
    %get3A_50 = vector.load %arg2[%get3A_47, %get3A_48, %get3A_49] : memref<5x200x128xf32, #tpu.memory_space<vmem>>, vector<1x200x128xf32>
    %get3A_51 = vector.shape_cast %get3A_50 : vector<1x200x128xf32> to vector<200x128xf32>
    %broadcast_in_dim3A_52 = arith.constant 1.000000e+00 : f32
    %broadcast_in_dim3A_53 = vector.broadcast %broadcast_in_dim3A_52 : f32 to vector<200x1xf32>
    %broadcast_in_dim3A_54 = arith.constant 1.000000e+00 : f32
    %broadcast_in_dim3A_55 = vector.broadcast %broadcast_in_dim3A_54 : f32 to vector<200x1xf32>
    %broadcast_in_dim3A_56 = arith.constant 1.000000e+00 : f32
    %broadcast_in_dim3A_57 = vector.broadcast %broadcast_in_dim3A_56 : f32 to vector<200x1xf32>
    %broadcast_in_dim3A_58 = arith.constant 1.000000e+00 : f32
    %broadcast_in_dim3A_59 = vector.broadcast %broadcast_in_dim3A_58 : f32 to vector<200x1xf32>
    %broadcast_in_dim3A_60 = arith.constant 1.000000e+00 : f32
    %broadcast_in_dim3A_61 = vector.broadcast %broadcast_in_dim3A_60 : f32 to vector<200x1xf32>
    %get3A_62 = arith.constant 0 : index
    %get3A_63 = arith.constant 0 : index
    %get3A_64 = vector.load %arg3[%get3A_62, %get3A_63] : memref<128x128xf32, #tpu.memory_space<vmem>>, vector<128x128xf32>
    %get3A_65 = arith.constant 0 : index
    %get3A_66 = arith.constant 0 : index
    %get3A_67 = vector.load %arg4[%get3A_65, %get3A_66] : memref<1x128xf32, #tpu.memory_space<vmem>>, vector<1x128xf32>
    %get3A_68 = arith.constant 0 : index
    %get3A_69 = arith.constant 0 : index
    %get3A_70 = vector.load %arg5[%get3A_68, %get3A_69] : memref<128x1xf32, #tpu.memory_space<vmem>>, vector<128x1xf32>
    %get3A_71 = arith.constant 0 : index
    %get3A_72 = arith.constant 0 : index
    %get3A_73 = vector.load %arg6[%get3A_71, %get3A_72] : memref<1x1xf32, #tpu.memory_space<vmem>>, vector<1x1xf32>
    %broadcast_in_dim3A_74 = arith.constant 0.000000e+00 : f32
    %broadcast_in_dim3A_75 = vector.broadcast %broadcast_in_dim3A_74 : f32 to vector<56x1xf32>
    %concatenate3A = tpu.concatenate %broadcast_in_dim3A_53, %broadcast_in_dim3A_75 in 0 : vector<200x1xf32>, vector<56x1xf32> -> vector<256x1xf32>
    %concatenate3A_76 = tpu.concatenate %broadcast_in_dim3A_55, %broadcast_in_dim3A_75 in 0 : vector<200x1xf32>, vector<56x1xf32> -> vector<256x1xf32>
    %concatenate3A_77 = tpu.concatenate %broadcast_in_dim3A_57, %broadcast_in_dim3A_75 in 0 : vector<200x1xf32>, vector<56x1xf32> -> vector<256x1xf32>
    %concatenate3A_78 = tpu.concatenate %broadcast_in_dim3A_59, %broadcast_in_dim3A_75 in 0 : vector<200x1xf32>, vector<56x1xf32> -> vector<256x1xf32>
    %concatenate3A_79 = tpu.concatenate %broadcast_in_dim3A_61, %broadcast_in_dim3A_75 in 0 : vector<200x1xf32>, vector<56x1xf32> -> vector<256x1xf32>
    %dot_general3A = arith.constant dense<0.000000e+00> : vector<200x1xf32>
    %dot_general3A_80 = tpu.matmul %get3A_6, %concatenate3A, %dot_general3A {dimension_numbers = #tpu.dot_dimension_numbers<[1], [0], [0], [1], [0, 0, 1, 1], [], []>, transpose_lhs_hint = false} : vector<200x256xf32>, vector<256x1xf32>, vector<200x1xf32> -> vector<200x1xf32>
    %dot_general3A_81 = arith.constant dense<0.000000e+00> : vector<200x1xf32>
    %dot_general3A_82 = tpu.matmul %get3A_11, %concatenate3A_76, %dot_general3A_81 {dimension_numbers = #tpu.dot_dimension_numbers<[1], [0], [0], [1], [0, 0, 1, 1], [], []>, transpose_lhs_hint = false} : vector<200x256xf32>, vector<256x1xf32>, vector<200x1xf32> -> vector<200x1xf32>
    %dot_general3A_83 = arith.constant dense<0.000000e+00> : vector<200x1xf32>
    %dot_general3A_84 = tpu.matmul %get3A_16, %concatenate3A_77, %dot_general3A_83 {dimension_numbers = #tpu.dot_dimension_numbers<[1], [0], [0], [1], [0, 0, 1, 1], [], []>, transpose_lhs_hint = false} : vector<200x256xf32>, vector<256x1xf32>, vector<200x1xf32> -> vector<200x1xf32>
    %dot_general3A_85 = arith.constant dense<0.000000e+00> : vector<200x1xf32>
    %dot_general3A_86 = tpu.matmul %get3A_21, %concatenate3A_78, %dot_general3A_85 {dimension_numbers = #tpu.dot_dimension_numbers<[1], [0], [0], [1], [0, 0, 1, 1], [], []>, transpose_lhs_hint = false} : vector<200x256xf32>, vector<256x1xf32>, vector<200x1xf32> -> vector<200x1xf32>
    %dot_general3A_87 = arith.constant dense<0.000000e+00> : vector<200x1xf32>
    %dot_general3A_88 = tpu.matmul %get3A_26, %concatenate3A_79, %dot_general3A_87 {dimension_numbers = #tpu.dot_dimension_numbers<[1], [0], [0], [1], [0, 0, 1, 1], [], []>, transpose_lhs_hint = false} : vector<200x256xf32>, vector<256x1xf32>, vector<200x1xf32> -> vector<200x1xf32>
    %mul3A = arith.mulf %dot_general3A_80, %broadcast_in_dim3A_53 : vector<200x1xf32>
    %add3A = arith.addf %mul3A, %broadcast_in_dim3A_53 : vector<200x1xf32>
    %mul3A_89 = arith.mulf %dot_general3A_82, %broadcast_in_dim3A_55 : vector<200x1xf32>
    %add3A_90 = arith.addf %mul3A_89, %broadcast_in_dim3A_55 : vector<200x1xf32>
    %mul3A_91 = arith.mulf %dot_general3A_84, %broadcast_in_dim3A_57 : vector<200x1xf32>
    %add3A_92 = arith.addf %mul3A_91, %broadcast_in_dim3A_57 : vector<200x1xf32>
    %mul3A_93 = arith.mulf %dot_general3A_86, %broadcast_in_dim3A_59 : vector<200x1xf32>
    %add3A_94 = arith.addf %mul3A_93, %broadcast_in_dim3A_59 : vector<200x1xf32>
    %mul3A_95 = arith.mulf %dot_general3A_88, %broadcast_in_dim3A_61 : vector<200x1xf32>
    %add3A_96 = arith.addf %mul3A_95, %broadcast_in_dim3A_61 : vector<200x1xf32>
    %gt3A = arith.constant 0.000000e+00 : f32
    %gt3A_97 = vector.broadcast %gt3A : f32 to vector<200x1xf32>
    %gt3A_98 = arith.cmpf ogt, %add3A, %gt3A_97 : vector<200x1xf32>
    %max3A = arith.constant 9.99999996E-13 : f32
    %max3A_99 = vector.broadcast %max3A : f32 to vector<200x1xf32>
    %max3A_100 = arith.maximumf %add3A, %max3A_99 : vector<200x1xf32>
    %sqrt3A = math.sqrt %max3A_100 : vector<200x1xf32>
    %div3A = arith.constant 1.000000e+00 : f32
    %div3A_101 = vector.broadcast %div3A : f32 to vector<200x1xf32>
    %div3A_102 = arith.divf %div3A_101, %sqrt3A : vector<200x1xf32>
    %jit3A_103 = arith.constant 0.000000e+00 : f32
    %broadcast_in_dim3A_104 = vector.broadcast %jit3A_103 : f32 to vector<200x1xf32>
    %select_n3A_105 = arith.select %gt3A_98, %div3A_102, %broadcast_in_dim3A_104 : vector<200x1xi1>, vector<200x1xf32>
    %gt3A_106 = arith.constant 0.000000e+00 : f32
    %gt3A_107 = vector.broadcast %gt3A_106 : f32 to vector<200x1xf32>
    %gt3A_108 = arith.cmpf ogt, %add3A_90, %gt3A_107 : vector<200x1xf32>
    %max3A_109 = arith.constant 9.99999996E-13 : f32
    %max3A_110 = vector.broadcast %max3A_109 : f32 to vector<200x1xf32>
    %max3A_111 = arith.maximumf %add3A_90, %max3A_110 : vector<200x1xf32>
    %sqrt3A_112 = math.sqrt %max3A_111 : vector<200x1xf32>
    %div3A_113 = arith.constant 1.000000e+00 : f32
    %div3A_114 = vector.broadcast %div3A_113 : f32 to vector<200x1xf32>
    %div3A_115 = arith.divf %div3A_114, %sqrt3A_112 : vector<200x1xf32>
    %jit3A_116 = arith.constant 0.000000e+00 : f32
    %broadcast_in_dim3A_117 = vector.broadcast %jit3A_116 : f32 to vector<200x1xf32>
    %select_n3A_118 = arith.select %gt3A_108, %div3A_115, %broadcast_in_dim3A_117 : vector<200x1xi1>, vector<200x1xf32>
    %gt3A_119 = arith.constant 0.000000e+00 : f32
    %gt3A_120 = vector.broadcast %gt3A_119 : f32 to vector<200x1xf32>
    %gt3A_121 = arith.cmpf ogt, %add3A_92, %gt3A_120 : vector<200x1xf32>
    %max3A_122 = arith.constant 9.99999996E-13 : f32
    %max3A_123 = vector.broadcast %max3A_122 : f32 to vector<200x1xf32>
    %max3A_124 = arith.maximumf %add3A_92, %max3A_123 : vector<200x1xf32>
    %sqrt3A_125 = math.sqrt %max3A_124 : vector<200x1xf32>
    %div3A_126 = arith.constant 1.000000e+00 : f32
    %div3A_127 = vector.broadcast %div3A_126 : f32 to vector<200x1xf32>
    %div3A_128 = arith.divf %div3A_127, %sqrt3A_125 : vector<200x1xf32>
    %jit3A_129 = arith.constant 0.000000e+00 : f32
    %broadcast_in_dim3A_130 = vector.broadcast %jit3A_129 : f32 to vector<200x1xf32>
    %select_n3A_131 = arith.select %gt3A_121, %div3A_128, %broadcast_in_dim3A_130 : vector<200x1xi1>, vector<200x1xf32>
    %gt3A_132 = arith.constant 0.000000e+00 : f32
    %gt3A_133 = vector.broadcast %gt3A_132 : f32 to vector<200x1xf32>
    %gt3A_134 = arith.cmpf ogt, %add3A_94, %gt3A_133 : vector<200x1xf32>
    %max3A_135 = arith.constant 9.99999996E-13 : f32
    %max3A_136 = vector.broadcast %max3A_135 : f32 to vector<200x1xf32>
    %max3A_137 = arith.maximumf %add3A_94, %max3A_136 : vector<200x1xf32>
    %sqrt3A_138 = math.sqrt %max3A_137 : vector<200x1xf32>
    %div3A_139 = arith.constant 1.000000e+00 : f32
    %div3A_140 = vector.broadcast %div3A_139 : f32 to vector<200x1xf32>
    %div3A_141 = arith.divf %div3A_140, %sqrt3A_138 : vector<200x1xf32>
    %jit3A_142 = arith.constant 0.000000e+00 : f32
    %broadcast_in_dim3A_143 = vector.broadcast %jit3A_142 : f32 to vector<200x1xf32>
    %select_n3A_144 = arith.select %gt3A_134, %div3A_141, %broadcast_in_dim3A_143 : vector<200x1xi1>, vector<200x1xf32>
    %gt3A_145 = arith.constant 0.000000e+00 : f32
    %gt3A_146 = vector.broadcast %gt3A_145 : f32 to vector<200x1xf32>
    %gt3A_147 = arith.cmpf ogt, %add3A_96, %gt3A_146 : vector<200x1xf32>
    %max3A_148 = arith.constant 9.99999996E-13 : f32
    %max3A_149 = vector.broadcast %max3A_148 : f32 to vector<200x1xf32>
    %max3A_150 = arith.maximumf %add3A_96, %max3A_149 : vector<200x1xf32>
    %sqrt3A_151 = math.sqrt %max3A_150 : vector<200x1xf32>
    %div3A_152 = arith.constant 1.000000e+00 : f32
    %div3A_153 = vector.broadcast %div3A_152 : f32 to vector<200x1xf32>
    %div3A_154 = arith.divf %div3A_153, %sqrt3A_151 : vector<200x1xf32>
    %jit3A_155 = arith.constant 0.000000e+00 : f32
    %broadcast_in_dim3A_156 = vector.broadcast %jit3A_155 : f32 to vector<200x1xf32>
    %select_n3A_157 = arith.select %gt3A_147, %div3A_154, %broadcast_in_dim3A_156 : vector<200x1xi1>, vector<200x1xf32>
    %dot_general3A_158 = arith.constant dense<0.000000e+00> : vector<200x128xf32>
    %dot_general3A_159 = tpu.matmul %get3A_31, %get3A_64, %dot_general3A_158 {dimension_numbers = #tpu.dot_dimension_numbers<[1], [0], [0], [1], [0, 0, 1, 1], [], []>, transpose_lhs_hint = false} : vector<200x128xf32>, vector<128x128xf32>, vector<200x128xf32> -> vector<200x128xf32>
    %dot_general3A_160 = arith.constant dense<0.000000e+00> : vector<200x128xf32>
    %dot_general3A_161 = tpu.matmul %get3A_36, %get3A_64, %dot_general3A_160 {dimension_numbers = #tpu.dot_dimension_numbers<[1], [0], [0], [1], [0, 0, 1, 1], [], []>, transpose_lhs_hint = false} : vector<200x128xf32>, vector<128x128xf32>, vector<200x128xf32> -> vector<200x128xf32>
    %dot_general3A_162 = arith.constant dense<0.000000e+00> : vector<200x128xf32>
    %dot_general3A_163 = tpu.matmul %get3A_41, %get3A_64, %dot_general3A_162 {dimension_numbers = #tpu.dot_dimension_numbers<[1], [0], [0], [1], [0, 0, 1, 1], [], []>, transpose_lhs_hint = false} : vector<200x128xf32>, vector<128x128xf32>, vector<200x128xf32> -> vector<200x128xf32>
    %dot_general3A_164 = arith.constant dense<0.000000e+00> : vector<200x128xf32>
    %dot_general3A_165 = tpu.matmul %get3A_46, %get3A_64, %dot_general3A_164 {dimension_numbers = #tpu.dot_dimension_numbers<[1], [0], [0], [1], [0, 0, 1, 1], [], []>, transpose_lhs_hint = false} : vector<200x128xf32>, vector<128x128xf32>, vector<200x128xf32> -> vector<200x128xf32>
    %dot_general3A_166 = arith.constant dense<0.000000e+00> : vector<200x128xf32>
    %dot_general3A_167 = tpu.matmul %get3A_51, %get3A_64, %dot_general3A_166 {dimension_numbers = #tpu.dot_dimension_numbers<[1], [0], [0], [1], [0, 0, 1, 1], [], []>, transpose_lhs_hint = false} : vector<200x128xf32>, vector<128x128xf32>, vector<200x128xf32> -> vector<200x128xf32>
    %broadcast_in_dim3A_168 = arith.constant 0.000000e+00 : f32
    %broadcast_in_dim3A_169 = vector.broadcast %broadcast_in_dim3A_168 : f32 to vector<56x128xf32>
    %mul3A_170 = vector.broadcast %select_n3A_105 : vector<200x1xf32> to vector<200x128xf32>
    %mul3A_171 = arith.mulf %mul3A_170, %dot_general3A_159 : vector<200x128xf32>
    %concatenate3A_172 = tpu.concatenate %mul3A_171, %broadcast_in_dim3A_169 in 0 : vector<200x128xf32>, vector<56x128xf32> -> vector<256x128xf32>
    %mul3A_173 = vector.broadcast %select_n3A_118 : vector<200x1xf32> to vector<200x128xf32>
    %mul3A_174 = arith.mulf %mul3A_173, %dot_general3A_161 : vector<200x128xf32>
    %concatenate3A_175 = tpu.concatenate %mul3A_174, %broadcast_in_dim3A_169 in 0 : vector<200x128xf32>, vector<56x128xf32> -> vector<256x128xf32>
    %mul3A_176 = vector.broadcast %select_n3A_131 : vector<200x1xf32> to vector<200x128xf32>
    %mul3A_177 = arith.mulf %mul3A_176, %dot_general3A_163 : vector<200x128xf32>
    %concatenate3A_178 = tpu.concatenate %mul3A_177, %broadcast_in_dim3A_169 in 0 : vector<200x128xf32>, vector<56x128xf32> -> vector<256x128xf32>
    %mul3A_179 = vector.broadcast %select_n3A_144 : vector<200x1xf32> to vector<200x128xf32>
    %mul3A_180 = arith.mulf %mul3A_179, %dot_general3A_165 : vector<200x128xf32>
    %concatenate3A_181 = tpu.concatenate %mul3A_180, %broadcast_in_dim3A_169 in 0 : vector<200x128xf32>, vector<56x128xf32> -> vector<256x128xf32>
    %mul3A_182 = vector.broadcast %select_n3A_157 : vector<200x1xf32> to vector<200x128xf32>
    %mul3A_183 = arith.mulf %mul3A_182, %dot_general3A_167 : vector<200x128xf32>
    %concatenate3A_184 = tpu.concatenate %mul3A_183, %broadcast_in_dim3A_169 in 0 : vector<200x128xf32>, vector<56x128xf32> -> vector<256x128xf32>
    %dot_general3A_185 = arith.constant dense<0.000000e+00> : vector<200x128xf32>
    %dot_general3A_186 = tpu.matmul %get3A_6, %concatenate3A_172, %dot_general3A_185 {dimension_numbers = #tpu.dot_dimension_numbers<[1], [0], [0], [1], [0, 0, 1, 1], [], []>, transpose_lhs_hint = false} : vector<200x256xf32>, vector<256x128xf32>, vector<200x128xf32> -> vector<200x128xf32>
    %mul3A_187 = vector.broadcast %select_n3A_105 : vector<200x1xf32> to vector<200x128xf32>
    %mul3A_188 = arith.mulf %dot_general3A_186, %mul3A_187 : vector<200x128xf32>
    %dot_general3A_189 = arith.constant dense<0.000000e+00> : vector<200x128xf32>
    %dot_general3A_190 = tpu.matmul %get3A_11, %concatenate3A_175, %dot_general3A_189 {dimension_numbers = #tpu.dot_dimension_numbers<[1], [0], [0], [1], [0, 0, 1, 1], [], []>, transpose_lhs_hint = false} : vector<200x256xf32>, vector<256x128xf32>, vector<200x128xf32> -> vector<200x128xf32>
    %mul3A_191 = vector.broadcast %select_n3A_118 : vector<200x1xf32> to vector<200x128xf32>
    %mul3A_192 = arith.mulf %dot_general3A_190, %mul3A_191 : vector<200x128xf32>
    %dot_general3A_193 = arith.constant dense<0.000000e+00> : vector<200x128xf32>
    %dot_general3A_194 = tpu.matmul %get3A_16, %concatenate3A_178, %dot_general3A_193 {dimension_numbers = #tpu.dot_dimension_numbers<[1], [0], [0], [1], [0, 0, 1, 1], [], []>, transpose_lhs_hint = false} : vector<200x256xf32>, vector<256x128xf32>, vector<200x128xf32> -> vector<200x128xf32>
    %mul3A_195 = vector.broadcast %select_n3A_131 : vector<200x1xf32> to vector<200x128xf32>
    %mul3A_196 = arith.mulf %dot_general3A_194, %mul3A_195 : vector<200x128xf32>
    %dot_general3A_197 = arith.constant dense<0.000000e+00> : vector<200x128xf32>
    %dot_general3A_198 = tpu.matmul %get3A_21, %concatenate3A_181, %dot_general3A_197 {dimension_numbers = #tpu.dot_dimension_numbers<[1], [0], [0], [1], [0, 0, 1, 1], [], []>, transpose_lhs_hint = false} : vector<200x256xf32>, vector<256x128xf32>, vector<200x128xf32> -> vector<200x128xf32>
    %mul3A_199 = vector.broadcast %select_n3A_144 : vector<200x1xf32> to vector<200x128xf32>
    %mul3A_200 = arith.mulf %dot_general3A_198, %mul3A_199 : vector<200x128xf32>
    %dot_general3A_201 = arith.constant dense<0.000000e+00> : vector<200x128xf32>
    %dot_general3A_202 = tpu.matmul %get3A_26, %concatenate3A_184, %dot_general3A_201 {dimension_numbers = #tpu.dot_dimension_numbers<[1], [0], [0], [1], [0, 0, 1, 1], [], []>, transpose_lhs_hint = false} : vector<200x256xf32>, vector<256x128xf32>, vector<200x128xf32> -> vector<200x128xf32>
    %mul3A_203 = vector.broadcast %select_n3A_157 : vector<200x1xf32> to vector<200x128xf32>
    %mul3A_204 = arith.mulf %dot_general3A_202, %mul3A_203 : vector<200x128xf32>
    %mul3A_205 = arith.mulf %select_n3A_105, %select_n3A_105 : vector<200x1xf32>
    %mul3A_206 = arith.mulf %mul3A_205, %broadcast_in_dim3A_53 : vector<200x1xf32>
    %mul3A_207 = vector.broadcast %mul3A_206 : vector<200x1xf32> to vector<200x128xf32>
    %mul3A_208 = arith.mulf %mul3A_207, %dot_general3A_159 : vector<200x128xf32>
    %add3A_209 = arith.addf %mul3A_188, %mul3A_208 : vector<200x128xf32>
    %add3A_210 = vector.broadcast %get3A_67 : vector<1x128xf32> to vector<200x128xf32>
    %add3A_211 = arith.addf %add3A_209, %add3A_210 : vector<200x128xf32>
    %mul3A_212 = vector.broadcast %broadcast_in_dim3A_53 : vector<200x1xf32> to vector<200x128xf32>
    %mul3A_213 = arith.mulf %add3A_211, %mul3A_212 : vector<200x128xf32>
    %max3A_214 = arith.constant 0.000000e+00 : f32
    %max3A_215 = vector.broadcast %max3A_214 : f32 to vector<200x128xf32>
    %max3A_216 = arith.maximumf %mul3A_213, %max3A_215 : vector<200x128xf32>
    %mul3A_217 = arith.mulf %select_n3A_118, %select_n3A_118 : vector<200x1xf32>
    %mul3A_218 = arith.mulf %mul3A_217, %broadcast_in_dim3A_55 : vector<200x1xf32>
    %mul3A_219 = vector.broadcast %mul3A_218 : vector<200x1xf32> to vector<200x128xf32>
    %mul3A_220 = arith.mulf %mul3A_219, %dot_general3A_161 : vector<200x128xf32>
    %add3A_221 = arith.addf %mul3A_192, %mul3A_220 : vector<200x128xf32>
    %add3A_222 = vector.broadcast %get3A_67 : vector<1x128xf32> to vector<200x128xf32>
    %add3A_223 = arith.addf %add3A_221, %add3A_222 : vector<200x128xf32>
    %mul3A_224 = vector.broadcast %broadcast_in_dim3A_55 : vector<200x1xf32> to vector<200x128xf32>
    %mul3A_225 = arith.mulf %add3A_223, %mul3A_224 : vector<200x128xf32>
    %max3A_226 = arith.constant 0.000000e+00 : f32
    %max3A_227 = vector.broadcast %max3A_226 : f32 to vector<200x128xf32>
    %max3A_228 = arith.maximumf %mul3A_225, %max3A_227 : vector<200x128xf32>
    %mul3A_229 = arith.mulf %select_n3A_131, %select_n3A_131 : vector<200x1xf32>
    %mul3A_230 = arith.mulf %mul3A_229, %broadcast_in_dim3A_57 : vector<200x1xf32>
    %mul3A_231 = vector.broadcast %mul3A_230 : vector<200x1xf32> to vector<200x128xf32>
    %mul3A_232 = arith.mulf %mul3A_231, %dot_general3A_163 : vector<200x128xf32>
    %add3A_233 = arith.addf %mul3A_196, %mul3A_232 : vector<200x128xf32>
    %add3A_234 = vector.broadcast %get3A_67 : vector<1x128xf32> to vector<200x128xf32>
    %add3A_235 = arith.addf %add3A_233, %add3A_234 : vector<200x128xf32>
    %mul3A_236 = vector.broadcast %broadcast_in_dim3A_57 : vector<200x1xf32> to vector<200x128xf32>
    %mul3A_237 = arith.mulf %add3A_235, %mul3A_236 : vector<200x128xf32>
    %max3A_238 = arith.constant 0.000000e+00 : f32
    %max3A_239 = vector.broadcast %max3A_238 : f32 to vector<200x128xf32>
    %max3A_240 = arith.maximumf %mul3A_237, %max3A_239 : vector<200x128xf32>
    %mul3A_241 = arith.mulf %select_n3A_144, %select_n3A_144 : vector<200x1xf32>
    %mul3A_242 = arith.mulf %mul3A_241, %broadcast_in_dim3A_59 : vector<200x1xf32>
    %mul3A_243 = vector.broadcast %mul3A_242 : vector<200x1xf32> to vector<200x128xf32>
    %mul3A_244 = arith.mulf %mul3A_243, %dot_general3A_165 : vector<200x128xf32>
    %add3A_245 = arith.addf %mul3A_200, %mul3A_244 : vector<200x128xf32>
    %add3A_246 = vector.broadcast %get3A_67 : vector<1x128xf32> to vector<200x128xf32>
    %add3A_247 = arith.addf %add3A_245, %add3A_246 : vector<200x128xf32>
    %mul3A_248 = vector.broadcast %broadcast_in_dim3A_59 : vector<200x1xf32> to vector<200x128xf32>
    %mul3A_249 = arith.mulf %add3A_247, %mul3A_248 : vector<200x128xf32>
    %max3A_250 = arith.constant 0.000000e+00 : f32
    %max3A_251 = vector.broadcast %max3A_250 : f32 to vector<200x128xf32>
    %max3A_252 = arith.maximumf %mul3A_249, %max3A_251 : vector<200x128xf32>
    %mul3A_253 = arith.mulf %select_n3A_157, %select_n3A_157 : vector<200x1xf32>
    %mul3A_254 = arith.mulf %mul3A_253, %broadcast_in_dim3A_61 : vector<200x1xf32>
    %mul3A_255 = vector.broadcast %mul3A_254 : vector<200x1xf32> to vector<200x128xf32>
    %mul3A_256 = arith.mulf %mul3A_255, %dot_general3A_167 : vector<200x128xf32>
    %add3A_257 = arith.addf %mul3A_204, %mul3A_256 : vector<200x128xf32>
    %add3A_258 = vector.broadcast %get3A_67 : vector<1x128xf32> to vector<200x128xf32>
    %add3A_259 = arith.addf %add3A_257, %add3A_258 : vector<200x128xf32>
    %mul3A_260 = vector.broadcast %broadcast_in_dim3A_61 : vector<200x1xf32> to vector<200x128xf32>
    %mul3A_261 = arith.mulf %add3A_259, %mul3A_260 : vector<200x128xf32>
    %max3A_262 = arith.constant 0.000000e+00 : f32
    %max3A_263 = vector.broadcast %max3A_262 : f32 to vector<200x128xf32>
    %max3A_264 = arith.maximumf %mul3A_261, %max3A_263 : vector<200x128xf32>
    %dot_general3A_265 = arith.constant dense<0.000000e+00> : vector<200x1xf32>
    %dot_general3A_266 = tpu.matmul %max3A_216, %get3A_70, %dot_general3A_265 {dimension_numbers = #tpu.dot_dimension_numbers<[1], [0], [0], [1], [0, 0, 1, 1], [], []>, transpose_lhs_hint = false} : vector<200x128xf32>, vector<128x1xf32>, vector<200x1xf32> -> vector<200x1xf32>
    %dot_general3A_267 = arith.constant dense<0.000000e+00> : vector<200x1xf32>
    %dot_general3A_268 = tpu.matmul %max3A_228, %get3A_70, %dot_general3A_267 {dimension_numbers = #tpu.dot_dimension_numbers<[1], [0], [0], [1], [0, 0, 1, 1], [], []>, transpose_lhs_hint = false} : vector<200x128xf32>, vector<128x1xf32>, vector<200x1xf32> -> vector<200x1xf32>
    %dot_general3A_269 = arith.constant dense<0.000000e+00> : vector<200x1xf32>
    %dot_general3A_270 = tpu.matmul %max3A_240, %get3A_70, %dot_general3A_269 {dimension_numbers = #tpu.dot_dimension_numbers<[1], [0], [0], [1], [0, 0, 1, 1], [], []>, transpose_lhs_hint = false} : vector<200x128xf32>, vector<128x1xf32>, vector<200x1xf32> -> vector<200x1xf32>
    %dot_general3A_271 = arith.constant dense<0.000000e+00> : vector<200x1xf32>
    %dot_general3A_272 = tpu.matmul %max3A_252, %get3A_70, %dot_general3A_271 {dimension_numbers = #tpu.dot_dimension_numbers<[1], [0], [0], [1], [0, 0, 1, 1], [], []>, transpose_lhs_hint = false} : vector<200x128xf32>, vector<128x1xf32>, vector<200x1xf32> -> vector<200x1xf32>
    %dot_general3A_273 = arith.constant dense<0.000000e+00> : vector<200x1xf32>
    %dot_general3A_274 = tpu.matmul %max3A_264, %get3A_70, %dot_general3A_273 {dimension_numbers = #tpu.dot_dimension_numbers<[1], [0], [0], [1], [0, 0, 1, 1], [], []>, transpose_lhs_hint = false} : vector<200x128xf32>, vector<128x1xf32>, vector<200x1xf32> -> vector<200x1xf32>
    %mul3A_275 = arith.mulf %select_n3A_105, %dot_general3A_266 : vector<200x1xf32>
    %concatenate3A_276 = tpu.concatenate %mul3A_275, %broadcast_in_dim3A_75 in 0 : vector<200x1xf32>, vector<56x1xf32> -> vector<256x1xf32>
    %mul3A_277 = arith.mulf %select_n3A_118, %dot_general3A_268 : vector<200x1xf32>
    %concatenate3A_278 = tpu.concatenate %mul3A_277, %broadcast_in_dim3A_75 in 0 : vector<200x1xf32>, vector<56x1xf32> -> vector<256x1xf32>
    %mul3A_279 = arith.mulf %select_n3A_131, %dot_general3A_270 : vector<200x1xf32>
    %concatenate3A_280 = tpu.concatenate %mul3A_279, %broadcast_in_dim3A_75 in 0 : vector<200x1xf32>, vector<56x1xf32> -> vector<256x1xf32>
    %mul3A_281 = arith.mulf %select_n3A_144, %dot_general3A_272 : vector<200x1xf32>
    %concatenate3A_282 = tpu.concatenate %mul3A_281, %broadcast_in_dim3A_75 in 0 : vector<200x1xf32>, vector<56x1xf32> -> vector<256x1xf32>
    %mul3A_283 = arith.mulf %select_n3A_157, %dot_general3A_274 : vector<200x1xf32>
    %concatenate3A_284 = tpu.concatenate %mul3A_283, %broadcast_in_dim3A_75 in 0 : vector<200x1xf32>, vector<56x1xf32> -> vector<256x1xf32>
    %dot_general3A_285 = arith.constant dense<0.000000e+00> : vector<200x1xf32>
    %dot_general3A_286 = tpu.matmul %get3A_6, %concatenate3A_276, %dot_general3A_285 {dimension_numbers = #tpu.dot_dimension_numbers<[1], [0], [0], [1], [0, 0, 1, 1], [], []>, transpose_lhs_hint = false} : vector<200x256xf32>, vector<256x1xf32>, vector<200x1xf32> -> vector<200x1xf32>
    %mul3A_287 = arith.mulf %dot_general3A_286, %select_n3A_105 : vector<200x1xf32>
    %dot_general3A_288 = arith.constant dense<0.000000e+00> : vector<200x1xf32>
    %dot_general3A_289 = tpu.matmul %get3A_11, %concatenate3A_278, %dot_general3A_288 {dimension_numbers = #tpu.dot_dimension_numbers<[1], [0], [0], [1], [0, 0, 1, 1], [], []>, transpose_lhs_hint = false} : vector<200x256xf32>, vector<256x1xf32>, vector<200x1xf32> -> vector<200x1xf32>
    %mul3A_290 = arith.mulf %dot_general3A_289, %select_n3A_118 : vector<200x1xf32>
    %dot_general3A_291 = arith.constant dense<0.000000e+00> : vector<200x1xf32>
    %dot_general3A_292 = tpu.matmul %get3A_16, %concatenate3A_280, %dot_general3A_291 {dimension_numbers = #tpu.dot_dimension_numbers<[1], [0], [0], [1], [0, 0, 1, 1], [], []>, transpose_lhs_hint = false} : vector<200x256xf32>, vector<256x1xf32>, vector<200x1xf32> -> vector<200x1xf32>
    %mul3A_293 = arith.mulf %dot_general3A_292, %select_n3A_131 : vector<200x1xf32>
    %dot_general3A_294 = arith.constant dense<0.000000e+00> : vector<200x1xf32>
    %dot_general3A_295 = tpu.matmul %get3A_21, %concatenate3A_282, %dot_general3A_294 {dimension_numbers = #tpu.dot_dimension_numbers<[1], [0], [0], [1], [0, 0, 1, 1], [], []>, transpose_lhs_hint = false} : vector<200x256xf32>, vector<256x1xf32>, vector<200x1xf32> -> vector<200x1xf32>
    %mul3A_296 = arith.mulf %dot_general3A_295, %select_n3A_144 : vector<200x1xf32>
    %dot_general3A_297 = arith.constant dense<0.000000e+00> : vector<200x1xf32>
    %dot_general3A_298 = tpu.matmul %get3A_26, %concatenate3A_284, %dot_general3A_297 {dimension_numbers = #tpu.dot_dimension_numbers<[1], [0], [0], [1], [0, 0, 1, 1], [], []>, transpose_lhs_hint = false} : vector<200x256xf32>, vector<256x1xf32>, vector<200x1xf32> -> vector<200x1xf32>
    %mul3A_299 = arith.mulf %dot_general3A_298, %select_n3A_157 : vector<200x1xf32>
    %mul3A_300 = arith.mulf %select_n3A_105, %select_n3A_105 : vector<200x1xf32>
    %mul3A_301 = arith.mulf %mul3A_300, %broadcast_in_dim3A_53 : vector<200x1xf32>
    %mul3A_302 = arith.mulf %mul3A_301, %dot_general3A_266 : vector<200x1xf32>
    %add3A_303 = arith.addf %mul3A_287, %mul3A_302 : vector<200x1xf32>
    %add3A_304 = vector.broadcast %get3A_73 : vector<1x1xf32> to vector<200x1xf32>
    %add3A_305 = arith.addf %add3A_303, %add3A_304 : vector<200x1xf32>
    %mul3A_306 = arith.mulf %add3A_305, %broadcast_in_dim3A_53 : vector<200x1xf32>
    %mul3A_307 = arith.mulf %select_n3A_118, %select_n3A_118 : vector<200x1xf32>
    %mul3A_308 = arith.mulf %mul3A_307, %broadcast_in_dim3A_55 : vector<200x1xf32>
    %mul3A_309 = arith.mulf %mul3A_308, %dot_general3A_268 : vector<200x1xf32>
    %add3A_310 = arith.addf %mul3A_290, %mul3A_309 : vector<200x1xf32>
    %add3A_311 = vector.broadcast %get3A_73 : vector<1x1xf32> to vector<200x1xf32>
    %add3A_312 = arith.addf %add3A_310, %add3A_311 : vector<200x1xf32>
    %mul3A_313 = arith.mulf %add3A_312, %broadcast_in_dim3A_55 : vector<200x1xf32>
    %mul3A_314 = arith.mulf %select_n3A_131, %select_n3A_131 : vector<200x1xf32>
    %mul3A_315 = arith.mulf %mul3A_314, %broadcast_in_dim3A_57 : vector<200x1xf32>
    %mul3A_316 = arith.mulf %mul3A_315, %dot_general3A_270 : vector<200x1xf32>
    %add3A_317 = arith.addf %mul3A_293, %mul3A_316 : vector<200x1xf32>
    %add3A_318 = vector.broadcast %get3A_73 : vector<1x1xf32> to vector<200x1xf32>
    %add3A_319 = arith.addf %add3A_317, %add3A_318 : vector<200x1xf32>
    %mul3A_320 = arith.mulf %add3A_319, %broadcast_in_dim3A_57 : vector<200x1xf32>
    %mul3A_321 = arith.mulf %select_n3A_144, %select_n3A_144 : vector<200x1xf32>
    %mul3A_322 = arith.mulf %mul3A_321, %broadcast_in_dim3A_59 : vector<200x1xf32>
    %mul3A_323 = arith.mulf %mul3A_322, %dot_general3A_272 : vector<200x1xf32>
    %add3A_324 = arith.addf %mul3A_296, %mul3A_323 : vector<200x1xf32>
    %add3A_325 = vector.broadcast %get3A_73 : vector<1x1xf32> to vector<200x1xf32>
    %add3A_326 = arith.addf %add3A_324, %add3A_325 : vector<200x1xf32>
    %mul3A_327 = arith.mulf %add3A_326, %broadcast_in_dim3A_59 : vector<200x1xf32>
    %mul3A_328 = arith.mulf %select_n3A_157, %select_n3A_157 : vector<200x1xf32>
    %mul3A_329 = arith.mulf %mul3A_328, %broadcast_in_dim3A_61 : vector<200x1xf32>
    %mul3A_330 = arith.mulf %mul3A_329, %dot_general3A_274 : vector<200x1xf32>
    %add3A_331 = arith.addf %mul3A_299, %mul3A_330 : vector<200x1xf32>
    %add3A_332 = vector.broadcast %get3A_73 : vector<1x1xf32> to vector<200x1xf32>
    %add3A_333 = arith.addf %add3A_331, %add3A_332 : vector<200x1xf32>
    %mul3A_334 = arith.mulf %add3A_333, %broadcast_in_dim3A_61 : vector<200x1xf32>
    %gt3A_335 = arith.constant 0.000000e+00 : f32
    %gt3A_336 = vector.broadcast %gt3A_335 : f32 to vector<200x1xf32>
    %gt3A_337 = arith.cmpf ogt, %broadcast_in_dim3A_53, %gt3A_336 : vector<200x1xf32>
    %jit3A_338 = arith.constant -1.000000e+09 : f32
    %broadcast_in_dim3A_339 = vector.broadcast %jit3A_338 : f32 to vector<200x1xf32>
    %select_n3A_340 = arith.select %gt3A_337, %mul3A_306, %broadcast_in_dim3A_339 : vector<200x1xi1>, vector<200x1xf32>
    %gt3A_341 = arith.constant 0.000000e+00 : f32
    %gt3A_342 = vector.broadcast %gt3A_341 : f32 to vector<200x1xf32>
    %gt3A_343 = arith.cmpf ogt, %broadcast_in_dim3A_55, %gt3A_342 : vector<200x1xf32>
    %jit3A_344 = arith.constant -1.000000e+09 : f32
    %broadcast_in_dim3A_345 = vector.broadcast %jit3A_344 : f32 to vector<200x1xf32>
    %select_n3A_346 = arith.select %gt3A_343, %mul3A_313, %broadcast_in_dim3A_345 : vector<200x1xi1>, vector<200x1xf32>
    %gt3A_347 = arith.constant 0.000000e+00 : f32
    %gt3A_348 = vector.broadcast %gt3A_347 : f32 to vector<200x1xf32>
    %gt3A_349 = arith.cmpf ogt, %broadcast_in_dim3A_57, %gt3A_348 : vector<200x1xf32>
    %jit3A_350 = arith.constant -1.000000e+09 : f32
    %broadcast_in_dim3A_351 = vector.broadcast %jit3A_350 : f32 to vector<200x1xf32>
    %select_n3A_352 = arith.select %gt3A_349, %mul3A_320, %broadcast_in_dim3A_351 : vector<200x1xi1>, vector<200x1xf32>
    %gt3A_353 = arith.constant 0.000000e+00 : f32
    %gt3A_354 = vector.broadcast %gt3A_353 : f32 to vector<200x1xf32>
    %gt3A_355 = arith.cmpf ogt, %broadcast_in_dim3A_59, %gt3A_354 : vector<200x1xf32>
    %jit3A_356 = arith.constant -1.000000e+09 : f32
    %broadcast_in_dim3A_357 = vector.broadcast %jit3A_356 : f32 to vector<200x1xf32>
    %select_n3A_358 = arith.select %gt3A_355, %mul3A_327, %broadcast_in_dim3A_357 : vector<200x1xi1>, vector<200x1xf32>
    %gt3A_359 = arith.constant 0.000000e+00 : f32
    %gt3A_360 = vector.broadcast %gt3A_359 : f32 to vector<200x1xf32>
    %gt3A_361 = arith.cmpf ogt, %broadcast_in_dim3A_61, %gt3A_360 : vector<200x1xf32>
    %jit3A_362 = arith.constant -1.000000e+09 : f32
    %broadcast_in_dim3A_363 = vector.broadcast %jit3A_362 : f32 to vector<200x1xf32>
    %select_n3A_364 = arith.select %gt3A_361, %mul3A_334, %broadcast_in_dim3A_363 : vector<200x1xi1>, vector<200x1xf32>
    %dot_general3A_365 = arith.constant dense<0.000000e+00> : vector<1x200xf32>
    %dot_general3A_366 = tpu.matmul %select_n3A_340, %select_n3A, %dot_general3A_365 {dimension_numbers = #tpu.dot_dimension_numbers<[0], [0], [1], [1], [0, 1, 1, 1], [], []>, transpose_lhs_hint = false} : vector<200x1xf32>, vector<200x200xf32>, vector<1x200xf32> -> vector<1x200xf32>
    %dot_general3A_367 = arith.constant dense<0.000000e+00> : vector<1x200xf32>
    %dot_general3A_368 = tpu.matmul %select_n3A_346, %select_n3A, %dot_general3A_367 {dimension_numbers = #tpu.dot_dimension_numbers<[0], [0], [1], [1], [0, 1, 1, 1], [], []>, transpose_lhs_hint = false} : vector<200x1xf32>, vector<200x200xf32>, vector<1x200xf32> -> vector<1x200xf32>
    %dot_general3A_369 = arith.constant dense<0.000000e+00> : vector<1x200xf32>
    %dot_general3A_370 = tpu.matmul %select_n3A_352, %select_n3A, %dot_general3A_369 {dimension_numbers = #tpu.dot_dimension_numbers<[0], [0], [1], [1], [0, 1, 1, 1], [], []>, transpose_lhs_hint = false} : vector<200x1xf32>, vector<200x200xf32>, vector<1x200xf32> -> vector<1x200xf32>
    %dot_general3A_371 = arith.constant dense<0.000000e+00> : vector<1x200xf32>
    %dot_general3A_372 = tpu.matmul %select_n3A_358, %select_n3A, %dot_general3A_371 {dimension_numbers = #tpu.dot_dimension_numbers<[0], [0], [1], [1], [0, 1, 1, 1], [], []>, transpose_lhs_hint = false} : vector<200x1xf32>, vector<200x200xf32>, vector<1x200xf32> -> vector<1x200xf32>
    %dot_general3A_373 = arith.constant dense<0.000000e+00> : vector<1x200xf32>
    %dot_general3A_374 = tpu.matmul %select_n3A_364, %select_n3A, %dot_general3A_373 {dimension_numbers = #tpu.dot_dimension_numbers<[0], [0], [1], [1], [0, 1, 1, 1], [], []>, transpose_lhs_hint = false} : vector<200x1xf32>, vector<200x200xf32>, vector<1x200xf32> -> vector<1x200xf32>
    %gt3A_375 = vector.broadcast %dot_general3A_366 : vector<1x200xf32> to vector<200x200xf32>
    %gt3A_376 = vector.broadcast %select_n3A_340 : vector<200x1xf32> to vector<200x200xf32>
    %gt3A_377 = arith.cmpf ogt, %gt3A_375, %gt3A_376 : vector<200x200xf32>
    %eq3A_378 = vector.broadcast %dot_general3A_366 : vector<1x200xf32> to vector<200x200xf32>
    %eq3A_379 = vector.broadcast %select_n3A_340 : vector<200x1xf32> to vector<200x200xf32>
    %eq3A_380 = arith.cmpf oeq, %eq3A_378, %eq3A_379 : vector<200x200xf32>
    %and3A = arith.andi %eq3A_380, %lt3A : vector<200x200xi1>
    %or3A = arith.ori %gt3A_377, %and3A : vector<200x200xi1>
    %jit3A_381 = arith.constant 1.000000e+00 : f32
    %jit3A_382 = arith.constant 0.000000e+00 : f32
    %broadcast_in_dim3A_383 = vector.broadcast %jit3A_381 : f32 to vector<200x200xf32>
    %broadcast_in_dim3A_384 = vector.broadcast %jit3A_382 : f32 to vector<200x200xf32>
    %select_n3A_385 = arith.select %or3A, %broadcast_in_dim3A_383, %broadcast_in_dim3A_384 : vector<200x200xi1>, vector<200x200xf32>
    %reduce_sum3A = arith.constant dense<0.000000e+00> : vector<200xf32>
    %reduce_sum3A_386 = vector.multi_reduction <add>, %select_n3A_385, %reduce_sum3A [1] : vector<200x200xf32> to vector<200xf32>
    %broadcast_in_dim3A_387 = vector.shape_cast %reduce_sum3A_386 : vector<200xf32> to vector<200x1xf32>
    %gt3A_388 = vector.broadcast %dot_general3A_368 : vector<1x200xf32> to vector<200x200xf32>
    %gt3A_389 = vector.broadcast %select_n3A_346 : vector<200x1xf32> to vector<200x200xf32>
    %gt3A_390 = arith.cmpf ogt, %gt3A_388, %gt3A_389 : vector<200x200xf32>
    %eq3A_391 = vector.broadcast %dot_general3A_368 : vector<1x200xf32> to vector<200x200xf32>
    %eq3A_392 = vector.broadcast %select_n3A_346 : vector<200x1xf32> to vector<200x200xf32>
    %eq3A_393 = arith.cmpf oeq, %eq3A_391, %eq3A_392 : vector<200x200xf32>
    %and3A_394 = arith.andi %eq3A_393, %lt3A : vector<200x200xi1>
    %or3A_395 = arith.ori %gt3A_390, %and3A_394 : vector<200x200xi1>
    %jit3A_396 = arith.constant 1.000000e+00 : f32
    %jit3A_397 = arith.constant 0.000000e+00 : f32
    %broadcast_in_dim3A_398 = vector.broadcast %jit3A_396 : f32 to vector<200x200xf32>
    %broadcast_in_dim3A_399 = vector.broadcast %jit3A_397 : f32 to vector<200x200xf32>
    %select_n3A_400 = arith.select %or3A_395, %broadcast_in_dim3A_398, %broadcast_in_dim3A_399 : vector<200x200xi1>, vector<200x200xf32>
    %reduce_sum3A_401 = arith.constant dense<0.000000e+00> : vector<200xf32>
    %reduce_sum3A_402 = vector.multi_reduction <add>, %select_n3A_400, %reduce_sum3A_401 [1] : vector<200x200xf32> to vector<200xf32>
    %broadcast_in_dim3A_403 = vector.shape_cast %reduce_sum3A_402 : vector<200xf32> to vector<200x1xf32>
    %gt3A_404 = vector.broadcast %dot_general3A_370 : vector<1x200xf32> to vector<200x200xf32>
    %gt3A_405 = vector.broadcast %select_n3A_352 : vector<200x1xf32> to vector<200x200xf32>
    %gt3A_406 = arith.cmpf ogt, %gt3A_404, %gt3A_405 : vector<200x200xf32>
    %eq3A_407 = vector.broadcast %dot_general3A_370 : vector<1x200xf32> to vector<200x200xf32>
    %eq3A_408 = vector.broadcast %select_n3A_352 : vector<200x1xf32> to vector<200x200xf32>
    %eq3A_409 = arith.cmpf oeq, %eq3A_407, %eq3A_408 : vector<200x200xf32>
    %and3A_410 = arith.andi %eq3A_409, %lt3A : vector<200x200xi1>
    %or3A_411 = arith.ori %gt3A_406, %and3A_410 : vector<200x200xi1>
    %jit3A_412 = arith.constant 1.000000e+00 : f32
    %jit3A_413 = arith.constant 0.000000e+00 : f32
    %broadcast_in_dim3A_414 = vector.broadcast %jit3A_412 : f32 to vector<200x200xf32>
    %broadcast_in_dim3A_415 = vector.broadcast %jit3A_413 : f32 to vector<200x200xf32>
    %select_n3A_416 = arith.select %or3A_411, %broadcast_in_dim3A_414, %broadcast_in_dim3A_415 : vector<200x200xi1>, vector<200x200xf32>
    %reduce_sum3A_417 = arith.constant dense<0.000000e+00> : vector<200xf32>
    %reduce_sum3A_418 = vector.multi_reduction <add>, %select_n3A_416, %reduce_sum3A_417 [1] : vector<200x200xf32> to vector<200xf32>
    %broadcast_in_dim3A_419 = vector.shape_cast %reduce_sum3A_418 : vector<200xf32> to vector<200x1xf32>
    %gt3A_420 = vector.broadcast %dot_general3A_372 : vector<1x200xf32> to vector<200x200xf32>
    %gt3A_421 = vector.broadcast %select_n3A_358 : vector<200x1xf32> to vector<200x200xf32>
    %gt3A_422 = arith.cmpf ogt, %gt3A_420, %gt3A_421 : vector<200x200xf32>
    %eq3A_423 = vector.broadcast %dot_general3A_372 : vector<1x200xf32> to vector<200x200xf32>
    %eq3A_424 = vector.broadcast %select_n3A_358 : vector<200x1xf32> to vector<200x200xf32>
    %eq3A_425 = arith.cmpf oeq, %eq3A_423, %eq3A_424 : vector<200x200xf32>
    %and3A_426 = arith.andi %eq3A_425, %lt3A : vector<200x200xi1>
    %or3A_427 = arith.ori %gt3A_422, %and3A_426 : vector<200x200xi1>
    %jit3A_428 = arith.constant 1.000000e+00 : f32
    %jit3A_429 = arith.constant 0.000000e+00 : f32
    %broadcast_in_dim3A_430 = vector.broadcast %jit3A_428 : f32 to vector<200x200xf32>
    %broadcast_in_dim3A_431 = vector.broadcast %jit3A_429 : f32 to vector<200x200xf32>
    %select_n3A_432 = arith.select %or3A_427, %broadcast_in_dim3A_430, %broadcast_in_dim3A_431 : vector<200x200xi1>, vector<200x200xf32>
    %reduce_sum3A_433 = arith.constant dense<0.000000e+00> : vector<200xf32>
    %reduce_sum3A_434 = vector.multi_reduction <add>, %select_n3A_432, %reduce_sum3A_433 [1] : vector<200x200xf32> to vector<200xf32>
    %broadcast_in_dim3A_435 = vector.shape_cast %reduce_sum3A_434 : vector<200xf32> to vector<200x1xf32>
    %gt3A_436 = vector.broadcast %dot_general3A_374 : vector<1x200xf32> to vector<200x200xf32>
    %gt3A_437 = vector.broadcast %select_n3A_364 : vector<200x1xf32> to vector<200x200xf32>
    %gt3A_438 = arith.cmpf ogt, %gt3A_436, %gt3A_437 : vector<200x200xf32>
    %eq3A_439 = vector.broadcast %dot_general3A_374 : vector<1x200xf32> to vector<200x200xf32>
    %eq3A_440 = vector.broadcast %select_n3A_364 : vector<200x1xf32> to vector<200x200xf32>
    %eq3A_441 = arith.cmpf oeq, %eq3A_439, %eq3A_440 : vector<200x200xf32>
    %and3A_442 = arith.andi %eq3A_441, %lt3A : vector<200x200xi1>
    %or3A_443 = arith.ori %gt3A_438, %and3A_442 : vector<200x200xi1>
    %jit3A_444 = arith.constant 1.000000e+00 : f32
    %jit3A_445 = arith.constant 0.000000e+00 : f32
    %broadcast_in_dim3A_446 = vector.broadcast %jit3A_444 : f32 to vector<200x200xf32>
    %broadcast_in_dim3A_447 = vector.broadcast %jit3A_445 : f32 to vector<200x200xf32>
    %select_n3A_448 = arith.select %or3A_443, %broadcast_in_dim3A_446, %broadcast_in_dim3A_447 : vector<200x200xi1>, vector<200x200xf32>
    %reduce_sum3A_449 = arith.constant dense<0.000000e+00> : vector<200xf32>
    %reduce_sum3A_450 = vector.multi_reduction <add>, %select_n3A_448, %reduce_sum3A_449 [1] : vector<200x200xf32> to vector<200xf32>
    %broadcast_in_dim3A_451 = vector.shape_cast %reduce_sum3A_450 : vector<200xf32> to vector<200x1xf32>
    %lt3A_452 = arith.constant 1.000000e+02 : f32
    %lt3A_453 = vector.broadcast %lt3A_452 : f32 to vector<200x1xf32>
    %lt3A_454 = arith.cmpf olt, %broadcast_in_dim3A_387, %lt3A_453 : vector<200x1xf32>
    %jit3A_455 = arith.constant 1.000000e+00 : f32
    %jit3A_456 = arith.constant 0.000000e+00 : f32
    %broadcast_in_dim3A_457 = vector.broadcast %jit3A_455 : f32 to vector<200x1xf32>
    %broadcast_in_dim3A_458 = vector.broadcast %jit3A_456 : f32 to vector<200x1xf32>
    %select_n3A_459 = arith.select %lt3A_454, %broadcast_in_dim3A_457, %broadcast_in_dim3A_458 : vector<200x1xi1>, vector<200x1xf32>
    %mul3A_460 = arith.mulf %select_n3A_459, %broadcast_in_dim3A_53 : vector<200x1xf32>
    %lt3A_461 = arith.constant 1.000000e+02 : f32
    %lt3A_462 = vector.broadcast %lt3A_461 : f32 to vector<200x1xf32>
    %lt3A_463 = arith.cmpf olt, %broadcast_in_dim3A_403, %lt3A_462 : vector<200x1xf32>
    %jit3A_464 = arith.constant 1.000000e+00 : f32
    %jit3A_465 = arith.constant 0.000000e+00 : f32
    %broadcast_in_dim3A_466 = vector.broadcast %jit3A_464 : f32 to vector<200x1xf32>
    %broadcast_in_dim3A_467 = vector.broadcast %jit3A_465 : f32 to vector<200x1xf32>
    %select_n3A_468 = arith.select %lt3A_463, %broadcast_in_dim3A_466, %broadcast_in_dim3A_467 : vector<200x1xi1>, vector<200x1xf32>
    %mul3A_469 = arith.mulf %select_n3A_468, %broadcast_in_dim3A_55 : vector<200x1xf32>
    %lt3A_470 = arith.constant 1.000000e+02 : f32
    %lt3A_471 = vector.broadcast %lt3A_470 : f32 to vector<200x1xf32>
    %lt3A_472 = arith.cmpf olt, %broadcast_in_dim3A_419, %lt3A_471 : vector<200x1xf32>
    %jit3A_473 = arith.constant 1.000000e+00 : f32
    %jit3A_474 = arith.constant 0.000000e+00 : f32
    %broadcast_in_dim3A_475 = vector.broadcast %jit3A_473 : f32 to vector<200x1xf32>
    %broadcast_in_dim3A_476 = vector.broadcast %jit3A_474 : f32 to vector<200x1xf32>
    %select_n3A_477 = arith.select %lt3A_472, %broadcast_in_dim3A_475, %broadcast_in_dim3A_476 : vector<200x1xi1>, vector<200x1xf32>
    %mul3A_478 = arith.mulf %select_n3A_477, %broadcast_in_dim3A_57 : vector<200x1xf32>
    %lt3A_479 = arith.constant 1.000000e+02 : f32
    %lt3A_480 = vector.broadcast %lt3A_479 : f32 to vector<200x1xf32>
    %lt3A_481 = arith.cmpf olt, %broadcast_in_dim3A_435, %lt3A_480 : vector<200x1xf32>
    %jit3A_482 = arith.constant 1.000000e+00 : f32
    %jit3A_483 = arith.constant 0.000000e+00 : f32
    %broadcast_in_dim3A_484 = vector.broadcast %jit3A_482 : f32 to vector<200x1xf32>
    %broadcast_in_dim3A_485 = vector.broadcast %jit3A_483 : f32 to vector<200x1xf32>
    %select_n3A_486 = arith.select %lt3A_481, %broadcast_in_dim3A_484, %broadcast_in_dim3A_485 : vector<200x1xi1>, vector<200x1xf32>
    %mul3A_487 = arith.mulf %select_n3A_486, %broadcast_in_dim3A_59 : vector<200x1xf32>
    %lt3A_488 = arith.constant 1.000000e+02 : f32
    %lt3A_489 = vector.broadcast %lt3A_488 : f32 to vector<200x1xf32>
    %lt3A_490 = arith.cmpf olt, %broadcast_in_dim3A_451, %lt3A_489 : vector<200x1xf32>
    %jit3A_491 = arith.constant 1.000000e+00 : f32
    %jit3A_492 = arith.constant 0.000000e+00 : f32
    %broadcast_in_dim3A_493 = vector.broadcast %jit3A_491 : f32 to vector<200x1xf32>
    %broadcast_in_dim3A_494 = vector.broadcast %jit3A_492 : f32 to vector<200x1xf32>
    %select_n3A_495 = arith.select %lt3A_490, %broadcast_in_dim3A_493, %broadcast_in_dim3A_494 : vector<200x1xi1>, vector<200x1xf32>
    %mul3A_496 = arith.mulf %select_n3A_495, %broadcast_in_dim3A_61 : vector<200x1xf32>
    %tanh3A = math.tanh %mul3A_306 : vector<200x1xf32>
    %mul3A_497 = vector.broadcast %tanh3A : vector<200x1xf32> to vector<200x128xf32>
    %mul3A_498 = arith.mulf %max3A_216, %mul3A_497 : vector<200x128xf32>
    %mul3A_499 = vector.broadcast %mul3A_460 : vector<200x1xf32> to vector<200x128xf32>
    %mul3A_500 = arith.mulf %mul3A_498, %mul3A_499 : vector<200x128xf32>
    %tanh3A_501 = math.tanh %mul3A_313 : vector<200x1xf32>
    %mul3A_502 = vector.broadcast %tanh3A_501 : vector<200x1xf32> to vector<200x128xf32>
    %mul3A_503 = arith.mulf %max3A_228, %mul3A_502 : vector<200x128xf32>
    %mul3A_504 = vector.broadcast %mul3A_469 : vector<200x1xf32> to vector<200x128xf32>
    %mul3A_505 = arith.mulf %mul3A_503, %mul3A_504 : vector<200x128xf32>
    %tanh3A_506 = math.tanh %mul3A_320 : vector<200x1xf32>
    %mul3A_507 = vector.broadcast %tanh3A_506 : vector<200x1xf32> to vector<200x128xf32>
    %mul3A_508 = arith.mulf %max3A_240, %mul3A_507 : vector<200x128xf32>
    %mul3A_509 = vector.broadcast %mul3A_478 : vector<200x1xf32> to vector<200x128xf32>
    %mul3A_510 = arith.mulf %mul3A_508, %mul3A_509 : vector<200x128xf32>
    %tanh3A_511 = math.tanh %mul3A_327 : vector<200x1xf32>
    %mul3A_512 = vector.broadcast %tanh3A_511 : vector<200x1xf32> to vector<200x128xf32>
    %mul3A_513 = arith.mulf %max3A_252, %mul3A_512 : vector<200x128xf32>
    %mul3A_514 = vector.broadcast %mul3A_487 : vector<200x1xf32> to vector<200x128xf32>
    %mul3A_515 = arith.mulf %mul3A_513, %mul3A_514 : vector<200x128xf32>
    %tanh3A_516 = math.tanh %mul3A_334 : vector<200x1xf32>
    %mul3A_517 = vector.broadcast %tanh3A_516 : vector<200x1xf32> to vector<200x128xf32>
    %mul3A_518 = arith.mulf %max3A_264, %mul3A_517 : vector<200x128xf32>
    %mul3A_519 = vector.broadcast %mul3A_496 : vector<200x1xf32> to vector<200x128xf32>
    %mul3A_520 = arith.mulf %mul3A_518, %mul3A_519 : vector<200x128xf32>
    %gt3A_521 = arith.constant 0.000000e+00 : f32
    %gt3A_522 = vector.broadcast %gt3A_521 : f32 to vector<200x1xf32>
    %gt3A_523 = arith.cmpf ogt, %mul3A_460, %gt3A_522 : vector<200x1xf32>
    %jit3A_524 = arith.constant -1.000000e+09 : f32
    %broadcast_in_dim3A_525 = vector.shape_cast %gt3A_523 : vector<200x1xi1> to vector<200x1xi1>
    %broadcast_in_dim3A_526 = vector.broadcast %broadcast_in_dim3A_525 : vector<200x1xi1> to vector<200x128xi1>
    %broadcast_in_dim3A_527 = vector.broadcast %jit3A_524 : f32 to vector<200x128xf32>
    %select_n3A_528 = arith.select %broadcast_in_dim3A_526, %mul3A_500, %broadcast_in_dim3A_527 : vector<200x128xi1>, vector<200x128xf32>
    %reduce_max3A = arith.constant dense<0xFF800000> : vector<128xf32>
    %reduce_max3A_529 = vector.multi_reduction <maximumf>, %select_n3A_528, %reduce_max3A [0] : vector<200x128xf32> to vector<128xf32>
    %broadcast_in_dim3A_530 = vector.shape_cast %reduce_max3A_529 : vector<128xf32> to vector<1x128xf32>
    %gt3A_531 = arith.constant 0.000000e+00 : f32
    %gt3A_532 = vector.broadcast %gt3A_531 : f32 to vector<200x1xf32>
    %gt3A_533 = arith.cmpf ogt, %mul3A_469, %gt3A_532 : vector<200x1xf32>
    %jit3A_534 = arith.constant -1.000000e+09 : f32
    %broadcast_in_dim3A_535 = vector.shape_cast %gt3A_533 : vector<200x1xi1> to vector<200x1xi1>
    %broadcast_in_dim3A_536 = vector.broadcast %broadcast_in_dim3A_535 : vector<200x1xi1> to vector<200x128xi1>
    %broadcast_in_dim3A_537 = vector.broadcast %jit3A_534 : f32 to vector<200x128xf32>
    %select_n3A_538 = arith.select %broadcast_in_dim3A_536, %mul3A_505, %broadcast_in_dim3A_537 : vector<200x128xi1>, vector<200x128xf32>
    %reduce_max3A_539 = arith.constant dense<0xFF800000> : vector<128xf32>
    %reduce_max3A_540 = vector.multi_reduction <maximumf>, %select_n3A_538, %reduce_max3A_539 [0] : vector<200x128xf32> to vector<128xf32>
    %broadcast_in_dim3A_541 = vector.shape_cast %reduce_max3A_540 : vector<128xf32> to vector<1x128xf32>
    %gt3A_542 = arith.constant 0.000000e+00 : f32
    %gt3A_543 = vector.broadcast %gt3A_542 : f32 to vector<200x1xf32>
    %gt3A_544 = arith.cmpf ogt, %mul3A_478, %gt3A_543 : vector<200x1xf32>
    %jit3A_545 = arith.constant -1.000000e+09 : f32
    %broadcast_in_dim3A_546 = vector.shape_cast %gt3A_544 : vector<200x1xi1> to vector<200x1xi1>
    %broadcast_in_dim3A_547 = vector.broadcast %broadcast_in_dim3A_546 : vector<200x1xi1> to vector<200x128xi1>
    %broadcast_in_dim3A_548 = vector.broadcast %jit3A_545 : f32 to vector<200x128xf32>
    %select_n3A_549 = arith.select %broadcast_in_dim3A_547, %mul3A_510, %broadcast_in_dim3A_548 : vector<200x128xi1>, vector<200x128xf32>
    %reduce_max3A_550 = arith.constant dense<0xFF800000> : vector<128xf32>
    %reduce_max3A_551 = vector.multi_reduction <maximumf>, %select_n3A_549, %reduce_max3A_550 [0] : vector<200x128xf32> to vector<128xf32>
    %broadcast_in_dim3A_552 = vector.shape_cast %reduce_max3A_551 : vector<128xf32> to vector<1x128xf32>
    %gt3A_553 = arith.constant 0.000000e+00 : f32
    %gt3A_554 = vector.broadcast %gt3A_553 : f32 to vector<200x1xf32>
    %gt3A_555 = arith.cmpf ogt, %mul3A_487, %gt3A_554 : vector<200x1xf32>
    %jit3A_556 = arith.constant -1.000000e+09 : f32
    %broadcast_in_dim3A_557 = vector.shape_cast %gt3A_555 : vector<200x1xi1> to vector<200x1xi1>
    %broadcast_in_dim3A_558 = vector.broadcast %broadcast_in_dim3A_557 : vector<200x1xi1> to vector<200x128xi1>
    %broadcast_in_dim3A_559 = vector.broadcast %jit3A_556 : f32 to vector<200x128xf32>
    %select_n3A_560 = arith.select %broadcast_in_dim3A_558, %mul3A_515, %broadcast_in_dim3A_559 : vector<200x128xi1>, vector<200x128xf32>
    %reduce_max3A_561 = arith.constant dense<0xFF800000> : vector<128xf32>
    %reduce_max3A_562 = vector.multi_reduction <maximumf>, %select_n3A_560, %reduce_max3A_561 [0] : vector<200x128xf32> to vector<128xf32>
    %broadcast_in_dim3A_563 = vector.shape_cast %reduce_max3A_562 : vector<128xf32> to vector<1x128xf32>
    %gt3A_564 = arith.constant 0.000000e+00 : f32
    %gt3A_565 = vector.broadcast %gt3A_564 : f32 to vector<200x1xf32>
    %gt3A_566 = arith.cmpf ogt, %mul3A_496, %gt3A_565 : vector<200x1xf32>
    %jit3A_567 = arith.constant -1.000000e+09 : f32
    %broadcast_in_dim3A_568 = vector.shape_cast %gt3A_566 : vector<200x1xi1> to vector<200x1xi1>
    %broadcast_in_dim3A_569 = vector.broadcast %broadcast_in_dim3A_568 : vector<200x1xi1> to vector<200x128xi1>
    %broadcast_in_dim3A_570 = vector.broadcast %jit3A_567 : f32 to vector<200x128xf32>
    %select_n3A_571 = arith.select %broadcast_in_dim3A_569, %mul3A_520, %broadcast_in_dim3A_570 : vector<200x128xi1>, vector<200x128xf32>
    %reduce_max3A_572 = arith.constant dense<0xFF800000> : vector<128xf32>
    %reduce_max3A_573 = vector.multi_reduction <maximumf>, %select_n3A_571, %reduce_max3A_572 [0] : vector<200x128xf32> to vector<128xf32>
    %broadcast_in_dim3A_574 = vector.shape_cast %reduce_max3A_573 : vector<128xf32> to vector<1x128xf32>
    %reduce_sum3A_575 = vector.shape_cast %mul3A_460 : vector<200x1xf32> to vector<1x200x1xf32>
    %reduce_sum3A_576 = arith.constant dense<0.000000e+00> : vector<1xf32>
    %reduce_sum3A_577 = vector.multi_reduction <add>, %reduce_sum3A_575, %reduce_sum3A_576 [1, 2] : vector<1x200x1xf32> to vector<1xf32>
    %reduce_sum3A_578 = vector.shape_cast %reduce_sum3A_577 : vector<1xf32> to vector<1x1x1xf32>
    %reduce_sum3A_579 = vector.extract %reduce_sum3A_578[0, 0, 0] : f32 from vector<1x1x1xf32>
    %max3A_580 = arith.constant 1.000000e+00 : f32
    %max3A_581 = arith.maximumf %reduce_sum3A_579, %max3A_580 : f32
    %reduce_sum3A_582 = vector.shape_cast %mul3A_469 : vector<200x1xf32> to vector<1x200x1xf32>
    %reduce_sum3A_583 = arith.constant dense<0.000000e+00> : vector<1xf32>
    %reduce_sum3A_584 = vector.multi_reduction <add>, %reduce_sum3A_582, %reduce_sum3A_583 [1, 2] : vector<1x200x1xf32> to vector<1xf32>
    %reduce_sum3A_585 = vector.shape_cast %reduce_sum3A_584 : vector<1xf32> to vector<1x1x1xf32>
    %reduce_sum3A_586 = vector.extract %reduce_sum3A_585[0, 0, 0] : f32 from vector<1x1x1xf32>
    %max3A_587 = arith.constant 1.000000e+00 : f32
    %max3A_588 = arith.maximumf %reduce_sum3A_586, %max3A_587 : f32
    %reduce_sum3A_589 = vector.shape_cast %mul3A_478 : vector<200x1xf32> to vector<1x200x1xf32>
    %reduce_sum3A_590 = arith.constant dense<0.000000e+00> : vector<1xf32>
    %reduce_sum3A_591 = vector.multi_reduction <add>, %reduce_sum3A_589, %reduce_sum3A_590 [1, 2] : vector<1x200x1xf32> to vector<1xf32>
    %reduce_sum3A_592 = vector.shape_cast %reduce_sum3A_591 : vector<1xf32> to vector<1x1x1xf32>
    %reduce_sum3A_593 = vector.extract %reduce_sum3A_592[0, 0, 0] : f32 from vector<1x1x1xf32>
    %max3A_594 = arith.constant 1.000000e+00 : f32
    %max3A_595 = arith.maximumf %reduce_sum3A_593, %max3A_594 : f32
    %reduce_sum3A_596 = vector.shape_cast %mul3A_487 : vector<200x1xf32> to vector<1x200x1xf32>
    %reduce_sum3A_597 = arith.constant dense<0.000000e+00> : vector<1xf32>
    %reduce_sum3A_598 = vector.multi_reduction <add>, %reduce_sum3A_596, %reduce_sum3A_597 [1, 2] : vector<1x200x1xf32> to vector<1xf32>
    %reduce_sum3A_599 = vector.shape_cast %reduce_sum3A_598 : vector<1xf32> to vector<1x1x1xf32>
    %reduce_sum3A_600 = vector.extract %reduce_sum3A_599[0, 0, 0] : f32 from vector<1x1x1xf32>
    %max3A_601 = arith.constant 1.000000e+00 : f32
    %max3A_602 = arith.maximumf %reduce_sum3A_600, %max3A_601 : f32
    %reduce_sum3A_603 = vector.shape_cast %mul3A_496 : vector<200x1xf32> to vector<1x200x1xf32>
    %reduce_sum3A_604 = arith.constant dense<0.000000e+00> : vector<1xf32>
    %reduce_sum3A_605 = vector.multi_reduction <add>, %reduce_sum3A_603, %reduce_sum3A_604 [1, 2] : vector<1x200x1xf32> to vector<1xf32>
    %reduce_sum3A_606 = vector.shape_cast %reduce_sum3A_605 : vector<1xf32> to vector<1x1x1xf32>
    %reduce_sum3A_607 = vector.extract %reduce_sum3A_606[0, 0, 0] : f32 from vector<1x1x1xf32>
    %max3A_608 = arith.constant 1.000000e+00 : f32
    %max3A_609 = arith.maximumf %reduce_sum3A_607, %max3A_608 : f32
    %reduce_sum3A_610 = arith.constant dense<0.000000e+00> : vector<128xf32>
    %reduce_sum3A_611 = vector.multi_reduction <add>, %mul3A_500, %reduce_sum3A_610 [0] : vector<200x128xf32> to vector<128xf32>
    %broadcast_in_dim3A_612 = vector.shape_cast %reduce_sum3A_611 : vector<128xf32> to vector<1x128xf32>
    %div3A_613 = vector.broadcast %max3A_581 : f32 to vector<1x128xf32>
    %div3A_614 = arith.divf %broadcast_in_dim3A_612, %div3A_613 : vector<1x128xf32>
    %reduce_sum3A_615 = arith.constant dense<0.000000e+00> : vector<128xf32>
    %reduce_sum3A_616 = vector.multi_reduction <add>, %mul3A_505, %reduce_sum3A_615 [0] : vector<200x128xf32> to vector<128xf32>
    %broadcast_in_dim3A_617 = vector.shape_cast %reduce_sum3A_616 : vector<128xf32> to vector<1x128xf32>
    %div3A_618 = vector.broadcast %max3A_588 : f32 to vector<1x128xf32>
    %div3A_619 = arith.divf %broadcast_in_dim3A_617, %div3A_618 : vector<1x128xf32>
    %reduce_sum3A_620 = arith.constant dense<0.000000e+00> : vector<128xf32>
    %reduce_sum3A_621 = vector.multi_reduction <add>, %mul3A_510, %reduce_sum3A_620 [0] : vector<200x128xf32> to vector<128xf32>
    %broadcast_in_dim3A_622 = vector.shape_cast %reduce_sum3A_621 : vector<128xf32> to vector<1x128xf32>
    %div3A_623 = vector.broadcast %max3A_595 : f32 to vector<1x128xf32>
    %div3A_624 = arith.divf %broadcast_in_dim3A_622, %div3A_623 : vector<1x128xf32>
    %reduce_sum3A_625 = arith.constant dense<0.000000e+00> : vector<128xf32>
    %reduce_sum3A_626 = vector.multi_reduction <add>, %mul3A_515, %reduce_sum3A_625 [0] : vector<200x128xf32> to vector<128xf32>
    %broadcast_in_dim3A_627 = vector.shape_cast %reduce_sum3A_626 : vector<128xf32> to vector<1x128xf32>
    %div3A_628 = vector.broadcast %max3A_602 : f32 to vector<1x128xf32>
    %div3A_629 = arith.divf %broadcast_in_dim3A_627, %div3A_628 : vector<1x128xf32>
    %reduce_sum3A_630 = arith.constant dense<0.000000e+00> : vector<128xf32>
    %reduce_sum3A_631 = vector.multi_reduction <add>, %mul3A_520, %reduce_sum3A_630 [0] : vector<200x128xf32> to vector<128xf32>
    %broadcast_in_dim3A_632 = vector.shape_cast %reduce_sum3A_631 : vector<128xf32> to vector<1x128xf32>
    %div3A_633 = vector.broadcast %max3A_609 : f32 to vector<1x128xf32>
    %div3A_634 = arith.divf %broadcast_in_dim3A_632, %div3A_633 : vector<1x128xf32>
    %concatenate3A_635 = tpu.concatenate %broadcast_in_dim3A_530, %div3A_614 in 1 : vector<1x128xf32>, vector<1x128xf32> -> vector<1x256xf32>
    %concatenate3A_636 = tpu.concatenate %broadcast_in_dim3A_541, %div3A_619 in 1 : vector<1x128xf32>, vector<1x128xf32> -> vector<1x256xf32>
    %concatenate3A_637 = tpu.concatenate %broadcast_in_dim3A_552, %div3A_624 in 1 : vector<1x128xf32>, vector<1x128xf32> -> vector<1x256xf32>
    %concatenate3A_638 = tpu.concatenate %broadcast_in_dim3A_563, %div3A_629 in 1 : vector<1x128xf32>, vector<1x128xf32> -> vector<1x256xf32>
    %concatenate3A_639 = tpu.concatenate %broadcast_in_dim3A_574, %div3A_634 in 1 : vector<1x128xf32>, vector<1x128xf32> -> vector<1x256xf32>
    %get3A_640 = arith.constant 0 : index
    %get3A_641 = arith.constant 0 : index
    %get3A_642 = vector.load %arg7[%get3A_640, %get3A_641] : memref<128x128xf32, #tpu.memory_space<vmem>>, vector<128x128xf32>
    %get3A_643 = arith.constant 0 : index
    %get3A_644 = arith.constant 0 : index
    %get3A_645 = vector.load %arg8[%get3A_643, %get3A_644] : memref<1x128xf32, #tpu.memory_space<vmem>>, vector<1x128xf32>
    %get3A_646 = arith.constant 0 : index
    %get3A_647 = arith.constant 0 : index
    %get3A_648 = vector.load %arg9[%get3A_646, %get3A_647] : memref<128x1xf32, #tpu.memory_space<vmem>>, vector<128x1xf32>
    %get3A_649 = arith.constant 0 : index
    %get3A_650 = arith.constant 0 : index
    %get3A_651 = vector.load %arg10[%get3A_649, %get3A_650] : memref<1x1xf32, #tpu.memory_space<vmem>>, vector<1x1xf32>
    %broadcast_in_dim3A_652 = arith.constant 0.000000e+00 : f32
    %broadcast_in_dim3A_653 = vector.broadcast %broadcast_in_dim3A_652 : f32 to vector<56x1xf32>
    %concatenate3A_654 = tpu.concatenate %mul3A_460, %broadcast_in_dim3A_653 in 0 : vector<200x1xf32>, vector<56x1xf32> -> vector<256x1xf32>
    %concatenate3A_655 = tpu.concatenate %mul3A_469, %broadcast_in_dim3A_653 in 0 : vector<200x1xf32>, vector<56x1xf32> -> vector<256x1xf32>
    %concatenate3A_656 = tpu.concatenate %mul3A_478, %broadcast_in_dim3A_653 in 0 : vector<200x1xf32>, vector<56x1xf32> -> vector<256x1xf32>
    %concatenate3A_657 = tpu.concatenate %mul3A_487, %broadcast_in_dim3A_653 in 0 : vector<200x1xf32>, vector<56x1xf32> -> vector<256x1xf32>
    %concatenate3A_658 = tpu.concatenate %mul3A_496, %broadcast_in_dim3A_653 in 0 : vector<200x1xf32>, vector<56x1xf32> -> vector<256x1xf32>
    %dot_general3A_659 = arith.constant dense<0.000000e+00> : vector<200x1xf32>
    %dot_general3A_660 = tpu.matmul %get3A_6, %concatenate3A_654, %dot_general3A_659 {dimension_numbers = #tpu.dot_dimension_numbers<[1], [0], [0], [1], [0, 0, 1, 1], [], []>, transpose_lhs_hint = false} : vector<200x256xf32>, vector<256x1xf32>, vector<200x1xf32> -> vector<200x1xf32>
    %dot_general3A_661 = arith.constant dense<0.000000e+00> : vector<200x1xf32>
    %dot_general3A_662 = tpu.matmul %get3A_11, %concatenate3A_655, %dot_general3A_661 {dimension_numbers = #tpu.dot_dimension_numbers<[1], [0], [0], [1], [0, 0, 1, 1], [], []>, transpose_lhs_hint = false} : vector<200x256xf32>, vector<256x1xf32>, vector<200x1xf32> -> vector<200x1xf32>
    %dot_general3A_663 = arith.constant dense<0.000000e+00> : vector<200x1xf32>
    %dot_general3A_664 = tpu.matmul %get3A_16, %concatenate3A_656, %dot_general3A_663 {dimension_numbers = #tpu.dot_dimension_numbers<[1], [0], [0], [1], [0, 0, 1, 1], [], []>, transpose_lhs_hint = false} : vector<200x256xf32>, vector<256x1xf32>, vector<200x1xf32> -> vector<200x1xf32>
    %dot_general3A_665 = arith.constant dense<0.000000e+00> : vector<200x1xf32>
    %dot_general3A_666 = tpu.matmul %get3A_21, %concatenate3A_657, %dot_general3A_665 {dimension_numbers = #tpu.dot_dimension_numbers<[1], [0], [0], [1], [0, 0, 1, 1], [], []>, transpose_lhs_hint = false} : vector<200x256xf32>, vector<256x1xf32>, vector<200x1xf32> -> vector<200x1xf32>
    %dot_general3A_667 = arith.constant dense<0.000000e+00> : vector<200x1xf32>
    %dot_general3A_668 = tpu.matmul %get3A_26, %concatenate3A_658, %dot_general3A_667 {dimension_numbers = #tpu.dot_dimension_numbers<[1], [0], [0], [1], [0, 0, 1, 1], [], []>, transpose_lhs_hint = false} : vector<200x256xf32>, vector<256x1xf32>, vector<200x1xf32> -> vector<200x1xf32>
    %mul3A_669 = arith.mulf %dot_general3A_660, %mul3A_460 : vector<200x1xf32>
    %add3A_670 = arith.addf %mul3A_669, %mul3A_460 : vector<200x1xf32>
    %mul3A_671 = arith.mulf %dot_general3A_662, %mul3A_469 : vector<200x1xf32>
    %add3A_672 = arith.addf %mul3A_671, %mul3A_469 : vector<200x1xf32>
    %mul3A_673 = arith.mulf %dot_general3A_664, %mul3A_478 : vector<200x1xf32>
    %add3A_674 = arith.addf %mul3A_673, %mul3A_478 : vector<200x1xf32>
    %mul3A_675 = arith.mulf %dot_general3A_666, %mul3A_487 : vector<200x1xf32>
    %add3A_676 = arith.addf %mul3A_675, %mul3A_487 : vector<200x1xf32>
    %mul3A_677 = arith.mulf %dot_general3A_668, %mul3A_496 : vector<200x1xf32>
    %add3A_678 = arith.addf %mul3A_677, %mul3A_496 : vector<200x1xf32>
    %gt3A_679 = arith.constant 0.000000e+00 : f32
    %gt3A_680 = vector.broadcast %gt3A_679 : f32 to vector<200x1xf32>
    %gt3A_681 = arith.cmpf ogt, %add3A_670, %gt3A_680 : vector<200x1xf32>
    %max3A_682 = arith.constant 9.99999996E-13 : f32
    %max3A_683 = vector.broadcast %max3A_682 : f32 to vector<200x1xf32>
    %max3A_684 = arith.maximumf %add3A_670, %max3A_683 : vector<200x1xf32>
    %sqrt3A_685 = math.sqrt %max3A_684 : vector<200x1xf32>
    %div3A_686 = arith.constant 1.000000e+00 : f32
    %div3A_687 = vector.broadcast %div3A_686 : f32 to vector<200x1xf32>
    %div3A_688 = arith.divf %div3A_687, %sqrt3A_685 : vector<200x1xf32>
    %jit3A_689 = arith.constant 0.000000e+00 : f32
    %broadcast_in_dim3A_690 = vector.broadcast %jit3A_689 : f32 to vector<200x1xf32>
    %select_n3A_691 = arith.select %gt3A_681, %div3A_688, %broadcast_in_dim3A_690 : vector<200x1xi1>, vector<200x1xf32>
    %gt3A_692 = arith.constant 0.000000e+00 : f32
    %gt3A_693 = vector.broadcast %gt3A_692 : f32 to vector<200x1xf32>
    %gt3A_694 = arith.cmpf ogt, %add3A_672, %gt3A_693 : vector<200x1xf32>
    %max3A_695 = arith.constant 9.99999996E-13 : f32
    %max3A_696 = vector.broadcast %max3A_695 : f32 to vector<200x1xf32>
    %max3A_697 = arith.maximumf %add3A_672, %max3A_696 : vector<200x1xf32>
    %sqrt3A_698 = math.sqrt %max3A_697 : vector<200x1xf32>
    %div3A_699 = arith.constant 1.000000e+00 : f32
    %div3A_700 = vector.broadcast %div3A_699 : f32 to vector<200x1xf32>
    %div3A_701 = arith.divf %div3A_700, %sqrt3A_698 : vector<200x1xf32>
    %jit3A_702 = arith.constant 0.000000e+00 : f32
    %broadcast_in_dim3A_703 = vector.broadcast %jit3A_702 : f32 to vector<200x1xf32>
    %select_n3A_704 = arith.select %gt3A_694, %div3A_701, %broadcast_in_dim3A_703 : vector<200x1xi1>, vector<200x1xf32>
    %gt3A_705 = arith.constant 0.000000e+00 : f32
    %gt3A_706 = vector.broadcast %gt3A_705 : f32 to vector<200x1xf32>
    %gt3A_707 = arith.cmpf ogt, %add3A_674, %gt3A_706 : vector<200x1xf32>
    %max3A_708 = arith.constant 9.99999996E-13 : f32
    %max3A_709 = vector.broadcast %max3A_708 : f32 to vector<200x1xf32>
    %max3A_710 = arith.maximumf %add3A_674, %max3A_709 : vector<200x1xf32>
    %sqrt3A_711 = math.sqrt %max3A_710 : vector<200x1xf32>
    %div3A_712 = arith.constant 1.000000e+00 : f32
    %div3A_713 = vector.broadcast %div3A_712 : f32 to vector<200x1xf32>
    %div3A_714 = arith.divf %div3A_713, %sqrt3A_711 : vector<200x1xf32>
    %jit3A_715 = arith.constant 0.000000e+00 : f32
    %broadcast_in_dim3A_716 = vector.broadcast %jit3A_715 : f32 to vector<200x1xf32>
    %select_n3A_717 = arith.select %gt3A_707, %div3A_714, %broadcast_in_dim3A_716 : vector<200x1xi1>, vector<200x1xf32>
    %gt3A_718 = arith.constant 0.000000e+00 : f32
    %gt3A_719 = vector.broadcast %gt3A_718 : f32 to vector<200x1xf32>
    %gt3A_720 = arith.cmpf ogt, %add3A_676, %gt3A_719 : vector<200x1xf32>
    %max3A_721 = arith.constant 9.99999996E-13 : f32
    %max3A_722 = vector.broadcast %max3A_721 : f32 to vector<200x1xf32>
    %max3A_723 = arith.maximumf %add3A_676, %max3A_722 : vector<200x1xf32>
    %sqrt3A_724 = math.sqrt %max3A_723 : vector<200x1xf32>
    %div3A_725 = arith.constant 1.000000e+00 : f32
    %div3A_726 = vector.broadcast %div3A_725 : f32 to vector<200x1xf32>
    %div3A_727 = arith.divf %div3A_726, %sqrt3A_724 : vector<200x1xf32>
    %jit3A_728 = arith.constant 0.000000e+00 : f32
    %broadcast_in_dim3A_729 = vector.broadcast %jit3A_728 : f32 to vector<200x1xf32>
    %select_n3A_730 = arith.select %gt3A_720, %div3A_727, %broadcast_in_dim3A_729 : vector<200x1xi1>, vector<200x1xf32>
    %gt3A_731 = arith.constant 0.000000e+00 : f32
    %gt3A_732 = vector.broadcast %gt3A_731 : f32 to vector<200x1xf32>
    %gt3A_733 = arith.cmpf ogt, %add3A_678, %gt3A_732 : vector<200x1xf32>
    %max3A_734 = arith.constant 9.99999996E-13 : f32
    %max3A_735 = vector.broadcast %max3A_734 : f32 to vector<200x1xf32>
    %max3A_736 = arith.maximumf %add3A_678, %max3A_735 : vector<200x1xf32>
    %sqrt3A_737 = math.sqrt %max3A_736 : vector<200x1xf32>
    %div3A_738 = arith.constant 1.000000e+00 : f32
    %div3A_739 = vector.broadcast %div3A_738 : f32 to vector<200x1xf32>
    %div3A_740 = arith.divf %div3A_739, %sqrt3A_737 : vector<200x1xf32>
    %jit3A_741 = arith.constant 0.000000e+00 : f32
    %broadcast_in_dim3A_742 = vector.broadcast %jit3A_741 : f32 to vector<200x1xf32>
    %select_n3A_743 = arith.select %gt3A_733, %div3A_740, %broadcast_in_dim3A_742 : vector<200x1xi1>, vector<200x1xf32>
    %dot_general3A_744 = arith.constant dense<0.000000e+00> : vector<200x128xf32>
    %dot_general3A_745 = tpu.matmul %mul3A_500, %get3A_642, %dot_general3A_744 {dimension_numbers = #tpu.dot_dimension_numbers<[1], [0], [0], [1], [0, 0, 1, 1], [], []>, transpose_lhs_hint = false} : vector<200x128xf32>, vector<128x128xf32>, vector<200x128xf32> -> vector<200x128xf32>
    %dot_general3A_746 = arith.constant dense<0.000000e+00> : vector<200x128xf32>
    %dot_general3A_747 = tpu.matmul %mul3A_505, %get3A_642, %dot_general3A_746 {dimension_numbers = #tpu.dot_dimension_numbers<[1], [0], [0], [1], [0, 0, 1, 1], [], []>, transpose_lhs_hint = false} : vector<200x128xf32>, vector<128x128xf32>, vector<200x128xf32> -> vector<200x128xf32>
    %dot_general3A_748 = arith.constant dense<0.000000e+00> : vector<200x128xf32>
    %dot_general3A_749 = tpu.matmul %mul3A_510, %get3A_642, %dot_general3A_748 {dimension_numbers = #tpu.dot_dimension_numbers<[1], [0], [0], [1], [0, 0, 1, 1], [], []>, transpose_lhs_hint = false} : vector<200x128xf32>, vector<128x128xf32>, vector<200x128xf32> -> vector<200x128xf32>
    %dot_general3A_750 = arith.constant dense<0.000000e+00> : vector<200x128xf32>
    %dot_general3A_751 = tpu.matmul %mul3A_515, %get3A_642, %dot_general3A_750 {dimension_numbers = #tpu.dot_dimension_numbers<[1], [0], [0], [1], [0, 0, 1, 1], [], []>, transpose_lhs_hint = false} : vector<200x128xf32>, vector<128x128xf32>, vector<200x128xf32> -> vector<200x128xf32>
    %dot_general3A_752 = arith.constant dense<0.000000e+00> : vector<200x128xf32>
    %dot_general3A_753 = tpu.matmul %mul3A_520, %get3A_642, %dot_general3A_752 {dimension_numbers = #tpu.dot_dimension_numbers<[1], [0], [0], [1], [0, 0, 1, 1], [], []>, transpose_lhs_hint = false} : vector<200x128xf32>, vector<128x128xf32>, vector<200x128xf32> -> vector<200x128xf32>
    %broadcast_in_dim3A_754 = arith.constant 0.000000e+00 : f32
    %broadcast_in_dim3A_755 = vector.broadcast %broadcast_in_dim3A_754 : f32 to vector<56x128xf32>
    %mul3A_756 = vector.broadcast %select_n3A_691 : vector<200x1xf32> to vector<200x128xf32>
    %mul3A_757 = arith.mulf %mul3A_756, %dot_general3A_745 : vector<200x128xf32>
    %concatenate3A_758 = tpu.concatenate %mul3A_757, %broadcast_in_dim3A_755 in 0 : vector<200x128xf32>, vector<56x128xf32> -> vector<256x128xf32>
    %mul3A_759 = vector.broadcast %select_n3A_704 : vector<200x1xf32> to vector<200x128xf32>
    %mul3A_760 = arith.mulf %mul3A_759, %dot_general3A_747 : vector<200x128xf32>
    %concatenate3A_761 = tpu.concatenate %mul3A_760, %broadcast_in_dim3A_755 in 0 : vector<200x128xf32>, vector<56x128xf32> -> vector<256x128xf32>
    %mul3A_762 = vector.broadcast %select_n3A_717 : vector<200x1xf32> to vector<200x128xf32>
    %mul3A_763 = arith.mulf %mul3A_762, %dot_general3A_749 : vector<200x128xf32>
    %concatenate3A_764 = tpu.concatenate %mul3A_763, %broadcast_in_dim3A_755 in 0 : vector<200x128xf32>, vector<56x128xf32> -> vector<256x128xf32>
    %mul3A_765 = vector.broadcast %select_n3A_730 : vector<200x1xf32> to vector<200x128xf32>
    %mul3A_766 = arith.mulf %mul3A_765, %dot_general3A_751 : vector<200x128xf32>
    %concatenate3A_767 = tpu.concatenate %mul3A_766, %broadcast_in_dim3A_755 in 0 : vector<200x128xf32>, vector<56x128xf32> -> vector<256x128xf32>
    %mul3A_768 = vector.broadcast %select_n3A_743 : vector<200x1xf32> to vector<200x128xf32>
    %mul3A_769 = arith.mulf %mul3A_768, %dot_general3A_753 : vector<200x128xf32>
    %concatenate3A_770 = tpu.concatenate %mul3A_769, %broadcast_in_dim3A_755 in 0 : vector<200x128xf32>, vector<56x128xf32> -> vector<256x128xf32>
    %dot_general3A_771 = arith.constant dense<0.000000e+00> : vector<200x128xf32>
    %dot_general3A_772 = tpu.matmul %get3A_6, %concatenate3A_758, %dot_general3A_771 {dimension_numbers = #tpu.dot_dimension_numbers<[1], [0], [0], [1], [0, 0, 1, 1], [], []>, transpose_lhs_hint = false} : vector<200x256xf32>, vector<256x128xf32>, vector<200x128xf32> -> vector<200x128xf32>
    %mul3A_773 = vector.broadcast %select_n3A_691 : vector<200x1xf32> to vector<200x128xf32>
    %mul3A_774 = arith.mulf %dot_general3A_772, %mul3A_773 : vector<200x128xf32>
    %dot_general3A_775 = arith.constant dense<0.000000e+00> : vector<200x128xf32>
    %dot_general3A_776 = tpu.matmul %get3A_11, %concatenate3A_761, %dot_general3A_775 {dimension_numbers = #tpu.dot_dimension_numbers<[1], [0], [0], [1], [0, 0, 1, 1], [], []>, transpose_lhs_hint = false} : vector<200x256xf32>, vector<256x128xf32>, vector<200x128xf32> -> vector<200x128xf32>
    %mul3A_777 = vector.broadcast %select_n3A_704 : vector<200x1xf32> to vector<200x128xf32>
    %mul3A_778 = arith.mulf %dot_general3A_776, %mul3A_777 : vector<200x128xf32>
    %dot_general3A_779 = arith.constant dense<0.000000e+00> : vector<200x128xf32>
    %dot_general3A_780 = tpu.matmul %get3A_16, %concatenate3A_764, %dot_general3A_779 {dimension_numbers = #tpu.dot_dimension_numbers<[1], [0], [0], [1], [0, 0, 1, 1], [], []>, transpose_lhs_hint = false} : vector<200x256xf32>, vector<256x128xf32>, vector<200x128xf32> -> vector<200x128xf32>
    %mul3A_781 = vector.broadcast %select_n3A_717 : vector<200x1xf32> to vector<200x128xf32>
    %mul3A_782 = arith.mulf %dot_general3A_780, %mul3A_781 : vector<200x128xf32>
    %dot_general3A_783 = arith.constant dense<0.000000e+00> : vector<200x128xf32>
    %dot_general3A_784 = tpu.matmul %get3A_21, %concatenate3A_767, %dot_general3A_783 {dimension_numbers = #tpu.dot_dimension_numbers<[1], [0], [0], [1], [0, 0, 1, 1], [], []>, transpose_lhs_hint = false} : vector<200x256xf32>, vector<256x128xf32>, vector<200x128xf32> -> vector<200x128xf32>
    %mul3A_785 = vector.broadcast %select_n3A_730 : vector<200x1xf32> to vector<200x128xf32>
    %mul3A_786 = arith.mulf %dot_general3A_784, %mul3A_785 : vector<200x128xf32>
    %dot_general3A_787 = arith.constant dense<0.000000e+00> : vector<200x128xf32>
    %dot_general3A_788 = tpu.matmul %get3A_26, %concatenate3A_770, %dot_general3A_787 {dimension_numbers = #tpu.dot_dimension_numbers<[1], [0], [0], [1], [0, 0, 1, 1], [], []>, transpose_lhs_hint = false} : vector<200x256xf32>, vector<256x128xf32>, vector<200x128xf32> -> vector<200x128xf32>
    %mul3A_789 = vector.broadcast %select_n3A_743 : vector<200x1xf32> to vector<200x128xf32>
    %mul3A_790 = arith.mulf %dot_general3A_788, %mul3A_789 : vector<200x128xf32>
    %mul3A_791 = arith.mulf %select_n3A_691, %select_n3A_691 : vector<200x1xf32>
    %mul3A_792 = arith.mulf %mul3A_791, %mul3A_460 : vector<200x1xf32>
    %mul3A_793 = vector.broadcast %mul3A_792 : vector<200x1xf32> to vector<200x128xf32>
    %mul3A_794 = arith.mulf %mul3A_793, %dot_general3A_745 : vector<200x128xf32>
    %add3A_795 = arith.addf %mul3A_774, %mul3A_794 : vector<200x128xf32>
    %add3A_796 = vector.broadcast %get3A_645 : vector<1x128xf32> to vector<200x128xf32>
    %add3A_797 = arith.addf %add3A_795, %add3A_796 : vector<200x128xf32>
    %mul3A_798 = vector.broadcast %mul3A_460 : vector<200x1xf32> to vector<200x128xf32>
    %mul3A_799 = arith.mulf %add3A_797, %mul3A_798 : vector<200x128xf32>
    %max3A_800 = arith.constant 0.000000e+00 : f32
    %max3A_801 = vector.broadcast %max3A_800 : f32 to vector<200x128xf32>
    %max3A_802 = arith.maximumf %mul3A_799, %max3A_801 : vector<200x128xf32>
    %mul3A_803 = arith.mulf %select_n3A_704, %select_n3A_704 : vector<200x1xf32>
    %mul3A_804 = arith.mulf %mul3A_803, %mul3A_469 : vector<200x1xf32>
    %mul3A_805 = vector.broadcast %mul3A_804 : vector<200x1xf32> to vector<200x128xf32>
    %mul3A_806 = arith.mulf %mul3A_805, %dot_general3A_747 : vector<200x128xf32>
    %add3A_807 = arith.addf %mul3A_778, %mul3A_806 : vector<200x128xf32>
    %add3A_808 = vector.broadcast %get3A_645 : vector<1x128xf32> to vector<200x128xf32>
    %add3A_809 = arith.addf %add3A_807, %add3A_808 : vector<200x128xf32>
    %mul3A_810 = vector.broadcast %mul3A_469 : vector<200x1xf32> to vector<200x128xf32>
    %mul3A_811 = arith.mulf %add3A_809, %mul3A_810 : vector<200x128xf32>
    %max3A_812 = arith.constant 0.000000e+00 : f32
    %max3A_813 = vector.broadcast %max3A_812 : f32 to vector<200x128xf32>
    %max3A_814 = arith.maximumf %mul3A_811, %max3A_813 : vector<200x128xf32>
    %mul3A_815 = arith.mulf %select_n3A_717, %select_n3A_717 : vector<200x1xf32>
    %mul3A_816 = arith.mulf %mul3A_815, %mul3A_478 : vector<200x1xf32>
    %mul3A_817 = vector.broadcast %mul3A_816 : vector<200x1xf32> to vector<200x128xf32>
    %mul3A_818 = arith.mulf %mul3A_817, %dot_general3A_749 : vector<200x128xf32>
    %add3A_819 = arith.addf %mul3A_782, %mul3A_818 : vector<200x128xf32>
    %add3A_820 = vector.broadcast %get3A_645 : vector<1x128xf32> to vector<200x128xf32>
    %add3A_821 = arith.addf %add3A_819, %add3A_820 : vector<200x128xf32>
    %mul3A_822 = vector.broadcast %mul3A_478 : vector<200x1xf32> to vector<200x128xf32>
    %mul3A_823 = arith.mulf %add3A_821, %mul3A_822 : vector<200x128xf32>
    %max3A_824 = arith.constant 0.000000e+00 : f32
    %max3A_825 = vector.broadcast %max3A_824 : f32 to vector<200x128xf32>
    %max3A_826 = arith.maximumf %mul3A_823, %max3A_825 : vector<200x128xf32>
    %mul3A_827 = arith.mulf %select_n3A_730, %select_n3A_730 : vector<200x1xf32>
    %mul3A_828 = arith.mulf %mul3A_827, %mul3A_487 : vector<200x1xf32>
    %mul3A_829 = vector.broadcast %mul3A_828 : vector<200x1xf32> to vector<200x128xf32>
    %mul3A_830 = arith.mulf %mul3A_829, %dot_general3A_751 : vector<200x128xf32>
    %add3A_831 = arith.addf %mul3A_786, %mul3A_830 : vector<200x128xf32>
    %add3A_832 = vector.broadcast %get3A_645 : vector<1x128xf32> to vector<200x128xf32>
    %add3A_833 = arith.addf %add3A_831, %add3A_832 : vector<200x128xf32>
    %mul3A_834 = vector.broadcast %mul3A_487 : vector<200x1xf32> to vector<200x128xf32>
    %mul3A_835 = arith.mulf %add3A_833, %mul3A_834 : vector<200x128xf32>
    %max3A_836 = arith.constant 0.000000e+00 : f32
    %max3A_837 = vector.broadcast %max3A_836 : f32 to vector<200x128xf32>
    %max3A_838 = arith.maximumf %mul3A_835, %max3A_837 : vector<200x128xf32>
    %mul3A_839 = arith.mulf %select_n3A_743, %select_n3A_743 : vector<200x1xf32>
    %mul3A_840 = arith.mulf %mul3A_839, %mul3A_496 : vector<200x1xf32>
    %mul3A_841 = vector.broadcast %mul3A_840 : vector<200x1xf32> to vector<200x128xf32>
    %mul3A_842 = arith.mulf %mul3A_841, %dot_general3A_753 : vector<200x128xf32>
    %add3A_843 = arith.addf %mul3A_790, %mul3A_842 : vector<200x128xf32>
    %add3A_844 = vector.broadcast %get3A_645 : vector<1x128xf32> to vector<200x128xf32>
    %add3A_845 = arith.addf %add3A_843, %add3A_844 : vector<200x128xf32>
    %mul3A_846 = vector.broadcast %mul3A_496 : vector<200x1xf32> to vector<200x128xf32>
    %mul3A_847 = arith.mulf %add3A_845, %mul3A_846 : vector<200x128xf32>
    %max3A_848 = arith.constant 0.000000e+00 : f32
    %max3A_849 = vector.broadcast %max3A_848 : f32 to vector<200x128xf32>
    %max3A_850 = arith.maximumf %mul3A_847, %max3A_849 : vector<200x128xf32>
    %dot_general3A_851 = arith.constant dense<0.000000e+00> : vector<200x1xf32>
    %dot_general3A_852 = tpu.matmul %max3A_802, %get3A_648, %dot_general3A_851 {dimension_numbers = #tpu.dot_dimension_numbers<[1], [0], [0], [1], [0, 0, 1, 1], [], []>, transpose_lhs_hint = false} : vector<200x128xf32>, vector<128x1xf32>, vector<200x1xf32> -> vector<200x1xf32>
    %dot_general3A_853 = arith.constant dense<0.000000e+00> : vector<200x1xf32>
    %dot_general3A_854 = tpu.matmul %max3A_814, %get3A_648, %dot_general3A_853 {dimension_numbers = #tpu.dot_dimension_numbers<[1], [0], [0], [1], [0, 0, 1, 1], [], []>, transpose_lhs_hint = false} : vector<200x128xf32>, vector<128x1xf32>, vector<200x1xf32> -> vector<200x1xf32>
    %dot_general3A_855 = arith.constant dense<0.000000e+00> : vector<200x1xf32>
    %dot_general3A_856 = tpu.matmul %max3A_826, %get3A_648, %dot_general3A_855 {dimension_numbers = #tpu.dot_dimension_numbers<[1], [0], [0], [1], [0, 0, 1, 1], [], []>, transpose_lhs_hint = false} : vector<200x128xf32>, vector<128x1xf32>, vector<200x1xf32> -> vector<200x1xf32>
    %dot_general3A_857 = arith.constant dense<0.000000e+00> : vector<200x1xf32>
    %dot_general3A_858 = tpu.matmul %max3A_838, %get3A_648, %dot_general3A_857 {dimension_numbers = #tpu.dot_dimension_numbers<[1], [0], [0], [1], [0, 0, 1, 1], [], []>, transpose_lhs_hint = false} : vector<200x128xf32>, vector<128x1xf32>, vector<200x1xf32> -> vector<200x1xf32>
    %dot_general3A_859 = arith.constant dense<0.000000e+00> : vector<200x1xf32>
    %dot_general3A_860 = tpu.matmul %max3A_850, %get3A_648, %dot_general3A_859 {dimension_numbers = #tpu.dot_dimension_numbers<[1], [0], [0], [1], [0, 0, 1, 1], [], []>, transpose_lhs_hint = false} : vector<200x128xf32>, vector<128x1xf32>, vector<200x1xf32> -> vector<200x1xf32>
    %mul3A_861 = arith.mulf %select_n3A_691, %dot_general3A_852 : vector<200x1xf32>
    %concatenate3A_862 = tpu.concatenate %mul3A_861, %broadcast_in_dim3A_653 in 0 : vector<200x1xf32>, vector<56x1xf32> -> vector<256x1xf32>
    %mul3A_863 = arith.mulf %select_n3A_704, %dot_general3A_854 : vector<200x1xf32>
    %concatenate3A_864 = tpu.concatenate %mul3A_863, %broadcast_in_dim3A_653 in 0 : vector<200x1xf32>, vector<56x1xf32> -> vector<256x1xf32>
    %mul3A_865 = arith.mulf %select_n3A_717, %dot_general3A_856 : vector<200x1xf32>
    %concatenate3A_866 = tpu.concatenate %mul3A_865, %broadcast_in_dim3A_653 in 0 : vector<200x1xf32>, vector<56x1xf32> -> vector<256x1xf32>
    %mul3A_867 = arith.mulf %select_n3A_730, %dot_general3A_858 : vector<200x1xf32>
    %concatenate3A_868 = tpu.concatenate %mul3A_867, %broadcast_in_dim3A_653 in 0 : vector<200x1xf32>, vector<56x1xf32> -> vector<256x1xf32>
    %mul3A_869 = arith.mulf %select_n3A_743, %dot_general3A_860 : vector<200x1xf32>
    %concatenate3A_870 = tpu.concatenate %mul3A_869, %broadcast_in_dim3A_653 in 0 : vector<200x1xf32>, vector<56x1xf32> -> vector<256x1xf32>
    %dot_general3A_871 = arith.constant dense<0.000000e+00> : vector<200x1xf32>
    %dot_general3A_872 = tpu.matmul %get3A_6, %concatenate3A_862, %dot_general3A_871 {dimension_numbers = #tpu.dot_dimension_numbers<[1], [0], [0], [1], [0, 0, 1, 1], [], []>, transpose_lhs_hint = false} : vector<200x256xf32>, vector<256x1xf32>, vector<200x1xf32> -> vector<200x1xf32>
    %mul3A_873 = arith.mulf %dot_general3A_872, %select_n3A_691 : vector<200x1xf32>
    %dot_general3A_874 = arith.constant dense<0.000000e+00> : vector<200x1xf32>
    %dot_general3A_875 = tpu.matmul %get3A_11, %concatenate3A_864, %dot_general3A_874 {dimension_numbers = #tpu.dot_dimension_numbers<[1], [0], [0], [1], [0, 0, 1, 1], [], []>, transpose_lhs_hint = false} : vector<200x256xf32>, vector<256x1xf32>, vector<200x1xf32> -> vector<200x1xf32>
    %mul3A_876 = arith.mulf %dot_general3A_875, %select_n3A_704 : vector<200x1xf32>
    %dot_general3A_877 = arith.constant dense<0.000000e+00> : vector<200x1xf32>
    %dot_general3A_878 = tpu.matmul %get3A_16, %concatenate3A_866, %dot_general3A_877 {dimension_numbers = #tpu.dot_dimension_numbers<[1], [0], [0], [1], [0, 0, 1, 1], [], []>, transpose_lhs_hint = false} : vector<200x256xf32>, vector<256x1xf32>, vector<200x1xf32> -> vector<200x1xf32>
    %mul3A_879 = arith.mulf %dot_general3A_878, %select_n3A_717 : vector<200x1xf32>
    %dot_general3A_880 = arith.constant dense<0.000000e+00> : vector<200x1xf32>
    %dot_general3A_881 = tpu.matmul %get3A_21, %concatenate3A_868, %dot_general3A_880 {dimension_numbers = #tpu.dot_dimension_numbers<[1], [0], [0], [1], [0, 0, 1, 1], [], []>, transpose_lhs_hint = false} : vector<200x256xf32>, vector<256x1xf32>, vector<200x1xf32> -> vector<200x1xf32>
    %mul3A_882 = arith.mulf %dot_general3A_881, %select_n3A_730 : vector<200x1xf32>
    %dot_general3A_883 = arith.constant dense<0.000000e+00> : vector<200x1xf32>
    %dot_general3A_884 = tpu.matmul %get3A_26, %concatenate3A_870, %dot_general3A_883 {dimension_numbers = #tpu.dot_dimension_numbers<[1], [0], [0], [1], [0, 0, 1, 1], [], []>, transpose_lhs_hint = false} : vector<200x256xf32>, vector<256x1xf32>, vector<200x1xf32> -> vector<200x1xf32>
    %mul3A_885 = arith.mulf %dot_general3A_884, %select_n3A_743 : vector<200x1xf32>
    %mul3A_886 = arith.mulf %select_n3A_691, %select_n3A_691 : vector<200x1xf32>
    %mul3A_887 = arith.mulf %mul3A_886, %mul3A_460 : vector<200x1xf32>
    %mul3A_888 = arith.mulf %mul3A_887, %dot_general3A_852 : vector<200x1xf32>
    %add3A_889 = arith.addf %mul3A_873, %mul3A_888 : vector<200x1xf32>
    %add3A_890 = vector.broadcast %get3A_651 : vector<1x1xf32> to vector<200x1xf32>
    %add3A_891 = arith.addf %add3A_889, %add3A_890 : vector<200x1xf32>
    %mul3A_892 = arith.mulf %add3A_891, %mul3A_460 : vector<200x1xf32>
    %mul3A_893 = arith.mulf %select_n3A_704, %select_n3A_704 : vector<200x1xf32>
    %mul3A_894 = arith.mulf %mul3A_893, %mul3A_469 : vector<200x1xf32>
    %mul3A_895 = arith.mulf %mul3A_894, %dot_general3A_854 : vector<200x1xf32>
    %add3A_896 = arith.addf %mul3A_876, %mul3A_895 : vector<200x1xf32>
    %add3A_897 = vector.broadcast %get3A_651 : vector<1x1xf32> to vector<200x1xf32>
    %add3A_898 = arith.addf %add3A_896, %add3A_897 : vector<200x1xf32>
    %mul3A_899 = arith.mulf %add3A_898, %mul3A_469 : vector<200x1xf32>
    %mul3A_900 = arith.mulf %select_n3A_717, %select_n3A_717 : vector<200x1xf32>
    %mul3A_901 = arith.mulf %mul3A_900, %mul3A_478 : vector<200x1xf32>
    %mul3A_902 = arith.mulf %mul3A_901, %dot_general3A_856 : vector<200x1xf32>
    %add3A_903 = arith.addf %mul3A_879, %mul3A_902 : vector<200x1xf32>
    %add3A_904 = vector.broadcast %get3A_651 : vector<1x1xf32> to vector<200x1xf32>
    %add3A_905 = arith.addf %add3A_903, %add3A_904 : vector<200x1xf32>
    %mul3A_906 = arith.mulf %add3A_905, %mul3A_478 : vector<200x1xf32>
    %mul3A_907 = arith.mulf %select_n3A_730, %select_n3A_730 : vector<200x1xf32>
    %mul3A_908 = arith.mulf %mul3A_907, %mul3A_487 : vector<200x1xf32>
    %mul3A_909 = arith.mulf %mul3A_908, %dot_general3A_858 : vector<200x1xf32>
    %add3A_910 = arith.addf %mul3A_882, %mul3A_909 : vector<200x1xf32>
    %add3A_911 = vector.broadcast %get3A_651 : vector<1x1xf32> to vector<200x1xf32>
    %add3A_912 = arith.addf %add3A_910, %add3A_911 : vector<200x1xf32>
    %mul3A_913 = arith.mulf %add3A_912, %mul3A_487 : vector<200x1xf32>
    %mul3A_914 = arith.mulf %select_n3A_743, %select_n3A_743 : vector<200x1xf32>
    %mul3A_915 = arith.mulf %mul3A_914, %mul3A_496 : vector<200x1xf32>
    %mul3A_916 = arith.mulf %mul3A_915, %dot_general3A_860 : vector<200x1xf32>
    %add3A_917 = arith.addf %mul3A_885, %mul3A_916 : vector<200x1xf32>
    %add3A_918 = vector.broadcast %get3A_651 : vector<1x1xf32> to vector<200x1xf32>
    %add3A_919 = arith.addf %add3A_917, %add3A_918 : vector<200x1xf32>
    %mul3A_920 = arith.mulf %add3A_919, %mul3A_496 : vector<200x1xf32>
    %gt3A_921 = arith.constant 0.000000e+00 : f32
    %gt3A_922 = vector.broadcast %gt3A_921 : f32 to vector<200x1xf32>
    %gt3A_923 = arith.cmpf ogt, %mul3A_460, %gt3A_922 : vector<200x1xf32>
    %jit3A_924 = arith.constant -1.000000e+09 : f32
    %broadcast_in_dim3A_925 = vector.broadcast %jit3A_924 : f32 to vector<200x1xf32>
    %select_n3A_926 = arith.select %gt3A_923, %mul3A_892, %broadcast_in_dim3A_925 : vector<200x1xi1>, vector<200x1xf32>
    %gt3A_927 = arith.constant 0.000000e+00 : f32
    %gt3A_928 = vector.broadcast %gt3A_927 : f32 to vector<200x1xf32>
    %gt3A_929 = arith.cmpf ogt, %mul3A_469, %gt3A_928 : vector<200x1xf32>
    %jit3A_930 = arith.constant -1.000000e+09 : f32
    %broadcast_in_dim3A_931 = vector.broadcast %jit3A_930 : f32 to vector<200x1xf32>
    %select_n3A_932 = arith.select %gt3A_929, %mul3A_899, %broadcast_in_dim3A_931 : vector<200x1xi1>, vector<200x1xf32>
    %gt3A_933 = arith.constant 0.000000e+00 : f32
    %gt3A_934 = vector.broadcast %gt3A_933 : f32 to vector<200x1xf32>
    %gt3A_935 = arith.cmpf ogt, %mul3A_478, %gt3A_934 : vector<200x1xf32>
    %jit3A_936 = arith.constant -1.000000e+09 : f32
    %broadcast_in_dim3A_937 = vector.broadcast %jit3A_936 : f32 to vector<200x1xf32>
    %select_n3A_938 = arith.select %gt3A_935, %mul3A_906, %broadcast_in_dim3A_937 : vector<200x1xi1>, vector<200x1xf32>
    %gt3A_939 = arith.constant 0.000000e+00 : f32
    %gt3A_940 = vector.broadcast %gt3A_939 : f32 to vector<200x1xf32>
    %gt3A_941 = arith.cmpf ogt, %mul3A_487, %gt3A_940 : vector<200x1xf32>
    %jit3A_942 = arith.constant -1.000000e+09 : f32
    %broadcast_in_dim3A_943 = vector.broadcast %jit3A_942 : f32 to vector<200x1xf32>
    %select_n3A_944 = arith.select %gt3A_941, %mul3A_913, %broadcast_in_dim3A_943 : vector<200x1xi1>, vector<200x1xf32>
    %gt3A_945 = arith.constant 0.000000e+00 : f32
    %gt3A_946 = vector.broadcast %gt3A_945 : f32 to vector<200x1xf32>
    %gt3A_947 = arith.cmpf ogt, %mul3A_496, %gt3A_946 : vector<200x1xf32>
    %jit3A_948 = arith.constant -1.000000e+09 : f32
    %broadcast_in_dim3A_949 = vector.broadcast %jit3A_948 : f32 to vector<200x1xf32>
    %select_n3A_950 = arith.select %gt3A_947, %mul3A_920, %broadcast_in_dim3A_949 : vector<200x1xi1>, vector<200x1xf32>
    %dot_general3A_951 = arith.constant dense<0.000000e+00> : vector<1x200xf32>
    %dot_general3A_952 = tpu.matmul %select_n3A_926, %select_n3A, %dot_general3A_951 {dimension_numbers = #tpu.dot_dimension_numbers<[0], [0], [1], [1], [0, 1, 1, 1], [], []>, transpose_lhs_hint = false} : vector<200x1xf32>, vector<200x200xf32>, vector<1x200xf32> -> vector<1x200xf32>
    %dot_general3A_953 = arith.constant dense<0.000000e+00> : vector<1x200xf32>
    %dot_general3A_954 = tpu.matmul %select_n3A_932, %select_n3A, %dot_general3A_953 {dimension_numbers = #tpu.dot_dimension_numbers<[0], [0], [1], [1], [0, 1, 1, 1], [], []>, transpose_lhs_hint = false} : vector<200x1xf32>, vector<200x200xf32>, vector<1x200xf32> -> vector<1x200xf32>
    %dot_general3A_955 = arith.constant dense<0.000000e+00> : vector<1x200xf32>
    %dot_general3A_956 = tpu.matmul %select_n3A_938, %select_n3A, %dot_general3A_955 {dimension_numbers = #tpu.dot_dimension_numbers<[0], [0], [1], [1], [0, 1, 1, 1], [], []>, transpose_lhs_hint = false} : vector<200x1xf32>, vector<200x200xf32>, vector<1x200xf32> -> vector<1x200xf32>
    %dot_general3A_957 = arith.constant dense<0.000000e+00> : vector<1x200xf32>
    %dot_general3A_958 = tpu.matmul %select_n3A_944, %select_n3A, %dot_general3A_957 {dimension_numbers = #tpu.dot_dimension_numbers<[0], [0], [1], [1], [0, 1, 1, 1], [], []>, transpose_lhs_hint = false} : vector<200x1xf32>, vector<200x200xf32>, vector<1x200xf32> -> vector<1x200xf32>
    %dot_general3A_959 = arith.constant dense<0.000000e+00> : vector<1x200xf32>
    %dot_general3A_960 = tpu.matmul %select_n3A_950, %select_n3A, %dot_general3A_959 {dimension_numbers = #tpu.dot_dimension_numbers<[0], [0], [1], [1], [0, 1, 1, 1], [], []>, transpose_lhs_hint = false} : vector<200x1xf32>, vector<200x200xf32>, vector<1x200xf32> -> vector<1x200xf32>
    %gt3A_961 = vector.broadcast %dot_general3A_952 : vector<1x200xf32> to vector<200x200xf32>
    %gt3A_962 = vector.broadcast %select_n3A_926 : vector<200x1xf32> to vector<200x200xf32>
    %gt3A_963 = arith.cmpf ogt, %gt3A_961, %gt3A_962 : vector<200x200xf32>
    %eq3A_964 = vector.broadcast %dot_general3A_952 : vector<1x200xf32> to vector<200x200xf32>
    %eq3A_965 = vector.broadcast %select_n3A_926 : vector<200x1xf32> to vector<200x200xf32>
    %eq3A_966 = arith.cmpf oeq, %eq3A_964, %eq3A_965 : vector<200x200xf32>
    %and3A_967 = arith.andi %eq3A_966, %lt3A : vector<200x200xi1>
    %or3A_968 = arith.ori %gt3A_963, %and3A_967 : vector<200x200xi1>
    %jit3A_969 = arith.constant 1.000000e+00 : f32
    %jit3A_970 = arith.constant 0.000000e+00 : f32
    %broadcast_in_dim3A_971 = vector.broadcast %jit3A_969 : f32 to vector<200x200xf32>
    %broadcast_in_dim3A_972 = vector.broadcast %jit3A_970 : f32 to vector<200x200xf32>
    %select_n3A_973 = arith.select %or3A_968, %broadcast_in_dim3A_971, %broadcast_in_dim3A_972 : vector<200x200xi1>, vector<200x200xf32>
    %reduce_sum3A_974 = arith.constant dense<0.000000e+00> : vector<200xf32>
    %reduce_sum3A_975 = vector.multi_reduction <add>, %select_n3A_973, %reduce_sum3A_974 [1] : vector<200x200xf32> to vector<200xf32>
    %broadcast_in_dim3A_976 = vector.shape_cast %reduce_sum3A_975 : vector<200xf32> to vector<200x1xf32>
    %gt3A_977 = vector.broadcast %dot_general3A_954 : vector<1x200xf32> to vector<200x200xf32>
    %gt3A_978 = vector.broadcast %select_n3A_932 : vector<200x1xf32> to vector<200x200xf32>
    %gt3A_979 = arith.cmpf ogt, %gt3A_977, %gt3A_978 : vector<200x200xf32>
    %eq3A_980 = vector.broadcast %dot_general3A_954 : vector<1x200xf32> to vector<200x200xf32>
    %eq3A_981 = vector.broadcast %select_n3A_932 : vector<200x1xf32> to vector<200x200xf32>
    %eq3A_982 = arith.cmpf oeq, %eq3A_980, %eq3A_981 : vector<200x200xf32>
    %and3A_983 = arith.andi %eq3A_982, %lt3A : vector<200x200xi1>
    %or3A_984 = arith.ori %gt3A_979, %and3A_983 : vector<200x200xi1>
    %jit3A_985 = arith.constant 1.000000e+00 : f32
    %jit3A_986 = arith.constant 0.000000e+00 : f32
    %broadcast_in_dim3A_987 = vector.broadcast %jit3A_985 : f32 to vector<200x200xf32>
    %broadcast_in_dim3A_988 = vector.broadcast %jit3A_986 : f32 to vector<200x200xf32>
    %select_n3A_989 = arith.select %or3A_984, %broadcast_in_dim3A_987, %broadcast_in_dim3A_988 : vector<200x200xi1>, vector<200x200xf32>
    %reduce_sum3A_990 = arith.constant dense<0.000000e+00> : vector<200xf32>
    %reduce_sum3A_991 = vector.multi_reduction <add>, %select_n3A_989, %reduce_sum3A_990 [1] : vector<200x200xf32> to vector<200xf32>
    %broadcast_in_dim3A_992 = vector.shape_cast %reduce_sum3A_991 : vector<200xf32> to vector<200x1xf32>
    %gt3A_993 = vector.broadcast %dot_general3A_956 : vector<1x200xf32> to vector<200x200xf32>
    %gt3A_994 = vector.broadcast %select_n3A_938 : vector<200x1xf32> to vector<200x200xf32>
    %gt3A_995 = arith.cmpf ogt, %gt3A_993, %gt3A_994 : vector<200x200xf32>
    %eq3A_996 = vector.broadcast %dot_general3A_956 : vector<1x200xf32> to vector<200x200xf32>
    %eq3A_997 = vector.broadcast %select_n3A_938 : vector<200x1xf32> to vector<200x200xf32>
    %eq3A_998 = arith.cmpf oeq, %eq3A_996, %eq3A_997 : vector<200x200xf32>
    %and3A_999 = arith.andi %eq3A_998, %lt3A : vector<200x200xi1>
    %or3A_1000 = arith.ori %gt3A_995, %and3A_999 : vector<200x200xi1>
    %jit3A_1001 = arith.constant 1.000000e+00 : f32
    %jit3A_1002 = arith.constant 0.000000e+00 : f32
    %broadcast_in_dim3A_1003 = vector.broadcast %jit3A_1001 : f32 to vector<200x200xf32>
    %broadcast_in_dim3A_1004 = vector.broadcast %jit3A_1002 : f32 to vector<200x200xf32>
    %select_n3A_1005 = arith.select %or3A_1000, %broadcast_in_dim3A_1003, %broadcast_in_dim3A_1004 : vector<200x200xi1>, vector<200x200xf32>
    %reduce_sum3A_1006 = arith.constant dense<0.000000e+00> : vector<200xf32>
    %reduce_sum3A_1007 = vector.multi_reduction <add>, %select_n3A_1005, %reduce_sum3A_1006 [1] : vector<200x200xf32> to vector<200xf32>
    %broadcast_in_dim3A_1008 = vector.shape_cast %reduce_sum3A_1007 : vector<200xf32> to vector<200x1xf32>
    %gt3A_1009 = vector.broadcast %dot_general3A_958 : vector<1x200xf32> to vector<200x200xf32>
    %gt3A_1010 = vector.broadcast %select_n3A_944 : vector<200x1xf32> to vector<200x200xf32>
    %gt3A_1011 = arith.cmpf ogt, %gt3A_1009, %gt3A_1010 : vector<200x200xf32>
    %eq3A_1012 = vector.broadcast %dot_general3A_958 : vector<1x200xf32> to vector<200x200xf32>
    %eq3A_1013 = vector.broadcast %select_n3A_944 : vector<200x1xf32> to vector<200x200xf32>
    %eq3A_1014 = arith.cmpf oeq, %eq3A_1012, %eq3A_1013 : vector<200x200xf32>
    %and3A_1015 = arith.andi %eq3A_1014, %lt3A : vector<200x200xi1>
    %or3A_1016 = arith.ori %gt3A_1011, %and3A_1015 : vector<200x200xi1>
    %jit3A_1017 = arith.constant 1.000000e+00 : f32
    %jit3A_1018 = arith.constant 0.000000e+00 : f32
    %broadcast_in_dim3A_1019 = vector.broadcast %jit3A_1017 : f32 to vector<200x200xf32>
    %broadcast_in_dim3A_1020 = vector.broadcast %jit3A_1018 : f32 to vector<200x200xf32>
    %select_n3A_1021 = arith.select %or3A_1016, %broadcast_in_dim3A_1019, %broadcast_in_dim3A_1020 : vector<200x200xi1>, vector<200x200xf32>
    %reduce_sum3A_1022 = arith.constant dense<0.000000e+00> : vector<200xf32>
    %reduce_sum3A_1023 = vector.multi_reduction <add>, %select_n3A_1021, %reduce_sum3A_1022 [1] : vector<200x200xf32> to vector<200xf32>
    %broadcast_in_dim3A_1024 = vector.shape_cast %reduce_sum3A_1023 : vector<200xf32> to vector<200x1xf32>
    %gt3A_1025 = vector.broadcast %dot_general3A_960 : vector<1x200xf32> to vector<200x200xf32>
    %gt3A_1026 = vector.broadcast %select_n3A_950 : vector<200x1xf32> to vector<200x200xf32>
    %gt3A_1027 = arith.cmpf ogt, %gt3A_1025, %gt3A_1026 : vector<200x200xf32>
    %eq3A_1028 = vector.broadcast %dot_general3A_960 : vector<1x200xf32> to vector<200x200xf32>
    %eq3A_1029 = vector.broadcast %select_n3A_950 : vector<200x1xf32> to vector<200x200xf32>
    %eq3A_1030 = arith.cmpf oeq, %eq3A_1028, %eq3A_1029 : vector<200x200xf32>
    %and3A_1031 = arith.andi %eq3A_1030, %lt3A : vector<200x200xi1>
    %or3A_1032 = arith.ori %gt3A_1027, %and3A_1031 : vector<200x200xi1>
    %jit3A_1033 = arith.constant 1.000000e+00 : f32
    %jit3A_1034 = arith.constant 0.000000e+00 : f32
    %broadcast_in_dim3A_1035 = vector.broadcast %jit3A_1033 : f32 to vector<200x200xf32>
    %broadcast_in_dim3A_1036 = vector.broadcast %jit3A_1034 : f32 to vector<200x200xf32>
    %select_n3A_1037 = arith.select %or3A_1032, %broadcast_in_dim3A_1035, %broadcast_in_dim3A_1036 : vector<200x200xi1>, vector<200x200xf32>
    %reduce_sum3A_1038 = arith.constant dense<0.000000e+00> : vector<200xf32>
    %reduce_sum3A_1039 = vector.multi_reduction <add>, %select_n3A_1037, %reduce_sum3A_1038 [1] : vector<200x200xf32> to vector<200xf32>
    %broadcast_in_dim3A_1040 = vector.shape_cast %reduce_sum3A_1039 : vector<200xf32> to vector<200x1xf32>
    %lt3A_1041 = arith.constant 5.000000e+01 : f32
    %lt3A_1042 = vector.broadcast %lt3A_1041 : f32 to vector<200x1xf32>
    %lt3A_1043 = arith.cmpf olt, %broadcast_in_dim3A_976, %lt3A_1042 : vector<200x1xf32>
    %jit3A_1044 = arith.constant 1.000000e+00 : f32
    %jit3A_1045 = arith.constant 0.000000e+00 : f32
    %broadcast_in_dim3A_1046 = vector.broadcast %jit3A_1044 : f32 to vector<200x1xf32>
    %broadcast_in_dim3A_1047 = vector.broadcast %jit3A_1045 : f32 to vector<200x1xf32>
    %select_n3A_1048 = arith.select %lt3A_1043, %broadcast_in_dim3A_1046, %broadcast_in_dim3A_1047 : vector<200x1xi1>, vector<200x1xf32>
    %mul3A_1049 = arith.mulf %select_n3A_1048, %mul3A_460 : vector<200x1xf32>
    %lt3A_1050 = arith.constant 5.000000e+01 : f32
    %lt3A_1051 = vector.broadcast %lt3A_1050 : f32 to vector<200x1xf32>
    %lt3A_1052 = arith.cmpf olt, %broadcast_in_dim3A_992, %lt3A_1051 : vector<200x1xf32>
    %jit3A_1053 = arith.constant 1.000000e+00 : f32
    %jit3A_1054 = arith.constant 0.000000e+00 : f32
    %broadcast_in_dim3A_1055 = vector.broadcast %jit3A_1053 : f32 to vector<200x1xf32>
    %broadcast_in_dim3A_1056 = vector.broadcast %jit3A_1054 : f32 to vector<200x1xf32>
    %select_n3A_1057 = arith.select %lt3A_1052, %broadcast_in_dim3A_1055, %broadcast_in_dim3A_1056 : vector<200x1xi1>, vector<200x1xf32>
    %mul3A_1058 = arith.mulf %select_n3A_1057, %mul3A_469 : vector<200x1xf32>
    %lt3A_1059 = arith.constant 5.000000e+01 : f32
    %lt3A_1060 = vector.broadcast %lt3A_1059 : f32 to vector<200x1xf32>
    %lt3A_1061 = arith.cmpf olt, %broadcast_in_dim3A_1008, %lt3A_1060 : vector<200x1xf32>
    %jit3A_1062 = arith.constant 1.000000e+00 : f32
    %jit3A_1063 = arith.constant 0.000000e+00 : f32
    %broadcast_in_dim3A_1064 = vector.broadcast %jit3A_1062 : f32 to vector<200x1xf32>
    %broadcast_in_dim3A_1065 = vector.broadcast %jit3A_1063 : f32 to vector<200x1xf32>
    %select_n3A_1066 = arith.select %lt3A_1061, %broadcast_in_dim3A_1064, %broadcast_in_dim3A_1065 : vector<200x1xi1>, vector<200x1xf32>
    %mul3A_1067 = arith.mulf %select_n3A_1066, %mul3A_478 : vector<200x1xf32>
    %lt3A_1068 = arith.constant 5.000000e+01 : f32
    %lt3A_1069 = vector.broadcast %lt3A_1068 : f32 to vector<200x1xf32>
    %lt3A_1070 = arith.cmpf olt, %broadcast_in_dim3A_1024, %lt3A_1069 : vector<200x1xf32>
    %jit3A_1071 = arith.constant 1.000000e+00 : f32
    %jit3A_1072 = arith.constant 0.000000e+00 : f32
    %broadcast_in_dim3A_1073 = vector.broadcast %jit3A_1071 : f32 to vector<200x1xf32>
    %broadcast_in_dim3A_1074 = vector.broadcast %jit3A_1072 : f32 to vector<200x1xf32>
    %select_n3A_1075 = arith.select %lt3A_1070, %broadcast_in_dim3A_1073, %broadcast_in_dim3A_1074 : vector<200x1xi1>, vector<200x1xf32>
    %mul3A_1076 = arith.mulf %select_n3A_1075, %mul3A_487 : vector<200x1xf32>
    %lt3A_1077 = arith.constant 5.000000e+01 : f32
    %lt3A_1078 = vector.broadcast %lt3A_1077 : f32 to vector<200x1xf32>
    %lt3A_1079 = arith.cmpf olt, %broadcast_in_dim3A_1040, %lt3A_1078 : vector<200x1xf32>
    %jit3A_1080 = arith.constant 1.000000e+00 : f32
    %jit3A_1081 = arith.constant 0.000000e+00 : f32
    %broadcast_in_dim3A_1082 = vector.broadcast %jit3A_1080 : f32 to vector<200x1xf32>
    %broadcast_in_dim3A_1083 = vector.broadcast %jit3A_1081 : f32 to vector<200x1xf32>
    %select_n3A_1084 = arith.select %lt3A_1079, %broadcast_in_dim3A_1082, %broadcast_in_dim3A_1083 : vector<200x1xi1>, vector<200x1xf32>
    %mul3A_1085 = arith.mulf %select_n3A_1084, %mul3A_496 : vector<200x1xf32>
    %tanh3A_1086 = math.tanh %mul3A_892 : vector<200x1xf32>
    %mul3A_1087 = vector.broadcast %tanh3A_1086 : vector<200x1xf32> to vector<200x128xf32>
    %mul3A_1088 = arith.mulf %max3A_802, %mul3A_1087 : vector<200x128xf32>
    %mul3A_1089 = vector.broadcast %mul3A_1049 : vector<200x1xf32> to vector<200x128xf32>
    %mul3A_1090 = arith.mulf %mul3A_1088, %mul3A_1089 : vector<200x128xf32>
    %tanh3A_1091 = math.tanh %mul3A_899 : vector<200x1xf32>
    %mul3A_1092 = vector.broadcast %tanh3A_1091 : vector<200x1xf32> to vector<200x128xf32>
    %mul3A_1093 = arith.mulf %max3A_814, %mul3A_1092 : vector<200x128xf32>
    %mul3A_1094 = vector.broadcast %mul3A_1058 : vector<200x1xf32> to vector<200x128xf32>
    %mul3A_1095 = arith.mulf %mul3A_1093, %mul3A_1094 : vector<200x128xf32>
    %tanh3A_1096 = math.tanh %mul3A_906 : vector<200x1xf32>
    %mul3A_1097 = vector.broadcast %tanh3A_1096 : vector<200x1xf32> to vector<200x128xf32>
    %mul3A_1098 = arith.mulf %max3A_826, %mul3A_1097 : vector<200x128xf32>
    %mul3A_1099 = vector.broadcast %mul3A_1067 : vector<200x1xf32> to vector<200x128xf32>
    %mul3A_1100 = arith.mulf %mul3A_1098, %mul3A_1099 : vector<200x128xf32>
    %tanh3A_1101 = math.tanh %mul3A_913 : vector<200x1xf32>
    %mul3A_1102 = vector.broadcast %tanh3A_1101 : vector<200x1xf32> to vector<200x128xf32>
    %mul3A_1103 = arith.mulf %max3A_838, %mul3A_1102 : vector<200x128xf32>
    %mul3A_1104 = vector.broadcast %mul3A_1076 : vector<200x1xf32> to vector<200x128xf32>
    %mul3A_1105 = arith.mulf %mul3A_1103, %mul3A_1104 : vector<200x128xf32>
    %tanh3A_1106 = math.tanh %mul3A_920 : vector<200x1xf32>
    %mul3A_1107 = vector.broadcast %tanh3A_1106 : vector<200x1xf32> to vector<200x128xf32>
    %mul3A_1108 = arith.mulf %max3A_850, %mul3A_1107 : vector<200x128xf32>
    %mul3A_1109 = vector.broadcast %mul3A_1085 : vector<200x1xf32> to vector<200x128xf32>
    %mul3A_1110 = arith.mulf %mul3A_1108, %mul3A_1109 : vector<200x128xf32>
    %gt3A_1111 = arith.constant 0.000000e+00 : f32
    %gt3A_1112 = vector.broadcast %gt3A_1111 : f32 to vector<200x1xf32>
    %gt3A_1113 = arith.cmpf ogt, %mul3A_1049, %gt3A_1112 : vector<200x1xf32>
    %jit3A_1114 = arith.constant -1.000000e+09 : f32
    %broadcast_in_dim3A_1115 = vector.shape_cast %gt3A_1113 : vector<200x1xi1> to vector<200x1xi1>
    %broadcast_in_dim3A_1116 = vector.broadcast %broadcast_in_dim3A_1115 : vector<200x1xi1> to vector<200x128xi1>
    %broadcast_in_dim3A_1117 = vector.broadcast %jit3A_1114 : f32 to vector<200x128xf32>
    %select_n3A_1118 = arith.select %broadcast_in_dim3A_1116, %mul3A_1090, %broadcast_in_dim3A_1117 : vector<200x128xi1>, vector<200x128xf32>
    %reduce_max3A_1119 = arith.constant dense<0xFF800000> : vector<128xf32>
    %reduce_max3A_1120 = vector.multi_reduction <maximumf>, %select_n3A_1118, %reduce_max3A_1119 [0] : vector<200x128xf32> to vector<128xf32>
    %broadcast_in_dim3A_1121 = vector.shape_cast %reduce_max3A_1120 : vector<128xf32> to vector<1x128xf32>
    %gt3A_1122 = arith.constant 0.000000e+00 : f32
    %gt3A_1123 = vector.broadcast %gt3A_1122 : f32 to vector<200x1xf32>
    %gt3A_1124 = arith.cmpf ogt, %mul3A_1058, %gt3A_1123 : vector<200x1xf32>
    %jit3A_1125 = arith.constant -1.000000e+09 : f32
    %broadcast_in_dim3A_1126 = vector.shape_cast %gt3A_1124 : vector<200x1xi1> to vector<200x1xi1>
    %broadcast_in_dim3A_1127 = vector.broadcast %broadcast_in_dim3A_1126 : vector<200x1xi1> to vector<200x128xi1>
    %broadcast_in_dim3A_1128 = vector.broadcast %jit3A_1125 : f32 to vector<200x128xf32>
    %select_n3A_1129 = arith.select %broadcast_in_dim3A_1127, %mul3A_1095, %broadcast_in_dim3A_1128 : vector<200x128xi1>, vector<200x128xf32>
    %reduce_max3A_1130 = arith.constant dense<0xFF800000> : vector<128xf32>
    %reduce_max3A_1131 = vector.multi_reduction <maximumf>, %select_n3A_1129, %reduce_max3A_1130 [0] : vector<200x128xf32> to vector<128xf32>
    %broadcast_in_dim3A_1132 = vector.shape_cast %reduce_max3A_1131 : vector<128xf32> to vector<1x128xf32>
    %gt3A_1133 = arith.constant 0.000000e+00 : f32
    %gt3A_1134 = vector.broadcast %gt3A_1133 : f32 to vector<200x1xf32>
    %gt3A_1135 = arith.cmpf ogt, %mul3A_1067, %gt3A_1134 : vector<200x1xf32>
    %jit3A_1136 = arith.constant -1.000000e+09 : f32
    %broadcast_in_dim3A_1137 = vector.shape_cast %gt3A_1135 : vector<200x1xi1> to vector<200x1xi1>
    %broadcast_in_dim3A_1138 = vector.broadcast %broadcast_in_dim3A_1137 : vector<200x1xi1> to vector<200x128xi1>
    %broadcast_in_dim3A_1139 = vector.broadcast %jit3A_1136 : f32 to vector<200x128xf32>
    %select_n3A_1140 = arith.select %broadcast_in_dim3A_1138, %mul3A_1100, %broadcast_in_dim3A_1139 : vector<200x128xi1>, vector<200x128xf32>
    %reduce_max3A_1141 = arith.constant dense<0xFF800000> : vector<128xf32>
    %reduce_max3A_1142 = vector.multi_reduction <maximumf>, %select_n3A_1140, %reduce_max3A_1141 [0] : vector<200x128xf32> to vector<128xf32>
    %broadcast_in_dim3A_1143 = vector.shape_cast %reduce_max3A_1142 : vector<128xf32> to vector<1x128xf32>
    %gt3A_1144 = arith.constant 0.000000e+00 : f32
    %gt3A_1145 = vector.broadcast %gt3A_1144 : f32 to vector<200x1xf32>
    %gt3A_1146 = arith.cmpf ogt, %mul3A_1076, %gt3A_1145 : vector<200x1xf32>
    %jit3A_1147 = arith.constant -1.000000e+09 : f32
    %broadcast_in_dim3A_1148 = vector.shape_cast %gt3A_1146 : vector<200x1xi1> to vector<200x1xi1>
    %broadcast_in_dim3A_1149 = vector.broadcast %broadcast_in_dim3A_1148 : vector<200x1xi1> to vector<200x128xi1>
    %broadcast_in_dim3A_1150 = vector.broadcast %jit3A_1147 : f32 to vector<200x128xf32>
    %select_n3A_1151 = arith.select %broadcast_in_dim3A_1149, %mul3A_1105, %broadcast_in_dim3A_1150 : vector<200x128xi1>, vector<200x128xf32>
    %reduce_max3A_1152 = arith.constant dense<0xFF800000> : vector<128xf32>
    %reduce_max3A_1153 = vector.multi_reduction <maximumf>, %select_n3A_1151, %reduce_max3A_1152 [0] : vector<200x128xf32> to vector<128xf32>
    %broadcast_in_dim3A_1154 = vector.shape_cast %reduce_max3A_1153 : vector<128xf32> to vector<1x128xf32>
    %gt3A_1155 = arith.constant 0.000000e+00 : f32
    %gt3A_1156 = vector.broadcast %gt3A_1155 : f32 to vector<200x1xf32>
    %gt3A_1157 = arith.cmpf ogt, %mul3A_1085, %gt3A_1156 : vector<200x1xf32>
    %jit3A_1158 = arith.constant -1.000000e+09 : f32
    %broadcast_in_dim3A_1159 = vector.shape_cast %gt3A_1157 : vector<200x1xi1> to vector<200x1xi1>
    %broadcast_in_dim3A_1160 = vector.broadcast %broadcast_in_dim3A_1159 : vector<200x1xi1> to vector<200x128xi1>
    %broadcast_in_dim3A_1161 = vector.broadcast %jit3A_1158 : f32 to vector<200x128xf32>
    %select_n3A_1162 = arith.select %broadcast_in_dim3A_1160, %mul3A_1110, %broadcast_in_dim3A_1161 : vector<200x128xi1>, vector<200x128xf32>
    %reduce_max3A_1163 = arith.constant dense<0xFF800000> : vector<128xf32>
    %reduce_max3A_1164 = vector.multi_reduction <maximumf>, %select_n3A_1162, %reduce_max3A_1163 [0] : vector<200x128xf32> to vector<128xf32>
    %broadcast_in_dim3A_1165 = vector.shape_cast %reduce_max3A_1164 : vector<128xf32> to vector<1x128xf32>
    %reduce_sum3A_1166 = vector.shape_cast %mul3A_1049 : vector<200x1xf32> to vector<1x200x1xf32>
    %reduce_sum3A_1167 = arith.constant dense<0.000000e+00> : vector<1xf32>
    %reduce_sum3A_1168 = vector.multi_reduction <add>, %reduce_sum3A_1166, %reduce_sum3A_1167 [1, 2] : vector<1x200x1xf32> to vector<1xf32>
    %reduce_sum3A_1169 = vector.shape_cast %reduce_sum3A_1168 : vector<1xf32> to vector<1x1x1xf32>
    %reduce_sum3A_1170 = vector.extract %reduce_sum3A_1169[0, 0, 0] : f32 from vector<1x1x1xf32>
    %max3A_1171 = arith.constant 1.000000e+00 : f32
    %max3A_1172 = arith.maximumf %reduce_sum3A_1170, %max3A_1171 : f32
    %reduce_sum3A_1173 = vector.shape_cast %mul3A_1058 : vector<200x1xf32> to vector<1x200x1xf32>
    %reduce_sum3A_1174 = arith.constant dense<0.000000e+00> : vector<1xf32>
    %reduce_sum3A_1175 = vector.multi_reduction <add>, %reduce_sum3A_1173, %reduce_sum3A_1174 [1, 2] : vector<1x200x1xf32> to vector<1xf32>
    %reduce_sum3A_1176 = vector.shape_cast %reduce_sum3A_1175 : vector<1xf32> to vector<1x1x1xf32>
    %reduce_sum3A_1177 = vector.extract %reduce_sum3A_1176[0, 0, 0] : f32 from vector<1x1x1xf32>
    %max3A_1178 = arith.constant 1.000000e+00 : f32
    %max3A_1179 = arith.maximumf %reduce_sum3A_1177, %max3A_1178 : f32
    %reduce_sum3A_1180 = vector.shape_cast %mul3A_1067 : vector<200x1xf32> to vector<1x200x1xf32>
    %reduce_sum3A_1181 = arith.constant dense<0.000000e+00> : vector<1xf32>
    %reduce_sum3A_1182 = vector.multi_reduction <add>, %reduce_sum3A_1180, %reduce_sum3A_1181 [1, 2] : vector<1x200x1xf32> to vector<1xf32>
    %reduce_sum3A_1183 = vector.shape_cast %reduce_sum3A_1182 : vector<1xf32> to vector<1x1x1xf32>
    %reduce_sum3A_1184 = vector.extract %reduce_sum3A_1183[0, 0, 0] : f32 from vector<1x1x1xf32>
    %max3A_1185 = arith.constant 1.000000e+00 : f32
    %max3A_1186 = arith.maximumf %reduce_sum3A_1184, %max3A_1185 : f32
    %reduce_sum3A_1187 = vector.shape_cast %mul3A_1076 : vector<200x1xf32> to vector<1x200x1xf32>
    %reduce_sum3A_1188 = arith.constant dense<0.000000e+00> : vector<1xf32>
    %reduce_sum3A_1189 = vector.multi_reduction <add>, %reduce_sum3A_1187, %reduce_sum3A_1188 [1, 2] : vector<1x200x1xf32> to vector<1xf32>
    %reduce_sum3A_1190 = vector.shape_cast %reduce_sum3A_1189 : vector<1xf32> to vector<1x1x1xf32>
    %reduce_sum3A_1191 = vector.extract %reduce_sum3A_1190[0, 0, 0] : f32 from vector<1x1x1xf32>
    %max3A_1192 = arith.constant 1.000000e+00 : f32
    %max3A_1193 = arith.maximumf %reduce_sum3A_1191, %max3A_1192 : f32
    %reduce_sum3A_1194 = vector.shape_cast %mul3A_1085 : vector<200x1xf32> to vector<1x200x1xf32>
    %reduce_sum3A_1195 = arith.constant dense<0.000000e+00> : vector<1xf32>
    %reduce_sum3A_1196 = vector.multi_reduction <add>, %reduce_sum3A_1194, %reduce_sum3A_1195 [1, 2] : vector<1x200x1xf32> to vector<1xf32>
    %reduce_sum3A_1197 = vector.shape_cast %reduce_sum3A_1196 : vector<1xf32> to vector<1x1x1xf32>
    %reduce_sum3A_1198 = vector.extract %reduce_sum3A_1197[0, 0, 0] : f32 from vector<1x1x1xf32>
    %max3A_1199 = arith.constant 1.000000e+00 : f32
    %max3A_1200 = arith.maximumf %reduce_sum3A_1198, %max3A_1199 : f32
    %reduce_sum3A_1201 = arith.constant dense<0.000000e+00> : vector<128xf32>
    %reduce_sum3A_1202 = vector.multi_reduction <add>, %mul3A_1090, %reduce_sum3A_1201 [0] : vector<200x128xf32> to vector<128xf32>
    %broadcast_in_dim3A_1203 = vector.shape_cast %reduce_sum3A_1202 : vector<128xf32> to vector<1x128xf32>
    %div3A_1204 = vector.broadcast %max3A_1172 : f32 to vector<1x128xf32>
    %div3A_1205 = arith.divf %broadcast_in_dim3A_1203, %div3A_1204 : vector<1x128xf32>
    %reduce_sum3A_1206 = arith.constant dense<0.000000e+00> : vector<128xf32>
    %reduce_sum3A_1207 = vector.multi_reduction <add>, %mul3A_1095, %reduce_sum3A_1206 [0] : vector<200x128xf32> to vector<128xf32>
    %broadcast_in_dim3A_1208 = vector.shape_cast %reduce_sum3A_1207 : vector<128xf32> to vector<1x128xf32>
    %div3A_1209 = vector.broadcast %max3A_1179 : f32 to vector<1x128xf32>
    %div3A_1210 = arith.divf %broadcast_in_dim3A_1208, %div3A_1209 : vector<1x128xf32>
    %reduce_sum3A_1211 = arith.constant dense<0.000000e+00> : vector<128xf32>
    %reduce_sum3A_1212 = vector.multi_reduction <add>, %mul3A_1100, %reduce_sum3A_1211 [0] : vector<200x128xf32> to vector<128xf32>
    %broadcast_in_dim3A_1213 = vector.shape_cast %reduce_sum3A_1212 : vector<128xf32> to vector<1x128xf32>
    %div3A_1214 = vector.broadcast %max3A_1186 : f32 to vector<1x128xf32>
    %div3A_1215 = arith.divf %broadcast_in_dim3A_1213, %div3A_1214 : vector<1x128xf32>
    %reduce_sum3A_1216 = arith.constant dense<0.000000e+00> : vector<128xf32>
    %reduce_sum3A_1217 = vector.multi_reduction <add>, %mul3A_1105, %reduce_sum3A_1216 [0] : vector<200x128xf32> to vector<128xf32>
    %broadcast_in_dim3A_1218 = vector.shape_cast %reduce_sum3A_1217 : vector<128xf32> to vector<1x128xf32>
    %div3A_1219 = vector.broadcast %max3A_1193 : f32 to vector<1x128xf32>
    %div3A_1220 = arith.divf %broadcast_in_dim3A_1218, %div3A_1219 : vector<1x128xf32>
    %reduce_sum3A_1221 = arith.constant dense<0.000000e+00> : vector<128xf32>
    %reduce_sum3A_1222 = vector.multi_reduction <add>, %mul3A_1110, %reduce_sum3A_1221 [0] : vector<200x128xf32> to vector<128xf32>
    %broadcast_in_dim3A_1223 = vector.shape_cast %reduce_sum3A_1222 : vector<128xf32> to vector<1x128xf32>
    %div3A_1224 = vector.broadcast %max3A_1200 : f32 to vector<1x128xf32>
    %div3A_1225 = arith.divf %broadcast_in_dim3A_1223, %div3A_1224 : vector<1x128xf32>
    %concatenate3A_1226 = tpu.concatenate %broadcast_in_dim3A_1121, %div3A_1205 in 1 : vector<1x128xf32>, vector<1x128xf32> -> vector<1x256xf32>
    %concatenate3A_1227 = tpu.concatenate %broadcast_in_dim3A_1132, %div3A_1210 in 1 : vector<1x128xf32>, vector<1x128xf32> -> vector<1x256xf32>
    %concatenate3A_1228 = tpu.concatenate %broadcast_in_dim3A_1143, %div3A_1215 in 1 : vector<1x128xf32>, vector<1x128xf32> -> vector<1x256xf32>
    %concatenate3A_1229 = tpu.concatenate %broadcast_in_dim3A_1154, %div3A_1220 in 1 : vector<1x128xf32>, vector<1x128xf32> -> vector<1x256xf32>
    %concatenate3A_1230 = tpu.concatenate %broadcast_in_dim3A_1165, %div3A_1225 in 1 : vector<1x128xf32>, vector<1x128xf32> -> vector<1x256xf32>
    %get3A_1231 = arith.constant 0 : index
    %get3A_1232 = arith.constant 0 : index
    %get3A_1233 = vector.load %arg11[%get3A_1231, %get3A_1232] : memref<128x128xf32, #tpu.memory_space<vmem>>, vector<128x128xf32>
    %get3A_1234 = arith.constant 0 : index
    %get3A_1235 = arith.constant 0 : index
    %get3A_1236 = vector.load %arg12[%get3A_1234, %get3A_1235] : memref<1x128xf32, #tpu.memory_space<vmem>>, vector<1x128xf32>
    %get3A_1237 = arith.constant 0 : index
    %get3A_1238 = arith.constant 0 : index
    %get3A_1239 = vector.load %arg13[%get3A_1237, %get3A_1238] : memref<128x1xf32, #tpu.memory_space<vmem>>, vector<128x1xf32>
    %get3A_1240 = arith.constant 0 : index
    %get3A_1241 = arith.constant 0 : index
    %get3A_1242 = vector.load %arg14[%get3A_1240, %get3A_1241] : memref<1x1xf32, #tpu.memory_space<vmem>>, vector<1x1xf32>
    %broadcast_in_dim3A_1243 = arith.constant 0.000000e+00 : f32
    %broadcast_in_dim3A_1244 = vector.broadcast %broadcast_in_dim3A_1243 : f32 to vector<56x1xf32>
    %concatenate3A_1245 = tpu.concatenate %mul3A_1049, %broadcast_in_dim3A_1244 in 0 : vector<200x1xf32>, vector<56x1xf32> -> vector<256x1xf32>
    %concatenate3A_1246 = tpu.concatenate %mul3A_1058, %broadcast_in_dim3A_1244 in 0 : vector<200x1xf32>, vector<56x1xf32> -> vector<256x1xf32>
    %concatenate3A_1247 = tpu.concatenate %mul3A_1067, %broadcast_in_dim3A_1244 in 0 : vector<200x1xf32>, vector<56x1xf32> -> vector<256x1xf32>
    %concatenate3A_1248 = tpu.concatenate %mul3A_1076, %broadcast_in_dim3A_1244 in 0 : vector<200x1xf32>, vector<56x1xf32> -> vector<256x1xf32>
    %concatenate3A_1249 = tpu.concatenate %mul3A_1085, %broadcast_in_dim3A_1244 in 0 : vector<200x1xf32>, vector<56x1xf32> -> vector<256x1xf32>
    %dot_general3A_1250 = arith.constant dense<0.000000e+00> : vector<200x1xf32>
    %dot_general3A_1251 = tpu.matmul %get3A_6, %concatenate3A_1245, %dot_general3A_1250 {dimension_numbers = #tpu.dot_dimension_numbers<[1], [0], [0], [1], [0, 0, 1, 1], [], []>, transpose_lhs_hint = false} : vector<200x256xf32>, vector<256x1xf32>, vector<200x1xf32> -> vector<200x1xf32>
    %dot_general3A_1252 = arith.constant dense<0.000000e+00> : vector<200x1xf32>
    %dot_general3A_1253 = tpu.matmul %get3A_11, %concatenate3A_1246, %dot_general3A_1252 {dimension_numbers = #tpu.dot_dimension_numbers<[1], [0], [0], [1], [0, 0, 1, 1], [], []>, transpose_lhs_hint = false} : vector<200x256xf32>, vector<256x1xf32>, vector<200x1xf32> -> vector<200x1xf32>
    %dot_general3A_1254 = arith.constant dense<0.000000e+00> : vector<200x1xf32>
    %dot_general3A_1255 = tpu.matmul %get3A_16, %concatenate3A_1247, %dot_general3A_1254 {dimension_numbers = #tpu.dot_dimension_numbers<[1], [0], [0], [1], [0, 0, 1, 1], [], []>, transpose_lhs_hint = false} : vector<200x256xf32>, vector<256x1xf32>, vector<200x1xf32> -> vector<200x1xf32>
    %dot_general3A_1256 = arith.constant dense<0.000000e+00> : vector<200x1xf32>
    %dot_general3A_1257 = tpu.matmul %get3A_21, %concatenate3A_1248, %dot_general3A_1256 {dimension_numbers = #tpu.dot_dimension_numbers<[1], [0], [0], [1], [0, 0, 1, 1], [], []>, transpose_lhs_hint = false} : vector<200x256xf32>, vector<256x1xf32>, vector<200x1xf32> -> vector<200x1xf32>
    %dot_general3A_1258 = arith.constant dense<0.000000e+00> : vector<200x1xf32>
    %dot_general3A_1259 = tpu.matmul %get3A_26, %concatenate3A_1249, %dot_general3A_1258 {dimension_numbers = #tpu.dot_dimension_numbers<[1], [0], [0], [1], [0, 0, 1, 1], [], []>, transpose_lhs_hint = false} : vector<200x256xf32>, vector<256x1xf32>, vector<200x1xf32> -> vector<200x1xf32>
    %mul3A_1260 = arith.mulf %dot_general3A_1251, %mul3A_1049 : vector<200x1xf32>
    %add3A_1261 = arith.addf %mul3A_1260, %mul3A_1049 : vector<200x1xf32>
    %mul3A_1262 = arith.mulf %dot_general3A_1253, %mul3A_1058 : vector<200x1xf32>
    %add3A_1263 = arith.addf %mul3A_1262, %mul3A_1058 : vector<200x1xf32>
    %mul3A_1264 = arith.mulf %dot_general3A_1255, %mul3A_1067 : vector<200x1xf32>
    %add3A_1265 = arith.addf %mul3A_1264, %mul3A_1067 : vector<200x1xf32>
    %mul3A_1266 = arith.mulf %dot_general3A_1257, %mul3A_1076 : vector<200x1xf32>
    %add3A_1267 = arith.addf %mul3A_1266, %mul3A_1076 : vector<200x1xf32>
    %mul3A_1268 = arith.mulf %dot_general3A_1259, %mul3A_1085 : vector<200x1xf32>
    %add3A_1269 = arith.addf %mul3A_1268, %mul3A_1085 : vector<200x1xf32>
    %gt3A_1270 = arith.constant 0.000000e+00 : f32
    %gt3A_1271 = vector.broadcast %gt3A_1270 : f32 to vector<200x1xf32>
    %gt3A_1272 = arith.cmpf ogt, %add3A_1261, %gt3A_1271 : vector<200x1xf32>
    %max3A_1273 = arith.constant 9.99999996E-13 : f32
    %max3A_1274 = vector.broadcast %max3A_1273 : f32 to vector<200x1xf32>
    %max3A_1275 = arith.maximumf %add3A_1261, %max3A_1274 : vector<200x1xf32>
    %sqrt3A_1276 = math.sqrt %max3A_1275 : vector<200x1xf32>
    %div3A_1277 = arith.constant 1.000000e+00 : f32
    %div3A_1278 = vector.broadcast %div3A_1277 : f32 to vector<200x1xf32>
    %div3A_1279 = arith.divf %div3A_1278, %sqrt3A_1276 : vector<200x1xf32>
    %jit3A_1280 = arith.constant 0.000000e+00 : f32
    %broadcast_in_dim3A_1281 = vector.broadcast %jit3A_1280 : f32 to vector<200x1xf32>
    %select_n3A_1282 = arith.select %gt3A_1272, %div3A_1279, %broadcast_in_dim3A_1281 : vector<200x1xi1>, vector<200x1xf32>
    %gt3A_1283 = arith.constant 0.000000e+00 : f32
    %gt3A_1284 = vector.broadcast %gt3A_1283 : f32 to vector<200x1xf32>
    %gt3A_1285 = arith.cmpf ogt, %add3A_1263, %gt3A_1284 : vector<200x1xf32>
    %max3A_1286 = arith.constant 9.99999996E-13 : f32
    %max3A_1287 = vector.broadcast %max3A_1286 : f32 to vector<200x1xf32>
    %max3A_1288 = arith.maximumf %add3A_1263, %max3A_1287 : vector<200x1xf32>
    %sqrt3A_1289 = math.sqrt %max3A_1288 : vector<200x1xf32>
    %div3A_1290 = arith.constant 1.000000e+00 : f32
    %div3A_1291 = vector.broadcast %div3A_1290 : f32 to vector<200x1xf32>
    %div3A_1292 = arith.divf %div3A_1291, %sqrt3A_1289 : vector<200x1xf32>
    %jit3A_1293 = arith.constant 0.000000e+00 : f32
    %broadcast_in_dim3A_1294 = vector.broadcast %jit3A_1293 : f32 to vector<200x1xf32>
    %select_n3A_1295 = arith.select %gt3A_1285, %div3A_1292, %broadcast_in_dim3A_1294 : vector<200x1xi1>, vector<200x1xf32>
    %gt3A_1296 = arith.constant 0.000000e+00 : f32
    %gt3A_1297 = vector.broadcast %gt3A_1296 : f32 to vector<200x1xf32>
    %gt3A_1298 = arith.cmpf ogt, %add3A_1265, %gt3A_1297 : vector<200x1xf32>
    %max3A_1299 = arith.constant 9.99999996E-13 : f32
    %max3A_1300 = vector.broadcast %max3A_1299 : f32 to vector<200x1xf32>
    %max3A_1301 = arith.maximumf %add3A_1265, %max3A_1300 : vector<200x1xf32>
    %sqrt3A_1302 = math.sqrt %max3A_1301 : vector<200x1xf32>
    %div3A_1303 = arith.constant 1.000000e+00 : f32
    %div3A_1304 = vector.broadcast %div3A_1303 : f32 to vector<200x1xf32>
    %div3A_1305 = arith.divf %div3A_1304, %sqrt3A_1302 : vector<200x1xf32>
    %jit3A_1306 = arith.constant 0.000000e+00 : f32
    %broadcast_in_dim3A_1307 = vector.broadcast %jit3A_1306 : f32 to vector<200x1xf32>
    %select_n3A_1308 = arith.select %gt3A_1298, %div3A_1305, %broadcast_in_dim3A_1307 : vector<200x1xi1>, vector<200x1xf32>
    %gt3A_1309 = arith.constant 0.000000e+00 : f32
    %gt3A_1310 = vector.broadcast %gt3A_1309 : f32 to vector<200x1xf32>
    %gt3A_1311 = arith.cmpf ogt, %add3A_1267, %gt3A_1310 : vector<200x1xf32>
    %max3A_1312 = arith.constant 9.99999996E-13 : f32
    %max3A_1313 = vector.broadcast %max3A_1312 : f32 to vector<200x1xf32>
    %max3A_1314 = arith.maximumf %add3A_1267, %max3A_1313 : vector<200x1xf32>
    %sqrt3A_1315 = math.sqrt %max3A_1314 : vector<200x1xf32>
    %div3A_1316 = arith.constant 1.000000e+00 : f32
    %div3A_1317 = vector.broadcast %div3A_1316 : f32 to vector<200x1xf32>
    %div3A_1318 = arith.divf %div3A_1317, %sqrt3A_1315 : vector<200x1xf32>
    %jit3A_1319 = arith.constant 0.000000e+00 : f32
    %broadcast_in_dim3A_1320 = vector.broadcast %jit3A_1319 : f32 to vector<200x1xf32>
    %select_n3A_1321 = arith.select %gt3A_1311, %div3A_1318, %broadcast_in_dim3A_1320 : vector<200x1xi1>, vector<200x1xf32>
    %gt3A_1322 = arith.constant 0.000000e+00 : f32
    %gt3A_1323 = vector.broadcast %gt3A_1322 : f32 to vector<200x1xf32>
    %gt3A_1324 = arith.cmpf ogt, %add3A_1269, %gt3A_1323 : vector<200x1xf32>
    %max3A_1325 = arith.constant 9.99999996E-13 : f32
    %max3A_1326 = vector.broadcast %max3A_1325 : f32 to vector<200x1xf32>
    %max3A_1327 = arith.maximumf %add3A_1269, %max3A_1326 : vector<200x1xf32>
    %sqrt3A_1328 = math.sqrt %max3A_1327 : vector<200x1xf32>
    %div3A_1329 = arith.constant 1.000000e+00 : f32
    %div3A_1330 = vector.broadcast %div3A_1329 : f32 to vector<200x1xf32>
    %div3A_1331 = arith.divf %div3A_1330, %sqrt3A_1328 : vector<200x1xf32>
    %jit3A_1332 = arith.constant 0.000000e+00 : f32
    %broadcast_in_dim3A_1333 = vector.broadcast %jit3A_1332 : f32 to vector<200x1xf32>
    %select_n3A_1334 = arith.select %gt3A_1324, %div3A_1331, %broadcast_in_dim3A_1333 : vector<200x1xi1>, vector<200x1xf32>
    %dot_general3A_1335 = arith.constant dense<0.000000e+00> : vector<200x128xf32>
    %dot_general3A_1336 = tpu.matmul %mul3A_1090, %get3A_1233, %dot_general3A_1335 {dimension_numbers = #tpu.dot_dimension_numbers<[1], [0], [0], [1], [0, 0, 1, 1], [], []>, transpose_lhs_hint = false} : vector<200x128xf32>, vector<128x128xf32>, vector<200x128xf32> -> vector<200x128xf32>
    %dot_general3A_1337 = arith.constant dense<0.000000e+00> : vector<200x128xf32>
    %dot_general3A_1338 = tpu.matmul %mul3A_1095, %get3A_1233, %dot_general3A_1337 {dimension_numbers = #tpu.dot_dimension_numbers<[1], [0], [0], [1], [0, 0, 1, 1], [], []>, transpose_lhs_hint = false} : vector<200x128xf32>, vector<128x128xf32>, vector<200x128xf32> -> vector<200x128xf32>
    %dot_general3A_1339 = arith.constant dense<0.000000e+00> : vector<200x128xf32>
    %dot_general3A_1340 = tpu.matmul %mul3A_1100, %get3A_1233, %dot_general3A_1339 {dimension_numbers = #tpu.dot_dimension_numbers<[1], [0], [0], [1], [0, 0, 1, 1], [], []>, transpose_lhs_hint = false} : vector<200x128xf32>, vector<128x128xf32>, vector<200x128xf32> -> vector<200x128xf32>
    %dot_general3A_1341 = arith.constant dense<0.000000e+00> : vector<200x128xf32>
    %dot_general3A_1342 = tpu.matmul %mul3A_1105, %get3A_1233, %dot_general3A_1341 {dimension_numbers = #tpu.dot_dimension_numbers<[1], [0], [0], [1], [0, 0, 1, 1], [], []>, transpose_lhs_hint = false} : vector<200x128xf32>, vector<128x128xf32>, vector<200x128xf32> -> vector<200x128xf32>
    %dot_general3A_1343 = arith.constant dense<0.000000e+00> : vector<200x128xf32>
    %dot_general3A_1344 = tpu.matmul %mul3A_1110, %get3A_1233, %dot_general3A_1343 {dimension_numbers = #tpu.dot_dimension_numbers<[1], [0], [0], [1], [0, 0, 1, 1], [], []>, transpose_lhs_hint = false} : vector<200x128xf32>, vector<128x128xf32>, vector<200x128xf32> -> vector<200x128xf32>
    %broadcast_in_dim3A_1345 = arith.constant 0.000000e+00 : f32
    %broadcast_in_dim3A_1346 = vector.broadcast %broadcast_in_dim3A_1345 : f32 to vector<56x128xf32>
    %mul3A_1347 = vector.broadcast %select_n3A_1282 : vector<200x1xf32> to vector<200x128xf32>
    %mul3A_1348 = arith.mulf %mul3A_1347, %dot_general3A_1336 : vector<200x128xf32>
    %concatenate3A_1349 = tpu.concatenate %mul3A_1348, %broadcast_in_dim3A_1346 in 0 : vector<200x128xf32>, vector<56x128xf32> -> vector<256x128xf32>
    %mul3A_1350 = vector.broadcast %select_n3A_1295 : vector<200x1xf32> to vector<200x128xf32>
    %mul3A_1351 = arith.mulf %mul3A_1350, %dot_general3A_1338 : vector<200x128xf32>
    %concatenate3A_1352 = tpu.concatenate %mul3A_1351, %broadcast_in_dim3A_1346 in 0 : vector<200x128xf32>, vector<56x128xf32> -> vector<256x128xf32>
    %mul3A_1353 = vector.broadcast %select_n3A_1308 : vector<200x1xf32> to vector<200x128xf32>
    %mul3A_1354 = arith.mulf %mul3A_1353, %dot_general3A_1340 : vector<200x128xf32>
    %concatenate3A_1355 = tpu.concatenate %mul3A_1354, %broadcast_in_dim3A_1346 in 0 : vector<200x128xf32>, vector<56x128xf32> -> vector<256x128xf32>
    %mul3A_1356 = vector.broadcast %select_n3A_1321 : vector<200x1xf32> to vector<200x128xf32>
    %mul3A_1357 = arith.mulf %mul3A_1356, %dot_general3A_1342 : vector<200x128xf32>
    %concatenate3A_1358 = tpu.concatenate %mul3A_1357, %broadcast_in_dim3A_1346 in 0 : vector<200x128xf32>, vector<56x128xf32> -> vector<256x128xf32>
    %mul3A_1359 = vector.broadcast %select_n3A_1334 : vector<200x1xf32> to vector<200x128xf32>
    %mul3A_1360 = arith.mulf %mul3A_1359, %dot_general3A_1344 : vector<200x128xf32>
    %concatenate3A_1361 = tpu.concatenate %mul3A_1360, %broadcast_in_dim3A_1346 in 0 : vector<200x128xf32>, vector<56x128xf32> -> vector<256x128xf32>
    %dot_general3A_1362 = arith.constant dense<0.000000e+00> : vector<200x128xf32>
    %dot_general3A_1363 = tpu.matmul %get3A_6, %concatenate3A_1349, %dot_general3A_1362 {dimension_numbers = #tpu.dot_dimension_numbers<[1], [0], [0], [1], [0, 0, 1, 1], [], []>, transpose_lhs_hint = false} : vector<200x256xf32>, vector<256x128xf32>, vector<200x128xf32> -> vector<200x128xf32>
    %mul3A_1364 = vector.broadcast %select_n3A_1282 : vector<200x1xf32> to vector<200x128xf32>
    %mul3A_1365 = arith.mulf %dot_general3A_1363, %mul3A_1364 : vector<200x128xf32>
    %dot_general3A_1366 = arith.constant dense<0.000000e+00> : vector<200x128xf32>
    %dot_general3A_1367 = tpu.matmul %get3A_11, %concatenate3A_1352, %dot_general3A_1366 {dimension_numbers = #tpu.dot_dimension_numbers<[1], [0], [0], [1], [0, 0, 1, 1], [], []>, transpose_lhs_hint = false} : vector<200x256xf32>, vector<256x128xf32>, vector<200x128xf32> -> vector<200x128xf32>
    %mul3A_1368 = vector.broadcast %select_n3A_1295 : vector<200x1xf32> to vector<200x128xf32>
    %mul3A_1369 = arith.mulf %dot_general3A_1367, %mul3A_1368 : vector<200x128xf32>
    %dot_general3A_1370 = arith.constant dense<0.000000e+00> : vector<200x128xf32>
    %dot_general3A_1371 = tpu.matmul %get3A_16, %concatenate3A_1355, %dot_general3A_1370 {dimension_numbers = #tpu.dot_dimension_numbers<[1], [0], [0], [1], [0, 0, 1, 1], [], []>, transpose_lhs_hint = false} : vector<200x256xf32>, vector<256x128xf32>, vector<200x128xf32> -> vector<200x128xf32>
    %mul3A_1372 = vector.broadcast %select_n3A_1308 : vector<200x1xf32> to vector<200x128xf32>
    %mul3A_1373 = arith.mulf %dot_general3A_1371, %mul3A_1372 : vector<200x128xf32>
    %dot_general3A_1374 = arith.constant dense<0.000000e+00> : vector<200x128xf32>
    %dot_general3A_1375 = tpu.matmul %get3A_21, %concatenate3A_1358, %dot_general3A_1374 {dimension_numbers = #tpu.dot_dimension_numbers<[1], [0], [0], [1], [0, 0, 1, 1], [], []>, transpose_lhs_hint = false} : vector<200x256xf32>, vector<256x128xf32>, vector<200x128xf32> -> vector<200x128xf32>
    %mul3A_1376 = vector.broadcast %select_n3A_1321 : vector<200x1xf32> to vector<200x128xf32>
    %mul3A_1377 = arith.mulf %dot_general3A_1375, %mul3A_1376 : vector<200x128xf32>
    %dot_general3A_1378 = arith.constant dense<0.000000e+00> : vector<200x128xf32>
    %dot_general3A_1379 = tpu.matmul %get3A_26, %concatenate3A_1361, %dot_general3A_1378 {dimension_numbers = #tpu.dot_dimension_numbers<[1], [0], [0], [1], [0, 0, 1, 1], [], []>, transpose_lhs_hint = false} : vector<200x256xf32>, vector<256x128xf32>, vector<200x128xf32> -> vector<200x128xf32>
    %mul3A_1380 = vector.broadcast %select_n3A_1334 : vector<200x1xf32> to vector<200x128xf32>
    %mul3A_1381 = arith.mulf %dot_general3A_1379, %mul3A_1380 : vector<200x128xf32>
    %mul3A_1382 = arith.mulf %select_n3A_1282, %select_n3A_1282 : vector<200x1xf32>
    %mul3A_1383 = arith.mulf %mul3A_1382, %mul3A_1049 : vector<200x1xf32>
    %mul3A_1384 = vector.broadcast %mul3A_1383 : vector<200x1xf32> to vector<200x128xf32>
    %mul3A_1385 = arith.mulf %mul3A_1384, %dot_general3A_1336 : vector<200x128xf32>
    %add3A_1386 = arith.addf %mul3A_1365, %mul3A_1385 : vector<200x128xf32>
    %add3A_1387 = vector.broadcast %get3A_1236 : vector<1x128xf32> to vector<200x128xf32>
    %add3A_1388 = arith.addf %add3A_1386, %add3A_1387 : vector<200x128xf32>
    %mul3A_1389 = vector.broadcast %mul3A_1049 : vector<200x1xf32> to vector<200x128xf32>
    %mul3A_1390 = arith.mulf %add3A_1388, %mul3A_1389 : vector<200x128xf32>
    %max3A_1391 = arith.constant 0.000000e+00 : f32
    %max3A_1392 = vector.broadcast %max3A_1391 : f32 to vector<200x128xf32>
    %max3A_1393 = arith.maximumf %mul3A_1390, %max3A_1392 : vector<200x128xf32>
    %mul3A_1394 = arith.mulf %select_n3A_1295, %select_n3A_1295 : vector<200x1xf32>
    %mul3A_1395 = arith.mulf %mul3A_1394, %mul3A_1058 : vector<200x1xf32>
    %mul3A_1396 = vector.broadcast %mul3A_1395 : vector<200x1xf32> to vector<200x128xf32>
    %mul3A_1397 = arith.mulf %mul3A_1396, %dot_general3A_1338 : vector<200x128xf32>
    %add3A_1398 = arith.addf %mul3A_1369, %mul3A_1397 : vector<200x128xf32>
    %add3A_1399 = vector.broadcast %get3A_1236 : vector<1x128xf32> to vector<200x128xf32>
    %add3A_1400 = arith.addf %add3A_1398, %add3A_1399 : vector<200x128xf32>
    %mul3A_1401 = vector.broadcast %mul3A_1058 : vector<200x1xf32> to vector<200x128xf32>
    %mul3A_1402 = arith.mulf %add3A_1400, %mul3A_1401 : vector<200x128xf32>
    %max3A_1403 = arith.constant 0.000000e+00 : f32
    %max3A_1404 = vector.broadcast %max3A_1403 : f32 to vector<200x128xf32>
    %max3A_1405 = arith.maximumf %mul3A_1402, %max3A_1404 : vector<200x128xf32>
    %mul3A_1406 = arith.mulf %select_n3A_1308, %select_n3A_1308 : vector<200x1xf32>
    %mul3A_1407 = arith.mulf %mul3A_1406, %mul3A_1067 : vector<200x1xf32>
    %mul3A_1408 = vector.broadcast %mul3A_1407 : vector<200x1xf32> to vector<200x128xf32>
    %mul3A_1409 = arith.mulf %mul3A_1408, %dot_general3A_1340 : vector<200x128xf32>
    %add3A_1410 = arith.addf %mul3A_1373, %mul3A_1409 : vector<200x128xf32>
    %add3A_1411 = vector.broadcast %get3A_1236 : vector<1x128xf32> to vector<200x128xf32>
    %add3A_1412 = arith.addf %add3A_1410, %add3A_1411 : vector<200x128xf32>
    %mul3A_1413 = vector.broadcast %mul3A_1067 : vector<200x1xf32> to vector<200x128xf32>
    %mul3A_1414 = arith.mulf %add3A_1412, %mul3A_1413 : vector<200x128xf32>
    %max3A_1415 = arith.constant 0.000000e+00 : f32
    %max3A_1416 = vector.broadcast %max3A_1415 : f32 to vector<200x128xf32>
    %max3A_1417 = arith.maximumf %mul3A_1414, %max3A_1416 : vector<200x128xf32>
    %mul3A_1418 = arith.mulf %select_n3A_1321, %select_n3A_1321 : vector<200x1xf32>
    %mul3A_1419 = arith.mulf %mul3A_1418, %mul3A_1076 : vector<200x1xf32>
    %mul3A_1420 = vector.broadcast %mul3A_1419 : vector<200x1xf32> to vector<200x128xf32>
    %mul3A_1421 = arith.mulf %mul3A_1420, %dot_general3A_1342 : vector<200x128xf32>
    %add3A_1422 = arith.addf %mul3A_1377, %mul3A_1421 : vector<200x128xf32>
    %add3A_1423 = vector.broadcast %get3A_1236 : vector<1x128xf32> to vector<200x128xf32>
    %add3A_1424 = arith.addf %add3A_1422, %add3A_1423 : vector<200x128xf32>
    %mul3A_1425 = vector.broadcast %mul3A_1076 : vector<200x1xf32> to vector<200x128xf32>
    %mul3A_1426 = arith.mulf %add3A_1424, %mul3A_1425 : vector<200x128xf32>
    %max3A_1427 = arith.constant 0.000000e+00 : f32
    %max3A_1428 = vector.broadcast %max3A_1427 : f32 to vector<200x128xf32>
    %max3A_1429 = arith.maximumf %mul3A_1426, %max3A_1428 : vector<200x128xf32>
    %mul3A_1430 = arith.mulf %select_n3A_1334, %select_n3A_1334 : vector<200x1xf32>
    %mul3A_1431 = arith.mulf %mul3A_1430, %mul3A_1085 : vector<200x1xf32>
    %mul3A_1432 = vector.broadcast %mul3A_1431 : vector<200x1xf32> to vector<200x128xf32>
    %mul3A_1433 = arith.mulf %mul3A_1432, %dot_general3A_1344 : vector<200x128xf32>
    %add3A_1434 = arith.addf %mul3A_1381, %mul3A_1433 : vector<200x128xf32>
    %add3A_1435 = vector.broadcast %get3A_1236 : vector<1x128xf32> to vector<200x128xf32>
    %add3A_1436 = arith.addf %add3A_1434, %add3A_1435 : vector<200x128xf32>
    %mul3A_1437 = vector.broadcast %mul3A_1085 : vector<200x1xf32> to vector<200x128xf32>
    %mul3A_1438 = arith.mulf %add3A_1436, %mul3A_1437 : vector<200x128xf32>
    %max3A_1439 = arith.constant 0.000000e+00 : f32
    %max3A_1440 = vector.broadcast %max3A_1439 : f32 to vector<200x128xf32>
    %max3A_1441 = arith.maximumf %mul3A_1438, %max3A_1440 : vector<200x128xf32>
    %dot_general3A_1442 = arith.constant dense<0.000000e+00> : vector<200x1xf32>
    %dot_general3A_1443 = tpu.matmul %max3A_1393, %get3A_1239, %dot_general3A_1442 {dimension_numbers = #tpu.dot_dimension_numbers<[1], [0], [0], [1], [0, 0, 1, 1], [], []>, transpose_lhs_hint = false} : vector<200x128xf32>, vector<128x1xf32>, vector<200x1xf32> -> vector<200x1xf32>
    %dot_general3A_1444 = arith.constant dense<0.000000e+00> : vector<200x1xf32>
    %dot_general3A_1445 = tpu.matmul %max3A_1405, %get3A_1239, %dot_general3A_1444 {dimension_numbers = #tpu.dot_dimension_numbers<[1], [0], [0], [1], [0, 0, 1, 1], [], []>, transpose_lhs_hint = false} : vector<200x128xf32>, vector<128x1xf32>, vector<200x1xf32> -> vector<200x1xf32>
    %dot_general3A_1446 = arith.constant dense<0.000000e+00> : vector<200x1xf32>
    %dot_general3A_1447 = tpu.matmul %max3A_1417, %get3A_1239, %dot_general3A_1446 {dimension_numbers = #tpu.dot_dimension_numbers<[1], [0], [0], [1], [0, 0, 1, 1], [], []>, transpose_lhs_hint = false} : vector<200x128xf32>, vector<128x1xf32>, vector<200x1xf32> -> vector<200x1xf32>
    %dot_general3A_1448 = arith.constant dense<0.000000e+00> : vector<200x1xf32>
    %dot_general3A_1449 = tpu.matmul %max3A_1429, %get3A_1239, %dot_general3A_1448 {dimension_numbers = #tpu.dot_dimension_numbers<[1], [0], [0], [1], [0, 0, 1, 1], [], []>, transpose_lhs_hint = false} : vector<200x128xf32>, vector<128x1xf32>, vector<200x1xf32> -> vector<200x1xf32>
    %dot_general3A_1450 = arith.constant dense<0.000000e+00> : vector<200x1xf32>
    %dot_general3A_1451 = tpu.matmul %max3A_1441, %get3A_1239, %dot_general3A_1450 {dimension_numbers = #tpu.dot_dimension_numbers<[1], [0], [0], [1], [0, 0, 1, 1], [], []>, transpose_lhs_hint = false} : vector<200x128xf32>, vector<128x1xf32>, vector<200x1xf32> -> vector<200x1xf32>
    %mul3A_1452 = arith.mulf %select_n3A_1282, %dot_general3A_1443 : vector<200x1xf32>
    %concatenate3A_1453 = tpu.concatenate %mul3A_1452, %broadcast_in_dim3A_1244 in 0 : vector<200x1xf32>, vector<56x1xf32> -> vector<256x1xf32>
    %mul3A_1454 = arith.mulf %select_n3A_1295, %dot_general3A_1445 : vector<200x1xf32>
    %concatenate3A_1455 = tpu.concatenate %mul3A_1454, %broadcast_in_dim3A_1244 in 0 : vector<200x1xf32>, vector<56x1xf32> -> vector<256x1xf32>
    %mul3A_1456 = arith.mulf %select_n3A_1308, %dot_general3A_1447 : vector<200x1xf32>
    %concatenate3A_1457 = tpu.concatenate %mul3A_1456, %broadcast_in_dim3A_1244 in 0 : vector<200x1xf32>, vector<56x1xf32> -> vector<256x1xf32>
    %mul3A_1458 = arith.mulf %select_n3A_1321, %dot_general3A_1449 : vector<200x1xf32>
    %concatenate3A_1459 = tpu.concatenate %mul3A_1458, %broadcast_in_dim3A_1244 in 0 : vector<200x1xf32>, vector<56x1xf32> -> vector<256x1xf32>
    %mul3A_1460 = arith.mulf %select_n3A_1334, %dot_general3A_1451 : vector<200x1xf32>
    %concatenate3A_1461 = tpu.concatenate %mul3A_1460, %broadcast_in_dim3A_1244 in 0 : vector<200x1xf32>, vector<56x1xf32> -> vector<256x1xf32>
    %dot_general3A_1462 = arith.constant dense<0.000000e+00> : vector<200x1xf32>
    %dot_general3A_1463 = tpu.matmul %get3A_6, %concatenate3A_1453, %dot_general3A_1462 {dimension_numbers = #tpu.dot_dimension_numbers<[1], [0], [0], [1], [0, 0, 1, 1], [], []>, transpose_lhs_hint = false} : vector<200x256xf32>, vector<256x1xf32>, vector<200x1xf32> -> vector<200x1xf32>
    %mul3A_1464 = arith.mulf %dot_general3A_1463, %select_n3A_1282 : vector<200x1xf32>
    %dot_general3A_1465 = arith.constant dense<0.000000e+00> : vector<200x1xf32>
    %dot_general3A_1466 = tpu.matmul %get3A_11, %concatenate3A_1455, %dot_general3A_1465 {dimension_numbers = #tpu.dot_dimension_numbers<[1], [0], [0], [1], [0, 0, 1, 1], [], []>, transpose_lhs_hint = false} : vector<200x256xf32>, vector<256x1xf32>, vector<200x1xf32> -> vector<200x1xf32>
    %mul3A_1467 = arith.mulf %dot_general3A_1466, %select_n3A_1295 : vector<200x1xf32>
    %dot_general3A_1468 = arith.constant dense<0.000000e+00> : vector<200x1xf32>
    %dot_general3A_1469 = tpu.matmul %get3A_16, %concatenate3A_1457, %dot_general3A_1468 {dimension_numbers = #tpu.dot_dimension_numbers<[1], [0], [0], [1], [0, 0, 1, 1], [], []>, transpose_lhs_hint = false} : vector<200x256xf32>, vector<256x1xf32>, vector<200x1xf32> -> vector<200x1xf32>
    %mul3A_1470 = arith.mulf %dot_general3A_1469, %select_n3A_1308 : vector<200x1xf32>
    %dot_general3A_1471 = arith.constant dense<0.000000e+00> : vector<200x1xf32>
    %dot_general3A_1472 = tpu.matmul %get3A_21, %concatenate3A_1459, %dot_general3A_1471 {dimension_numbers = #tpu.dot_dimension_numbers<[1], [0], [0], [1], [0, 0, 1, 1], [], []>, transpose_lhs_hint = false} : vector<200x256xf32>, vector<256x1xf32>, vector<200x1xf32> -> vector<200x1xf32>
    %mul3A_1473 = arith.mulf %dot_general3A_1472, %select_n3A_1321 : vector<200x1xf32>
    %dot_general3A_1474 = arith.constant dense<0.000000e+00> : vector<200x1xf32>
    %dot_general3A_1475 = tpu.matmul %get3A_26, %concatenate3A_1461, %dot_general3A_1474 {dimension_numbers = #tpu.dot_dimension_numbers<[1], [0], [0], [1], [0, 0, 1, 1], [], []>, transpose_lhs_hint = false} : vector<200x256xf32>, vector<256x1xf32>, vector<200x1xf32> -> vector<200x1xf32>
    %mul3A_1476 = arith.mulf %dot_general3A_1475, %select_n3A_1334 : vector<200x1xf32>
    %mul3A_1477 = arith.mulf %select_n3A_1282, %select_n3A_1282 : vector<200x1xf32>
    %mul3A_1478 = arith.mulf %mul3A_1477, %mul3A_1049 : vector<200x1xf32>
    %mul3A_1479 = arith.mulf %mul3A_1478, %dot_general3A_1443 : vector<200x1xf32>
    %add3A_1480 = arith.addf %mul3A_1464, %mul3A_1479 : vector<200x1xf32>
    %add3A_1481 = vector.broadcast %get3A_1242 : vector<1x1xf32> to vector<200x1xf32>
    %add3A_1482 = arith.addf %add3A_1480, %add3A_1481 : vector<200x1xf32>
    %mul3A_1483 = arith.mulf %add3A_1482, %mul3A_1049 : vector<200x1xf32>
    %mul3A_1484 = arith.mulf %select_n3A_1295, %select_n3A_1295 : vector<200x1xf32>
    %mul3A_1485 = arith.mulf %mul3A_1484, %mul3A_1058 : vector<200x1xf32>
    %mul3A_1486 = arith.mulf %mul3A_1485, %dot_general3A_1445 : vector<200x1xf32>
    %add3A_1487 = arith.addf %mul3A_1467, %mul3A_1486 : vector<200x1xf32>
    %add3A_1488 = vector.broadcast %get3A_1242 : vector<1x1xf32> to vector<200x1xf32>
    %add3A_1489 = arith.addf %add3A_1487, %add3A_1488 : vector<200x1xf32>
    %mul3A_1490 = arith.mulf %add3A_1489, %mul3A_1058 : vector<200x1xf32>
    %mul3A_1491 = arith.mulf %select_n3A_1308, %select_n3A_1308 : vector<200x1xf32>
    %mul3A_1492 = arith.mulf %mul3A_1491, %mul3A_1067 : vector<200x1xf32>
    %mul3A_1493 = arith.mulf %mul3A_1492, %dot_general3A_1447 : vector<200x1xf32>
    %add3A_1494 = arith.addf %mul3A_1470, %mul3A_1493 : vector<200x1xf32>
    %add3A_1495 = vector.broadcast %get3A_1242 : vector<1x1xf32> to vector<200x1xf32>
    %add3A_1496 = arith.addf %add3A_1494, %add3A_1495 : vector<200x1xf32>
    %mul3A_1497 = arith.mulf %add3A_1496, %mul3A_1067 : vector<200x1xf32>
    %mul3A_1498 = arith.mulf %select_n3A_1321, %select_n3A_1321 : vector<200x1xf32>
    %mul3A_1499 = arith.mulf %mul3A_1498, %mul3A_1076 : vector<200x1xf32>
    %mul3A_1500 = arith.mulf %mul3A_1499, %dot_general3A_1449 : vector<200x1xf32>
    %add3A_1501 = arith.addf %mul3A_1473, %mul3A_1500 : vector<200x1xf32>
    %add3A_1502 = vector.broadcast %get3A_1242 : vector<1x1xf32> to vector<200x1xf32>
    %add3A_1503 = arith.addf %add3A_1501, %add3A_1502 : vector<200x1xf32>
    %mul3A_1504 = arith.mulf %add3A_1503, %mul3A_1076 : vector<200x1xf32>
    %mul3A_1505 = arith.mulf %select_n3A_1334, %select_n3A_1334 : vector<200x1xf32>
    %mul3A_1506 = arith.mulf %mul3A_1505, %mul3A_1085 : vector<200x1xf32>
    %mul3A_1507 = arith.mulf %mul3A_1506, %dot_general3A_1451 : vector<200x1xf32>
    %add3A_1508 = arith.addf %mul3A_1476, %mul3A_1507 : vector<200x1xf32>
    %add3A_1509 = vector.broadcast %get3A_1242 : vector<1x1xf32> to vector<200x1xf32>
    %add3A_1510 = arith.addf %add3A_1508, %add3A_1509 : vector<200x1xf32>
    %mul3A_1511 = arith.mulf %add3A_1510, %mul3A_1085 : vector<200x1xf32>
    %gt3A_1512 = arith.constant 0.000000e+00 : f32
    %gt3A_1513 = vector.broadcast %gt3A_1512 : f32 to vector<200x1xf32>
    %gt3A_1514 = arith.cmpf ogt, %mul3A_1049, %gt3A_1513 : vector<200x1xf32>
    %jit3A_1515 = arith.constant -1.000000e+09 : f32
    %broadcast_in_dim3A_1516 = vector.broadcast %jit3A_1515 : f32 to vector<200x1xf32>
    %select_n3A_1517 = arith.select %gt3A_1514, %mul3A_1483, %broadcast_in_dim3A_1516 : vector<200x1xi1>, vector<200x1xf32>
    %gt3A_1518 = arith.constant 0.000000e+00 : f32
    %gt3A_1519 = vector.broadcast %gt3A_1518 : f32 to vector<200x1xf32>
    %gt3A_1520 = arith.cmpf ogt, %mul3A_1058, %gt3A_1519 : vector<200x1xf32>
    %jit3A_1521 = arith.constant -1.000000e+09 : f32
    %broadcast_in_dim3A_1522 = vector.broadcast %jit3A_1521 : f32 to vector<200x1xf32>
    %select_n3A_1523 = arith.select %gt3A_1520, %mul3A_1490, %broadcast_in_dim3A_1522 : vector<200x1xi1>, vector<200x1xf32>
    %gt3A_1524 = arith.constant 0.000000e+00 : f32
    %gt3A_1525 = vector.broadcast %gt3A_1524 : f32 to vector<200x1xf32>
    %gt3A_1526 = arith.cmpf ogt, %mul3A_1067, %gt3A_1525 : vector<200x1xf32>
    %jit3A_1527 = arith.constant -1.000000e+09 : f32
    %broadcast_in_dim3A_1528 = vector.broadcast %jit3A_1527 : f32 to vector<200x1xf32>
    %select_n3A_1529 = arith.select %gt3A_1526, %mul3A_1497, %broadcast_in_dim3A_1528 : vector<200x1xi1>, vector<200x1xf32>
    %gt3A_1530 = arith.constant 0.000000e+00 : f32
    %gt3A_1531 = vector.broadcast %gt3A_1530 : f32 to vector<200x1xf32>
    %gt3A_1532 = arith.cmpf ogt, %mul3A_1076, %gt3A_1531 : vector<200x1xf32>
    %jit3A_1533 = arith.constant -1.000000e+09 : f32
    %broadcast_in_dim3A_1534 = vector.broadcast %jit3A_1533 : f32 to vector<200x1xf32>
    %select_n3A_1535 = arith.select %gt3A_1532, %mul3A_1504, %broadcast_in_dim3A_1534 : vector<200x1xi1>, vector<200x1xf32>
    %gt3A_1536 = arith.constant 0.000000e+00 : f32
    %gt3A_1537 = vector.broadcast %gt3A_1536 : f32 to vector<200x1xf32>
    %gt3A_1538 = arith.cmpf ogt, %mul3A_1085, %gt3A_1537 : vector<200x1xf32>
    %jit3A_1539 = arith.constant -1.000000e+09 : f32
    %broadcast_in_dim3A_1540 = vector.broadcast %jit3A_1539 : f32 to vector<200x1xf32>
    %select_n3A_1541 = arith.select %gt3A_1538, %mul3A_1511, %broadcast_in_dim3A_1540 : vector<200x1xi1>, vector<200x1xf32>
    %dot_general3A_1542 = arith.constant dense<0.000000e+00> : vector<1x200xf32>
    %dot_general3A_1543 = tpu.matmul %select_n3A_1517, %select_n3A, %dot_general3A_1542 {dimension_numbers = #tpu.dot_dimension_numbers<[0], [0], [1], [1], [0, 1, 1, 1], [], []>, transpose_lhs_hint = false} : vector<200x1xf32>, vector<200x200xf32>, vector<1x200xf32> -> vector<1x200xf32>
    %dot_general3A_1544 = arith.constant dense<0.000000e+00> : vector<1x200xf32>
    %dot_general3A_1545 = tpu.matmul %select_n3A_1523, %select_n3A, %dot_general3A_1544 {dimension_numbers = #tpu.dot_dimension_numbers<[0], [0], [1], [1], [0, 1, 1, 1], [], []>, transpose_lhs_hint = false} : vector<200x1xf32>, vector<200x200xf32>, vector<1x200xf32> -> vector<1x200xf32>
    %dot_general3A_1546 = arith.constant dense<0.000000e+00> : vector<1x200xf32>
    %dot_general3A_1547 = tpu.matmul %select_n3A_1529, %select_n3A, %dot_general3A_1546 {dimension_numbers = #tpu.dot_dimension_numbers<[0], [0], [1], [1], [0, 1, 1, 1], [], []>, transpose_lhs_hint = false} : vector<200x1xf32>, vector<200x200xf32>, vector<1x200xf32> -> vector<1x200xf32>
    %dot_general3A_1548 = arith.constant dense<0.000000e+00> : vector<1x200xf32>
    %dot_general3A_1549 = tpu.matmul %select_n3A_1535, %select_n3A, %dot_general3A_1548 {dimension_numbers = #tpu.dot_dimension_numbers<[0], [0], [1], [1], [0, 1, 1, 1], [], []>, transpose_lhs_hint = false} : vector<200x1xf32>, vector<200x200xf32>, vector<1x200xf32> -> vector<1x200xf32>
    %dot_general3A_1550 = arith.constant dense<0.000000e+00> : vector<1x200xf32>
    %dot_general3A_1551 = tpu.matmul %select_n3A_1541, %select_n3A, %dot_general3A_1550 {dimension_numbers = #tpu.dot_dimension_numbers<[0], [0], [1], [1], [0, 1, 1, 1], [], []>, transpose_lhs_hint = false} : vector<200x1xf32>, vector<200x200xf32>, vector<1x200xf32> -> vector<1x200xf32>
    %gt3A_1552 = vector.broadcast %dot_general3A_1543 : vector<1x200xf32> to vector<200x200xf32>
    %gt3A_1553 = vector.broadcast %select_n3A_1517 : vector<200x1xf32> to vector<200x200xf32>
    %gt3A_1554 = arith.cmpf ogt, %gt3A_1552, %gt3A_1553 : vector<200x200xf32>
    %eq3A_1555 = vector.broadcast %dot_general3A_1543 : vector<1x200xf32> to vector<200x200xf32>
    %eq3A_1556 = vector.broadcast %select_n3A_1517 : vector<200x1xf32> to vector<200x200xf32>
    %eq3A_1557 = arith.cmpf oeq, %eq3A_1555, %eq3A_1556 : vector<200x200xf32>
    %and3A_1558 = arith.andi %eq3A_1557, %lt3A : vector<200x200xi1>
    %or3A_1559 = arith.ori %gt3A_1554, %and3A_1558 : vector<200x200xi1>
    %jit3A_1560 = arith.constant 1.000000e+00 : f32
    %jit3A_1561 = arith.constant 0.000000e+00 : f32
    %broadcast_in_dim3A_1562 = vector.broadcast %jit3A_1560 : f32 to vector<200x200xf32>
    %broadcast_in_dim3A_1563 = vector.broadcast %jit3A_1561 : f32 to vector<200x200xf32>
    %select_n3A_1564 = arith.select %or3A_1559, %broadcast_in_dim3A_1562, %broadcast_in_dim3A_1563 : vector<200x200xi1>, vector<200x200xf32>
    %reduce_sum3A_1565 = arith.constant dense<0.000000e+00> : vector<200xf32>
    %reduce_sum3A_1566 = vector.multi_reduction <add>, %select_n3A_1564, %reduce_sum3A_1565 [1] : vector<200x200xf32> to vector<200xf32>
    %broadcast_in_dim3A_1567 = vector.shape_cast %reduce_sum3A_1566 : vector<200xf32> to vector<200x1xf32>
    %gt3A_1568 = vector.broadcast %dot_general3A_1545 : vector<1x200xf32> to vector<200x200xf32>
    %gt3A_1569 = vector.broadcast %select_n3A_1523 : vector<200x1xf32> to vector<200x200xf32>
    %gt3A_1570 = arith.cmpf ogt, %gt3A_1568, %gt3A_1569 : vector<200x200xf32>
    %eq3A_1571 = vector.broadcast %dot_general3A_1545 : vector<1x200xf32> to vector<200x200xf32>
    %eq3A_1572 = vector.broadcast %select_n3A_1523 : vector<200x1xf32> to vector<200x200xf32>
    %eq3A_1573 = arith.cmpf oeq, %eq3A_1571, %eq3A_1572 : vector<200x200xf32>
    %and3A_1574 = arith.andi %eq3A_1573, %lt3A : vector<200x200xi1>
    %or3A_1575 = arith.ori %gt3A_1570, %and3A_1574 : vector<200x200xi1>
    %jit3A_1576 = arith.constant 1.000000e+00 : f32
    %jit3A_1577 = arith.constant 0.000000e+00 : f32
    %broadcast_in_dim3A_1578 = vector.broadcast %jit3A_1576 : f32 to vector<200x200xf32>
    %broadcast_in_dim3A_1579 = vector.broadcast %jit3A_1577 : f32 to vector<200x200xf32>
    %select_n3A_1580 = arith.select %or3A_1575, %broadcast_in_dim3A_1578, %broadcast_in_dim3A_1579 : vector<200x200xi1>, vector<200x200xf32>
    %reduce_sum3A_1581 = arith.constant dense<0.000000e+00> : vector<200xf32>
    %reduce_sum3A_1582 = vector.multi_reduction <add>, %select_n3A_1580, %reduce_sum3A_1581 [1] : vector<200x200xf32> to vector<200xf32>
    %broadcast_in_dim3A_1583 = vector.shape_cast %reduce_sum3A_1582 : vector<200xf32> to vector<200x1xf32>
    %gt3A_1584 = vector.broadcast %dot_general3A_1547 : vector<1x200xf32> to vector<200x200xf32>
    %gt3A_1585 = vector.broadcast %select_n3A_1529 : vector<200x1xf32> to vector<200x200xf32>
    %gt3A_1586 = arith.cmpf ogt, %gt3A_1584, %gt3A_1585 : vector<200x200xf32>
    %eq3A_1587 = vector.broadcast %dot_general3A_1547 : vector<1x200xf32> to vector<200x200xf32>
    %eq3A_1588 = vector.broadcast %select_n3A_1529 : vector<200x1xf32> to vector<200x200xf32>
    %eq3A_1589 = arith.cmpf oeq, %eq3A_1587, %eq3A_1588 : vector<200x200xf32>
    %and3A_1590 = arith.andi %eq3A_1589, %lt3A : vector<200x200xi1>
    %or3A_1591 = arith.ori %gt3A_1586, %and3A_1590 : vector<200x200xi1>
    %jit3A_1592 = arith.constant 1.000000e+00 : f32
    %jit3A_1593 = arith.constant 0.000000e+00 : f32
    %broadcast_in_dim3A_1594 = vector.broadcast %jit3A_1592 : f32 to vector<200x200xf32>
    %broadcast_in_dim3A_1595 = vector.broadcast %jit3A_1593 : f32 to vector<200x200xf32>
    %select_n3A_1596 = arith.select %or3A_1591, %broadcast_in_dim3A_1594, %broadcast_in_dim3A_1595 : vector<200x200xi1>, vector<200x200xf32>
    %reduce_sum3A_1597 = arith.constant dense<0.000000e+00> : vector<200xf32>
    %reduce_sum3A_1598 = vector.multi_reduction <add>, %select_n3A_1596, %reduce_sum3A_1597 [1] : vector<200x200xf32> to vector<200xf32>
    %broadcast_in_dim3A_1599 = vector.shape_cast %reduce_sum3A_1598 : vector<200xf32> to vector<200x1xf32>
    %gt3A_1600 = vector.broadcast %dot_general3A_1549 : vector<1x200xf32> to vector<200x200xf32>
    %gt3A_1601 = vector.broadcast %select_n3A_1535 : vector<200x1xf32> to vector<200x200xf32>
    %gt3A_1602 = arith.cmpf ogt, %gt3A_1600, %gt3A_1601 : vector<200x200xf32>
    %eq3A_1603 = vector.broadcast %dot_general3A_1549 : vector<1x200xf32> to vector<200x200xf32>
    %eq3A_1604 = vector.broadcast %select_n3A_1535 : vector<200x1xf32> to vector<200x200xf32>
    %eq3A_1605 = arith.cmpf oeq, %eq3A_1603, %eq3A_1604 : vector<200x200xf32>
    %and3A_1606 = arith.andi %eq3A_1605, %lt3A : vector<200x200xi1>
    %or3A_1607 = arith.ori %gt3A_1602, %and3A_1606 : vector<200x200xi1>
    %jit3A_1608 = arith.constant 1.000000e+00 : f32
    %jit3A_1609 = arith.constant 0.000000e+00 : f32
    %broadcast_in_dim3A_1610 = vector.broadcast %jit3A_1608 : f32 to vector<200x200xf32>
    %broadcast_in_dim3A_1611 = vector.broadcast %jit3A_1609 : f32 to vector<200x200xf32>
    %select_n3A_1612 = arith.select %or3A_1607, %broadcast_in_dim3A_1610, %broadcast_in_dim3A_1611 : vector<200x200xi1>, vector<200x200xf32>
    %reduce_sum3A_1613 = arith.constant dense<0.000000e+00> : vector<200xf32>
    %reduce_sum3A_1614 = vector.multi_reduction <add>, %select_n3A_1612, %reduce_sum3A_1613 [1] : vector<200x200xf32> to vector<200xf32>
    %broadcast_in_dim3A_1615 = vector.shape_cast %reduce_sum3A_1614 : vector<200xf32> to vector<200x1xf32>
    %gt3A_1616 = vector.broadcast %dot_general3A_1551 : vector<1x200xf32> to vector<200x200xf32>
    %gt3A_1617 = vector.broadcast %select_n3A_1541 : vector<200x1xf32> to vector<200x200xf32>
    %gt3A_1618 = arith.cmpf ogt, %gt3A_1616, %gt3A_1617 : vector<200x200xf32>
    %eq3A_1619 = vector.broadcast %dot_general3A_1551 : vector<1x200xf32> to vector<200x200xf32>
    %eq3A_1620 = vector.broadcast %select_n3A_1541 : vector<200x1xf32> to vector<200x200xf32>
    %eq3A_1621 = arith.cmpf oeq, %eq3A_1619, %eq3A_1620 : vector<200x200xf32>
    %and3A_1622 = arith.andi %eq3A_1621, %lt3A : vector<200x200xi1>
    %or3A_1623 = arith.ori %gt3A_1618, %and3A_1622 : vector<200x200xi1>
    %jit3A_1624 = arith.constant 1.000000e+00 : f32
    %jit3A_1625 = arith.constant 0.000000e+00 : f32
    %broadcast_in_dim3A_1626 = vector.broadcast %jit3A_1624 : f32 to vector<200x200xf32>
    %broadcast_in_dim3A_1627 = vector.broadcast %jit3A_1625 : f32 to vector<200x200xf32>
    %select_n3A_1628 = arith.select %or3A_1623, %broadcast_in_dim3A_1626, %broadcast_in_dim3A_1627 : vector<200x200xi1>, vector<200x200xf32>
    %reduce_sum3A_1629 = arith.constant dense<0.000000e+00> : vector<200xf32>
    %reduce_sum3A_1630 = vector.multi_reduction <add>, %select_n3A_1628, %reduce_sum3A_1629 [1] : vector<200x200xf32> to vector<200xf32>
    %broadcast_in_dim3A_1631 = vector.shape_cast %reduce_sum3A_1630 : vector<200xf32> to vector<200x1xf32>
    %lt3A_1632 = arith.constant 2.500000e+01 : f32
    %lt3A_1633 = vector.broadcast %lt3A_1632 : f32 to vector<200x1xf32>
    %lt3A_1634 = arith.cmpf olt, %broadcast_in_dim3A_1567, %lt3A_1633 : vector<200x1xf32>
    %jit3A_1635 = arith.constant 1.000000e+00 : f32
    %jit3A_1636 = arith.constant 0.000000e+00 : f32
    %broadcast_in_dim3A_1637 = vector.broadcast %jit3A_1635 : f32 to vector<200x1xf32>
    %broadcast_in_dim3A_1638 = vector.broadcast %jit3A_1636 : f32 to vector<200x1xf32>
    %select_n3A_1639 = arith.select %lt3A_1634, %broadcast_in_dim3A_1637, %broadcast_in_dim3A_1638 : vector<200x1xi1>, vector<200x1xf32>
    %mul3A_1640 = arith.mulf %select_n3A_1639, %mul3A_1049 : vector<200x1xf32>
    %lt3A_1641 = arith.constant 2.500000e+01 : f32
    %lt3A_1642 = vector.broadcast %lt3A_1641 : f32 to vector<200x1xf32>
    %lt3A_1643 = arith.cmpf olt, %broadcast_in_dim3A_1583, %lt3A_1642 : vector<200x1xf32>
    %jit3A_1644 = arith.constant 1.000000e+00 : f32
    %jit3A_1645 = arith.constant 0.000000e+00 : f32
    %broadcast_in_dim3A_1646 = vector.broadcast %jit3A_1644 : f32 to vector<200x1xf32>
    %broadcast_in_dim3A_1647 = vector.broadcast %jit3A_1645 : f32 to vector<200x1xf32>
    %select_n3A_1648 = arith.select %lt3A_1643, %broadcast_in_dim3A_1646, %broadcast_in_dim3A_1647 : vector<200x1xi1>, vector<200x1xf32>
    %mul3A_1649 = arith.mulf %select_n3A_1648, %mul3A_1058 : vector<200x1xf32>
    %lt3A_1650 = arith.constant 2.500000e+01 : f32
    %lt3A_1651 = vector.broadcast %lt3A_1650 : f32 to vector<200x1xf32>
    %lt3A_1652 = arith.cmpf olt, %broadcast_in_dim3A_1599, %lt3A_1651 : vector<200x1xf32>
    %jit3A_1653 = arith.constant 1.000000e+00 : f32
    %jit3A_1654 = arith.constant 0.000000e+00 : f32
    %broadcast_in_dim3A_1655 = vector.broadcast %jit3A_1653 : f32 to vector<200x1xf32>
    %broadcast_in_dim3A_1656 = vector.broadcast %jit3A_1654 : f32 to vector<200x1xf32>
    %select_n3A_1657 = arith.select %lt3A_1652, %broadcast_in_dim3A_1655, %broadcast_in_dim3A_1656 : vector<200x1xi1>, vector<200x1xf32>
    %mul3A_1658 = arith.mulf %select_n3A_1657, %mul3A_1067 : vector<200x1xf32>
    %lt3A_1659 = arith.constant 2.500000e+01 : f32
    %lt3A_1660 = vector.broadcast %lt3A_1659 : f32 to vector<200x1xf32>
    %lt3A_1661 = arith.cmpf olt, %broadcast_in_dim3A_1615, %lt3A_1660 : vector<200x1xf32>
    %jit3A_1662 = arith.constant 1.000000e+00 : f32
    %jit3A_1663 = arith.constant 0.000000e+00 : f32
    %broadcast_in_dim3A_1664 = vector.broadcast %jit3A_1662 : f32 to vector<200x1xf32>
    %broadcast_in_dim3A_1665 = vector.broadcast %jit3A_1663 : f32 to vector<200x1xf32>
    %select_n3A_1666 = arith.select %lt3A_1661, %broadcast_in_dim3A_1664, %broadcast_in_dim3A_1665 : vector<200x1xi1>, vector<200x1xf32>
    %mul3A_1667 = arith.mulf %select_n3A_1666, %mul3A_1076 : vector<200x1xf32>
    %lt3A_1668 = arith.constant 2.500000e+01 : f32
    %lt3A_1669 = vector.broadcast %lt3A_1668 : f32 to vector<200x1xf32>
    %lt3A_1670 = arith.cmpf olt, %broadcast_in_dim3A_1631, %lt3A_1669 : vector<200x1xf32>
    %jit3A_1671 = arith.constant 1.000000e+00 : f32
    %jit3A_1672 = arith.constant 0.000000e+00 : f32
    %broadcast_in_dim3A_1673 = vector.broadcast %jit3A_1671 : f32 to vector<200x1xf32>
    %broadcast_in_dim3A_1674 = vector.broadcast %jit3A_1672 : f32 to vector<200x1xf32>
    %select_n3A_1675 = arith.select %lt3A_1670, %broadcast_in_dim3A_1673, %broadcast_in_dim3A_1674 : vector<200x1xi1>, vector<200x1xf32>
    %mul3A_1676 = arith.mulf %select_n3A_1675, %mul3A_1085 : vector<200x1xf32>
    %tanh3A_1677 = math.tanh %mul3A_1483 : vector<200x1xf32>
    %mul3A_1678 = vector.broadcast %tanh3A_1677 : vector<200x1xf32> to vector<200x128xf32>
    %mul3A_1679 = arith.mulf %max3A_1393, %mul3A_1678 : vector<200x128xf32>
    %mul3A_1680 = vector.broadcast %mul3A_1640 : vector<200x1xf32> to vector<200x128xf32>
    %mul3A_1681 = arith.mulf %mul3A_1679, %mul3A_1680 : vector<200x128xf32>
    %tanh3A_1682 = math.tanh %mul3A_1490 : vector<200x1xf32>
    %mul3A_1683 = vector.broadcast %tanh3A_1682 : vector<200x1xf32> to vector<200x128xf32>
    %mul3A_1684 = arith.mulf %max3A_1405, %mul3A_1683 : vector<200x128xf32>
    %mul3A_1685 = vector.broadcast %mul3A_1649 : vector<200x1xf32> to vector<200x128xf32>
    %mul3A_1686 = arith.mulf %mul3A_1684, %mul3A_1685 : vector<200x128xf32>
    %tanh3A_1687 = math.tanh %mul3A_1497 : vector<200x1xf32>
    %mul3A_1688 = vector.broadcast %tanh3A_1687 : vector<200x1xf32> to vector<200x128xf32>
    %mul3A_1689 = arith.mulf %max3A_1417, %mul3A_1688 : vector<200x128xf32>
    %mul3A_1690 = vector.broadcast %mul3A_1658 : vector<200x1xf32> to vector<200x128xf32>
    %mul3A_1691 = arith.mulf %mul3A_1689, %mul3A_1690 : vector<200x128xf32>
    %tanh3A_1692 = math.tanh %mul3A_1504 : vector<200x1xf32>
    %mul3A_1693 = vector.broadcast %tanh3A_1692 : vector<200x1xf32> to vector<200x128xf32>
    %mul3A_1694 = arith.mulf %max3A_1429, %mul3A_1693 : vector<200x128xf32>
    %mul3A_1695 = vector.broadcast %mul3A_1667 : vector<200x1xf32> to vector<200x128xf32>
    %mul3A_1696 = arith.mulf %mul3A_1694, %mul3A_1695 : vector<200x128xf32>
    %tanh3A_1697 = math.tanh %mul3A_1511 : vector<200x1xf32>
    %mul3A_1698 = vector.broadcast %tanh3A_1697 : vector<200x1xf32> to vector<200x128xf32>
    %mul3A_1699 = arith.mulf %max3A_1441, %mul3A_1698 : vector<200x128xf32>
    %mul3A_1700 = vector.broadcast %mul3A_1676 : vector<200x1xf32> to vector<200x128xf32>
    %mul3A_1701 = arith.mulf %mul3A_1699, %mul3A_1700 : vector<200x128xf32>
    %gt3A_1702 = arith.constant 0.000000e+00 : f32
    %gt3A_1703 = vector.broadcast %gt3A_1702 : f32 to vector<200x1xf32>
    %gt3A_1704 = arith.cmpf ogt, %mul3A_1640, %gt3A_1703 : vector<200x1xf32>
    %jit3A_1705 = arith.constant -1.000000e+09 : f32
    %broadcast_in_dim3A_1706 = vector.shape_cast %gt3A_1704 : vector<200x1xi1> to vector<200x1xi1>
    %broadcast_in_dim3A_1707 = vector.broadcast %broadcast_in_dim3A_1706 : vector<200x1xi1> to vector<200x128xi1>
    %broadcast_in_dim3A_1708 = vector.broadcast %jit3A_1705 : f32 to vector<200x128xf32>
    %select_n3A_1709 = arith.select %broadcast_in_dim3A_1707, %mul3A_1681, %broadcast_in_dim3A_1708 : vector<200x128xi1>, vector<200x128xf32>
    %reduce_max3A_1710 = arith.constant dense<0xFF800000> : vector<128xf32>
    %reduce_max3A_1711 = vector.multi_reduction <maximumf>, %select_n3A_1709, %reduce_max3A_1710 [0] : vector<200x128xf32> to vector<128xf32>
    %broadcast_in_dim3A_1712 = vector.shape_cast %reduce_max3A_1711 : vector<128xf32> to vector<1x128xf32>
    %gt3A_1713 = arith.constant 0.000000e+00 : f32
    %gt3A_1714 = vector.broadcast %gt3A_1713 : f32 to vector<200x1xf32>
    %gt3A_1715 = arith.cmpf ogt, %mul3A_1649, %gt3A_1714 : vector<200x1xf32>
    %jit3A_1716 = arith.constant -1.000000e+09 : f32
    %broadcast_in_dim3A_1717 = vector.shape_cast %gt3A_1715 : vector<200x1xi1> to vector<200x1xi1>
    %broadcast_in_dim3A_1718 = vector.broadcast %broadcast_in_dim3A_1717 : vector<200x1xi1> to vector<200x128xi1>
    %broadcast_in_dim3A_1719 = vector.broadcast %jit3A_1716 : f32 to vector<200x128xf32>
    %select_n3A_1720 = arith.select %broadcast_in_dim3A_1718, %mul3A_1686, %broadcast_in_dim3A_1719 : vector<200x128xi1>, vector<200x128xf32>
    %reduce_max3A_1721 = arith.constant dense<0xFF800000> : vector<128xf32>
    %reduce_max3A_1722 = vector.multi_reduction <maximumf>, %select_n3A_1720, %reduce_max3A_1721 [0] : vector<200x128xf32> to vector<128xf32>
    %broadcast_in_dim3A_1723 = vector.shape_cast %reduce_max3A_1722 : vector<128xf32> to vector<1x128xf32>
    %gt3A_1724 = arith.constant 0.000000e+00 : f32
    %gt3A_1725 = vector.broadcast %gt3A_1724 : f32 to vector<200x1xf32>
    %gt3A_1726 = arith.cmpf ogt, %mul3A_1658, %gt3A_1725 : vector<200x1xf32>
    %jit3A_1727 = arith.constant -1.000000e+09 : f32
    %broadcast_in_dim3A_1728 = vector.shape_cast %gt3A_1726 : vector<200x1xi1> to vector<200x1xi1>
    %broadcast_in_dim3A_1729 = vector.broadcast %broadcast_in_dim3A_1728 : vector<200x1xi1> to vector<200x128xi1>
    %broadcast_in_dim3A_1730 = vector.broadcast %jit3A_1727 : f32 to vector<200x128xf32>
    %select_n3A_1731 = arith.select %broadcast_in_dim3A_1729, %mul3A_1691, %broadcast_in_dim3A_1730 : vector<200x128xi1>, vector<200x128xf32>
    %reduce_max3A_1732 = arith.constant dense<0xFF800000> : vector<128xf32>
    %reduce_max3A_1733 = vector.multi_reduction <maximumf>, %select_n3A_1731, %reduce_max3A_1732 [0] : vector<200x128xf32> to vector<128xf32>
    %broadcast_in_dim3A_1734 = vector.shape_cast %reduce_max3A_1733 : vector<128xf32> to vector<1x128xf32>
    %gt3A_1735 = arith.constant 0.000000e+00 : f32
    %gt3A_1736 = vector.broadcast %gt3A_1735 : f32 to vector<200x1xf32>
    %gt3A_1737 = arith.cmpf ogt, %mul3A_1667, %gt3A_1736 : vector<200x1xf32>
    %jit3A_1738 = arith.constant -1.000000e+09 : f32
    %broadcast_in_dim3A_1739 = vector.shape_cast %gt3A_1737 : vector<200x1xi1> to vector<200x1xi1>
    %broadcast_in_dim3A_1740 = vector.broadcast %broadcast_in_dim3A_1739 : vector<200x1xi1> to vector<200x128xi1>
    %broadcast_in_dim3A_1741 = vector.broadcast %jit3A_1738 : f32 to vector<200x128xf32>
    %select_n3A_1742 = arith.select %broadcast_in_dim3A_1740, %mul3A_1696, %broadcast_in_dim3A_1741 : vector<200x128xi1>, vector<200x128xf32>
    %reduce_max3A_1743 = arith.constant dense<0xFF800000> : vector<128xf32>
    %reduce_max3A_1744 = vector.multi_reduction <maximumf>, %select_n3A_1742, %reduce_max3A_1743 [0] : vector<200x128xf32> to vector<128xf32>
    %broadcast_in_dim3A_1745 = vector.shape_cast %reduce_max3A_1744 : vector<128xf32> to vector<1x128xf32>
    %gt3A_1746 = arith.constant 0.000000e+00 : f32
    %gt3A_1747 = vector.broadcast %gt3A_1746 : f32 to vector<200x1xf32>
    %gt3A_1748 = arith.cmpf ogt, %mul3A_1676, %gt3A_1747 : vector<200x1xf32>
    %jit3A_1749 = arith.constant -1.000000e+09 : f32
    %broadcast_in_dim3A_1750 = vector.shape_cast %gt3A_1748 : vector<200x1xi1> to vector<200x1xi1>
    %broadcast_in_dim3A_1751 = vector.broadcast %broadcast_in_dim3A_1750 : vector<200x1xi1> to vector<200x128xi1>
    %broadcast_in_dim3A_1752 = vector.broadcast %jit3A_1749 : f32 to vector<200x128xf32>
    %select_n3A_1753 = arith.select %broadcast_in_dim3A_1751, %mul3A_1701, %broadcast_in_dim3A_1752 : vector<200x128xi1>, vector<200x128xf32>
    %reduce_max3A_1754 = arith.constant dense<0xFF800000> : vector<128xf32>
    %reduce_max3A_1755 = vector.multi_reduction <maximumf>, %select_n3A_1753, %reduce_max3A_1754 [0] : vector<200x128xf32> to vector<128xf32>
    %broadcast_in_dim3A_1756 = vector.shape_cast %reduce_max3A_1755 : vector<128xf32> to vector<1x128xf32>
    %reduce_sum3A_1757 = vector.shape_cast %mul3A_1640 : vector<200x1xf32> to vector<1x200x1xf32>
    %reduce_sum3A_1758 = arith.constant dense<0.000000e+00> : vector<1xf32>
    %reduce_sum3A_1759 = vector.multi_reduction <add>, %reduce_sum3A_1757, %reduce_sum3A_1758 [1, 2] : vector<1x200x1xf32> to vector<1xf32>
    %reduce_sum3A_1760 = vector.shape_cast %reduce_sum3A_1759 : vector<1xf32> to vector<1x1x1xf32>
    %reduce_sum3A_1761 = vector.extract %reduce_sum3A_1760[0, 0, 0] : f32 from vector<1x1x1xf32>
    %max3A_1762 = arith.constant 1.000000e+00 : f32
    %max3A_1763 = arith.maximumf %reduce_sum3A_1761, %max3A_1762 : f32
    %reduce_sum3A_1764 = vector.shape_cast %mul3A_1649 : vector<200x1xf32> to vector<1x200x1xf32>
    %reduce_sum3A_1765 = arith.constant dense<0.000000e+00> : vector<1xf32>
    %reduce_sum3A_1766 = vector.multi_reduction <add>, %reduce_sum3A_1764, %reduce_sum3A_1765 [1, 2] : vector<1x200x1xf32> to vector<1xf32>
    %reduce_sum3A_1767 = vector.shape_cast %reduce_sum3A_1766 : vector<1xf32> to vector<1x1x1xf32>
    %reduce_sum3A_1768 = vector.extract %reduce_sum3A_1767[0, 0, 0] : f32 from vector<1x1x1xf32>
    %max3A_1769 = arith.constant 1.000000e+00 : f32
    %max3A_1770 = arith.maximumf %reduce_sum3A_1768, %max3A_1769 : f32
    %reduce_sum3A_1771 = vector.shape_cast %mul3A_1658 : vector<200x1xf32> to vector<1x200x1xf32>
    %reduce_sum3A_1772 = arith.constant dense<0.000000e+00> : vector<1xf32>
    %reduce_sum3A_1773 = vector.multi_reduction <add>, %reduce_sum3A_1771, %reduce_sum3A_1772 [1, 2] : vector<1x200x1xf32> to vector<1xf32>
    %reduce_sum3A_1774 = vector.shape_cast %reduce_sum3A_1773 : vector<1xf32> to vector<1x1x1xf32>
    %reduce_sum3A_1775 = vector.extract %reduce_sum3A_1774[0, 0, 0] : f32 from vector<1x1x1xf32>
    %max3A_1776 = arith.constant 1.000000e+00 : f32
    %max3A_1777 = arith.maximumf %reduce_sum3A_1775, %max3A_1776 : f32
    %reduce_sum3A_1778 = vector.shape_cast %mul3A_1667 : vector<200x1xf32> to vector<1x200x1xf32>
    %reduce_sum3A_1779 = arith.constant dense<0.000000e+00> : vector<1xf32>
    %reduce_sum3A_1780 = vector.multi_reduction <add>, %reduce_sum3A_1778, %reduce_sum3A_1779 [1, 2] : vector<1x200x1xf32> to vector<1xf32>
    %reduce_sum3A_1781 = vector.shape_cast %reduce_sum3A_1780 : vector<1xf32> to vector<1x1x1xf32>
    %reduce_sum3A_1782 = vector.extract %reduce_sum3A_1781[0, 0, 0] : f32 from vector<1x1x1xf32>
    %max3A_1783 = arith.constant 1.000000e+00 : f32
    %max3A_1784 = arith.maximumf %reduce_sum3A_1782, %max3A_1783 : f32
    %reduce_sum3A_1785 = vector.shape_cast %mul3A_1676 : vector<200x1xf32> to vector<1x200x1xf32>
    %reduce_sum3A_1786 = arith.constant dense<0.000000e+00> : vector<1xf32>
    %reduce_sum3A_1787 = vector.multi_reduction <add>, %reduce_sum3A_1785, %reduce_sum3A_1786 [1, 2] : vector<1x200x1xf32> to vector<1xf32>
    %reduce_sum3A_1788 = vector.shape_cast %reduce_sum3A_1787 : vector<1xf32> to vector<1x1x1xf32>
    %reduce_sum3A_1789 = vector.extract %reduce_sum3A_1788[0, 0, 0] : f32 from vector<1x1x1xf32>
    %max3A_1790 = arith.constant 1.000000e+00 : f32
    %max3A_1791 = arith.maximumf %reduce_sum3A_1789, %max3A_1790 : f32
    %reduce_sum3A_1792 = arith.constant dense<0.000000e+00> : vector<128xf32>
    %reduce_sum3A_1793 = vector.multi_reduction <add>, %mul3A_1681, %reduce_sum3A_1792 [0] : vector<200x128xf32> to vector<128xf32>
    %broadcast_in_dim3A_1794 = vector.shape_cast %reduce_sum3A_1793 : vector<128xf32> to vector<1x128xf32>
    %div3A_1795 = vector.broadcast %max3A_1763 : f32 to vector<1x128xf32>
    %div3A_1796 = arith.divf %broadcast_in_dim3A_1794, %div3A_1795 : vector<1x128xf32>
    %reduce_sum3A_1797 = arith.constant dense<0.000000e+00> : vector<128xf32>
    %reduce_sum3A_1798 = vector.multi_reduction <add>, %mul3A_1686, %reduce_sum3A_1797 [0] : vector<200x128xf32> to vector<128xf32>
    %broadcast_in_dim3A_1799 = vector.shape_cast %reduce_sum3A_1798 : vector<128xf32> to vector<1x128xf32>
    %div3A_1800 = vector.broadcast %max3A_1770 : f32 to vector<1x128xf32>
    %div3A_1801 = arith.divf %broadcast_in_dim3A_1799, %div3A_1800 : vector<1x128xf32>
    %reduce_sum3A_1802 = arith.constant dense<0.000000e+00> : vector<128xf32>
    %reduce_sum3A_1803 = vector.multi_reduction <add>, %mul3A_1691, %reduce_sum3A_1802 [0] : vector<200x128xf32> to vector<128xf32>
    %broadcast_in_dim3A_1804 = vector.shape_cast %reduce_sum3A_1803 : vector<128xf32> to vector<1x128xf32>
    %div3A_1805 = vector.broadcast %max3A_1777 : f32 to vector<1x128xf32>
    %div3A_1806 = arith.divf %broadcast_in_dim3A_1804, %div3A_1805 : vector<1x128xf32>
    %reduce_sum3A_1807 = arith.constant dense<0.000000e+00> : vector<128xf32>
    %reduce_sum3A_1808 = vector.multi_reduction <add>, %mul3A_1696, %reduce_sum3A_1807 [0] : vector<200x128xf32> to vector<128xf32>
    %broadcast_in_dim3A_1809 = vector.shape_cast %reduce_sum3A_1808 : vector<128xf32> to vector<1x128xf32>
    %div3A_1810 = vector.broadcast %max3A_1784 : f32 to vector<1x128xf32>
    %div3A_1811 = arith.divf %broadcast_in_dim3A_1809, %div3A_1810 : vector<1x128xf32>
    %reduce_sum3A_1812 = arith.constant dense<0.000000e+00> : vector<128xf32>
    %reduce_sum3A_1813 = vector.multi_reduction <add>, %mul3A_1701, %reduce_sum3A_1812 [0] : vector<200x128xf32> to vector<128xf32>
    %broadcast_in_dim3A_1814 = vector.shape_cast %reduce_sum3A_1813 : vector<128xf32> to vector<1x128xf32>
    %div3A_1815 = vector.broadcast %max3A_1791 : f32 to vector<1x128xf32>
    %div3A_1816 = arith.divf %broadcast_in_dim3A_1814, %div3A_1815 : vector<1x128xf32>
    %concatenate3A_1817 = tpu.concatenate %broadcast_in_dim3A_1712, %div3A_1796 in 1 : vector<1x128xf32>, vector<1x128xf32> -> vector<1x256xf32>
    %concatenate3A_1818 = tpu.concatenate %broadcast_in_dim3A_1723, %div3A_1801 in 1 : vector<1x128xf32>, vector<1x128xf32> -> vector<1x256xf32>
    %concatenate3A_1819 = tpu.concatenate %broadcast_in_dim3A_1734, %div3A_1806 in 1 : vector<1x128xf32>, vector<1x128xf32> -> vector<1x256xf32>
    %concatenate3A_1820 = tpu.concatenate %broadcast_in_dim3A_1745, %div3A_1811 in 1 : vector<1x128xf32>, vector<1x128xf32> -> vector<1x256xf32>
    %concatenate3A_1821 = tpu.concatenate %broadcast_in_dim3A_1756, %div3A_1816 in 1 : vector<1x128xf32>, vector<1x128xf32> -> vector<1x256xf32>
    %concatenate3A_1822 = tpu.concatenate %concatenate3A_635, %concatenate3A_1226, %concatenate3A_1817 in 1 : vector<1x256xf32>, vector<1x256xf32>, vector<1x256xf32> -> vector<1x768xf32>
    %concatenate3A_1823 = tpu.concatenate %concatenate3A_636, %concatenate3A_1227, %concatenate3A_1818 in 1 : vector<1x256xf32>, vector<1x256xf32>, vector<1x256xf32> -> vector<1x768xf32>
    %concatenate3A_1824 = tpu.concatenate %concatenate3A_637, %concatenate3A_1228, %concatenate3A_1819 in 1 : vector<1x256xf32>, vector<1x256xf32>, vector<1x256xf32> -> vector<1x768xf32>
    %concatenate3A_1825 = tpu.concatenate %concatenate3A_638, %concatenate3A_1229, %concatenate3A_1820 in 1 : vector<1x256xf32>, vector<1x256xf32>, vector<1x256xf32> -> vector<1x768xf32>
    %concatenate3A_1826 = tpu.concatenate %concatenate3A_639, %concatenate3A_1230, %concatenate3A_1821 in 1 : vector<1x256xf32>, vector<1x256xf32>, vector<1x256xf32> -> vector<1x768xf32>
    %get3A_1827 = arith.constant 0 : index
    %get3A_1828 = arith.constant 0 : index
    %get3A_1829 = vector.load %arg15[%get3A_1827, %get3A_1828] : memref<768x128xf32, #tpu.memory_space<vmem>>, vector<768x128xf32>
    %dot_general3A_1830 = arith.constant dense<0.000000e+00> : vector<1x128xf32>
    %dot_general3A_1831 = tpu.matmul %concatenate3A_1822, %get3A_1829, %dot_general3A_1830 {dimension_numbers = #tpu.dot_dimension_numbers<[1], [0], [0], [1], [0, 0, 1, 1], [], []>, transpose_lhs_hint = false} : vector<1x768xf32>, vector<768x128xf32>, vector<1x128xf32> -> vector<1x128xf32>
    %get3A_1832 = arith.constant 0 : index
    %get3A_1833 = arith.constant 0 : index
    %get3A_1834 = vector.load %arg16[%get3A_1832, %get3A_1833] : memref<1x128xf32, #tpu.memory_space<vmem>>, vector<1x128xf32>
    %add3A_1835 = arith.addf %dot_general3A_1831, %get3A_1834 : vector<1x128xf32>
    %max3A_1836 = arith.constant 0.000000e+00 : f32
    %max3A_1837 = vector.broadcast %max3A_1836 : f32 to vector<1x128xf32>
    %max3A_1838 = arith.maximumf %add3A_1835, %max3A_1837 : vector<1x128xf32>
    %get3A_1839 = arith.constant 0 : index
    %get3A_1840 = arith.constant 0 : index
    %get3A_1841 = vector.load %arg15[%get3A_1839, %get3A_1840] : memref<768x128xf32, #tpu.memory_space<vmem>>, vector<768x128xf32>
    %dot_general3A_1842 = arith.constant dense<0.000000e+00> : vector<1x128xf32>
    %dot_general3A_1843 = tpu.matmul %concatenate3A_1823, %get3A_1841, %dot_general3A_1842 {dimension_numbers = #tpu.dot_dimension_numbers<[1], [0], [0], [1], [0, 0, 1, 1], [], []>, transpose_lhs_hint = false} : vector<1x768xf32>, vector<768x128xf32>, vector<1x128xf32> -> vector<1x128xf32>
    %get3A_1844 = arith.constant 0 : index
    %get3A_1845 = arith.constant 0 : index
    %get3A_1846 = vector.load %arg16[%get3A_1844, %get3A_1845] : memref<1x128xf32, #tpu.memory_space<vmem>>, vector<1x128xf32>
    %add3A_1847 = arith.addf %dot_general3A_1843, %get3A_1846 : vector<1x128xf32>
    %max3A_1848 = arith.constant 0.000000e+00 : f32
    %max3A_1849 = vector.broadcast %max3A_1848 : f32 to vector<1x128xf32>
    %max3A_1850 = arith.maximumf %add3A_1847, %max3A_1849 : vector<1x128xf32>
    %get3A_1851 = arith.constant 0 : index
    %get3A_1852 = arith.constant 0 : index
    %get3A_1853 = vector.load %arg15[%get3A_1851, %get3A_1852] : memref<768x128xf32, #tpu.memory_space<vmem>>, vector<768x128xf32>
    %dot_general3A_1854 = arith.constant dense<0.000000e+00> : vector<1x128xf32>
    %dot_general3A_1855 = tpu.matmul %concatenate3A_1824, %get3A_1853, %dot_general3A_1854 {dimension_numbers = #tpu.dot_dimension_numbers<[1], [0], [0], [1], [0, 0, 1, 1], [], []>, transpose_lhs_hint = false} : vector<1x768xf32>, vector<768x128xf32>, vector<1x128xf32> -> vector<1x128xf32>
    %get3A_1856 = arith.constant 0 : index
    %get3A_1857 = arith.constant 0 : index
    %get3A_1858 = vector.load %arg16[%get3A_1856, %get3A_1857] : memref<1x128xf32, #tpu.memory_space<vmem>>, vector<1x128xf32>
    %add3A_1859 = arith.addf %dot_general3A_1855, %get3A_1858 : vector<1x128xf32>
    %max3A_1860 = arith.constant 0.000000e+00 : f32
    %max3A_1861 = vector.broadcast %max3A_1860 : f32 to vector<1x128xf32>
    %max3A_1862 = arith.maximumf %add3A_1859, %max3A_1861 : vector<1x128xf32>
    %get3A_1863 = arith.constant 0 : index
    %get3A_1864 = arith.constant 0 : index
    %get3A_1865 = vector.load %arg15[%get3A_1863, %get3A_1864] : memref<768x128xf32, #tpu.memory_space<vmem>>, vector<768x128xf32>
    %dot_general3A_1866 = arith.constant dense<0.000000e+00> : vector<1x128xf32>
    %dot_general3A_1867 = tpu.matmul %concatenate3A_1825, %get3A_1865, %dot_general3A_1866 {dimension_numbers = #tpu.dot_dimension_numbers<[1], [0], [0], [1], [0, 0, 1, 1], [], []>, transpose_lhs_hint = false} : vector<1x768xf32>, vector<768x128xf32>, vector<1x128xf32> -> vector<1x128xf32>
    %get3A_1868 = arith.constant 0 : index
    %get3A_1869 = arith.constant 0 : index
    %get3A_1870 = vector.load %arg16[%get3A_1868, %get3A_1869] : memref<1x128xf32, #tpu.memory_space<vmem>>, vector<1x128xf32>
    %add3A_1871 = arith.addf %dot_general3A_1867, %get3A_1870 : vector<1x128xf32>
    %max3A_1872 = arith.constant 0.000000e+00 : f32
    %max3A_1873 = vector.broadcast %max3A_1872 : f32 to vector<1x128xf32>
    %max3A_1874 = arith.maximumf %add3A_1871, %max3A_1873 : vector<1x128xf32>
    %get3A_1875 = arith.constant 0 : index
    %get3A_1876 = arith.constant 0 : index
    %get3A_1877 = vector.load %arg15[%get3A_1875, %get3A_1876] : memref<768x128xf32, #tpu.memory_space<vmem>>, vector<768x128xf32>
    %dot_general3A_1878 = arith.constant dense<0.000000e+00> : vector<1x128xf32>
    %dot_general3A_1879 = tpu.matmul %concatenate3A_1826, %get3A_1877, %dot_general3A_1878 {dimension_numbers = #tpu.dot_dimension_numbers<[1], [0], [0], [1], [0, 0, 1, 1], [], []>, transpose_lhs_hint = false} : vector<1x768xf32>, vector<768x128xf32>, vector<1x128xf32> -> vector<1x128xf32>
    %get3A_1880 = arith.constant 0 : index
    %get3A_1881 = arith.constant 0 : index
    %get3A_1882 = vector.load %arg16[%get3A_1880, %get3A_1881] : memref<1x128xf32, #tpu.memory_space<vmem>>, vector<1x128xf32>
    %add3A_1883 = arith.addf %dot_general3A_1879, %get3A_1882 : vector<1x128xf32>
    %max3A_1884 = arith.constant 0.000000e+00 : f32
    %max3A_1885 = vector.broadcast %max3A_1884 : f32 to vector<1x128xf32>
    %max3A_1886 = arith.maximumf %add3A_1883, %max3A_1885 : vector<1x128xf32>
    %get3A_1887 = arith.constant 0 : index
    %get3A_1888 = arith.constant 0 : index
    %get3A_1889 = vector.load %arg17[%get3A_1887, %get3A_1888] : memref<128x64xf32, #tpu.memory_space<vmem>>, vector<128x64xf32>
    %dot_general3A_1890 = arith.constant dense<0.000000e+00> : vector<1x64xf32>
    %dot_general3A_1891 = tpu.matmul %max3A_1838, %get3A_1889, %dot_general3A_1890 {dimension_numbers = #tpu.dot_dimension_numbers<[1], [0], [0], [1], [0, 0, 1, 1], [], []>, transpose_lhs_hint = false} : vector<1x128xf32>, vector<128x64xf32>, vector<1x64xf32> -> vector<1x64xf32>
    %get3A_1892 = arith.constant 0 : index
    %get3A_1893 = arith.constant 0 : index
    %get3A_1894 = vector.load %arg18[%get3A_1892, %get3A_1893] : memref<1x64xf32, #tpu.memory_space<vmem>>, vector<1x64xf32>
    %add3A_1895 = arith.addf %dot_general3A_1891, %get3A_1894 : vector<1x64xf32>
    %max3A_1896 = arith.constant 0.000000e+00 : f32
    %max3A_1897 = vector.broadcast %max3A_1896 : f32 to vector<1x64xf32>
    %max3A_1898 = arith.maximumf %add3A_1895, %max3A_1897 : vector<1x64xf32>
    %get3A_1899 = arith.constant 0 : index
    %get3A_1900 = arith.constant 0 : index
    %get3A_1901 = vector.load %arg17[%get3A_1899, %get3A_1900] : memref<128x64xf32, #tpu.memory_space<vmem>>, vector<128x64xf32>
    %dot_general3A_1902 = arith.constant dense<0.000000e+00> : vector<1x64xf32>
    %dot_general3A_1903 = tpu.matmul %max3A_1850, %get3A_1901, %dot_general3A_1902 {dimension_numbers = #tpu.dot_dimension_numbers<[1], [0], [0], [1], [0, 0, 1, 1], [], []>, transpose_lhs_hint = false} : vector<1x128xf32>, vector<128x64xf32>, vector<1x64xf32> -> vector<1x64xf32>
    %get3A_1904 = arith.constant 0 : index
    %get3A_1905 = arith.constant 0 : index
    %get3A_1906 = vector.load %arg18[%get3A_1904, %get3A_1905] : memref<1x64xf32, #tpu.memory_space<vmem>>, vector<1x64xf32>
    %add3A_1907 = arith.addf %dot_general3A_1903, %get3A_1906 : vector<1x64xf32>
    %max3A_1908 = arith.constant 0.000000e+00 : f32
    %max3A_1909 = vector.broadcast %max3A_1908 : f32 to vector<1x64xf32>
    %max3A_1910 = arith.maximumf %add3A_1907, %max3A_1909 : vector<1x64xf32>
    %get3A_1911 = arith.constant 0 : index
    %get3A_1912 = arith.constant 0 : index
    %get3A_1913 = vector.load %arg17[%get3A_1911, %get3A_1912] : memref<128x64xf32, #tpu.memory_space<vmem>>, vector<128x64xf32>
    %dot_general3A_1914 = arith.constant dense<0.000000e+00> : vector<1x64xf32>
    %dot_general3A_1915 = tpu.matmul %max3A_1862, %get3A_1913, %dot_general3A_1914 {dimension_numbers = #tpu.dot_dimension_numbers<[1], [0], [0], [1], [0, 0, 1, 1], [], []>, transpose_lhs_hint = false} : vector<1x128xf32>, vector<128x64xf32>, vector<1x64xf32> -> vector<1x64xf32>
    %get3A_1916 = arith.constant 0 : index
    %get3A_1917 = arith.constant 0 : index
    %get3A_1918 = vector.load %arg18[%get3A_1916, %get3A_1917] : memref<1x64xf32, #tpu.memory_space<vmem>>, vector<1x64xf32>
    %add3A_1919 = arith.addf %dot_general3A_1915, %get3A_1918 : vector<1x64xf32>
    %max3A_1920 = arith.constant 0.000000e+00 : f32
    %max3A_1921 = vector.broadcast %max3A_1920 : f32 to vector<1x64xf32>
    %max3A_1922 = arith.maximumf %add3A_1919, %max3A_1921 : vector<1x64xf32>
    %get3A_1923 = arith.constant 0 : index
    %get3A_1924 = arith.constant 0 : index
    %get3A_1925 = vector.load %arg17[%get3A_1923, %get3A_1924] : memref<128x64xf32, #tpu.memory_space<vmem>>, vector<128x64xf32>
    %dot_general3A_1926 = arith.constant dense<0.000000e+00> : vector<1x64xf32>
    %dot_general3A_1927 = tpu.matmul %max3A_1874, %get3A_1925, %dot_general3A_1926 {dimension_numbers = #tpu.dot_dimension_numbers<[1], [0], [0], [1], [0, 0, 1, 1], [], []>, transpose_lhs_hint = false} : vector<1x128xf32>, vector<128x64xf32>, vector<1x64xf32> -> vector<1x64xf32>
    %get3A_1928 = arith.constant 0 : index
    %get3A_1929 = arith.constant 0 : index
    %get3A_1930 = vector.load %arg18[%get3A_1928, %get3A_1929] : memref<1x64xf32, #tpu.memory_space<vmem>>, vector<1x64xf32>
    %add3A_1931 = arith.addf %dot_general3A_1927, %get3A_1930 : vector<1x64xf32>
    %max3A_1932 = arith.constant 0.000000e+00 : f32
    %max3A_1933 = vector.broadcast %max3A_1932 : f32 to vector<1x64xf32>
    %max3A_1934 = arith.maximumf %add3A_1931, %max3A_1933 : vector<1x64xf32>
    %get3A_1935 = arith.constant 0 : index
    %get3A_1936 = arith.constant 0 : index
    %get3A_1937 = vector.load %arg17[%get3A_1935, %get3A_1936] : memref<128x64xf32, #tpu.memory_space<vmem>>, vector<128x64xf32>
    %dot_general3A_1938 = arith.constant dense<0.000000e+00> : vector<1x64xf32>
    %dot_general3A_1939 = tpu.matmul %max3A_1886, %get3A_1937, %dot_general3A_1938 {dimension_numbers = #tpu.dot_dimension_numbers<[1], [0], [0], [1], [0, 0, 1, 1], [], []>, transpose_lhs_hint = false} : vector<1x128xf32>, vector<128x64xf32>, vector<1x64xf32> -> vector<1x64xf32>
    %get3A_1940 = arith.constant 0 : index
    %get3A_1941 = arith.constant 0 : index
    %get3A_1942 = vector.load %arg18[%get3A_1940, %get3A_1941] : memref<1x64xf32, #tpu.memory_space<vmem>>, vector<1x64xf32>
    %add3A_1943 = arith.addf %dot_general3A_1939, %get3A_1942 : vector<1x64xf32>
    %max3A_1944 = arith.constant 0.000000e+00 : f32
    %max3A_1945 = vector.broadcast %max3A_1944 : f32 to vector<1x64xf32>
    %max3A_1946 = arith.maximumf %add3A_1943, %max3A_1945 : vector<1x64xf32>
    %get3A_1947 = arith.constant 0 : index
    %get3A_1948 = arith.constant 0 : index
    %get3A_1949 = vector.load %arg19[%get3A_1947, %get3A_1948] : memref<64x10xf32, #tpu.memory_space<vmem>>, vector<64x10xf32>
    %dot_general3A_1950 = arith.constant dense<0.000000e+00> : vector<1x10xf32>
    %dot_general3A_1951 = tpu.matmul %max3A_1898, %get3A_1949, %dot_general3A_1950 {dimension_numbers = #tpu.dot_dimension_numbers<[1], [0], [0], [1], [0, 0, 1, 1], [], []>, transpose_lhs_hint = false} : vector<1x64xf32>, vector<64x10xf32>, vector<1x10xf32> -> vector<1x10xf32>
    %get3A_1952 = arith.constant 0 : index
    %get3A_1953 = arith.constant 0 : index
    %get3A_1954 = vector.load %arg20[%get3A_1952, %get3A_1953] : memref<1x10xf32, #tpu.memory_space<vmem>>, vector<1x10xf32>
    %add3A_1955 = arith.addf %dot_general3A_1951, %get3A_1954 : vector<1x10xf32>
    %get3A_1956 = arith.constant 0 : index
    %get3A_1957 = arith.constant 0 : index
    %get3A_1958 = vector.load %arg19[%get3A_1956, %get3A_1957] : memref<64x10xf32, #tpu.memory_space<vmem>>, vector<64x10xf32>
    %dot_general3A_1959 = arith.constant dense<0.000000e+00> : vector<1x10xf32>
    %dot_general3A_1960 = tpu.matmul %max3A_1910, %get3A_1958, %dot_general3A_1959 {dimension_numbers = #tpu.dot_dimension_numbers<[1], [0], [0], [1], [0, 0, 1, 1], [], []>, transpose_lhs_hint = false} : vector<1x64xf32>, vector<64x10xf32>, vector<1x10xf32> -> vector<1x10xf32>
    %get3A_1961 = arith.constant 0 : index
    %get3A_1962 = arith.constant 0 : index
    %get3A_1963 = vector.load %arg20[%get3A_1961, %get3A_1962] : memref<1x10xf32, #tpu.memory_space<vmem>>, vector<1x10xf32>
    %add3A_1964 = arith.addf %dot_general3A_1960, %get3A_1963 : vector<1x10xf32>
    %get3A_1965 = arith.constant 0 : index
    %get3A_1966 = arith.constant 0 : index
    %get3A_1967 = vector.load %arg19[%get3A_1965, %get3A_1966] : memref<64x10xf32, #tpu.memory_space<vmem>>, vector<64x10xf32>
    %dot_general3A_1968 = arith.constant dense<0.000000e+00> : vector<1x10xf32>
    %dot_general3A_1969 = tpu.matmul %max3A_1922, %get3A_1967, %dot_general3A_1968 {dimension_numbers = #tpu.dot_dimension_numbers<[1], [0], [0], [1], [0, 0, 1, 1], [], []>, transpose_lhs_hint = false} : vector<1x64xf32>, vector<64x10xf32>, vector<1x10xf32> -> vector<1x10xf32>
    %get3A_1970 = arith.constant 0 : index
    %get3A_1971 = arith.constant 0 : index
    %get3A_1972 = vector.load %arg20[%get3A_1970, %get3A_1971] : memref<1x10xf32, #tpu.memory_space<vmem>>, vector<1x10xf32>
    %add3A_1973 = arith.addf %dot_general3A_1969, %get3A_1972 : vector<1x10xf32>
    %get3A_1974 = arith.constant 0 : index
    %get3A_1975 = arith.constant 0 : index
    %get3A_1976 = vector.load %arg19[%get3A_1974, %get3A_1975] : memref<64x10xf32, #tpu.memory_space<vmem>>, vector<64x10xf32>
    %dot_general3A_1977 = arith.constant dense<0.000000e+00> : vector<1x10xf32>
    %dot_general3A_1978 = tpu.matmul %max3A_1934, %get3A_1976, %dot_general3A_1977 {dimension_numbers = #tpu.dot_dimension_numbers<[1], [0], [0], [1], [0, 0, 1, 1], [], []>, transpose_lhs_hint = false} : vector<1x64xf32>, vector<64x10xf32>, vector<1x10xf32> -> vector<1x10xf32>
    %get3A_1979 = arith.constant 0 : index
    %get3A_1980 = arith.constant 0 : index
    %get3A_1981 = vector.load %arg20[%get3A_1979, %get3A_1980] : memref<1x10xf32, #tpu.memory_space<vmem>>, vector<1x10xf32>
    %add3A_1982 = arith.addf %dot_general3A_1978, %get3A_1981 : vector<1x10xf32>
    %get3A_1983 = arith.constant 0 : index
    %get3A_1984 = arith.constant 0 : index
    %get3A_1985 = vector.load %arg19[%get3A_1983, %get3A_1984] : memref<64x10xf32, #tpu.memory_space<vmem>>, vector<64x10xf32>
    %dot_general3A_1986 = arith.constant dense<0.000000e+00> : vector<1x10xf32>
    %dot_general3A_1987 = tpu.matmul %max3A_1946, %get3A_1985, %dot_general3A_1986 {dimension_numbers = #tpu.dot_dimension_numbers<[1], [0], [0], [1], [0, 0, 1, 1], [], []>, transpose_lhs_hint = false} : vector<1x64xf32>, vector<64x10xf32>, vector<1x10xf32> -> vector<1x10xf32>
    %get3A_1988 = arith.constant 0 : index
    %get3A_1989 = arith.constant 0 : index
    %get3A_1990 = vector.load %arg20[%get3A_1988, %get3A_1989] : memref<1x10xf32, #tpu.memory_space<vmem>>, vector<1x10xf32>
    %add3A_1991 = arith.addf %dot_general3A_1987, %get3A_1990 : vector<1x10xf32>
    %reduce_max3A_1992 = arith.constant dense<0xFF800000> : vector<1xf32>
    %reduce_max3A_1993 = vector.multi_reduction <maximumf>, %add3A_1955, %reduce_max3A_1992 [1] : vector<1x10xf32> to vector<1xf32>
    %broadcast_in_dim3A_1994 = vector.shape_cast %reduce_max3A_1993 : vector<1xf32> to vector<1x1xf32>
    %sub3A = vector.broadcast %broadcast_in_dim3A_1994 : vector<1x1xf32> to vector<1x10xf32>
    %sub3A_1995 = arith.subf %add3A_1955, %sub3A : vector<1x10xf32>
    %sub3A_1996 = vector.broadcast %broadcast_in_dim3A_1994 : vector<1x1xf32> to vector<1x10xf32>
    %sub3A_1997 = arith.subf %add3A_1955, %sub3A_1996 : vector<1x10xf32>
    %exp3A = math.exp %sub3A_1997 : vector<1x10xf32>
    %reduce_sum3A_1998 = arith.constant dense<0.000000e+00> : vector<1xf32>
    %reduce_sum3A_1999 = vector.multi_reduction <add>, %exp3A, %reduce_sum3A_1998 [1] : vector<1x10xf32> to vector<1xf32>
    %broadcast_in_dim3A_2000 = vector.shape_cast %reduce_sum3A_1999 : vector<1xf32> to vector<1x1xf32>
    %log3A = math.log %broadcast_in_dim3A_2000 : vector<1x1xf32>
    %sub3A_2001 = vector.broadcast %log3A : vector<1x1xf32> to vector<1x10xf32>
    %sub3A_2002 = arith.subf %sub3A_1995, %sub3A_2001 : vector<1x10xf32>
    %swap3A = arith.constant 0 : index
    %swap3A_2003 = arith.constant 0 : index
    %swap3A_2004 = arith.constant 0 : index
    %swap3A_2005 = vector.load %arg21[%swap3A, %swap3A_2003, %swap3A_2004] : memref<5x1x10xf32, #tpu.memory_space<vmem>>, vector<1x1x10xf32>
    %swap3A_2006 = vector.shape_cast %swap3A_2005 : vector<1x1x10xf32> to vector<1x10xf32>
    %swap3A_2007 = vector.shape_cast %sub3A_2002 : vector<1x10xf32> to vector<1x1x10xf32>
    tpu.vector_store %arg21[%swap3A, %swap3A_2003, %swap3A_2004], %swap3A_2007 {strides = array<i32>} : memref<5x1x10xf32, #tpu.memory_space<vmem>>, vector<1x1x10xf32>,
    %reduce_max3A_2008 = arith.constant dense<0xFF800000> : vector<1xf32>
    %reduce_max3A_2009 = vector.multi_reduction <maximumf>, %add3A_1964, %reduce_max3A_2008 [1] : vector<1x10xf32> to vector<1xf32>
    %broadcast_in_dim3A_2010 = vector.shape_cast %reduce_max3A_2009 : vector<1xf32> to vector<1x1xf32>
    %sub3A_2011 = vector.broadcast %broadcast_in_dim3A_2010 : vector<1x1xf32> to vector<1x10xf32>
    %sub3A_2012 = arith.subf %add3A_1964, %sub3A_2011 : vector<1x10xf32>
    %sub3A_2013 = vector.broadcast %broadcast_in_dim3A_2010 : vector<1x1xf32> to vector<1x10xf32>
    %sub3A_2014 = arith.subf %add3A_1964, %sub3A_2013 : vector<1x10xf32>
    %exp3A_2015 = math.exp %sub3A_2014 : vector<1x10xf32>
    %reduce_sum3A_2016 = arith.constant dense<0.000000e+00> : vector<1xf32>
    %reduce_sum3A_2017 = vector.multi_reduction <add>, %exp3A_2015, %reduce_sum3A_2016 [1] : vector<1x10xf32> to vector<1xf32>
    %broadcast_in_dim3A_2018 = vector.shape_cast %reduce_sum3A_2017 : vector<1xf32> to vector<1x1xf32>
    %log3A_2019 = math.log %broadcast_in_dim3A_2018 : vector<1x1xf32>
    %sub3A_2020 = vector.broadcast %log3A_2019 : vector<1x1xf32> to vector<1x10xf32>
    %sub3A_2021 = arith.subf %sub3A_2012, %sub3A_2020 : vector<1x10xf32>
    %swap3A_2022 = arith.constant 1 : index
    %swap3A_2023 = arith.constant 0 : index
    %swap3A_2024 = arith.constant 0 : index
    %swap3A_2025 = vector.load %arg21[%swap3A_2022, %swap3A_2023, %swap3A_2024] : memref<5x1x10xf32, #tpu.memory_space<vmem>>, vector<1x1x10xf32>
    %swap3A_2026 = vector.shape_cast %swap3A_2025 : vector<1x1x10xf32> to vector<1x10xf32>
    %swap3A_2027 = vector.shape_cast %sub3A_2021 : vector<1x10xf32> to vector<1x1x10xf32>
    tpu.vector_store %arg21[%swap3A_2022, %swap3A_2023, %swap3A_2024], %swap3A_2027 {strides = array<i32>} : memref<5x1x10xf32, #tpu.memory_space<vmem>>, vector<1x1x10xf32>,
    %reduce_max3A_2028 = arith.constant dense<0xFF800000> : vector<1xf32>
    %reduce_max3A_2029 = vector.multi_reduction <maximumf>, %add3A_1973, %reduce_max3A_2028 [1] : vector<1x10xf32> to vector<1xf32>
    %broadcast_in_dim3A_2030 = vector.shape_cast %reduce_max3A_2029 : vector<1xf32> to vector<1x1xf32>
    %sub3A_2031 = vector.broadcast %broadcast_in_dim3A_2030 : vector<1x1xf32> to vector<1x10xf32>
    %sub3A_2032 = arith.subf %add3A_1973, %sub3A_2031 : vector<1x10xf32>
    %sub3A_2033 = vector.broadcast %broadcast_in_dim3A_2030 : vector<1x1xf32> to vector<1x10xf32>
    %sub3A_2034 = arith.subf %add3A_1973, %sub3A_2033 : vector<1x10xf32>
    %exp3A_2035 = math.exp %sub3A_2034 : vector<1x10xf32>
    %reduce_sum3A_2036 = arith.constant dense<0.000000e+00> : vector<1xf32>
    %reduce_sum3A_2037 = vector.multi_reduction <add>, %exp3A_2035, %reduce_sum3A_2036 [1] : vector<1x10xf32> to vector<1xf32>
    %broadcast_in_dim3A_2038 = vector.shape_cast %reduce_sum3A_2037 : vector<1xf32> to vector<1x1xf32>
    %log3A_2039 = math.log %broadcast_in_dim3A_2038 : vector<1x1xf32>
    %sub3A_2040 = vector.broadcast %log3A_2039 : vector<1x1xf32> to vector<1x10xf32>
    %sub3A_2041 = arith.subf %sub3A_2032, %sub3A_2040 : vector<1x10xf32>
    %swap3A_2042 = arith.constant 2 : index
    %swap3A_2043 = arith.constant 0 : index
    %swap3A_2044 = arith.constant 0 : index
    %swap3A_2045 = vector.load %arg21[%swap3A_2042, %swap3A_2043, %swap3A_2044] : memref<5x1x10xf32, #tpu.memory_space<vmem>>, vector<1x1x10xf32>
    %swap3A_2046 = vector.shape_cast %swap3A_2045 : vector<1x1x10xf32> to vector<1x10xf32>
    %swap3A_2047 = vector.shape_cast %sub3A_2041 : vector<1x10xf32> to vector<1x1x10xf32>
    tpu.vector_store %arg21[%swap3A_2042, %swap3A_2043, %swap3A_2044], %swap3A_2047 {strides = array<i32>} : memref<5x1x10xf32, #tpu.memory_space<vmem>>, vector<1x1x10xf32>,
    %reduce_max3A_2048 = arith.constant dense<0xFF800000> : vector<1xf32>
    %reduce_max3A_2049 = vector.multi_reduction <maximumf>, %add3A_1982, %reduce_max3A_2048 [1] : vector<1x10xf32> to vector<1xf32>
    %broadcast_in_dim3A_2050 = vector.shape_cast %reduce_max3A_2049 : vector<1xf32> to vector<1x1xf32>
    %sub3A_2051 = vector.broadcast %broadcast_in_dim3A_2050 : vector<1x1xf32> to vector<1x10xf32>
    %sub3A_2052 = arith.subf %add3A_1982, %sub3A_2051 : vector<1x10xf32>
    %sub3A_2053 = vector.broadcast %broadcast_in_dim3A_2050 : vector<1x1xf32> to vector<1x10xf32>
    %sub3A_2054 = arith.subf %add3A_1982, %sub3A_2053 : vector<1x10xf32>
    %exp3A_2055 = math.exp %sub3A_2054 : vector<1x10xf32>
    %reduce_sum3A_2056 = arith.constant dense<0.000000e+00> : vector<1xf32>
    %reduce_sum3A_2057 = vector.multi_reduction <add>, %exp3A_2055, %reduce_sum3A_2056 [1] : vector<1x10xf32> to vector<1xf32>
    %broadcast_in_dim3A_2058 = vector.shape_cast %reduce_sum3A_2057 : vector<1xf32> to vector<1x1xf32>
    %log3A_2059 = math.log %broadcast_in_dim3A_2058 : vector<1x1xf32>
    %sub3A_2060 = vector.broadcast %log3A_2059 : vector<1x1xf32> to vector<1x10xf32>
    %sub3A_2061 = arith.subf %sub3A_2052, %sub3A_2060 : vector<1x10xf32>
    %swap3A_2062 = arith.constant 3 : index
    %swap3A_2063 = arith.constant 0 : index
    %swap3A_2064 = arith.constant 0 : index
    %swap3A_2065 = vector.load %arg21[%swap3A_2062, %swap3A_2063, %swap3A_2064] : memref<5x1x10xf32, #tpu.memory_space<vmem>>, vector<1x1x10xf32>
    %swap3A_2066 = vector.shape_cast %swap3A_2065 : vector<1x1x10xf32> to vector<1x10xf32>
    %swap3A_2067 = vector.shape_cast %sub3A_2061 : vector<1x10xf32> to vector<1x1x10xf32>
    tpu.vector_store %arg21[%swap3A_2062, %swap3A_2063, %swap3A_2064], %swap3A_2067 {strides = array<i32>} : memref<5x1x10xf32, #tpu.memory_space<vmem>>, vector<1x1x10xf32>,
    %reduce_max3A_2068 = arith.constant dense<0xFF800000> : vector<1xf32>
    %reduce_max3A_2069 = vector.multi_reduction <maximumf>, %add3A_1991, %reduce_max3A_2068 [1] : vector<1x10xf32> to vector<1xf32>
    %broadcast_in_dim3A_2070 = vector.shape_cast %reduce_max3A_2069 : vector<1xf32> to vector<1x1xf32>
    %sub3A_2071 = vector.broadcast %broadcast_in_dim3A_2070 : vector<1x1xf32> to vector<1x10xf32>
    %sub3A_2072 = arith.subf %add3A_1991, %sub3A_2071 : vector<1x10xf32>
    %sub3A_2073 = vector.broadcast %broadcast_in_dim3A_2070 : vector<1x1xf32> to vector<1x10xf32>
    %sub3A_2074 = arith.subf %add3A_1991, %sub3A_2073 : vector<1x10xf32>
    %exp3A_2075 = math.exp %sub3A_2074 : vector<1x10xf32>
    %reduce_sum3A_2076 = arith.constant dense<0.000000e+00> : vector<1xf32>
    %reduce_sum3A_2077 = vector.multi_reduction <add>, %exp3A_2075, %reduce_sum3A_2076 [1] : vector<1x10xf32> to vector<1xf32>
    %broadcast_in_dim3A_2078 = vector.shape_cast %reduce_sum3A_2077 : vector<1xf32> to vector<1x1xf32>
    %log3A_2079 = math.log %broadcast_in_dim3A_2078 : vector<1x1xf32>
    %sub3A_2080 = vector.broadcast %log3A_2079 : vector<1x1xf32> to vector<1x10xf32>
    %sub3A_2081 = arith.subf %sub3A_2072, %sub3A_2080 : vector<1x10xf32>
    %swap3A_2082 = arith.constant 4 : index
    %swap3A_2083 = arith.constant 0 : index
    %swap3A_2084 = arith.constant 0 : index
    %swap3A_2085 = vector.load %arg21[%swap3A_2082, %swap3A_2083, %swap3A_2084] : memref<5x1x10xf32, #tpu.memory_space<vmem>>, vector<1x1x10xf32>
    %swap3A_2086 = vector.shape_cast %swap3A_2085 : vector<1x1x10xf32> to vector<1x10xf32>
    %swap3A_2087 = vector.shape_cast %sub3A_2081 : vector<1x10xf32> to vector<1x1x10xf32>
    tpu.vector_store %arg21[%swap3A_2082, %swap3A_2083, %swap3A_2084], %swap3A_2087 {strides = array<i32>} : memref<5x1x10xf32, #tpu.memory_space<vmem>>, vector<1x1x10xf32>,
    return
  }
  func.func @transform_0(%arg0: i32) -> (i32, i32, i32) {
    %c0_i32 = arith.constant 0 : i32
    %c0_i32_0 = arith.constant 0 : i32
    %c0_i32_1 = arith.constant 0 : i32
    return %arg0, %c0_i32, %c0_i32_0 : i32, i32, i32
  }
  func.func @transform_1(%arg0: i32) -> (i32, i32, i32) {
    %c0_i32 = arith.constant 0 : i32
    %c0_i32_0 = arith.constant 0 : i32
    %c0_i32_1 = arith.constant 0 : i32
    return %arg0, %c0_i32, %c0_i32_0 : i32, i32, i32
  }
  func.func @transform_2(%arg0: i32) -> (i32, i32) {
    %c0_i32 = arith.constant 0 : i32
    %c0_i32_0 = arith.constant 0 : i32
    %c0_i32_1 = arith.constant 0 : i32
    return %c0_i32, %c0_i32_0 : i32, i32
  }
  func.func @transform_3(%arg0: i32) -> (i32, i32) {
    %c0_i32 = arith.constant 0 : i32
    %c0_i32_0 = arith.constant 0 : i32
    %c0_i32_1 = arith.constant 0 : i32
    return %c0_i32, %c0_i32_0 : i32, i32
  }
  func.func @transform_4(%arg0: i32) -> (i32, i32) {
    %c0_i32 = arith.constant 0 : i32
    %c0_i32_0 = arith.constant 0 : i32
    %c0_i32_1 = arith.constant 0 : i32
    return %c0_i32, %c0_i32_0 : i32, i32
  }
  func.func @transform_5(%arg0: i32) -> (i32, i32) {
    %c0_i32 = arith.constant 0 : i32
    %c0_i32_0 = arith.constant 0 : i32
    %c0_i32_1 = arith.constant 0 : i32
    return %c0_i32, %c0_i32_0 : i32, i32
  }
  func.func @transform_6(%arg0: i32) -> (i32, i32) {
    %c0_i32 = arith.constant 0 : i32
    %c0_i32_0 = arith.constant 0 : i32
    %c0_i32_1 = arith.constant 0 : i32
    return %c0_i32, %c0_i32_0 : i32, i32
  }
  func.func @transform_7(%arg0: i32) -> (i32, i32) {
    %c0_i32 = arith.constant 0 : i32
    %c0_i32_0 = arith.constant 0 : i32
    %c0_i32_1 = arith.constant 0 : i32
    return %c0_i32, %c0_i32_0 : i32, i32
  }
  func.func @transform_8(%arg0: i32) -> (i32, i32) {
    %c0_i32 = arith.constant 0 : i32
    %c0_i32_0 = arith.constant 0 : i32
    %c0_i32_1 = arith.constant 0 : i32
    return %c0_i32, %c0_i32_0 : i32, i32
  }
  func.func @transform_9(%arg0: i32) -> (i32, i32) {
    %c0_i32 = arith.constant 0 : i32
    %c0_i32_0 = arith.constant 0 : i32
    %c0_i32_1 = arith.constant 0 : i32
    return %c0_i32, %c0_i32_0 : i32, i32
  }
  func.func @transform_10(%arg0: i32) -> (i32, i32) {
    %c0_i32 = arith.constant 0 : i32
    %c0_i32_0 = arith.constant 0 : i32
    %c0_i32_1 = arith.constant 0 : i32
    return %c0_i32, %c0_i32_0 : i32, i32
  }
  func.func @transform_11(%arg0: i32) -> (i32, i32) {
    %c0_i32 = arith.constant 0 : i32
    %c0_i32_0 = arith.constant 0 : i32
    %c0_i32_1 = arith.constant 0 : i32
    return %c0_i32, %c0_i32_0 : i32, i32
  }
  func.func @transform_12(%arg0: i32) -> (i32, i32) {
    %c0_i32 = arith.constant 0 : i32
    %c0_i32_0 = arith.constant 0 : i32
    %c0_i32_1 = arith.constant 0 : i32
    return %c0_i32, %c0_i32_0 : i32, i32
  }
  func.func @transform_13(%arg0: i32) -> (i32, i32) {
    %c0_i32 = arith.constant 0 : i32
    %c0_i32_0 = arith.constant 0 : i32
    %c0_i32_1 = arith.constant 0 : i32
    return %c0_i32, %c0_i32_0 : i32, i32
  }
  func.func @transform_14(%arg0: i32) -> (i32, i32) {
    %c0_i32 = arith.constant 0 : i32
    %c0_i32_0 = arith.constant 0 : i32
    %c0_i32_1 = arith.constant 0 : i32
    return %c0_i32, %c0_i32_0 : i32, i32
  }
  func.func @transform_15(%arg0: i32) -> (i32, i32) {
    %c0_i32 = arith.constant 0 : i32
    %c0_i32_0 = arith.constant 0 : i32
    %c0_i32_1 = arith.constant 0 : i32
    return %c0_i32, %c0_i32_0 : i32, i32
  }
  func.func @transform_16(%arg0: i32) -> (i32, i32) {
    %c0_i32 = arith.constant 0 : i32
    %c0_i32_0 = arith.constant 0 : i32
    %c0_i32_1 = arith.constant 0 : i32
    return %c0_i32, %c0_i32_0 : i32, i32
  }
  func.func @transform_17(%arg0: i32) -> (i32, i32) {
    %c0_i32 = arith.constant 0 : i32
    %c0_i32_0 = arith.constant 0 : i32
    %c0_i32_1 = arith.constant 0 : i32
    return %c0_i32, %c0_i32_0 : i32, i32
  }
  func.func @transform_18(%arg0: i32) -> (i32, i32) {
    %c0_i32 = arith.constant 0 : i32
    %c0_i32_0 = arith.constant 0 : i32
    %c0_i32_1 = arith.constant 0 : i32
    return %c0_i32, %c0_i32_0 : i32, i32
  }
  func.func @transform_19(%arg0: i32) -> (i32, i32) {
    %c0_i32 = arith.constant 0 : i32
    %c0_i32_0 = arith.constant 0 : i32
    %c0_i32_1 = arith.constant 0 : i32
    return %c0_i32, %c0_i32_0 : i32, i32
  }
  func.func @transform_20(%arg0: i32) -> (i32, i32, i32) {
    %c0_i32 = arith.constant 0 : i32
    %c0_i32_0 = arith.constant 0 : i32
    %c0_i32_1 = arith.constant 0 : i32
    return %arg0, %c0_i32, %c0_i32_0 : i32, i32, i32
  }
}

</mosaic_0001>

<sc_bundles>
// kernel: kernel.4.cloned.1.call-start
scs
__scs_entry_jumppad:
0x0: {  	(pc) =	sbr.rel $0x88, $3  }
0x1: {  	(tag) =	ssettag $0x0;
	lr =	simm.s32 $0x1  }
0x2: {  	[smem:$0x3F8D] =	sst lr;
	_ =	strace $0xD0000000  }
0x3: {  	_ = 	snop  }
0x4: {  	_ = 	snop  }
0x5: {  	_ = 	snop  }
0x6: {  	_ = 	snop  }
0x7: {  	_ = 	snop  }
__scs_overlays_trampoline_lowered:
0x8: {  	[smem:$0x3F9C] =	sst s0  }
0x9: {  	[smem:$0x3F9D] =	sst s1  }
0xa: {  	[smem:$0x3F9E] =	sst s2  }
0xb: {  	[smem:$0x3F9F] =	sst s3  }
0xc: {  	[smem:$0x3FA0] =	sst s4  }
0xd: {  	[smem:$0x3FA1] =	sst s5  }
0xe: {  	[smem:$0x3FA2] =	sst s6  }
0xf: {  	[smem:$0x3FA3] =	sst s7  }
0x10: {  	[smem:$0x3FA4] =	sst s8  }
0x11: {  	[smem:$0x3FA5] =	sst s9;
	s0 =	simm.s32 @!p0 $0x0  }
0x12: {  	s1 =	sld [smem:$0x3F8B];
	s0 =	simm.s32 @p0 $0x1  }
0x13: {  	[smem:$0x3FA6] =	sst s0;
	s0 =	simm.s32 @!p1 $0x0  }
0x14: {  	s2 =	sld [smem:$0x3F8A];
	s0 =	simm.s32 @p1 $0x1  }
0x15: {  	[smem:$0x3FA7] =	sst s0;
	s0 =	simm.s32 @!p2 $0x0  }
0x16: {  	s3 =	sld [smem:$0x3FDB];
	s0 =	simm.s32 @p2 $0x1  }
0x17: {  	s4 =	simm.s32 $0x1BF5;
	[smem:$0x3FA9] =	sst s0  }
0x18: {  	s0 =	sld [smem:$0x3F8C];
	_ =	swait.ge [sflag:s4], $0x0  }
0x19: {  	s7 =	sld [smem:$0x3F8D]  }
0x1a: {  	s8 =	sadd.s32 $0xFFFFE003, lr  }
0x1b: {  	s9 =	sadd.s32 $0xFFFFFEF7, lr;
	s5 =	simm.s32 $0xFFFFFFFF;
	p2 =	slt.u32 s8, $0xFFFFF086  }
0x1c: {  	p1 =	slt.u32 s9, $0xF7A;
	s5 =	simm.s32 @!p2 $0x0  }
0x1d: {  	s5 =	simm.s32 @p1 $0x1;
	p0 =	seq.s32 s7, s2  }
0x1e: {  	s7 =	smul.u32 @!p0 $0xF7A, s2;
	p2 =	seq.s32 @!p0 s5, $0x0  }
0x1f: {  	s9 =	smul.u32 $0xF7A, s1;
	s8 =	simm.s32 @!p0 $0x1BF5;
	p2 =	por !p2, p0  }
0x20: {  	[sflag:s8] =	ssyncset.s32 @!p0 $0xFFFFF086;
	s6 =	sadd.s32 @!p0 s3, s7;
	s7 =	simm.s32 @!p0 $0x108  }
0x21: {  	s3 =	sadd.s32 s3, s9;
	s6 =	sadd.s32 @!p0 $0x88, s6;
	s7 =	simm.s32 @p2 $0x1082  }
0x22: {  	[simem:s7], [sflag:s8] =	dma.local @!p0 [hbm:s6], $0xF7A  }
0x23: {  	s9 =	sor.u32 $0xD0000000, s2;
	s6 =	simm.s32 $0x108;
	_ =	swait.ge @!p0 [sflag:s8], $0x0  }
0x24: {  	s3 =	sadd.s32 $0x88, s3;
	s6 =	simm.s32 @!p1 $0x1082;
	[sflag:s4] =	ssyncset.s32 $0xFFFFF086  }
0x25: {  	[simem:s6], [sflag:s4] =	dma.local [hbm:s3], $0xF7A  }
0x26: {  	[smem:$0x3F8D] =	sst s1;
	(tag) =	ssettag s2;
	_ =	strace s9  }
0x27: {  	s1 =	sld [smem:$0x3F9D]  }
0x28: {  	s2 =	sld [smem:$0x3F9E]  }
0x29: {  	s4 =	sld [smem:$0x3FA0]  }
0x2a: {  	p0 =	seq.s32 s5, $0x0;
	s5 =	sld [smem:$0x3FA1]  }
0x2b: {  	s6 =	sld [smem:$0x3FA2]  }
0x2c: {  	s7 =	sld [smem:$0x3FA3]  }
0x2d: {  	s3 =	simm.s32 $0x108;
	s8 =	sld [smem:$0x3FA4]  }
0x2e: {  	s3 =	simm.s32 @!p0 $0x1082;
	s9 =	sld [smem:$0x3FA5]  }
0x2f: {  	lr =	sadd.s32 s0, s3;
	s0 =	sld [smem:$0x3F9C]  }
0x30: {  	s3 =	sld [smem:$0x3F9F]  }
0x31: {  	[smem:$0x3FA8] =	sst s10  }
0x32: {  	s10 =	sld [smem:$0x3FA6];
	_ =	sdelay $0x3  }
0x33: {  	p0 =	seq.s32 s10, $0x1;
	s10 =	sld [smem:$0x3FA8];
	_ =	sdelay $0x3  }
0x34: {  	[smem:$0x3FA8] =	sst s10  }
0x35: {  	s10 =	sld [smem:$0x3FA7];
	_ =	sdelay $0x3  }
0x36: {  	p1 =	seq.s32 s10, $0x1;
	s10 =	sld [smem:$0x3FA8];
	_ =	sdelay $0x3  }
0x37: {  	[smem:$0x3FA8] =	sst s10  }
0x38: {  	s10 =	sld [smem:$0x3FA9]  }
0x39: {  	_ = 	snop;
	(pc) =	sbr.ind lr, $3  }
0x3a: {  	_ = 	snop  }
0x3b: {  	_ = 	snop  }
0x3c: {  	p2 =	seq.s32 s10, $0x1;
	s10 =	sld [smem:$0x3FA8]  }
0x3d: {  	_ =	shalt  }
0x3e: {  	_ =	shalt  }
0x3f: {  	_ =	shalt  }
0x40: {  	_ =	shalt  }
0x41: {  	_ =	shalt  }
0x42: {  	_ =	shalt  }
0x43: {  	_ =	shalt  }
0x44: {  	_ =	shalt  }
0x45: {  	_ =	shalt  }
0x46: {  	_ =	shalt  }
0x47: {  	_ =	shalt  }
0x48: {  	_ =	shalt  }
0x49: {  	_ =	shalt  }
0x4a: {  	_ =	shalt  }
0x4b: {  	_ =	shalt  }
0x4c: {  	_ =	shalt  }
0x4d: {  	_ =	shalt  }
0x4e: {  	_ =	shalt  }
0x4f: {  	_ =	shalt  }
0x50: {  	_ =	shalt  }
0x51: {  	_ =	shalt  }
0x52: {  	_ =	shalt  }
0x53: {  	_ =	shalt  }
0x54: {  	_ =	shalt  }
0x55: {  	_ =	shalt  }
0x56: {  	_ =	shalt  }
0x57: {  	_ =	shalt  }
0x58: {  	_ =	shalt  }
0x59: {  	_ =	shalt  }
0x5a: {  	_ =	shalt  }
0x5b: {  	_ =	shalt  }
0x5c: {  	_ =	shalt  }
0x5d: {  	_ =	shalt  }
0x5e: {  	_ =	shalt  }
0x5f: {  	_ =	shalt  }
0x60: {  	_ =	shalt  }
0x61: {  	_ =	shalt  }
0x62: {  	_ =	shalt  }
0x63: {  	_ =	shalt  }
0x64: {  	_ =	shalt  }
0x65: {  	_ =	shalt  }
0x66: {  	_ =	shalt  }
0x67: {  	_ =	shalt  }
0x68: {  	_ =	shalt  }
0x69: {  	_ =	shalt  }
0x6a: {  	_ =	shalt  }
0x6b: {  	_ =	shalt  }
0x6c: {  	_ =	shalt  }
0x6d: {  	_ =	shalt  }
0x6e: {  	_ =	shalt  }
0x6f: {  	_ =	shalt  }
0x70: {  	_ =	shalt  }
0x71: {  	_ =	shalt  }
0x72: {  	_ =	shalt  }
0x73: {  	_ =	shalt  }
0x74: {  	_ =	shalt  }
0x75: {  	_ =	shalt  }
0x76: {  	_ =	shalt  }
0x77: {  	_ =	shalt  }
0x78: {  	_ =	shalt  }
0x79: {  	_ =	shalt  }
0x7a: {  	_ =	shalt  }
0x7b: {  	_ =	shalt  }
0x7c: {  	_ =	shalt  }
0x7d: {  	_ =	shalt  }
0x7e: {  	_ =	shalt  }
0x7f: {  	_ =	shalt  }
0x80: {  	_ =	shalt  }
0x81: {  	_ =	shalt  }
0x82: {  	_ =	shalt  }
0x83: {  	_ =	shalt  }
0x84: {  	_ =	shalt  }
0x85: {  	_ =	shalt  }
0x86: {  	_ =	shalt  }
0x87: {  	_ =	shalt  }
.Lfunc_end0:
.L_simem_size_0:
called_computation_lowered:
.L_overlay_start_0:
0x88: {  	s2 =	sld [smem:$0x3FD9]  }
0x89: {  	s3 =	sld [smem:$0x3FFE];
	_ =	sdelay $0x1  }
0x8a: {  	s1 =	srdreg.scid  }
0x8b: {  	s0 =	sand.u32 $0x1, s1  }
0x8c: {  	s16 =	sshll.u32 s0, $0xA;
	s2 =	sadd.s32 s3, s2  }
0x8d: {  	s2 =	sadd.s32 s2, s16  }
0x8e: {  	[smem:$0x3FB4] =	sst s2  }
0x8f: {  	_ = 	snop  }
0x90: {  	(tm) =	ssettm $0x1  }
0x91: {  	s17 =	sld [smem:$0x3FFB];
	_ =	sdelay $0x3  }
0x92: {  	_ =	strace s17  }
0x93: {  	s2 =	sld [smem:$0x3FFC];
	_ =	sdelay $0x3  }
0x94: {  	_ =	strace s2  }
0x95: {  	s2 =	sld [smem:$0x3FFD];
	_ =	sdelay $0x3  }
0x96: {  	_ =	strace s2  }
0x97: {  	_ =	strace $0x8FFFFFFF  }
0x98: {  	s18 =	sld [smem:$0x3FDB];
	_ =	sdelay $0x1  }
0x99: {  	s19 =	simm.s32 $_scs_section_size  }
0x9a: {  	s4 =	simm.s32 $_size__tile_overlayer_lowered;
	s5 =	simm.s32 $_tile_overlayer_lowered  }
0x9b: {  	s22 =	simm.s32 $0x1BFF;
	s21 =	sshll.u32 s5, $0x1;
	s2 =	sadd.s32 s19, s18  }
0x9c: {  	s6 =	simm.s32 $0x0;
	s20 =	sshll.u32 s4, $0x1;
	s4 =	sadd.s32 s21, s2  }
0x9d: {  	[timem:s6], [sflag:s22] =	dma.local [hbm:s4], s20  }
0x9e: {  	_ =	swait.ge [sflag:s22], s20  }
0x9f: {  	s3 =	ssub.s32 $0x0, s20;
	[sflag:s22] =	ssyncset.done $0x0  }
0xa0: {  	[sflag:s22] =	ssyncadd.s32 s3;
	_ =	sdelay $0x1  }
0xa1: {  	s23 =	simm.s32 $0x1B8B  }
0xa2: {  	_ =	swait.ge [sflag:s23], $0x1  }
0xa3: {  	[sflag:s23] =	ssyncset.done $0x0  }
0xa4: {  	s25 =	simm.s32 $0x1B8E;
	s24 =	sld [smem:$0x3FFE];
	[sflag:s23] =	ssyncadd.s32 $0xFFFFFFFF  }
0xa5: {  	s26 =	simm.s32 $execute0_lowered;
	[smem:$0x3FD2] =	sst s25  }
0xa6: {  	s4 =	sshll.u32 s26, $0x1;
	_ =	strace $0x80000046;
	[dreg:$0x1] =	wrdreg $0xFFFFFFFF  }
0xa7: {  	s28 =	simm.s32 $_size_execute0_lowered;
	s2 =	sadd.s32 s2, s4;
	[dreg:$0x0] =	wrdreg $0x0  }
0xa8: {  	s4 =	sshll.u32 s28, $0x1;
	[dreg:$0x2] =	wrdreg s2  }
0xa9: {  	[dreg:$0x3] =	wrdreg s4  }
0xaa: {  	[dreg:$0x4] =	wrdreg $0xC0  }
0xab: {  	_ =	task [dreg:s6], $0x5FFFF  }
0xac: {  	[dreg:$0x1] =	wrdreg $0xFFFFFFFF  }
0xad: {  	[dreg:$0x0] =	wrdreg $0x60  }
0xae: {  	[dreg:$0x2] =	wrdreg s24  }
0xaf: {  	[dreg:$0x3] =	wrdreg $0x78800  }
0xb0: {  	[dreg:$0x4] =	wrdreg $0x9  }
0xb1: {  	_ =	task.clear_ibuf [dreg:s6], $0x5FFFF;
	_ =	strace $0x90000046  }
0xb2: {  	s29 =	simm.s32 $0x9;
	_ =	strace $0x80000048  }
0xb3: {  	_ =	swait.ge [sflag:s29], $0x1  }
0xb4: {  	[sflag:s29] =	ssyncadd.s32 $0xFFFFFFFF  }
0xb5: {  	_ =	strace $0x90000048  }
0xb6: {  	_ =	sfence  }
0xb7: {  	s30 =	sld [smem:$0x0];
	_ =	sdelay $0x2  }
0xb8: {  	s31 =	sshll.u32 s1, $0xD;
	s1 =	sshrl.u32 s1, $0x2  }
0xb9: {  	s3 =	sand.u32 $0x4000, s31;
	s1 =	sadd.s32 s1, s30  }
0xba: {  	s0 =	sor.u32 s3, s0;
	s1 =	sshll.u32 s1, $0x11  }
0xbb: {  	s0 =	sor.u32 s1, s0  }
0xbc: {  	s0 =	sadd.s32 $0x8F2B, s0  }
0xbd: {  	[sflag:s0] =	ssyncadd.remote.s32 $0x1  }
0xbe: {  	_ =	sfence.sel $0xFFFF  }
0xbf: {  	[dreg:$0x0] =	wrdreg $0xFFFFFFFF;
	(pc) =	sbr.abs _section_cstart, $3  }
0xc0: {  	[dreg:$0x1] =	wrdreg $0xFFFFFFFF  }
0xc1: {  	_ =	task.clear_ibuf [dreg:s6], $0x2FFFF;
	_ =	strace $0x9FFFFFFF  }
0xc2: {  	(tm) =	ssettm $0x7FFFFFFF  }
0xc3: {  	_ =	shalt  }
tec
execute0_lowered:
.L_overlay_start_1:
0x0: {  	(tag) =	ssettag $0x1  }
0x1: {  	s4 =	stileid.u32  }
0x2: {  	s0 =	rddreg [dreg:$0x0];
	s8 =	smul.u32 $0x13880, s4  }
0x3: {  	s1 =	rddreg [dreg:$0x1];
	s5 =	simm.s32 $0x0;
	s7 =	smul.u32 $0x4E200, s4  }
0x4: {  	[smem:$0x7FF] =	sst s5;
	s13 =	sadd.s32 $0xC000, s0;
	s4 =	smul.u32 $0x4E20, s4  }
0x5: {  	s6 =	sadd.s32 $0x2200, s0;
	_ =	strace $0x80000047;
	[dreg:$0x5] =	wrdreg s13  }
0x6: {  	s30 =	simm.s32 $0x80;
	[dreg:$0x7] =	wrdreg s6  }
0x7: {  	[dreg:$0x4] =	wrdreg s30;
	s15 =	sshrl.u32 s4, $0x3  }
0x8: {  	s7 =	sshrl.u32 s7, $0x2;
	[dreg:$0x6] =	wrdreg s4;
	s5 =	sadd.s32 s13, s15  }
0x9: {  	s17 =	sadd.s32 s8, s1;
	s16 =	sadd.s32 s6, s15;
	[dreg:$0x9] =	wrdreg s5  }
0xa: {  	s4 =	sadd.s32 s7, s1;
	s1 =	simm.s32 $0x7000;
	[dreg:$0xa] =	wrdreg s16  }
0xb: {  	[dreg:$0x3] =	wrdreg s1  }
0xc: {  	s19 =	sadd.s32 $0x800, s4;
	[dreg:$0x8] =	wrdreg s4  }
0xd: {  	s20 =	sadd.s32 $0x1000, s4;
	[dreg:$0xd] =	wrdreg s19  }
0xe: {  	s21 =	sadd.s32 $0x1800, s4;
	[dreg:$0xe] =	wrdreg s20  }
0xf: {  	s22 =	sadd.s32 $0x2000, s4;
	[dreg:$0xf] =	wrdreg s21  }
0x10: {  	s23 =	sadd.s32 $0x2800, s4;
	[dreg:$0x10] =	wrdreg s22  }
0x11: {  	s24 =	sadd.s32 $0x3000, s4;
	[dreg:$0x11] =	wrdreg s23  }
0x12: {  	s25 =	sadd.s32 $0x3800, s4;
	[dreg:$0x12] =	wrdreg s24  }
0x13: {  	s26 =	sadd.s32 $0x4000, s4;
	[dreg:$0x13] =	wrdreg s25  }
0x14: {  	s28 =	sadd.s32 $0x4800, s4;
	[dreg:$0x14] =	wrdreg s26  }
0x15: {  	s29 =	sadd.s32 $0x5000, s4;
	[dreg:$0x15] =	wrdreg s28  }
0x16: {  	s2 =	srdreg.scid;
	s31 =	sadd.s32 $0x5800, s4;
	[dreg:$0x16] =	wrdreg s29  }
0x17: {  	s2 =	sand.u32 $0x1, s2;
	s5 =	sadd.s32 $0x6800, s4;
	[dreg:$0x17] =	wrdreg s31  }
0x18: {  	s3 =	smul.u32 $0x138800, s2;
	s6 =	sadd.s32 $0x7000, s4;
	[dreg:$0x1a] =	wrdreg s5  }
0x19: {  	s7 =	sadd.s32 $0x7800, s4;
	[dreg:$0x1b] =	wrdreg s6  }
0x1a: {  	s3 =	sadd.s32 s8, s3;
	s8 =	sadd.s32 $0x8000, s4;
	[dreg:$0x1c] =	wrdreg s7  }
0x1b: {  	s10 =	sadd.s32 $0x9000, s4;
	[dreg:$0x1d] =	wrdreg s8  }
0x1c: {  	s11 =	sadd.s32 $0x9800, s4;
	[dreg:$0x1f] =	wrdreg s10  }
0x1d: {  	s12 =	sadd.s32 $0xA000, s4;
	[smem:$0x7EA] =	sst s11  }
0x1e: {  	s9 =	ssub.s32 $0x2, s2;
	s13 =	sadd.s32 $0xA800, s4;
	[smem:$0x7EB] =	sst s12  }
0x1f: {  	s14 =	sshrl.u32 s9, $0x1;
	s15 =	sadd.s32 $0xB800, s4;
	[smem:$0x7EC] =	sst s13  }
0x20: {  	s3 =	sshrl.u32 s3, $0x3;
	s16 =	sadd.s32 $0xC000, s4;
	[smem:$0x7EE] =	sst s15  }
0x21: {  	s30 =	sadd.s32 $0x12800, s4;
	s0 =	sadd.s32 s3, s0;
	[smem:$0x7EF] =	sst s16  }
0x22: {  	s3 =	ssub.s32 s9, s14;
	s9 =	sadd.s32 $0x8800, s4;
	[smem:$0x7FC] =	sst s30  }
0x23: {  	s14 =	sadd.s32 $0xB000, s4;
	[dreg:$0x1e] =	wrdreg s9  }
0x24: {  	s19 =	sadd.s32 $0xD800, s4;
	[smem:$0x7ED] =	sst s14  }
0x25: {  	s20 =	sadd.s32 $0xE000, s4;
	[smem:$0x7F2] =	sst s19  }
0x26: {  	s21 =	sadd.s32 $0xE800, s4;
	[smem:$0x7F3] =	sst s20  }
0x27: {  	s22 =	sadd.s32 $0xF000, s4;
	[smem:$0x7F4] =	sst s21  }
0x28: {  	s23 =	sadd.s32 $0xF800, s4;
	[smem:$0x7F5] =	sst s22  }
0x29: {  	s24 =	sadd.s32 $0x10000, s4;
	[smem:$0x7F6] =	sst s23  }
0x2a: {  	s25 =	sadd.s32 $0x10800, s4;
	[smem:$0x7F7] =	sst s24  }
0x2b: {  	s26 =	sadd.s32 $0x11000, s4;
	[smem:$0x7F8] =	sst s25  }
0x2c: {  	s28 =	sadd.s32 $0x11800, s4;
	[smem:$0x7F9] =	sst s26  }
0x2d: {  	s29 =	sadd.s32 $0x12000, s4;
	[smem:$0x7FA] =	sst s28  }
0x2e: {  	v2 =	vimm.s32 $0xECA86420;
	v1 =	vimm.f32 $1.000000000e+00;
	s31 =	sadd.s32 $0x13000, s4;
	[smem:$0x7FB] =	sst s29  }
0x2f: {  	vm0 =	vcmask $0xB08;
	vm1 =	vcmask $0x1310;
	vm2 =	vcmask $0x1B18;
	s0 =	sadd.s32 $0x15E00, s0;
	[smem:$0x7FD] =	sst s31  }
0x30: {  	vm4 =	vcmask $0x300;
	vm5 =	vcmask $0x2320;
	vm6 =	vcmask $0x2B28;
	s18 =	smax.u32 s3, $0x1;
	[dreg:$0xb] =	wrdreg s0  }
0x31: {  	v4 =	vlaneseq.u32;
	vm7 =	vcmask $0x3330;
	vm8 =	vcmask $0x3B38;
	s3 =	sadd.s32 $0x6000, s4;
	[dreg:$0xc] =	wrdreg s18  }
0x32: {  	vm9 =	vmmov $0xff;
	vm12 =	vcmask $0xF0C;
	vm13 =	vcmask $0x1714;
	[dreg:$0x18] =	wrdreg s3;
	s0 =	sshrl.u32 s17, $0x3  }
0x33: {  	vm14 =	vcmask $0x1F1C;
	vm15 =	vcmask $0x2724;
	v3 =	vunpack.c.l.s4.s8 v2;
	s2 =	smul.u32 $0x1388, s2;
	s17 =	sadd.s32 $0xC800, s4;
	[dreg:$0x19] =	wrdreg s0  }
0x34: {  	vm3 =	vcmask $0x2F2C;
	vm11 =	vcmask $0x3734;
	v2 =	vimm.f32 $0.0e+00;
	s18 =	sadd.s32 $0xD000, s4;
	[smem:$0x7F0] =	sst s17  }
0x35: {  	v4 =	vmul.u32 $0x2, v4;
	v3 =	vunpack.c.0.s8.s32 v3;
	v0 =	vmov s2;
	s2 =	simm.s32 $0x0;
	s3 =	simm.s32 $0x1;
	[smem:$0x7F1] =	sst s18  }
.LBB2_1:
0x36: {  	[tilespmem:$0x7000] =	vst v1  }
0x37: {  	[tilespmem:$0x7010] =	vst v1  }
0x38: {  	[tilespmem:$0x7020] =	vst v1  }
0x39: {  	[tilespmem:$0x7030] =	vst v1  }
0x3a: {  	[tilespmem:$0x7040] =	vst v1  }
0x3b: {  	[tilespmem:$0x7050] =	vst v1  }
0x3c: {  	[tilespmem:$0x7060] =	vst v1  }
0x3d: {  	[smem:$0x7E9] =	sst s2;
	[tilespmem:$0x7070] =	vst v1;
	s0 =	simm.s32 $0x40;
	s2 =	simm.s32 $0x0  }
.LBB2_2:
0x3e: {  	p0 =	sne.s32 s0, $0x1FC0;
	[tilespmem:s2+$0x7080] =	vst v2;
	s2 =	smov.u32 s0;
	s0 =	sadd.s32 $0x40, s0  }
.Ltmp0:
0x3f: {  	(pc) =	sbr.rel @p0 .LBB2_2-.Ltmp0, $2  }
0x40: {  	_ =	sdelay $0x2  }
0x41: {  	s2 =	sshra.s32 s2, $0x2  }
0x42: {  	s0 =	rddreg [dreg:$0x8]  }
0x43: {  	[tilespmem:s2+$0x7080] =	vst v2;
	s1 =	simm.s32 $0x7080;
	s17 =	rddreg [dreg:$0xd]  }
0x44: {  	[spmem:s0] =	stream.linear.scatter [tilespmem:s1], [sflag:$0x1], $0x800, $0x38;
	[tilespmem:$0x1B100] =	vst v63  }
0x45: {  	s18 =	rddreg [dreg:$0xe]  }
0x46: {  	[spmem:s17] =	stream.linear.scatter [tilespmem:s1], [sflag:$0x1], $0x800, $0x38;
	[tilespmem:$0x1B100] =	vst v63  }
0x47: {  	s19 =	rddreg [dreg:$0xf]  }
0x48: {  	[spmem:s18] =	stream.linear.scatter [tilespmem:s1], [sflag:$0x1], $0x800, $0x38;
	[tilespmem:$0x1B100] =	vst v63  }
0x49: {  	s20 =	rddreg [dreg:$0x10]  }
0x4a: {  	[spmem:s19] =	stream.linear.scatter [tilespmem:s1], [sflag:$0x1], $0x800, $0x38;
	[tilespmem:$0x1B100] =	vst v63  }
0x4b: {  	s21 =	rddreg [dreg:$0x11]  }
0x4c: {  	[spmem:s20] =	stream.linear.scatter [tilespmem:s1], [sflag:$0x1], $0x800, $0x38;
	[tilespmem:$0x1B100] =	vst v63  }
0x4d: {  	s22 =	rddreg [dreg:$0x12]  }
0x4e: {  	[spmem:s21] =	stream.linear.scatter [tilespmem:s1], [sflag:$0x1], $0x800, $0x38;
	[tilespmem:$0x1B100] =	vst v63  }
0x4f: {  	s23 =	rddreg [dreg:$0x13]  }
0x50: {  	[spmem:s22] =	stream.linear.scatter [tilespmem:s1], [sflag:$0x1], $0x800, $0x38;
	[tilespmem:$0x1B100] =	vst v63  }
0x51: {  	s24 =	rddreg [dreg:$0x14]  }
0x52: {  	[spmem:s23] =	stream.linear.scatter [tilespmem:s1], [sflag:$0x1], $0x800, $0x38;
	[tilespmem:$0x1B100] =	vst v63  }
0x53: {  	s25 =	rddreg [dreg:$0x15]  }
0x54: {  	[spmem:s24] =	stream.linear.scatter [tilespmem:s1], [sflag:$0x1], $0x800, $0x38;
	[tilespmem:$0x1B100] =	vst v63  }
0x55: {  	s26 =	rddreg [dreg:$0x16]  }
0x56: {  	[spmem:s25] =	stream.linear.scatter [tilespmem:s1], [sflag:$0x1], $0x800, $0x38;
	[tilespmem:$0x1B100] =	vst v63  }
0x57: {  	s28 =	rddreg [dreg:$0x17]  }
0x58: {  	[spmem:s26] =	stream.linear.scatter [tilespmem:s1], [sflag:$0x1], $0x800, $0x38;
	[tilespmem:$0x1B100] =	vst v63  }
0x59: {  	s29 =	rddreg [dreg:$0x18]  }
0x5a: {  	[spmem:s28] =	stream.linear.scatter [tilespmem:s1], [sflag:$0x1], $0x800, $0x38;
	[tilespmem:$0x1B100] =	vst v63  }
0x5b: {  	s30 =	rddreg [dreg:$0x1a]  }
0x5c: {  	[spmem:s29] =	stream.linear.scatter [tilespmem:s1], [sflag:$0x1], $0x800, $0x38;
	[tilespmem:$0x1B100] =	vst v63  }
0x5d: {  	s31 =	rddreg [dreg:$0x1b]  }
0x5e: {  	[spmem:s30] =	stream.linear.scatter [tilespmem:s1], [sflag:$0x1], $0x800, $0x38;
	[tilespmem:$0x1B100] =	vst v63  }
0x5f: {  	s2 =	rddreg [dreg:$0x1c]  }
0x60: {  	[spmem:s31] =	stream.linear.scatter [tilespmem:s1], [sflag:$0x1], $0x800, $0x38;
	[tilespmem:$0x1B100] =	vst v63  }
0x61: {  	s4 =	rddreg [dreg:$0x1d]  }
0x62: {  	[spmem:s2] =	stream.linear.scatter [tilespmem:s1], [sflag:$0x1], $0x800, $0x38;
	[tilespmem:$0x1B100] =	vst v63  }
0x63: {  	s5 =	rddreg [dreg:$0x1e]  }
0x64: {  	[spmem:s4] =	stream.linear.scatter [tilespmem:s1], [sflag:$0x1], $0x800, $0x38;
	[tilespmem:$0x1B100] =	vst v63  }
0x65: {  	s6 =	rddreg [dreg:$0x1f]  }
0x66: {  	[spmem:s5] =	stream.linear.scatter [tilespmem:s1], [sflag:$0x1], $0x800, $0x38;
	[tilespmem:$0x1B100] =	vst v63  }
0x67: {  	s7 =	sld [smem:$0x7EA]  }
0x68: {  	[spmem:s6] =	stream.linear.scatter [tilespmem:s1], [sflag:$0x1], $0x800, $0x38;
	[tilespmem:$0x1B100] =	vst v63  }
0x69: {  	s8 =	sld [smem:$0x7EB]  }
0x6a: {  	[spmem:s7] =	stream.linear.scatter [tilespmem:s1], [sflag:$0x1], $0x800, $0x38;
	[tilespmem:$0x1B100] =	vst v63  }
0x6b: {  	s9 =	sld [smem:$0x7EC]  }
0x6c: {  	[spmem:s8] =	stream.linear.scatter [tilespmem:s1], [sflag:$0x1], $0x800, $0x38;
	[tilespmem:$0x1B100] =	vst v63  }
0x6d: {  	s10 =	sld [smem:$0x7ED]  }
0x6e: {  	[spmem:s9] =	stream.linear.scatter [tilespmem:s1], [sflag:$0x1], $0x800, $0x38;
	[tilespmem:$0x1B100] =	vst v63  }
0x6f: {  	s11 =	sld [smem:$0x7EE]  }
0x70: {  	[spmem:s10] =	stream.linear.scatter [tilespmem:s1], [sflag:$0x1], $0x800, $0x38;
	[tilespmem:$0x1B100] =	vst v63  }
0x71: {  	s12 =	sld [smem:$0x7EF]  }
0x72: {  	[spmem:s11] =	stream.linear.scatter [tilespmem:s1], [sflag:$0x1], $0x800, $0x38;
	[tilespmem:$0x1B100] =	vst v63  }
0x73: {  	s13 =	sld [smem:$0x7F0]  }
0x74: {  	[spmem:s12] =	stream.linear.scatter [tilespmem:s1], [sflag:$0x1], $0x800, $0x38;
	[tilespmem:$0x1B100] =	vst v63  }
0x75: {  	s14 =	sld [smem:$0x7F1]  }
0x76: {  	[spmem:s13] =	stream.linear.scatter [tilespmem:s1], [sflag:$0x1], $0x800, $0x38;
	[tilespmem:$0x1B100] =	vst v63  }
0x77: {  	s15 =	sld [smem:$0x7F2]  }
0x78: {  	[spmem:s14] =	stream.linear.scatter [tilespmem:s1], [sflag:$0x1], $0x800, $0x38;
	[tilespmem:$0x1B100] =	vst v63  }
0x79: {  	s16 =	sld [smem:$0x7F3]  }
0x7a: {  	[spmem:s15] =	stream.linear.scatter [tilespmem:s1], [sflag:$0x1], $0x800, $0x38;
	[tilespmem:$0x1B100] =	vst v63  }
0x7b: {  	s17 =	sld [smem:$0x7F4]  }
0x7c: {  	[spmem:s16] =	stream.linear.scatter [tilespmem:s1], [sflag:$0x1], $0x800, $0x38;
	[tilespmem:$0x1B100] =	vst v63  }
0x7d: {  	s18 =	sld [smem:$0x7F5]  }
0x7e: {  	[spmem:s17] =	stream.linear.scatter [tilespmem:s1], [sflag:$0x1], $0x800, $0x38;
	[tilespmem:$0x1B100] =	vst v63  }
0x7f: {  	s19 =	sld [smem:$0x7F6]  }
0x80: {  	[spmem:s18] =	stream.linear.scatter [tilespmem:s1], [sflag:$0x1], $0x800, $0x38;
	[tilespmem:$0x1B100] =	vst v63  }
0x81: {  	s20 =	sld [smem:$0x7F7]  }
0x82: {  	[spmem:s19] =	stream.linear.scatter [tilespmem:s1], [sflag:$0x1], $0x800, $0x38;
	[tilespmem:$0x1B100] =	vst v63  }
0x83: {  	s21 =	sld [smem:$0x7F8]  }
0x84: {  	[spmem:s20] =	stream.linear.scatter [tilespmem:s1], [sflag:$0x1], $0x800, $0x38;
	[tilespmem:$0x1B100] =	vst v63  }
0x85: {  	s22 =	sld [smem:$0x7F9]  }
0x86: {  	[spmem:s21] =	stream.linear.scatter [tilespmem:s1], [sflag:$0x1], $0x800, $0x38;
	[tilespmem:$0x1B100] =	vst v63  }
0x87: {  	s23 =	sld [smem:$0x7FA]  }
0x88: {  	[spmem:s22] =	stream.linear.scatter [tilespmem:s1], [sflag:$0x1], $0x800, $0x38;
	[tilespmem:$0x1B100] =	vst v63  }
0x89: {  	s24 =	sld [smem:$0x7FB]  }
0x8a: {  	[spmem:s23] =	stream.linear.scatter [tilespmem:s1], [sflag:$0x1], $0x800, $0x38;
	[tilespmem:$0x1B100] =	vst v63  }
0x8b: {  	s25 =	sld [smem:$0x7FC]  }
0x8c: {  	[spmem:s24] =	stream.linear.scatter [tilespmem:s1], [sflag:$0x1], $0x800, $0x38;
	[tilespmem:$0x1B100] =	vst v63  }
0x8d: {  	s26 =	sld [smem:$0x7FD]  }
0x8e: {  	[spmem:s25] =	stream.linear.scatter [tilespmem:s1], [sflag:$0x1], $0x800, $0x38;
	[tilespmem:$0x1B100] =	vst v63  }
0x8f: {  	_ = 	snop  }
0x90: {  	[spmem:s26] =	stream.linear.scatter [tilespmem:s1], [sflag:$0x1], $0x800, $0x38;
	[tilespmem:$0x1B100] =	vst v63  }
0x91: {  	s28 =	simm.s32 $0x0;
	s29 =	rddreg [dreg:$0x9]  }
0x92: {  	[tilespmem:s28], [sflag:$0x2] =	stream.linear.gather [hbm4b:s29+s28], $0x7D0, $0x38;
	[tilespmem:$0x1B100] =	vst v63  }
0x93: {  	s30 =	rddreg [dreg:$0xa];
	s31 =	simm.s32 $0x1000  }
0x94: {  	[tilespmem:s31], [sflag:$0x2] =	stream.linear.gather [hbm4b:s30+s28], $0x7D0, $0x38;
	[tilespmem:$0x1B100] =	vst v63  }
0x95: {  	_ =	swait.ge [sflag:s3], $0x800  }
0x96: {  	s0 =	simm.s32 $0x26;
	[sflag:s3] =	ssyncset.done $0x0  }
.LBB2_4:
0x97: {  	p0 =	sne.s32 s0, $0x1;
	s0 =	sadd.s32 $0xFFFFFFFF, s0;
	[sflag:s3] =	ssyncadd.s32 $0xFFFFF800  }
.Ltmp1:
0x98: {  	(pc) =	sbr.rel @p0 .LBB2_4-.Ltmp1, $3  }
0x99: {  	_ =	sdelay $0x1  }
0x9a: {  	_ =	swait.ge [sflag:s3], $0x800  }
0x9b: {  	[sflag:s3] =	ssyncset.done $0x0  }
0x9c: {  	[sflag:s3] =	ssyncadd.s32 $0xFFFFF800;
	s0 =	simm.s32 $0x0  }
0x9d: {  	s4 =	simm.s32 $0x2000;
	p0 =	por $0x0, $0x0;
	[bflag:$0x0] =	sbarrier.arrive $0xFFFF  }
.LBB2_6:
0x9e: {  	s2 =	simm.s32 $0x2  }
0x9f: {  	_ =	swait.ge [sflag:s2], $0x7D0  }
0xa0: {  	s1 =	sadd.s32 $0x1, s0;
	[sflag:s2] =	ssyncset.done $0x0  }
0xa1: {  	p1 =	seq.s32 s0, $0x9;
	[smem:$0x7E7] =	sst s1;
	[sflag:s2] =	ssyncadd.s32 $0xFFFFF830  }
0xa2: {  	s8 =	sshll.u32 s0, $0xB;
	s3 =	smul.u32 @!p1 $0x7D0, s1;
	_ =	swait.ge [sflag:s2], $0x7D0  }
0xa3: {  	s8 =	sand.u32 $0x800, s8;
	s1 =	rddreg [dreg:$0x6]  }
0xa4: {  	s12 =	simm.s32 @!p1 $0x0;
	s9 =	ssub.s32 @!p1 $0x800, s8;
	s3 =	sadd.s32 @!p1 s1, s3  }
0xa5: {  	[sflag:s2] =	ssyncset.done $0x0;
	s1 =	rddreg [dreg:$0x5];
	s3 =	sshrl.u32 @!p1 s3, $0x3  }
0xa6: {  	[sflag:s2] =	ssyncadd.s32 $0xFFFFF830;
	s11 =	sadd.s32 @!p1 s1, s3;
	s1 =	rddreg [dreg:$0x7]  }
0xa7: {  	[tilespmem:s9], [sflag:$0x2] =	stream.linear.gather @!p1 [hbm4b:s11+s12], $0x7D0, $0x38;
	[tilespmem:$0x1B100] =	vst v63  }
0xa8: {  	p2 =	slt.u32 @!p1 s0, $0x2;
	s8 =	ssub.s32 @!p1 $0x1800, s8;
	s3 =	sadd.s32 @!p1 s1, s3  }
0xa9: {  	[tilespmem:s8], [sflag:$0x2] =	stream.linear.gather @!p1 [hbm4b:s3+s12], $0x7D0, $0x38;
	[tilespmem:$0x1B100] =	vst v63  }
0xaa: {  	p1 =	por p1, !p2  }
0xab: {  	s0 =	simm.s32 @p1 $0x3  }
0xac: {  	_ =	swait.ge @p1 [sflag:s0], $0x80  }
0xad: {  	[sflag:s0] =	ssyncset.done @p1 $0x0  }
0xae: {  	[sflag:s0] =	ssyncadd.s32 @p1 $0xFFFFFF80  }
0xaf: {  	_ =	swait.ge @p1 [sflag:s0], $0x80  }
0xb0: {  	[sflag:s0] =	ssyncset.done @p1 $0x0  }
0xb1: {  	[sflag:s0] =	ssyncadd.s32 @p1 $0xFFFFFF80  }
0xb2: {  	_ =	swait.ge @p1 [sflag:s0], $0x80  }
0xb3: {  	[sflag:s0] =	ssyncset.done @p1 $0x0  }
0xb4: {  	[sflag:s0] =	ssyncadd.s32 @p1 $0xFFFFFF80  }
0xb5: {  	_ =	swait.ge @p1 [sflag:s0], $0x80  }
0xb6: {  	[sflag:s0] =	ssyncset.done @p1 $0x0  }
0xb7: {  	[sflag:s0] =	ssyncadd.s32 @p1 $0xFFFFFF80  }
0xb8: {  	_ =	swait.ge @p1 [sflag:s0], $0x80  }
0xb9: {  	[sflag:s0] =	ssyncset.done @p1 $0x0  }
0xba: {  	[sflag:s0] =	ssyncadd.s32 @p1 $0xFFFFFF80  }
0xbb: {  	_ =	swait.ge @p1 [sflag:s0], $0x80  }
0xbc: {  	[sflag:s0] =	ssyncset.done @p1 $0x0  }
0xbd: {  	[sflag:s0] =	ssyncadd.s32 @p1 $0xFFFFFF80  }
0xbe: {  	_ =	swait.ge @p1 [sflag:s0], $0x80  }
0xbf: {  	[sflag:s0] =	ssyncset.done @p1 $0x0  }
0xc0: {  	[sflag:s0] =	ssyncadd.s32 @p1 $0xFFFFFF80  }
0xc1: {  	_ =	swait.ge @p1 [sflag:s0], $0x80  }
0xc2: {  	[sflag:s0] =	ssyncset.done @p1 $0x0  }
0xc3: {  	[sflag:s0] =	ssyncadd.s32 @p1 $0xFFFFFF80  }
0xc4: {  	_ =	swait.ge @p1 [sflag:s0], $0x80  }
0xc5: {  	[sflag:s0] =	ssyncset.done @p1 $0x0  }
0xc6: {  	[sflag:s0] =	ssyncadd.s32 @p1 $0xFFFFFF80  }
0xc7: {  	_ =	swait.ge @p1 [sflag:s0], $0x80  }
0xc8: {  	[sflag:s0] =	ssyncset.done @p1 $0x0  }
0xc9: {  	[sflag:s0] =	ssyncadd.s32 @p1 $0xFFFFFF80  }
0xca: {  	_ =	swait.ge @p1 [sflag:s0], $0x80  }
0xcb: {  	[sflag:s0] =	ssyncset.done @p1 $0x0  }
0xcc: {  	[sflag:s0] =	ssyncadd.s32 @p1 $0xFFFFFF80  }
0xcd: {  	_ =	swait.ge @p1 [sflag:s0], $0x80  }
0xce: {  	[sflag:s0] =	ssyncset.done @p1 $0x0  }
0xcf: {  	[sflag:s0] =	ssyncadd.s32 @p1 $0xFFFFFF80  }
0xd0: {  	_ =	swait.ge @p1 [sflag:s0], $0x80  }
0xd1: {  	[sflag:s0] =	ssyncset.done @p1 $0x0  }
0xd2: {  	[sflag:s0] =	ssyncadd.s32 @p1 $0xFFFFFF80  }
0xd3: {  	_ =	swait.ge @p1 [sflag:s0], $0x80  }
0xd4: {  	[sflag:s0] =	ssyncset.done @p1 $0x0  }
0xd5: {  	[sflag:s0] =	ssyncadd.s32 @p1 $0xFFFFFF80  }
0xd6: {  	_ =	swait.ge @p1 [sflag:s0], $0x80  }
0xd7: {  	[sflag:s0] =	ssyncset.done @p1 $0x0  }
0xd8: {  	[sflag:s0] =	ssyncadd.s32 @p1 $0xFFFFFF80  }
0xd9: {  	_ =	swait.ge @p1 [sflag:s0], $0x80  }
0xda: {  	[sflag:s0] =	ssyncset.done @p1 $0x0  }
0xdb: {  	s31 =	simm.s32 $0x70;
	[sflag:s0] =	ssyncadd.s32 @p1 $0xFFFFFF80;
	s0 =	simm.s32 $0x1  }
0xdc: {  	[smem:$0x7E6] =	sst s31;
	s0 =	simm.s32 @!p0 $0x0  }
0xdd: {  	[smem:$0x7E8] =	sst s4;
	s0 =	sshll.u32 s0, $0xB  }
0xde: {  	s1 =	sor.u32 $0x40, s0;
	s8 =	sor.u32 $0x1040, s0;
	s0 =	smov.u32 s4  }
.LBB2_7:
0xdf: {  	v5 =	vld [tilespmem:s1+$0xFFFFFFC0];
	_ =	sdelay $0x4  }
0xe0: {  	(v2sf) =	vpush v5, $0xD;
	_ =	sdelay $0x1  }
0xe1: {  	(v2sf) =	vpush v5, $0xC;
	_ =	sdelay $0x1  }
0xe2: {  	(v2sf) =	vpush v5, $0xE;
	_ =	sdelay $0x1  }
0xe3: {  	(v2sf) =	vpush v5, $0xF;
	_ =	sdelay $0x1  }
0xe4: {  	(v2sf) =	vpush v5, $0x9;
	_ =	sdelay $0x1  }
0xe5: {  	(v2sf) =	vpush v5, $0x8;
	_ =	sdelay $0x1  }
0xe6: {  	(v2sf) =	vpush v5, $0xA;
	_ =	sdelay $0x1  }
0xe7: {  	(v2sf) =	vpush v5, $0xB  }
0xe8: {  	s11 =	spop (v2sf)  }
0xe9: {  	(v2sf) =	vpush v5, $0x0;
	s12 =	smulhi.u32 $0x51EB851F, s11;
	s11 =	sshra.s32 s11, $0x1F  }
0xea: {  	s13 =	spop (v2sf);
	(v2sf) =	vpush v5, $0x1;
	s11 =	smul.u32 $0x51EB851F, s11  }
0xeb: {  	s14 =	smulhi.u32 $0x51EB851F, s13;
	s13 =	sshra.s32 s13, $0x1F;
	(v2sf) =	vpush v5, $0x2  }
0xec: {  	s15 =	spop (v2sf);
	s13 =	smul.u32 $0x51EB851F, s13;
	(v2sf) =	vpush v5, $0x3  }
0xed: {  	s16 =	smulhi.u32 $0x51EB851F, s15;
	s15 =	sshra.s32 s15, $0x1F;
	(v2sf) =	vpush v5, $0x4  }
0xee: {  	s17 =	spop (v2sf);
	s15 =	smul.u32 $0x51EB851F, s15;
	(v2sf) =	vpush v5, $0x5  }
0xef: {  	[smem:$0x7E5] =	sst s1;
	s18 =	smulhi.u32 $0x51EB851F, s17;
	s6 =	sshra.s32 s17, $0x1F;
	(v2sf) =	vpush v5, $0x6  }
0xf0: {  	s11 =	sadd.s32 s11, s12;
	s7 =	spop (v2sf);
	s17 =	smul.u32 $0x51EB851F, s6;
	(v2sf) =	vpush v5, $0x7  }
0xf1: {  	s20 =	sshrl.u32 s11, $0x1F;
	s19 =	smulhi.u32 $0x51EB851F, s7;
	s12 =	sshra.s32 s7, $0x1F  }
0xf2: {  	s14 =	sadd.s32 s13, s14;
	s9 =	spop (v2sf);
	s21 =	smul.u32 $0x51EB851F, s12  }
0xf3: {  	s24 =	sshrl.u32 s14, $0x1F;
	s10 =	smulhi.u32 $0x51EB851F, s9;
	s13 =	sshra.s32 s9, $0x1F  }
0xf4: {  	s12 =	sadd.s32 s15, s16;
	s25 =	spop (v2sf);
	s30 =	smul.u32 $0x51EB851F, s13  }
0xf5: {  	s22 =	sshrl.u32 s12, $0x1F;
	s26 =	smulhi.u32 $0x51EB851F, s25;
	s15 =	sshra.s32 s25, $0x1F  }
0xf6: {  	s13 =	sadd.s32 s17, s18;
	s29 =	spop (v2sf);
	s7 =	smul.u32 $0x51EB851F, s15  }
0xf7: {  	s23 =	sshrl.u32 s13, $0x1F;
	s31 =	smulhi.u32 $0x51EB851F, s29;
	s18 =	sshra.s32 s29, $0x1F  }
0xf8: {  	s15 =	sadd.s32 s21, s19;
	s25 =	smul.u32 $0x51EB851F, s18;
	s1 =	spop (v2sf)  }
0xf9: {  	s4 =	smulhi.u32 $0x51EB851F, s1;
	s2 =	sshra.s32 s1, $0x1F;
	s5 =	spop (v2sf)  }
0xfa: {  	s18 =	sadd.s32 s30, s10;
	s30 =	smul.u32 $0x51EB851F, s2;
	s3 =	spop (v2sf)  }
0xfb: {  	s6 =	smulhi.u32 $0x51EB851F, s5;
	s5 =	sshra.s32 s5, $0x1F;
	s28 =	spop (v2sf)  }
0xfc: {  	s21 =	sshrl.u32 s15, $0x1F;
	s5 =	smul.u32 $0x51EB851F, s5;
	s10 =	spop (v2sf)  }
0xfd: {  	s29 =	smulhi.u32 $0x51EB851F, s3;
	s16 =	sshra.s32 s3, $0x1F;
	s1 =	spop (v2sf)  }
0xfe: {  	v7 =	vmov s24;
	s19 =	sadd.s32 s7, s26;
	s7 =	smul.u32 $0x51EB851F, s16;
	s26 =	spop (v2sf)  }
0xff: {  	v7 =	vsel vm0, s20, v7;
	s16 =	sadd.s32 s25, s31;
	s25 =	smulhi.u32 $0x51EB851F, s28;
	s9 =	spop (v2sf)  }
0x100: {  	v7 =	vsel vm1, s22, v7;
	s2 =	sshrl.u32 s18, $0x1F;
	s31 =	smulhi.u32 $0x51EB851F, s9;
	s17 =	sshra.s32 s9, $0x1F  }
0x101: {  	v7 =	vsel vm2, s23, v7;
	s23 =	sshra.s32 s11, $0x6;
	v9 =	vmov s2;
	s4 =	sadd.s32 s30, s4;
	s17 =	smul.u32 $0x51EB851F, s17  }
0x102: {  	s3 =	sshra.s32 s28, $0x1F;
	s28 =	sshrl.u32 s19, $0x1F;
	v9 =	vsel vm0, s21, v9;
	s21 =	sshra.s32 s14, $0x6  }
0x103: {  	s5 =	sadd.s32 s5, s6;
	s6 =	smul.u32 $0x51EB851F, s3;
	s17 =	sadd.s32 s17, s31  }
0x104: {  	s30 =	sshrl.u32 s4, $0x1F;
	s7 =	sadd.s32 s7, s29;
	s9 =	sshra.s32 s17, $0x1F  }
0x105: {  	s20 =	smulhi.u32 $0x51EB851F, s1;
	s1 =	sshra.s32 s1, $0x1F;
	v6 =	vmov s9;
	s9 =	sshra.s32 s4, $0x6  }
0x106: {  	vm10 =	vcmask $0x704;
	s6 =	sadd.s32 s6, s25;
	s25 =	smulhi.u32 $0x51EB851F, s10;
	s4 =	sshra.s32 s4, $0x1F;
	v6 =	vsel vm4, s9, v6  }
0x107: {  	s3 =	sshrl.u32 s5, $0x1F;
	v8 =	vmov s30;
	s24 =	sshra.s32 s5, $0x6;
	s1 =	smul.u32 $0x51EB851F, s1;
	v6 =	vsel vm10, s4, v6  }
0x108: {  	s30 =	sshra.s32 s5, $0x1F;
	s10 =	sshra.s32 s10, $0x1F;
	v8 =	vnsel vm4, $0x0, v8;
	s5 =	smulhi.u32 $0x51EB851F, s26;
	v6 =	vsel vm0, s24, v6  }
0x109: {  	s29 =	sshrl.u32 s16, $0x1F;
	v8 =	vsel vm0, s3, v8;
	s3 =	sshra.s32 s7, $0x6;
	s9 =	smul.u32 $0x51EB851F, s10;
	v6 =	vsel vm12, s30, v6  }
0x10a: {  	s31 =	sshra.s32 s26, $0x1F;
	s26 =	sshra.s32 s7, $0x1F;
	s10 =	sshrl.u32 s7, $0x1F;
	v6 =	vsel vm1, s3, v6  }
0x10b: {  	v9 =	vsel vm1, s28, v9;
	v27 =	vmov s21;
	s24 =	sadd.s32 s9, s25;
	s25 =	smul.u32 $0x51EB851F, s31;
	s31 =	sshra.s32 s6, $0x6;
	v6 =	vsel vm13, s26, v6  }
0x10c: {  	s28 =	sshra.s32 s19, $0x6;
	v9 =	vsel vm2, s29, v9;
	s22 =	sshrl.u32 s6, $0x1F;
	v8 =	vsel vm1, s10, v8;
	s9 =	sshra.s32 s6, $0x1F;
	v6 =	vsel vm2, s31, v6  }
0x10d: {  	v7 =	vcombine.low v9, v7;
	s1 =	sadd.s32 s1, s20;
	v8 =	vsel vm2, s22, v8;
	s22 =	sshra.s32 s18, $0x6;
	s20 =	sshra.s32 s24, $0x6;
	v6 =	vsel vm14, s9, v6  }
0x10e: {  	v9 =	vsel vm0, s23, v27;
	s30 =	sshrl.u32 s24, $0x1F;
	s2 =	sshra.s32 s24, $0x1F;
	s24 =	sshra.s32 s15, $0x6;
	v10 =	vmov s22;
	v6 =	vsel vm5, s20, v6  }
0x10f: {  	v8 =	vsel vm5, s30, v8;
	s3 =	sshrl.u32 s1, $0x1F;
	s5 =	sadd.s32 s25, s5;
	s25 =	sshra.s32 s1, $0x6;
	v10 =	vsel vm0, s24, v10;
	v6 =	vsel vm15, s2, v6  }
0x110: {  	s1 =	sshra.s32 s1, $0x1F;
	v8 =	vsel vm6, s3, v8;
	s10 =	sshrl.u32 s5, $0x1F;
	s26 =	sshra.s32 s12, $0x6;
	v10 =	vsel vm1, s28, v10;
	v6 =	vsel vm6, s25, v6  }
0x111: {  	s29 =	sshra.s32 s13, $0x6;
	s30 =	sshra.s32 s16, $0x6;
	v8 =	vsel vm7, s10, v8;
	v9 =	vsel vm1, s26, v9;
	s31 =	sshra.s32 s5, $0x6;
	v6 =	vsel vm3, s1, v6  }
0x112: {  	s3 =	sshrl.u32 s17, $0x1F;
	v10 =	vsel vm2, s30, v10;
	s5 =	sshra.s32 s5, $0x1F;
	v9 =	vsel vm2, s29, v9;
	v6 =	vsel vm7, s31, v6  }
0x113: {  	s7 =	sshra.s32 s17, $0x6;
	v8 =	vsel vm8, s3, v8;
	v9 =	vcombine.low v10, v9;
	v6 =	vsel vm11, s5, v6  }
0x114: {  	v7 =	vperm.xlane v7, v3;
	v8 =	vperm.xlane v8, v4;
	v6 =	vsel vm8, s7, v6  }
0x115: {  	v28 =	vld [tilespmem:s8+$0xFFFFFFC0];
	v9 =	vperm.xlane v9, v3;
	v6 =	vperm.xlane v6, v4;
	_ =	sdelay $0x1  }
0x116: {  	v7 =	vsel vm9, v8, v7;
	v6 =	vsel vm9, v6, v9  }
0x117: {  	v6 =	vadd.s32 v7, v6  }
0x118: {  	v6 =	vmul.u32 $0xC8, v6  }
0x119: {  	v7 =	vsub.s32 v28, v0  }
0x11a: {  	vm12 =	vmmov vm3;
	v5 =	vsub.s32 v5, v6;
	v6 =	vshll.u32 v7, $0x8  }
0x11b: {  	s9 =	sld [smem:$0x7E5];
	vm3 =	vmmov vm9;
	vm9 =	vlt.u32 v7, $0x1388;
	v5 =	vadd.s32 v5, v6  }
0x11c: {  	v5 =	vnsel vm9, $0xFF, v5  }
0x11d: {  	[tilespmem:s0+$0x0] =	vst v5  }
0x11e: {  	v5 =	vld [tilespmem:s9+$0xFFFFFFD0];
	_ =	sdelay $0x4  }
0x11f: {  	(v2sf) =	vpush v5, $0xD;
	_ =	sdelay $0x1  }
0x120: {  	(v2sf) =	vpush v5, $0xC;
	_ =	sdelay $0x1  }
0x121: {  	(v2sf) =	vpush v5, $0xE;
	_ =	sdelay $0x1  }
0x122: {  	(v2sf) =	vpush v5, $0xF;
	_ =	sdelay $0x1  }
0x123: {  	(v2sf) =	vpush v5, $0x9;
	_ =	sdelay $0x1  }
0x124: {  	(v2sf) =	vpush v5, $0x8;
	_ =	sdelay $0x1  }
0x125: {  	(v2sf) =	vpush v5, $0xA;
	_ =	sdelay $0x1  }
0x126: {  	(v2sf) =	vpush v5, $0xB  }
0x127: {  	s10 =	spop (v2sf)  }
0x128: {  	(v2sf) =	vpush v5, $0x0;
	s11 =	smulhi.u32 $0x51EB851F, s10;
	s1 =	sshra.s32 s10, $0x1F  }
0x129: {  	(v2sf) =	vpush v5, $0x1;
	s12 =	spop (v2sf);
	s1 =	smul.u32 $0x51EB851F, s1  }
0x12a: {  	(v2sf) =	vpush v5, $0x2;
	s13 =	smulhi.u32 $0x51EB851F, s12;
	s4 =	sshra.s32 s12, $0x1F  }
0x12b: {  	(v2sf) =	vpush v5, $0x3;
	s14 =	spop (v2sf);
	s4 =	smul.u32 $0x51EB851F, s4  }
0x12c: {  	(v2sf) =	vpush v5, $0x4;
	s15 =	smulhi.u32 $0x51EB851F, s14;
	s6 =	sshra.s32 s14, $0x1F  }
0x12d: {  	(v2sf) =	vpush v5, $0x5;
	s16 =	spop (v2sf);
	s6 =	smul.u32 $0x51EB851F, s6  }
0x12e: {  	(v2sf) =	vpush v5, $0x6;
	s17 =	smulhi.u32 $0x51EB851F, s16;
	s18 =	sshra.s32 s16, $0x1F  }
0x12f: {  	s11 =	sadd.s32 s1, s11;
	s19 =	spop (v2sf);
	(v2sf) =	vpush v5, $0x7;
	s2 =	smul.u32 $0x51EB851F, s18  }
0x130: {  	s20 =	sshrl.u32 s11, $0x1F;
	s21 =	smulhi.u32 $0x51EB851F, s19;
	s22 =	sshra.s32 s19, $0x1F  }
0x131: {  	s14 =	sadd.s32 s4, s13;
	s23 =	spop (v2sf);
	s5 =	smul.u32 $0x51EB851F, s22  }
0x132: {  	s9 =	sshrl.u32 s14, $0x1F;
	s24 =	smulhi.u32 $0x51EB851F, s23;
	s25 =	sshra.s32 s23, $0x1F  }
0x133: {  	s12 =	sadd.s32 s6, s15;
	s26 =	spop (v2sf);
	s7 =	smul.u32 $0x51EB851F, s25  }
0x134: {  	s14 =	sshra.s32 s14, $0x6;
	s1 =	smulhi.u32 $0x51EB851F, s26;
	s28 =	sshra.s32 s26, $0x1F  }
0x135: {  	s13 =	sadd.s32 s2, s17;
	s29 =	spop (v2sf);
	s2 =	smul.u32 $0x51EB851F, s28  }
0x136: {  	s22 =	sshrl.u32 s12, $0x1F;
	s4 =	smulhi.u32 $0x51EB851F, s29;
	s30 =	sshra.s32 s29, $0x1F  }
0x137: {  	s15 =	sadd.s32 s5, s21;
	s31 =	spop (v2sf);
	s5 =	smul.u32 $0x51EB851F, s30  }
0x138: {  	s17 =	smulhi.u32 $0x51EB851F, s31;
	s10 =	sshra.s32 s31, $0x1F;
	s3 =	spop (v2sf)  }
0x139: {  	s18 =	sadd.s32 s7, s24;
	s10 =	smul.u32 $0x51EB851F, s10;
	s19 =	spop (v2sf)  }
0x13a: {  	s26 =	smulhi.u32 $0x51EB851F, s3;
	s16 =	sshra.s32 s3, $0x1F;
	s24 =	spop (v2sf)  }
0x13b: {  	s23 =	sshrl.u32 s13, $0x1F;
	s31 =	smul.u32 $0x51EB851F, s16;
	s28 =	spop (v2sf)  }
0x13c: {  	v7 =	vmov s9;
	s21 =	sshrl.u32 s15, $0x1F;
	s29 =	smulhi.u32 $0x51EB851F, s19;
	s30 =	spop (v2sf)  }
0x13d: {  	v7 =	vsel vm0, s20, v7;
	s7 =	sshra.s32 s19, $0x1F;
	s19 =	sadd.s32 s2, s1;
	s2 =	spop (v2sf)  }
0x13e: {  	v7 =	vsel vm1, s22, v7;
	s22 =	sshra.s32 s11, $0x6;
	s1 =	smul.u32 $0x51EB851F, s7;
	s3 =	spop (v2sf)  }
0x13f: {  	s16 =	sadd.s32 s5, s4;
	s7 =	smulhi.u32 $0x51EB851F, s3;
	s5 =	sshra.s32 s3, $0x1F  }
0x140: {  	s25 =	sshrl.u32 s18, $0x1F;
	s6 =	sadd.s32 s10, s17;
	s5 =	smul.u32 $0x51EB851F, s5  }
0x141: {  	s10 =	sadd.s32 s31, s26;
	s4 =	smulhi.u32 $0x51EB851F, s24;
	s31 =	sshra.s32 s24, $0x1F  }
0x142: {  	v30 =	vmov s25;
	s25 =	sshra.s32 s12, $0x6;
	s3 =	smul.u32 $0x51EB851F, s31;
	s17 =	sadd.s32 s5, s7  }
0x143: {  	s1 =	sadd.s32 s1, s29;
	s29 =	sshrl.u32 s16, $0x1F;
	s31 =	sshra.s32 s17, $0x1F  }
0x144: {  	vm9 =	vcmask $0x704;
	s24 =	sshrl.u32 s19, $0x1F;
	s4 =	sadd.s32 s3, s4;
	s3 =	sshra.s32 s6, $0x6;
	v6 =	vmov s31  }
0x145: {  	v7 =	vsel vm2, s23, v7;
	v9 =	vsel vm0, s21, v30;
	s26 =	sshra.s32 s28, $0x1F;
	s5 =	sshrl.u32 s6, $0x1F;
	s6 =	sshra.s32 s6, $0x1F;
	v6 =	vsel vm4, s3, v6  }
0x146: {  	v9 =	vsel vm1, s24, v9;
	s9 =	smul.u32 $0x51EB851F, s26;
	s26 =	sshrl.u32 s1, $0x1F;
	v29 =	vmov s5;
	s31 =	sshra.s32 s10, $0x6;
	v6 =	vsel vm9, s6, v6  }
0x147: {  	s7 =	smulhi.u32 $0x51EB851F, s28;
	s28 =	sshrl.u32 s10, $0x1F;
	v8 =	vnsel vm4, $0x0, v29;
	s10 =	sshra.s32 s10, $0x1F;
	vm9 =	vcmask $0xF0C;
	v6 =	vsel vm0, s31, v6  }
0x148: {  	v9 =	vsel vm2, s29, v9;
	s29 =	sshra.s32 s13, $0x6;
	s23 =	smulhi.u32 $0x51EB851F, s2;
	v8 =	vsel vm0, s28, v8;
	s28 =	sshra.s32 s1, $0x6;
	v6 =	vsel vm9, s10, v6  }
0x149: {  	s5 =	smulhi.u32 $0x51EB851F, s30;
	s30 =	sshra.s32 s30, $0x1F;
	s1 =	sshra.s32 s1, $0x1F;
	v6 =	vsel vm1, s28, v6  }
0x14a: {  	v31 =	vmov s14;
	s2 =	sshra.s32 s2, $0x1F;
	s20 =	smul.u32 $0x51EB851F, s30;
	s31 =	sshra.s32 s4, $0x6;
	v6 =	vsel vm13, s1, v6  }
0x14b: {  	v7 =	vcombine.low v9, v7;
	v9 =	vsel vm0, s22, v31;
	s7 =	sadd.s32 s9, s7;
	s3 =	sshrl.u32 s4, $0x1F;
	s4 =	sshra.s32 s4, $0x1F;
	v6 =	vsel vm2, s31, v6  }
0x14c: {  	s2 =	smul.u32 $0x51EB851F, s2;
	v9 =	vsel vm1, s25, v9;
	s30 =	sshrl.u32 s7, $0x1F;
	v8 =	vsel vm1, s26, v8;
	s10 =	sshra.s32 s7, $0x6;
	v6 =	vsel vm14, s4, v6  }
0x14d: {  	v9 =	vsel vm2, s29, v9;
	s21 =	sshra.s32 s7, $0x1F;
	s5 =	sadd.s32 s20, s5;
	s20 =	sshra.s32 s18, $0x6;
	v8 =	vsel vm2, s3, v8;
	v6 =	vsel vm5, s10, v6  }
0x14e: {  	s2 =	sadd.s32 s2, s23;
	s23 =	sshra.s32 s15, $0x6;
	v32 =	vmov s20;
	s24 =	sshra.s32 s5, $0x6;
	v8 =	vsel vm5, s30, v8;
	v6 =	vsel vm15, s21, v6  }
0x14f: {  	s26 =	sshra.s32 s19, $0x6;
	s3 =	sshrl.u32 s5, $0x1F;
	v10 =	vsel vm0, s23, v32;
	vm9 =	vcmask $0x3734;
	s28 =	sshra.s32 s5, $0x1F;
	v6 =	vsel vm6, s24, v6  }
0x150: {  	s9 =	sshrl.u32 s2, $0x1F;
	s30 =	sshra.s32 s16, $0x6;
	v8 =	vsel vm6, s3, v8;
	v10 =	vsel vm1, s26, v10;
	s31 =	sshra.s32 s2, $0x6;
	v6 =	vsel vm12, s28, v6  }
0x151: {  	s3 =	sshrl.u32 s17, $0x1F;
	s5 =	sshra.s32 s2, $0x1F;
	v8 =	vsel vm7, s9, v8;
	v10 =	vsel vm2, s30, v10;
	v6 =	vsel vm7, s31, v6  }
0x152: {  	s7 =	sshra.s32 s17, $0x6;
	v8 =	vsel vm8, s3, v8;
	v9 =	vcombine.low v10, v9;
	v6 =	vsel vm9, s5, v6  }
0x153: {  	v7 =	vperm.xlane v7, v3;
	v8 =	vperm.xlane v8, v4;
	v6 =	vsel vm8, s7, v6  }
0x154: {  	v33 =	vld [tilespmem:s8+$0xFFFFFFD0];
	v9 =	vperm.xlane v9, v3;
	v6 =	vperm.xlane v6, v4;
	_ =	sdelay $0x1  }
0x155: {  	v7 =	vsel vm3, v8, v7;
	v6 =	vsel vm3, v6, v9  }
0x156: {  	v6 =	vadd.s32 v7, v6  }
0x157: {  	v6 =	vmul.u32 $0xC8, v6  }
0x158: {  	v7 =	vsub.s32 v33, v0  }
0x159: {  	v5 =	vsub.s32 v5, v6;
	v6 =	vshll.u32 v7, $0x8  }
0x15a: {  	s9 =	sld [smem:$0x7E5];
	vm9 =	vlt.u32 v7, $0x1388;
	v5 =	vadd.s32 v5, v6  }
0x15b: {  	v5 =	vnsel vm9, $0xFF, v5  }
0x15c: {  	[tilespmem:s0+$0x10] =	vst v5  }
0x15d: {  	v5 =	vld [tilespmem:s9+$0xFFFFFFE0];
	_ =	sdelay $0x4  }
0x15e: {  	(v2sf) =	vpush v5, $0xD;
	_ =	sdelay $0x1  }
0x15f: {  	(v2sf) =	vpush v5, $0xC;
	_ =	sdelay $0x1  }
0x160: {  	(v2sf) =	vpush v5, $0xE;
	_ =	sdelay $0x1  }
0x161: {  	(v2sf) =	vpush v5, $0xF;
	_ =	sdelay $0x1  }
0x162: {  	(v2sf) =	vpush v5, $0x9;
	_ =	sdelay $0x1  }
0x163: {  	(v2sf) =	vpush v5, $0x8;
	_ =	sdelay $0x1  }
0x164: {  	(v2sf) =	vpush v5, $0xA;
	_ =	sdelay $0x1  }
0x165: {  	(v2sf) =	vpush v5, $0xB  }
0x166: {  	s10 =	spop (v2sf)  }
0x167: {  	(v2sf) =	vpush v5, $0x0;
	s11 =	smulhi.u32 $0x51EB851F, s10;
	s1 =	sshra.s32 s10, $0x1F  }
0x168: {  	(v2sf) =	vpush v5, $0x1;
	s12 =	spop (v2sf);
	s1 =	smul.u32 $0x51EB851F, s1  }
0x169: {  	(v2sf) =	vpush v5, $0x2;
	s13 =	smulhi.u32 $0x51EB851F, s12;
	s4 =	sshra.s32 s12, $0x1F  }
0x16a: {  	(v2sf) =	vpush v5, $0x3;
	s14 =	spop (v2sf);
	s4 =	smul.u32 $0x51EB851F, s4  }
0x16b: {  	(v2sf) =	vpush v5, $0x4;
	s15 =	smulhi.u32 $0x51EB851F, s14;
	s6 =	sshra.s32 s14, $0x1F  }
0x16c: {  	(v2sf) =	vpush v5, $0x5;
	s16 =	spop (v2sf);
	s6 =	smul.u32 $0x51EB851F, s6  }
0x16d: {  	(v2sf) =	vpush v5, $0x6;
	s17 =	smulhi.u32 $0x51EB851F, s16;
	s18 =	sshra.s32 s16, $0x1F  }
0x16e: {  	s11 =	sadd.s32 s1, s11;
	s19 =	spop (v2sf);
	(v2sf) =	vpush v5, $0x7;
	s2 =	smul.u32 $0x51EB851F, s18  }
0x16f: {  	s20 =	sshrl.u32 s11, $0x1F;
	s21 =	smulhi.u32 $0x51EB851F, s19;
	s22 =	sshra.s32 s19, $0x1F  }
0x170: {  	s14 =	sadd.s32 s4, s13;
	s23 =	spop (v2sf);
	s5 =	smul.u32 $0x51EB851F, s22  }
0x171: {  	s9 =	sshrl.u32 s14, $0x1F;
	s24 =	smulhi.u32 $0x51EB851F, s23;
	s25 =	sshra.s32 s23, $0x1F  }
0x172: {  	s12 =	sadd.s32 s6, s15;
	s26 =	spop (v2sf);
	s7 =	smul.u32 $0x51EB851F, s25  }
0x173: {  	s14 =	sshra.s32 s14, $0x6;
	s1 =	smulhi.u32 $0x51EB851F, s26;
	s28 =	sshra.s32 s26, $0x1F  }
0x174: {  	s13 =	sadd.s32 s2, s17;
	s29 =	spop (v2sf);
	s2 =	smul.u32 $0x51EB851F, s28  }
0x175: {  	s22 =	sshrl.u32 s12, $0x1F;
	s4 =	smulhi.u32 $0x51EB851F, s29;
	s30 =	sshra.s32 s29, $0x1F  }
0x176: {  	s15 =	sadd.s32 s5, s21;
	s31 =	spop (v2sf);
	s5 =	smul.u32 $0x51EB851F, s30  }
0x177: {  	s17 =	smulhi.u32 $0x51EB851F, s31;
	s10 =	sshra.s32 s31, $0x1F;
	s3 =	spop (v2sf)  }
0x178: {  	s18 =	sadd.s32 s7, s24;
	s10 =	smul.u32 $0x51EB851F, s10;
	s19 =	spop (v2sf)  }
0x179: {  	s26 =	smulhi.u32 $0x51EB851F, s3;
	s16 =	sshra.s32 s3, $0x1F;
	s24 =	spop (v2sf)  }
0x17a: {  	s23 =	sshrl.u32 s13, $0x1F;
	s31 =	smul.u32 $0x51EB851F, s16;
	s28 =	spop (v2sf)  }
0x17b: {  	v7 =	vmov s9;
	s21 =	sshrl.u32 s15, $0x1F;
	s29 =	smulhi.u32 $0x51EB851F, s19;
	s30 =	spop (v2sf)  }
0x17c: {  	v7 =	vsel vm0, s20, v7;
	s7 =	sshra.s32 s19, $0x1F;
	s19 =	sadd.s32 s2, s1;
	s2 =	spop (v2sf)  }
0x17d: {  	v7 =	vsel vm1, s22, v7;
	s22 =	sshra.s32 s11, $0x6;
	s1 =	smul.u32 $0x51EB851F, s7;
	s3 =	spop (v2sf)  }
0x17e: {  	s16 =	sadd.s32 s5, s4;
	s7 =	smulhi.u32 $0x51EB851F, s3;
	s5 =	sshra.s32 s3, $0x1F  }
0x17f: {  	s25 =	sshrl.u32 s18, $0x1F;
	s6 =	sadd.s32 s10, s17;
	s5 =	smul.u32 $0x51EB851F, s5  }
0x180: {  	s10 =	sadd.s32 s31, s26;
	s4 =	smulhi.u32 $0x51EB851F, s24;
	s31 =	sshra.s32 s24, $0x1F  }
0x181: {  	v35 =	vmov s25;
	s25 =	sshra.s32 s12, $0x6;
	s3 =	smul.u32 $0x51EB851F, s31;
	s17 =	sadd.s32 s5, s7  }
0x182: {  	s1 =	sadd.s32 s1, s29;
	s29 =	sshrl.u32 s16, $0x1F;
	s31 =	sshra.s32 s17, $0x1F  }
0x183: {  	vm9 =	vcmask $0x704;
	s24 =	sshrl.u32 s19, $0x1F;
	s4 =	sadd.s32 s3, s4;
	s3 =	sshra.s32 s6, $0x6;
	v6 =	vmov s31  }
0x184: {  	v7 =	vsel vm2, s23, v7;
	v9 =	vsel vm0, s21, v35;
	s26 =	sshra.s32 s28, $0x1F;
	s5 =	sshrl.u32 s6, $0x1F;
	s6 =	sshra.s32 s6, $0x1F;
	v6 =	vsel vm4, s3, v6  }
0x185: {  	v9 =	vsel vm1, s24, v9;
	s9 =	smul.u32 $0x51EB851F, s26;
	s26 =	sshrl.u32 s1, $0x1F;
	v34 =	vmov s5;
	s31 =	sshra.s32 s10, $0x6;
	v6 =	vsel vm9, s6, v6  }
0x186: {  	s7 =	smulhi.u32 $0x51EB851F, s28;
	s28 =	sshrl.u32 s10, $0x1F;
	v8 =	vnsel vm4, $0x0, v34;
	s10 =	sshra.s32 s10, $0x1F;
	vm9 =	vcmask $0xF0C;
	v6 =	vsel vm0, s31, v6  }
0x187: {  	v9 =	vsel vm2, s29, v9;
	s29 =	sshra.s32 s13, $0x6;
	s23 =	smulhi.u32 $0x51EB851F, s2;
	v8 =	vsel vm0, s28, v8;
	s28 =	sshra.s32 s1, $0x6;
	v6 =	vsel vm9, s10, v6  }
0x188: {  	s5 =	smulhi.u32 $0x51EB851F, s30;
	s30 =	sshra.s32 s30, $0x1F;
	s1 =	sshra.s32 s1, $0x1F;
	v6 =	vsel vm1, s28, v6  }
0x189: {  	v36 =	vmov s14;
	s2 =	sshra.s32 s2, $0x1F;
	s20 =	smul.u32 $0x51EB851F, s30;
	s31 =	sshra.s32 s4, $0x6;
	v6 =	vsel vm13, s1, v6  }
0x18a: {  	v7 =	vcombine.low v9, v7;
	v9 =	vsel vm0, s22, v36;
	s7 =	sadd.s32 s9, s7;
	s3 =	sshrl.u32 s4, $0x1F;
	s4 =	sshra.s32 s4, $0x1F;
	v6 =	vsel vm2, s31, v6  }
0x18b: {  	s2 =	smul.u32 $0x51EB851F, s2;
	v9 =	vsel vm1, s25, v9;
	s30 =	sshrl.u32 s7, $0x1F;
	v8 =	vsel vm1, s26, v8;
	s10 =	sshra.s32 s7, $0x6;
	v6 =	vsel vm14, s4, v6  }
0x18c: {  	v9 =	vsel vm2, s29, v9;
	s21 =	sshra.s32 s7, $0x1F;
	s5 =	sadd.s32 s20, s5;
	s20 =	sshra.s32 s18, $0x6;
	v8 =	vsel vm2, s3, v8;
	v6 =	vsel vm5, s10, v6  }
0x18d: {  	s2 =	sadd.s32 s2, s23;
	s23 =	sshra.s32 s15, $0x6;
	v37 =	vmov s20;
	s24 =	sshra.s32 s5, $0x6;
	v8 =	vsel vm5, s30, v8;
	v6 =	vsel vm15, s21, v6  }
0x18e: {  	s26 =	sshra.s32 s19, $0x6;
	s3 =	sshrl.u32 s5, $0x1F;
	v10 =	vsel vm0, s23, v37;
	vm9 =	vcmask $0x3734;
	s28 =	sshra.s32 s5, $0x1F;
	v6 =	vsel vm6, s24, v6  }
0x18f: {  	s9 =	sshrl.u32 s2, $0x1F;
	s30 =	sshra.s32 s16, $0x6;
	v8 =	vsel vm6, s3, v8;
	v10 =	vsel vm1, s26, v10;
	s31 =	sshra.s32 s2, $0x6;
	v6 =	vsel vm12, s28, v6  }
0x190: {  	s3 =	sshrl.u32 s17, $0x1F;
	s5 =	sshra.s32 s2, $0x1F;
	v8 =	vsel vm7, s9, v8;
	v10 =	vsel vm2, s30, v10;
	v6 =	vsel vm7, s31, v6  }
0x191: {  	s7 =	sshra.s32 s17, $0x6;
	v8 =	vsel vm8, s3, v8;
	v9 =	vcombine.low v10, v9;
	v6 =	vsel vm9, s5, v6  }
0x192: {  	v7 =	vperm.xlane v7, v3;
	v8 =	vperm.xlane v8, v4;
	v6 =	vsel vm8, s7, v6  }
0x193: {  	v38 =	vld [tilespmem:s8+$0xFFFFFFE0];
	v9 =	vperm.xlane v9, v3;
	v6 =	vperm.xlane v6, v4;
	_ =	sdelay $0x1  }
0x194: {  	v7 =	vsel vm3, v8, v7;
	v6 =	vsel vm3, v6, v9  }
0x195: {  	v6 =	vadd.s32 v7, v6  }
0x196: {  	v6 =	vmul.u32 $0xC8, v6  }
0x197: {  	v7 =	vsub.s32 v38, v0  }
0x198: {  	v5 =	vsub.s32 v5, v6;
	v6 =	vshll.u32 v7, $0x8  }
0x199: {  	s9 =	sld [smem:$0x7E5];
	vm9 =	vlt.u32 v7, $0x1388;
	v5 =	vadd.s32 v5, v6  }
0x19a: {  	v5 =	vnsel vm9, $0xFF, v5  }
0x19b: {  	[tilespmem:s0+$0x20] =	vst v5  }
0x19c: {  	v5 =	vld [tilespmem:s9+$0xFFFFFFF0];
	_ =	sdelay $0x4  }
0x19d: {  	(v2sf) =	vpush v5, $0xD;
	_ =	sdelay $0x1  }
0x19e: {  	(v2sf) =	vpush v5, $0xC;
	_ =	sdelay $0x1  }
0x19f: {  	(v2sf) =	vpush v5, $0xE;
	_ =	sdelay $0x1  }
0x1a0: {  	(v2sf) =	vpush v5, $0xF;
	_ =	sdelay $0x1  }
0x1a1: {  	(v2sf) =	vpush v5, $0x9;
	_ =	sdelay $0x1  }
0x1a2: {  	(v2sf) =	vpush v5, $0x8;
	_ =	sdelay $0x1  }
0x1a3: {  	(v2sf) =	vpush v5, $0xA;
	_ =	sdelay $0x1  }
0x1a4: {  	(v2sf) =	vpush v5, $0xB  }
0x1a5: {  	s10 =	spop (v2sf)  }
0x1a6: {  	(v2sf) =	vpush v5, $0x0;
	s11 =	smulhi.u32 $0x51EB851F, s10;
	s1 =	sshra.s32 s10, $0x1F  }
0x1a7: {  	(v2sf) =	vpush v5, $0x1;
	s12 =	spop (v2sf);
	s1 =	smul.u32 $0x51EB851F, s1  }
0x1a8: {  	(v2sf) =	vpush v5, $0x2;
	s13 =	smulhi.u32 $0x51EB851F, s12;
	s4 =	sshra.s32 s12, $0x1F  }
0x1a9: {  	(v2sf) =	vpush v5, $0x3;
	s14 =	spop (v2sf);
	s4 =	smul.u32 $0x51EB851F, s4  }
0x1aa: {  	(v2sf) =	vpush v5, $0x4;
	s15 =	smulhi.u32 $0x51EB851F, s14;
	s6 =	sshra.s32 s14, $0x1F  }
0x1ab: {  	(v2sf) =	vpush v5, $0x5;
	s16 =	spop (v2sf);
	s6 =	smul.u32 $0x51EB851F, s6  }
0x1ac: {  	(v2sf) =	vpush v5, $0x6;
	s17 =	smulhi.u32 $0x51EB851F, s16;
	s18 =	sshra.s32 s16, $0x1F  }
0x1ad: {  	s11 =	sadd.s32 s1, s11;
	s19 =	spop (v2sf);
	(v2sf) =	vpush v5, $0x7;
	s2 =	smul.u32 $0x51EB851F, s18  }
0x1ae: {  	s20 =	sshrl.u32 s11, $0x1F;
	s21 =	smulhi.u32 $0x51EB851F, s19;
	s22 =	sshra.s32 s19, $0x1F  }
0x1af: {  	s14 =	sadd.s32 s4, s13;
	s23 =	spop (v2sf);
	s5 =	smul.u32 $0x51EB851F, s22  }
0x1b0: {  	s9 =	sshrl.u32 s14, $0x1F;
	s24 =	smulhi.u32 $0x51EB851F, s23;
	s25 =	sshra.s32 s23, $0x1F  }
0x1b1: {  	s12 =	sadd.s32 s6, s15;
	s26 =	spop (v2sf);
	s7 =	smul.u32 $0x51EB851F, s25  }
0x1b2: {  	s14 =	sshra.s32 s14, $0x6;
	s1 =	smulhi.u32 $0x51EB851F, s26;
	s28 =	sshra.s32 s26, $0x1F  }
0x1b3: {  	s13 =	sadd.s32 s2, s17;
	s29 =	spop (v2sf);
	s2 =	smul.u32 $0x51EB851F, s28  }
0x1b4: {  	s22 =	sshrl.u32 s12, $0x1F;
	s4 =	smulhi.u32 $0x51EB851F, s29;
	s30 =	sshra.s32 s29, $0x1F  }
0x1b5: {  	s15 =	sadd.s32 s5, s21;
	s31 =	spop (v2sf);
	s5 =	smul.u32 $0x51EB851F, s30  }
0x1b6: {  	s17 =	smulhi.u32 $0x51EB851F, s31;
	s10 =	sshra.s32 s31, $0x1F;
	s3 =	spop (v2sf)  }
0x1b7: {  	s18 =	sadd.s32 s7, s24;
	s10 =	smul.u32 $0x51EB851F, s10;
	s19 =	spop (v2sf)  }
0x1b8: {  	s26 =	smulhi.u32 $0x51EB851F, s3;
	s16 =	sshra.s32 s3, $0x1F;
	s24 =	spop (v2sf)  }
0x1b9: {  	s23 =	sshrl.u32 s13, $0x1F;
	s31 =	smul.u32 $0x51EB851F, s16;
	s28 =	spop (v2sf)  }
0x1ba: {  	v7 =	vmov s9;
	s21 =	sshrl.u32 s15, $0x1F;
	s29 =	smulhi.u32 $0x51EB851F, s19;
	s30 =	spop (v2sf)  }
0x1bb: {  	v7 =	vsel vm0, s20, v7;
	s7 =	sshra.s32 s19, $0x1F;
	s19 =	sadd.s32 s2, s1;
	s2 =	spop (v2sf)  }
0x1bc: {  	v7 =	vsel vm1, s22, v7;
	s22 =	sshra.s32 s11, $0x6;
	s1 =	smul.u32 $0x51EB851F, s7;
	s3 =	spop (v2sf)  }
0x1bd: {  	s16 =	sadd.s32 s5, s4;
	s7 =	smulhi.u32 $0x51EB851F, s3;
	s5 =	sshra.s32 s3, $0x1F  }
0x1be: {  	s25 =	sshrl.u32 s18, $0x1F;
	s6 =	sadd.s32 s10, s17;
	s5 =	smul.u32 $0x51EB851F, s5  }
0x1bf: {  	s10 =	sadd.s32 s31, s26;
	s4 =	smulhi.u32 $0x51EB851F, s24;
	s31 =	sshra.s32 s24, $0x1F  }
0x1c0: {  	v40 =	vmov s25;
	s25 =	sshra.s32 s12, $0x6;
	s3 =	smul.u32 $0x51EB851F, s31;
	s17 =	sadd.s32 s5, s7  }
0x1c1: {  	s1 =	sadd.s32 s1, s29;
	s29 =	sshrl.u32 s16, $0x1F;
	s31 =	sshra.s32 s17, $0x1F  }
0x1c2: {  	vm9 =	vcmask $0x704;
	s24 =	sshrl.u32 s19, $0x1F;
	s4 =	sadd.s32 s3, s4;
	s3 =	sshra.s32 s6, $0x6;
	v6 =	vmov s31  }
0x1c3: {  	v7 =	vsel vm2, s23, v7;
	v9 =	vsel vm0, s21, v40;
	s26 =	sshra.s32 s28, $0x1F;
	s5 =	sshrl.u32 s6, $0x1F;
	s6 =	sshra.s32 s6, $0x1F;
	v6 =	vsel vm4, s3, v6  }
0x1c4: {  	v9 =	vsel vm1, s24, v9;
	s9 =	smul.u32 $0x51EB851F, s26;
	s26 =	sshrl.u32 s1, $0x1F;
	v39 =	vmov s5;
	s31 =	sshra.s32 s10, $0x6;
	v6 =	vsel vm9, s6, v6  }
0x1c5: {  	s7 =	smulhi.u32 $0x51EB851F, s28;
	s28 =	sshrl.u32 s10, $0x1F;
	v8 =	vnsel vm4, $0x0, v39;
	s10 =	sshra.s32 s10, $0x1F;
	vm9 =	vcmask $0xF0C;
	v6 =	vsel vm0, s31, v6  }
0x1c6: {  	v9 =	vsel vm2, s29, v9;
	s29 =	sshra.s32 s13, $0x6;
	s23 =	smulhi.u32 $0x51EB851F, s2;
	v8 =	vsel vm0, s28, v8;
	s28 =	sshra.s32 s1, $0x6;
	v6 =	vsel vm9, s10, v6  }
0x1c7: {  	s5 =	smulhi.u32 $0x51EB851F, s30;
	s30 =	sshra.s32 s30, $0x1F;
	s1 =	sshra.s32 s1, $0x1F;
	v6 =	vsel vm1, s28, v6  }
0x1c8: {  	v41 =	vmov s14;
	s2 =	sshra.s32 s2, $0x1F;
	s20 =	smul.u32 $0x51EB851F, s30;
	s31 =	sshra.s32 s4, $0x6;
	v6 =	vsel vm13, s1, v6  }
0x1c9: {  	v7 =	vcombine.low v9, v7;
	v9 =	vsel vm0, s22, v41;
	s7 =	sadd.s32 s9, s7;
	s3 =	sshrl.u32 s4, $0x1F;
	s4 =	sshra.s32 s4, $0x1F;
	v6 =	vsel vm2, s31, v6  }
0x1ca: {  	s2 =	smul.u32 $0x51EB851F, s2;
	v9 =	vsel vm1, s25, v9;
	s30 =	sshrl.u32 s7, $0x1F;
	v8 =	vsel vm1, s26, v8;
	s10 =	sshra.s32 s7, $0x6;
	v6 =	vsel vm14, s4, v6  }
0x1cb: {  	v9 =	vsel vm2, s29, v9;
	s21 =	sshra.s32 s7, $0x1F;
	s5 =	sadd.s32 s20, s5;
	s20 =	sshra.s32 s18, $0x6;
	v8 =	vsel vm2, s3, v8;
	v6 =	vsel vm5, s10, v6  }
0x1cc: {  	s2 =	sadd.s32 s2, s23;
	s23 =	sshra.s32 s15, $0x6;
	v42 =	vmov s20;
	s24 =	sshra.s32 s5, $0x6;
	v8 =	vsel vm5, s30, v8;
	v6 =	vsel vm15, s21, v6  }
0x1cd: {  	s26 =	sshra.s32 s19, $0x6;
	s3 =	sshrl.u32 s5, $0x1F;
	v10 =	vsel vm0, s23, v42;
	vm9 =	vcmask $0x3734;
	s28 =	sshra.s32 s5, $0x1F;
	v6 =	vsel vm6, s24, v6  }
0x1ce: {  	s9 =	sshrl.u32 s2, $0x1F;
	s30 =	sshra.s32 s16, $0x6;
	v8 =	vsel vm6, s3, v8;
	v10 =	vsel vm1, s26, v10;
	s31 =	sshra.s32 s2, $0x6;
	v6 =	vsel vm12, s28, v6  }
0x1cf: {  	s3 =	sshrl.u32 s17, $0x1F;
	s5 =	sshra.s32 s2, $0x1F;
	v8 =	vsel vm7, s9, v8;
	v10 =	vsel vm2, s30, v10;
	v6 =	vsel vm7, s31, v6  }
0x1d0: {  	s7 =	sshra.s32 s17, $0x6;
	v8 =	vsel vm8, s3, v8;
	v9 =	vcombine.low v10, v9;
	v6 =	vsel vm9, s5, v6  }
0x1d1: {  	v7 =	vperm.xlane v7, v3;
	v8 =	vperm.xlane v8, v4;
	v6 =	vsel vm8, s7, v6  }
0x1d2: {  	v43 =	vld [tilespmem:s8+$0xFFFFFFF0];
	v9 =	vperm.xlane v9, v3;
	v6 =	vperm.xlane v6, v4;
	_ =	sdelay $0x1  }
0x1d3: {  	v7 =	vsel vm3, v8, v7;
	v6 =	vsel vm3, v6, v9  }
0x1d4: {  	v6 =	vadd.s32 v7, v6  }
0x1d5: {  	v6 =	vmul.u32 $0xC8, v6  }
0x1d6: {  	v7 =	vsub.s32 v43, v0  }
0x1d7: {  	v5 =	vsub.s32 v5, v6;
	v6 =	vshll.u32 v7, $0x8  }
0x1d8: {  	s9 =	sld [smem:$0x7E5];
	vm9 =	vlt.u32 v7, $0x1388;
	v5 =	vadd.s32 v5, v6  }
0x1d9: {  	v5 =	vnsel vm9, $0xFF, v5  }
0x1da: {  	[tilespmem:s0+$0x30] =	vst v5  }
0x1db: {  	v5 =	vld [tilespmem:s9+$0x0];
	_ =	sdelay $0x4  }
0x1dc: {  	(v2sf) =	vpush v5, $0xD;
	_ =	sdelay $0x1  }
0x1dd: {  	(v2sf) =	vpush v5, $0xC;
	_ =	sdelay $0x1  }
0x1de: {  	(v2sf) =	vpush v5, $0xE;
	_ =	sdelay $0x1  }
0x1df: {  	(v2sf) =	vpush v5, $0xF;
	_ =	sdelay $0x1  }
0x1e0: {  	(v2sf) =	vpush v5, $0x9;
	_ =	sdelay $0x1  }
0x1e1: {  	(v2sf) =	vpush v5, $0x8;
	_ =	sdelay $0x1  }
0x1e2: {  	(v2sf) =	vpush v5, $0xA;
	_ =	sdelay $0x1  }
0x1e3: {  	(v2sf) =	vpush v5, $0xB  }
0x1e4: {  	s10 =	spop (v2sf)  }
0x1e5: {  	(v2sf) =	vpush v5, $0x0;
	s11 =	smulhi.u32 $0x51EB851F, s10;
	s1 =	sshra.s32 s10, $0x1F  }
0x1e6: {  	(v2sf) =	vpush v5, $0x1;
	s12 =	spop (v2sf);
	s1 =	smul.u32 $0x51EB851F, s1  }
0x1e7: {  	(v2sf) =	vpush v5, $0x2;
	s13 =	smulhi.u32 $0x51EB851F, s12;
	s4 =	sshra.s32 s12, $0x1F  }
0x1e8: {  	(v2sf) =	vpush v5, $0x3;
	s14 =	spop (v2sf);
	s4 =	smul.u32 $0x51EB851F, s4  }
0x1e9: {  	(v2sf) =	vpush v5, $0x4;
	s15 =	smulhi.u32 $0x51EB851F, s14;
	s6 =	sshra.s32 s14, $0x1F  }
0x1ea: {  	(v2sf) =	vpush v5, $0x5;
	s16 =	spop (v2sf);
	s6 =	smul.u32 $0x51EB851F, s6  }
0x1eb: {  	(v2sf) =	vpush v5, $0x6;
	s17 =	smulhi.u32 $0x51EB851F, s16;
	s18 =	sshra.s32 s16, $0x1F  }
0x1ec: {  	s11 =	sadd.s32 s1, s11;
	s19 =	spop (v2sf);
	(v2sf) =	vpush v5, $0x7;
	s2 =	smul.u32 $0x51EB851F, s18  }
0x1ed: {  	s20 =	sshrl.u32 s11, $0x1F;
	s21 =	smulhi.u32 $0x51EB851F, s19;
	s22 =	sshra.s32 s19, $0x1F  }
0x1ee: {  	s14 =	sadd.s32 s4, s13;
	s23 =	spop (v2sf);
	s5 =	smul.u32 $0x51EB851F, s22  }
0x1ef: {  	s9 =	sshrl.u32 s14, $0x1F;
	s24 =	smulhi.u32 $0x51EB851F, s23;
	s25 =	sshra.s32 s23, $0x1F  }
0x1f0: {  	s12 =	sadd.s32 s6, s15;
	s26 =	spop (v2sf);
	s7 =	smul.u32 $0x51EB851F, s25  }
0x1f1: {  	s22 =	sshrl.u32 s12, $0x1F;
	s1 =	smulhi.u32 $0x51EB851F, s26;
	s28 =	sshra.s32 s26, $0x1F  }
0x1f2: {  	s13 =	sadd.s32 s2, s17;
	s29 =	spop (v2sf);
	s2 =	smul.u32 $0x51EB851F, s28  }
0x1f3: {  	s23 =	sshrl.u32 s13, $0x1F;
	s4 =	smulhi.u32 $0x51EB851F, s29;
	s30 =	sshra.s32 s29, $0x1F  }
0x1f4: {  	s15 =	sadd.s32 s5, s21;
	s31 =	spop (v2sf);
	s5 =	smul.u32 $0x51EB851F, s30  }
0x1f5: {  	s17 =	smulhi.u32 $0x51EB851F, s31;
	s10 =	sshra.s32 s31, $0x1F;
	s3 =	spop (v2sf)  }
0x1f6: {  	s18 =	sadd.s32 s7, s24;
	s10 =	smul.u32 $0x51EB851F, s10;
	s19 =	spop (v2sf)  }
0x1f7: {  	s26 =	smulhi.u32 $0x51EB851F, s3;
	s16 =	sshra.s32 s3, $0x1F;
	s24 =	spop (v2sf)  }
0x1f8: {  	s21 =	sshrl.u32 s15, $0x1F;
	s31 =	smul.u32 $0x51EB851F, s16;
	s28 =	spop (v2sf)  }
0x1f9: {  	s25 =	sshrl.u32 s18, $0x1F;
	s29 =	smulhi.u32 $0x51EB851F, s19;
	s30 =	spop (v2sf)  }
0x1fa: {  	s7 =	sshra.s32 s19, $0x1F;
	s19 =	sadd.s32 s2, s1;
	s2 =	spop (v2sf)  }
0x1fb: {  	s16 =	sadd.s32 s5, s4;
	s1 =	smul.u32 $0x51EB851F, s7;
	s3 =	spop (v2sf)  }
0x1fc: {  	s6 =	sadd.s32 s10, s17;
	s7 =	smulhi.u32 $0x51EB851F, s3;
	s5 =	sshra.s32 s3, $0x1F  }
0x1fd: {  	s10 =	sadd.s32 s31, s26;
	s1 =	sadd.s32 s1, s29;
	s5 =	smul.u32 $0x51EB851F, s5  }
0x1fe: {  	s29 =	sshrl.u32 s16, $0x1F;
	s4 =	smulhi.u32 $0x51EB851F, s24;
	s31 =	sshra.s32 s24, $0x1F  }
0x1ff: {  	v45 =	vmov s25;
	s26 =	sshra.s32 s28, $0x1F;
	s3 =	smul.u32 $0x51EB851F, s31;
	s17 =	sadd.s32 s5, s7  }
0x200: {  	v7 =	vmov s9;
	v9 =	vsel vm0, s21, v45;
	s24 =	sshrl.u32 s19, $0x1F;
	s9 =	smul.u32 $0x51EB851F, s26;
	s31 =	sshra.s32 s17, $0x1F  }
0x201: {  	v9 =	vsel vm1, s24, v9;
	s26 =	sshrl.u32 s1, $0x1F;
	s4 =	sadd.s32 s3, s4;
	s3 =	sshra.s32 s6, $0x6;
	v6 =	vmov s31  }
0x202: {  	vm9 =	vcmask $0x704;
	v9 =	vsel vm2, s29, v9;
	s29 =	sshra.s32 s18, $0x6;
	s5 =	sshrl.u32 s6, $0x1F;
	s6 =	sshra.s32 s6, $0x1F;
	v6 =	vsel vm4, s3, v6  }
0x203: {  	v7 =	vsel vm0, s20, v7;
	s7 =	smulhi.u32 $0x51EB851F, s28;
	s28 =	sshrl.u32 s10, $0x1F;
	v44 =	vmov s5;
	s3 =	sshra.s32 s10, $0x6;
	v6 =	vsel vm9, s6, v6  }
0x204: {  	s5 =	smulhi.u32 $0x51EB851F, s30;
	s31 =	sshra.s32 s30, $0x1F;
	v8 =	vnsel vm4, $0x0, v44;
	s30 =	sshra.s32 s10, $0x1F;
	vm9 =	vcmask $0xF0C;
	v6 =	vsel vm0, s3, v6  }
0x205: {  	v7 =	vsel vm1, s22, v7;
	s22 =	sshrl.u32 s4, $0x1F;
	s24 =	sshra.s32 s4, $0x1F;
	v8 =	vsel vm0, s28, v8;
	s3 =	sshra.s32 s1, $0x6;
	v6 =	vsel vm9, s30, v6  }
0x206: {  	s7 =	sadd.s32 s9, s7;
	s20 =	smul.u32 $0x51EB851F, s31;
	v8 =	vsel vm1, s26, v8;
	s1 =	sshra.s32 s1, $0x1F;
	v6 =	vsel vm1, s3, v6  }
0x207: {  	v7 =	vsel vm2, s23, v7;
	s31 =	smulhi.u32 $0x51EB851F, s2;
	s2 =	sshra.s32 s2, $0x1F;
	v8 =	vsel vm2, s22, v8;
	s22 =	sshra.s32 s4, $0x6;
	v6 =	vsel vm13, s1, v6  }
0x208: {  	v7 =	vcombine.low v9, v7;
	s28 =	sshra.s32 s14, $0x6;
	s2 =	smul.u32 $0x51EB851F, s2;
	s5 =	sadd.s32 s20, s5;
	v6 =	vsel vm2, s22, v6  }
0x209: {  	v47 =	vmov s29;
	s21 =	sshrl.u32 s7, $0x1F;
	s26 =	sshra.s32 s7, $0x6;
	v46 =	vmov s28;
	s23 =	sshrl.u32 s5, $0x1F;
	v6 =	vsel vm14, s24, v6  }
0x20a: {  	v8 =	vsel vm5, s21, v8;
	s2 =	sadd.s32 s2, s31;
	s30 =	sshra.s32 s7, $0x1F;
	s31 =	sshra.s32 s11, $0x6;
	vm9 =	vcmask $0x3734;
	v6 =	vsel vm5, s26, v6  }
0x20b: {  	s6 =	sshra.s32 s5, $0x6;
	v8 =	vsel vm6, s23, v8;
	s25 =	sshrl.u32 s2, $0x1F;
	s3 =	sshra.s32 s15, $0x6;
	v9 =	vsel vm0, s31, v46;
	v6 =	vsel vm15, s30, v6  }
0x20c: {  	s9 =	sshra.s32 s12, $0x6;
	s10 =	sshra.s32 s19, $0x6;
	s11 =	sshra.s32 s5, $0x1F;
	v8 =	vsel vm7, s25, v8;
	v10 =	vsel vm0, s3, v47;
	v6 =	vsel vm6, s6, v6  }
0x20d: {  	s12 =	sshra.s32 s13, $0x6;
	s13 =	sshra.s32 s16, $0x6;
	s14 =	sshra.s32 s2, $0x6;
	v9 =	vsel vm1, s9, v9;
	v10 =	vsel vm1, s10, v10;
	v6 =	vsel vm12, s11, v6  }
0x20e: {  	s15 =	sshrl.u32 s17, $0x1F;
	s16 =	sshra.s32 s2, $0x1F;
	v9 =	vsel vm2, s12, v9;
	v10 =	vsel vm2, s13, v10;
	v6 =	vsel vm7, s14, v6  }
0x20f: {  	s17 =	sshra.s32 s17, $0x6;
	v8 =	vsel vm8, s15, v8;
	v9 =	vcombine.low v10, v9;
	v6 =	vsel vm9, s16, v6  }
0x210: {  	v7 =	vperm.xlane v7, v3;
	v8 =	vperm.xlane v8, v4;
	v6 =	vsel vm8, s17, v6  }
0x211: {  	v9 =	vperm.xlane v9, v3;
	v6 =	vperm.xlane v6, v4  }
0x212: {  	v48 =	vld [tilespmem:s8+$0x0]  }
0x213: {  	s3 =	sld [smem:$0x7E6];
	v7 =	vsel vm3, v8, v7;
	v6 =	vsel vm3, v6, v9  }
0x214: {  	v6 =	vadd.s32 v7, v6  }
0x215: {  	v6 =	vmul.u32 $0xC8, v6  }
0x216: {  	vm11 =	vmxor vm11, vm11;
	s18 =	sadd.s32 $0xFFFFFFD0, s3  }
0x217: {  	p1 =	slt.u32 s18, $0x7D0;
	vm9 =	vmmov vm11;
	v5 =	vsub.s32 v5, v6;
	v6 =	vsub.s32 v48, v0  }
0x218: {  	vm9 =	vmneg @p1 vm9;
	vm10 =	vlt.u32 v6, $0x1388;
	v6 =	vshll.u32 v6, $0x8  }
0x219: {  	s19 =	sld [smem:$0x7E5];
	vm9 =	vmand vm9, vm10;
	v5 =	vadd.s32 v5, v6  }
0x21a: {  	v5 =	vnsel vm9, $0xFF, v5  }
0x21b: {  	[tilespmem:s0+$0x40] =	vst v5  }
0x21c: {  	v5 =	vld [tilespmem:s19+$0x10];
	_ =	sdelay $0x4  }
0x21d: {  	(v2sf) =	vpush v5, $0xD;
	_ =	sdelay $0x1  }
0x21e: {  	(v2sf) =	vpush v5, $0xC;
	_ =	sdelay $0x1  }
0x21f: {  	(v2sf) =	vpush v5, $0xE;
	_ =	sdelay $0x1  }
0x220: {  	(v2sf) =	vpush v5, $0xF;
	_ =	sdelay $0x1  }
0x221: {  	(v2sf) =	vpush v5, $0x9;
	_ =	sdelay $0x1  }
0x222: {  	(v2sf) =	vpush v5, $0x8;
	_ =	sdelay $0x1  }
0x223: {  	(v2sf) =	vpush v5, $0xA;
	_ =	sdelay $0x1  }
0x224: {  	(v2sf) =	vpush v5, $0xB  }
0x225: {  	s20 =	spop (v2sf)  }
0x226: {  	(v2sf) =	vpush v5, $0x0;
	s21 =	smulhi.u32 $0x51EB851F, s20;
	s1 =	sshra.s32 s20, $0x1F  }
0x227: {  	(v2sf) =	vpush v5, $0x1;
	s22 =	spop (v2sf);
	s1 =	smul.u32 $0x51EB851F, s1  }
0x228: {  	(v2sf) =	vpush v5, $0x2;
	s23 =	smulhi.u32 $0x51EB851F, s22;
	s4 =	sshra.s32 s22, $0x1F  }
0x229: {  	(v2sf) =	vpush v5, $0x3;
	s24 =	spop (v2sf);
	s4 =	smul.u32 $0x51EB851F, s4  }
0x22a: {  	(v2sf) =	vpush v5, $0x4;
	s25 =	smulhi.u32 $0x51EB851F, s24;
	s6 =	sshra.s32 s24, $0x1F  }
0x22b: {  	(v2sf) =	vpush v5, $0x5;
	s26 =	spop (v2sf);
	s6 =	smul.u32 $0x51EB851F, s6  }
0x22c: {  	(v2sf) =	vpush v5, $0x6;
	s11 =	sadd.s32 s1, s21;
	s28 =	smulhi.u32 $0x51EB851F, s26;
	s29 =	sshra.s32 s26, $0x1F  }
0x22d: {  	s30 =	spop (v2sf);
	(v2sf) =	vpush v5, $0x7;
	s20 =	sshrl.u32 s11, $0x1F;
	s2 =	smul.u32 $0x51EB851F, s29  }
0x22e: {  	s14 =	sadd.s32 s4, s23;
	s31 =	smulhi.u32 $0x51EB851F, s30;
	s13 =	sshra.s32 s30, $0x1F  }
0x22f: {  	s15 =	spop (v2sf);
	s9 =	sshrl.u32 s14, $0x1F;
	s5 =	smul.u32 $0x51EB851F, s13  }
0x230: {  	s12 =	sadd.s32 s6, s25;
	s16 =	smulhi.u32 $0x51EB851F, s15;
	s17 =	sshra.s32 s15, $0x1F  }
0x231: {  	s18 =	spop (v2sf);
	s22 =	sshrl.u32 s12, $0x1F;
	s7 =	smul.u32 $0x51EB851F, s17  }
0x232: {  	s13 =	sadd.s32 s2, s28;
	s19 =	smulhi.u32 $0x51EB851F, s18;
	s29 =	sshra.s32 s18, $0x1F  }
0x233: {  	s30 =	spop (v2sf);
	s23 =	sshrl.u32 s13, $0x1F;
	s2 =	smul.u32 $0x51EB851F, s29  }
0x234: {  	s15 =	sadd.s32 s5, s31;
	s31 =	smulhi.u32 $0x51EB851F, s30;
	s26 =	sshra.s32 s30, $0x1F  }
0x235: {  	s28 =	spop (v2sf);
	s21 =	sshrl.u32 s15, $0x1F;
	s5 =	smul.u32 $0x51EB851F, s26  }
0x236: {  	s17 =	smulhi.u32 $0x51EB851F, s28;
	s10 =	sshra.s32 s28, $0x1F;
	s29 =	spop (v2sf)  }
0x237: {  	s18 =	sadd.s32 s7, s16;
	s6 =	smul.u32 $0x51EB851F, s10;
	s30 =	spop (v2sf)  }
0x238: {  	s10 =	smulhi.u32 $0x51EB851F, s29;
	s16 =	sshra.s32 s29, $0x1F;
	s24 =	spop (v2sf)  }
0x239: {  	s25 =	sshrl.u32 s18, $0x1F;
	s26 =	smul.u32 $0x51EB851F, s16;
	s28 =	spop (v2sf)  }
0x23a: {  	s29 =	smulhi.u32 $0x51EB851F, s30;
	s7 =	sshra.s32 s30, $0x1F;
	s30 =	spop (v2sf)  }
0x23b: {  	s19 =	sadd.s32 s2, s19;
	s1 =	smul.u32 $0x51EB851F, s7;
	s2 =	spop (v2sf)  }
0x23c: {  	s16 =	sadd.s32 s5, s31;
	s4 =	smulhi.u32 $0x51EB851F, s24;
	s31 =	spop (v2sf)  }
0x23d: {  	s6 =	sadd.s32 s6, s17;
	s7 =	smulhi.u32 $0x51EB851F, s31;
	s5 =	sshra.s32 s31, $0x1F  }
0x23e: {  	s10 =	sadd.s32 s26, s10;
	s26 =	sshra.s32 s24, $0x1F;
	s5 =	smul.u32 $0x51EB851F, s5  }
0x23f: {  	s1 =	sadd.s32 s1, s29;
	s29 =	sshrl.u32 s16, $0x1F;
	s31 =	smul.u32 $0x51EB851F, s26  }
0x240: {  	s24 =	sshrl.u32 s19, $0x1F;
	s26 =	sshra.s32 s28, $0x1F;
	s17 =	sadd.s32 s5, s7  }
0x241: {  	v7 =	vmov s9;
	s9 =	smul.u32 $0x51EB851F, s26;
	s4 =	sadd.s32 s31, s4;
	s31 =	sshra.s32 s17, $0x1F  }
0x242: {  	vm9 =	vcmask $0x704;
	s26 =	sshrl.u32 s1, $0x1F;
	s5 =	sshrl.u32 s6, $0x1F;
	v6 =	vmov s31;
	s31 =	sshra.s32 s6, $0x6  }
0x243: {  	v7 =	vsel vm0, s20, v7;
	v50 =	vmov s25;
	s7 =	smulhi.u32 $0x51EB851F, s28;
	s28 =	sshrl.u32 s10, $0x1F;
	s6 =	sshra.s32 s6, $0x1F;
	v6 =	vsel vm4, s31, v6  }
0x244: {  	v7 =	vsel vm1, s22, v7;
	v9 =	vsel vm0, s21, v50;
	s22 =	sshrl.u32 s4, $0x1F;
	s21 =	sshra.s32 s4, $0x6;
	s31 =	sshra.s32 s10, $0x6;
	v6 =	vsel vm9, s6, v6  }
0x245: {  	v49 =	vmov s5;
	s5 =	smulhi.u32 $0x51EB851F, s30;
	s30 =	sshra.s32 s30, $0x1F;
	s10 =	sshra.s32 s10, $0x1F;
	vm9 =	vcmask $0xF0C;
	v6 =	vsel vm0, s31, v6  }
0x246: {  	v7 =	vsel vm2, s23, v7;
	v9 =	vsel vm1, s24, v9;
	s23 =	sshra.s32 s4, $0x1F;
	s20 =	smul.u32 $0x51EB851F, s30;
	s31 =	sshra.s32 s1, $0x6;
	v6 =	vsel vm9, s10, v6  }
0x247: {  	v9 =	vsel vm2, s29, v9;
	v8 =	vnsel vm4, $0x0, v49;
	s30 =	smulhi.u32 $0x51EB851F, s2;
	s2 =	sshra.s32 s2, $0x1F;
	s1 =	sshra.s32 s1, $0x1F;
	v6 =	vsel vm1, s31, v6  }
0x248: {  	v7 =	vcombine.low v9, v7;
	s7 =	sadd.s32 s9, s7;
	v8 =	vsel vm0, s28, v8;
	s2 =	smul.u32 $0x51EB851F, s2;
	s28 =	sshra.s32 s18, $0x6;
	v6 =	vsel vm13, s1, v6  }
0x249: {  	s9 =	sshrl.u32 s7, $0x1F;
	s25 =	sshra.s32 s7, $0x6;
	v8 =	vsel vm1, s26, v8;
	s26 =	sshra.s32 s14, $0x6;
	v52 =	vmov s28;
	v6 =	vsel vm2, s21, v6  }
0x24a: {  	s5 =	sadd.s32 s20, s5;
	v8 =	vsel vm2, s22, v8;
	s2 =	sadd.s32 s2, s30;
	s30 =	sshra.s32 s11, $0x6;
	v51 =	vmov s26;
	v6 =	vsel vm14, s23, v6  }
0x24b: {  	s29 =	sshra.s32 s7, $0x1F;
	s22 =	sshrl.u32 s5, $0x1F;
	v8 =	vsel vm5, s9, v8;
	v9 =	vsel vm0, s30, v51;
	v6 =	vsel vm5, s25, v6  }
0x24c: {  	s6 =	sshra.s32 s5, $0x6;
	s9 =	sshra.s32 s12, $0x6;
	vm9 =	vcmask $0x3734;
	v8 =	vsel vm6, s22, v8;
	s31 =	sshra.s32 s15, $0x6;
	v6 =	vsel vm15, s29, v6  }
0x24d: {  	s11 =	sshra.s32 s5, $0x1F;
	s24 =	sshrl.u32 s2, $0x1F;
	s10 =	sshra.s32 s19, $0x6;
	v9 =	vsel vm1, s9, v9;
	v10 =	vsel vm0, s31, v52;
	v6 =	vsel vm6, s6, v6  }
0x24e: {  	s12 =	sshra.s32 s13, $0x6;
	s13 =	sshra.s32 s16, $0x6;
	s14 =	sshra.s32 s2, $0x6;
	v8 =	vsel vm7, s24, v8;
	v10 =	vsel vm1, s10, v10;
	v6 =	vsel vm12, s11, v6  }
0x24f: {  	s16 =	sshra.s32 s2, $0x1F;
	s15 =	sshrl.u32 s17, $0x1F;
	v9 =	vsel vm2, s12, v9;
	v10 =	vsel vm2, s13, v10;
	v6 =	vsel vm7, s14, v6  }
0x250: {  	s17 =	sshra.s32 s17, $0x6;
	v8 =	vsel vm8, s15, v8;
	v9 =	vcombine.low v10, v9;
	v6 =	vsel vm9, s16, v6  }
0x251: {  	v7 =	vperm.xlane v7, v3;
	v8 =	vperm.xlane v8, v4;
	v6 =	vsel vm8, s17, v6  }
0x252: {  	v9 =	vperm.xlane v9, v3;
	v6 =	vperm.xlane v6, v4  }
0x253: {  	v53 =	vld [tilespmem:s8+$0x10]  }
0x254: {  	v7 =	vsel vm3, v8, v7;
	v6 =	vsel vm3, v6, v9  }
0x255: {  	v6 =	vadd.s32 v7, v6  }
0x256: {  	v6 =	vmul.u32 $0xC8, v6  }
0x257: {  	s18 =	sadd.s32 $0xFFFFFFE0, s3  }
0x258: {  	p1 =	slt.u32 s18, $0x7D0;
	vm9 =	vmmov vm11;
	v5 =	vsub.s32 v5, v6;
	v6 =	vsub.s32 v53, v0  }
0x259: {  	vm9 =	vmneg @p1 vm9;
	vm10 =	vlt.u32 v6, $0x1388;
	v6 =	vshll.u32 v6, $0x8  }
0x25a: {  	s19 =	sld [smem:$0x7E5];
	vm9 =	vmand vm9, vm10;
	v5 =	vadd.s32 v5, v6  }
0x25b: {  	v5 =	vnsel vm9, $0xFF, v5  }
0x25c: {  	[tilespmem:s0+$0x50] =	vst v5  }
0x25d: {  	v5 =	vld [tilespmem:s19+$0x20];
	_ =	sdelay $0x4  }
0x25e: {  	(v2sf) =	vpush v5, $0xD;
	_ =	sdelay $0x1  }
0x25f: {  	(v2sf) =	vpush v5, $0xC;
	_ =	sdelay $0x1  }
0x260: {  	(v2sf) =	vpush v5, $0xE;
	_ =	sdelay $0x1  }
0x261: {  	(v2sf) =	vpush v5, $0xF;
	_ =	sdelay $0x1  }
0x262: {  	(v2sf) =	vpush v5, $0x9;
	_ =	sdelay $0x1  }
0x263: {  	(v2sf) =	vpush v5, $0x8;
	_ =	sdelay $0x1  }
0x264: {  	(v2sf) =	vpush v5, $0xA;
	_ =	sdelay $0x1  }
0x265: {  	(v2sf) =	vpush v5, $0xB  }
0x266: {  	s20 =	spop (v2sf)  }
0x267: {  	(v2sf) =	vpush v5, $0x0;
	s21 =	smulhi.u32 $0x51EB851F, s20;
	s1 =	sshra.s32 s20, $0x1F  }
0x268: {  	(v2sf) =	vpush v5, $0x1;
	s22 =	spop (v2sf);
	s1 =	smul.u32 $0x51EB851F, s1  }
0x269: {  	(v2sf) =	vpush v5, $0x2;
	s23 =	smulhi.u32 $0x51EB851F, s22;
	s4 =	sshra.s32 s22, $0x1F  }
0x26a: {  	(v2sf) =	vpush v5, $0x3;
	s24 =	spop (v2sf);
	s4 =	smul.u32 $0x51EB851F, s4  }
0x26b: {  	(v2sf) =	vpush v5, $0x4;
	s25 =	smulhi.u32 $0x51EB851F, s24;
	s6 =	sshra.s32 s24, $0x1F  }
0x26c: {  	s26 =	spop (v2sf);
	(v2sf) =	vpush v5, $0x5;
	s6 =	smul.u32 $0x51EB851F, s6  }
0x26d: {  	s11 =	sadd.s32 s1, s21;
	s28 =	smulhi.u32 $0x51EB851F, s26;
	s29 =	sshra.s32 s26, $0x1F;
	(v2sf) =	vpush v5, $0x6  }
0x26e: {  	s30 =	spop (v2sf);
	s20 =	sshrl.u32 s11, $0x1F;
	s2 =	smul.u32 $0x51EB851F, s29;
	(v2sf) =	vpush v5, $0x7  }
0x26f: {  	s14 =	sadd.s32 s4, s23;
	s31 =	smulhi.u32 $0x51EB851F, s30;
	s13 =	sshra.s32 s30, $0x1F  }
0x270: {  	s15 =	spop (v2sf);
	s9 =	sshrl.u32 s14, $0x1F;
	s5 =	smul.u32 $0x51EB851F, s13  }
0x271: {  	s12 =	sadd.s32 s6, s25;
	s16 =	smulhi.u32 $0x51EB851F, s15;
	s17 =	sshra.s32 s15, $0x1F  }
0x272: {  	s18 =	spop (v2sf);
	s14 =	sshra.s32 s14, $0x6;
	s7 =	smul.u32 $0x51EB851F, s17  }
0x273: {  	s22 =	sshrl.u32 s12, $0x1F;
	s19 =	smulhi.u32 $0x51EB851F, s18;
	s29 =	sshra.s32 s18, $0x1F  }
0x274: {  	s13 =	sadd.s32 s2, s28;
	s30 =	spop (v2sf);
	s2 =	smul.u32 $0x51EB851F, s29  }
0x275: {  	s15 =	sadd.s32 s5, s31;
	s31 =	smulhi.u32 $0x51EB851F, s30;
	s26 =	sshra.s32 s30, $0x1F  }
0x276: {  	s23 =	sshrl.u32 s13, $0x1F;
	s28 =	spop (v2sf);
	s5 =	smul.u32 $0x51EB851F, s26  }
0x277: {  	s17 =	smulhi.u32 $0x51EB851F, s28;
	s10 =	sshra.s32 s28, $0x1F;
	s29 =	spop (v2sf)  }
0x278: {  	s18 =	sadd.s32 s7, s16;
	s6 =	smul.u32 $0x51EB851F, s10;
	s30 =	spop (v2sf)  }
0x279: {  	s10 =	smulhi.u32 $0x51EB851F, s29;
	s16 =	sshra.s32 s29, $0x1F;
	s24 =	spop (v2sf)  }
0x27a: {  	s21 =	sshrl.u32 s15, $0x1F;
	s26 =	smul.u32 $0x51EB851F, s16;
	s28 =	spop (v2sf)  }
0x27b: {  	s29 =	smulhi.u32 $0x51EB851F, s30;
	s7 =	sshra.s32 s30, $0x1F;
	s30 =	spop (v2sf)  }
0x27c: {  	s19 =	sadd.s32 s2, s19;
	s1 =	smul.u32 $0x51EB851F, s7;
	s2 =	spop (v2sf)  }
0x27d: {  	s16 =	sadd.s32 s5, s31;
	s4 =	smulhi.u32 $0x51EB851F, s24;
	s31 =	spop (v2sf)  }
0x27e: {  	s25 =	sshrl.u32 s18, $0x1F;
	s7 =	smulhi.u32 $0x51EB851F, s31;
	s5 =	sshra.s32 s31, $0x1F  }
0x27f: {  	s10 =	sadd.s32 s26, s10;
	s26 =	sshra.s32 s24, $0x1F;
	s5 =	smul.u32 $0x51EB851F, s5  }
0x280: {  	s18 =	sshra.s32 s18, $0x6;
	v55 =	vmov s25;
	s6 =	sadd.s32 s6, s17;
	s31 =	smul.u32 $0x51EB851F, s26  }
0x281: {  	v9 =	vsel vm0, s21, v55;
	s21 =	sshra.s32 s11, $0x6;
	s24 =	sshrl.u32 s19, $0x1F;
	s17 =	sadd.s32 s5, s7  }
0x282: {  	v7 =	vmov s9;
	s1 =	sadd.s32 s1, s29;
	s4 =	sadd.s32 s31, s4;
	s31 =	sshra.s32 s17, $0x1F  }
0x283: {  	v7 =	vsel vm0, s20, v7;
	s29 =	sshrl.u32 s16, $0x1F;
	s20 =	sshra.s32 s30, $0x1F;
	v6 =	vmov s31;
	s31 =	sshra.s32 s6, $0x6  }
0x284: {  	vm9 =	vcmask $0x704;
	s20 =	smul.u32 $0x51EB851F, s20;
	s5 =	sshrl.u32 s6, $0x1F;
	s6 =	sshra.s32 s6, $0x1F;
	v6 =	vsel vm4, s31, v6  }
0x285: {  	s26 =	sshra.s32 s28, $0x1F;
	v54 =	vmov s5;
	s5 =	smulhi.u32 $0x51EB851F, s30;
	s30 =	sshra.s32 s10, $0x6;
	v6 =	vsel vm9, s6, v6  }
0x286: {  	v7 =	vsel vm1, s22, v7;
	s7 =	smulhi.u32 $0x51EB851F, s28;
	s28 =	sshrl.u32 s10, $0x1F;
	s10 =	sshra.s32 s10, $0x1F;
	vm9 =	vcmask $0xF0C;
	v6 =	vsel vm0, s30, v6  }
0x287: {  	v7 =	vsel vm2, s23, v7;
	v9 =	vsel vm1, s24, v9;
	s22 =	smulhi.u32 $0x51EB851F, s2;
	s2 =	sshra.s32 s2, $0x1F;
	s23 =	sshra.s32 s1, $0x6;
	v6 =	vsel vm9, s10, v6  }
0x288: {  	v56 =	vmov s14;
	v9 =	vsel vm2, s29, v9;
	s9 =	smul.u32 $0x51EB851F, s26;
	s26 =	sshrl.u32 s1, $0x1F;
	s1 =	sshra.s32 s1, $0x1F;
	v6 =	vsel vm1, s23, v6  }
0x289: {  	v57 =	vmov s18;
	s24 =	sshra.s32 s12, $0x6;
	s2 =	smul.u32 $0x51EB851F, s2;
	v7 =	vcombine.low v9, v7;
	s30 =	sshra.s32 s4, $0x6;
	v6 =	vsel vm13, s1, v6  }
0x28a: {  	v9 =	vsel vm0, s21, v56;
	v8 =	vnsel vm4, $0x0, v54;
	s7 =	sadd.s32 s9, s7;
	s31 =	sshrl.u32 s4, $0x1F;
	s4 =	sshra.s32 s4, $0x1F;
	v6 =	vsel vm2, s30, v6  }
0x28b: {  	v9 =	vsel vm1, s24, v9;
	s2 =	sadd.s32 s2, s22;
	s22 =	sshra.s32 s15, $0x6;
	v8 =	vsel vm0, s28, v8;
	s10 =	sshra.s32 s7, $0x6;
	v6 =	vsel vm14, s4, v6  }
0x28c: {  	s25 =	sshra.s32 s19, $0x6;
	v10 =	vsel vm0, s22, v57;
	s5 =	sadd.s32 s20, s5;
	s20 =	sshra.s32 s7, $0x1F;
	v8 =	vsel vm1, s26, v8;
	v6 =	vsel vm5, s10, v6  }
0x28d: {  	s29 =	sshra.s32 s16, $0x6;
	v10 =	vsel vm1, s25, v10;
	s28 =	sshrl.u32 s7, $0x1F;
	v8 =	vsel vm2, s31, v8;
	s23 =	sshra.s32 s5, $0x6;
	v6 =	vsel vm15, s20, v6  }
0x28e: {  	v10 =	vsel vm2, s29, v10;
	s26 =	sshra.s32 s5, $0x1F;
	s31 =	sshrl.u32 s5, $0x1F;
	v8 =	vsel vm5, s28, v8;
	v6 =	vsel vm6, s23, v6  }
0x28f: {  	s9 =	sshrl.u32 s2, $0x1F;
	s28 =	sshra.s32 s13, $0x6;
	vm9 =	vcmask $0x3734;
	v8 =	vsel vm6, s31, v8;
	s30 =	sshra.s32 s2, $0x6;
	v6 =	vsel vm12, s26, v6  }
0x290: {  	s31 =	sshrl.u32 s17, $0x1F;
	v9 =	vsel vm2, s28, v9;
	s5 =	sshra.s32 s2, $0x1F;
	v8 =	vsel vm7, s9, v8;
	v6 =	vsel vm7, s30, v6  }
0x291: {  	s6 =	sshra.s32 s17, $0x6;
	v9 =	vcombine.low v10, v9;
	v8 =	vsel vm8, s31, v8;
	v6 =	vsel vm9, s5, v6  }
0x292: {  	v7 =	vperm.xlane v7, v3;
	v8 =	vperm.xlane v8, v4;
	v6 =	vsel vm8, s6, v6  }
0x293: {  	v9 =	vperm.xlane v9, v3;
	v6 =	vperm.xlane v6, v4  }
0x294: {  	v58 =	vld [tilespmem:s8+$0x20]  }
0x295: {  	v7 =	vsel vm3, v8, v7;
	v6 =	vsel vm3, v6, v9  }
0x296: {  	v6 =	vadd.s32 v7, v6  }
0x297: {  	v6 =	vmul.u32 $0xC8, v6  }
0x298: {  	s7 =	sadd.s32 $0xFFFFFFF0, s3  }
0x299: {  	p1 =	slt.u32 s7, $0x7D0;
	vm9 =	vmmov vm11;
	v5 =	vsub.s32 v5, v6;
	v6 =	vsub.s32 v58, v0  }
0x29a: {  	vm9 =	vmneg @p1 vm9;
	vm10 =	vlt.u32 v6, $0x1388;
	v6 =	vshll.u32 v6, $0x8  }
0x29b: {  	s9 =	sld [smem:$0x7E5];
	vm9 =	vmand vm9, vm10;
	v5 =	vadd.s32 v5, v6  }
0x29c: {  	v5 =	vnsel vm9, $0xFF, v5  }
0x29d: {  	[tilespmem:s0+$0x60] =	vst v5  }
0x29e: {  	v5 =	vld [tilespmem:s9+$0x30];
	_ =	sdelay $0x4  }
0x29f: {  	(v2sf) =	vpush v5, $0xD;
	_ =	sdelay $0x1  }
0x2a0: {  	(v2sf) =	vpush v5, $0xC;
	_ =	sdelay $0x1  }
0x2a1: {  	(v2sf) =	vpush v5, $0xE;
	_ =	sdelay $0x1  }
0x2a2: {  	(v2sf) =	vpush v5, $0xF;
	_ =	sdelay $0x1  }
0x2a3: {  	(v2sf) =	vpush v5, $0x9;
	_ =	sdelay $0x1  }
0x2a4: {  	(v2sf) =	vpush v5, $0x8;
	_ =	sdelay $0x1  }
0x2a5: {  	(v2sf) =	vpush v5, $0xA;
	_ =	sdelay $0x1  }
0x2a6: {  	(v2sf) =	vpush v5, $0xB  }
0x2a7: {  	s10 =	spop (v2sf)  }
0x2a8: {  	(v2sf) =	vpush v5, $0x0;
	s2 =	smulhi.u32 $0x51EB851F, s10;
	s1 =	sshra.s32 s10, $0x1F  }
0x2a9: {  	(v2sf) =	vpush v5, $0x1;
	s11 =	spop (v2sf);
	s1 =	smul.u32 $0x51EB851F, s1  }
0x2aa: {  	s5 =	smulhi.u32 $0x51EB851F, s11;
	s4 =	sshra.s32 s11, $0x1F  }
0x2ab: {  	(v2sf) =	vpush v5, $0x2;
	s12 =	spop (v2sf);
	s4 =	smul.u32 $0x51EB851F, s4  }
0x2ac: {  	s9 =	smulhi.u32 $0x51EB851F, s12;
	s6 =	sshra.s32 s12, $0x1F  }
0x2ad: {  	(v2sf) =	vpush v5, $0x3;
	s13 =	spop (v2sf);
	s6 =	smul.u32 $0x51EB851F, s6  }
0x2ae: {  	(v2sf) =	vpush v5, $0x4;
	s15 =	smulhi.u32 $0x51EB851F, s13;
	s7 =	sshra.s32 s13, $0x1F  }
0x2af: {  	(v2sf) =	vpush v5, $0x5;
	s14 =	spop (v2sf);
	s7 =	smul.u32 $0x51EB851F, s7  }
0x2b0: {  	(v2sf) =	vpush v5, $0x6;
	s16 =	smulhi.u32 $0x51EB851F, s14;
	s10 =	sshra.s32 s14, $0x1F  }
0x2b1: {  	(v2sf) =	vpush v5, $0x7;
	s17 =	spop (v2sf);
	s10 =	smul.u32 $0x51EB851F, s10  }
0x2b2: {  	s19 =	smulhi.u32 $0x51EB851F, s17;
	s11 =	sshra.s32 s17, $0x1F  }
0x2b3: {  	s18 =	spop (v2sf);
	s22 =	smul.u32 $0x51EB851F, s11  }
0x2b4: {  	s24 =	smulhi.u32 $0x51EB851F, s18;
	s12 =	sshra.s32 s18, $0x1F  }
0x2b5: {  	s13 =	sadd.s32 s6, s9;
	s20 =	spop (v2sf);
	s26 =	smul.u32 $0x51EB851F, s12  }
0x2b6: {  	s11 =	sadd.s32 s7, s15;
	s29 =	smulhi.u32 $0x51EB851F, s20;
	s14 =	sshra.s32 s20, $0x1F  }
0x2b7: {  	s30 =	spop (v2sf);
	s12 =	sadd.s32 s1, s2;
	s1 =	smul.u32 $0x51EB851F, s14  }
0x2b8: {  	s31 =	spop (v2sf);
	s14 =	sadd.s32 s4, s5;
	s2 =	smulhi.u32 $0x51EB851F, s30  }
0x2b9: {  	s17 =	sshra.s32 s30, $0x1F;
	s5 =	sshrl.u32 s12, $0x1F;
	s19 =	sadd.s32 s22, s19  }
0x2ba: {  	s21 =	spop (v2sf);
	s30 =	sshrl.u32 s14, $0x1F;
	s4 =	smul.u32 $0x51EB851F, s17  }
0x2bb: {  	s6 =	smulhi.u32 $0x51EB851F, s31;
	s18 =	sshra.s32 s31, $0x1F;
	s31 =	sshrl.u32 s13, $0x1F  }
0x2bc: {  	s23 =	spop (v2sf);
	s7 =	smul.u32 $0x51EB851F, s18;
	s18 =	sadd.s32 s10, s16  }
0x2bd: {  	s9 =	smulhi.u32 $0x51EB851F, s21;
	s17 =	sshra.s32 s21, $0x1F;
	s25 =	spop (v2sf)  }
0x2be: {  	s16 =	sadd.s32 s26, s24;
	s10 =	smul.u32 $0x51EB851F, s17;
	s28 =	spop (v2sf)  }
0x2bf: {  	s22 =	smulhi.u32 $0x51EB851F, s23;
	s23 =	sshra.s32 s23, $0x1F;
	s20 =	spop (v2sf)  }
0x2c0: {  	s15 =	sadd.s32 s1, s29;
	s1 =	smul.u32 $0x51EB851F, s23;
	s24 =	spop (v2sf)  }
0x2c1: {  	s2 =	sadd.s32 s4, s2;
	s4 =	smulhi.u32 $0x51EB851F, s24;
	s17 =	sshra.s32 s24, $0x1F  }
0x2c2: {  	s21 =	sshrl.u32 s11, $0x1F;
	s23 =	sshrl.u32 s18, $0x1F;
	s26 =	smul.u32 $0x51EB851F, s17  }
0x2c3: {  	s6 =	sadd.s32 s7, s6;
	s29 =	smulhi.u32 $0x51EB851F, s25;
	s25 =	sshra.s32 s25, $0x1F  }
0x2c4: {  	v7 =	vmov s30;
	s9 =	sadd.s32 s10, s9;
	s25 =	smul.u32 $0x51EB851F, s25;
	s17 =	sadd.s32 s26, s4  }
0x2c5: {  	v7 =	vsel vm0, s5, v7;
	s30 =	sshrl.u32 s6, $0x1F;
	s5 =	smulhi.u32 $0x51EB851F, s28;
	s7 =	sshra.s32 s17, $0x1F  }
0x2c6: {  	vm9 =	vcmask $0x704;
	s10 =	sadd.s32 s25, s29;
	s29 =	sshrl.u32 s2, $0x1F;
	s26 =	sshra.s32 s2, $0x6;
	v6 =	vmov s7  }
0x2c7: {  	v7 =	vsel vm1, s31, v7;
	s1 =	sadd.s32 s1, s22;
	s24 =	sshrl.u32 s19, $0x1F;
	v59 =	vmov s29;
	s2 =	sshra.s32 s2, $0x1F;
	v6 =	vsel vm4, s26, v6  }
0x2c8: {  	s22 =	sshrl.u32 s15, $0x1F;
	v8 =	vnsel vm4, $0x0, v59;
	v60 =	vmov s24;
	s26 =	sshra.s32 s28, $0x1F;
	s28 =	sshra.s32 s6, $0x6;
	v6 =	vsel vm9, s2, v6  }
0x2c9: {  	v8 =	vsel vm0, s30, v8;
	s30 =	smulhi.u32 $0x51EB851F, s20;
	s20 =	sshra.s32 s20, $0x1F;
	s6 =	sshra.s32 s6, $0x1F;
	vm9 =	vcmask $0xF0C;
	v6 =	vsel vm0, s28, v6  }
0x2ca: {  	v7 =	vsel vm2, s21, v7;
	s31 =	sshra.s32 s9, $0x6;
	v9 =	vsel vm0, s23, v60;
	s4 =	sshrl.u32 s16, $0x1F;
	s21 =	smul.u32 $0x51EB851F, s20;
	v6 =	vsel vm9, s6, v6  }
0x2cb: {  	s29 =	sshrl.u32 s9, $0x1F;
	s9 =	sshra.s32 s9, $0x1F;
	v9 =	vsel vm1, s4, v9;
	s25 =	smul.u32 $0x51EB851F, s26;
	v6 =	vsel vm1, s31, v6  }
0x2cc: {  	v8 =	vsel vm1, s29, v8;
	s29 =	sadd.s32 s21, s30;
	v9 =	vsel vm2, s22, v9;
	s7 =	sshra.s32 s19, $0x6;
	s26 =	sshra.s32 s1, $0x6;
	v6 =	vsel vm13, s9, v6  }
0x2cd: {  	v7 =	vcombine.low v9, v7;
	v62 =	vmov s7;
	s6 =	sshrl.u32 s1, $0x1F;
	s24 =	sadd.s32 s25, s5;
	s1 =	sshra.s32 s1, $0x1F;
	v6 =	vsel vm2, s26, v6  }
0x2ce: {  	s25 =	sshrl.u32 s10, $0x1F;
	vm9 =	vcmask $0x3734;
	v8 =	vsel vm2, s6, v8;
	s31 =	sshra.s32 s10, $0x6;
	s6 =	sshra.s32 s14, $0x6;
	v6 =	vsel vm14, s1, v6  }
0x2cf: {  	s28 =	sshrl.u32 s24, $0x1F;
	v8 =	vsel vm5, s25, v8;
	s9 =	sshra.s32 s10, $0x1F;
	s10 =	sshra.s32 s12, $0x6;
	v61 =	vmov s6;
	v6 =	vsel vm5, s31, v6  }
0x2d0: {  	s30 =	sshrl.u32 s29, $0x1F;
	s14 =	sshra.s32 s24, $0x6;
	s12 =	sshra.s32 s18, $0x6;
	v8 =	vsel vm6, s28, v8;
	v9 =	vsel vm0, s10, v61;
	v6 =	vsel vm15, s9, v6  }
0x2d1: {  	s19 =	sshra.s32 s16, $0x6;
	s20 =	sshra.s32 s24, $0x1F;
	s18 =	sshra.s32 s13, $0x6;
	v10 =	vsel vm0, s12, v62;
	v8 =	vsel vm7, s30, v8;
	v6 =	vsel vm6, s14, v6  }
0x2d2: {  	s21 =	sshra.s32 s11, $0x6;
	s22 =	sshra.s32 s15, $0x6;
	s23 =	sshra.s32 s29, $0x6;
	v9 =	vsel vm1, s18, v9;
	v10 =	vsel vm1, s19, v10;
	v6 =	vsel vm12, s20, v6  }
0x2d3: {  	s24 =	sshrl.u32 s17, $0x1F;
	s25 =	sshra.s32 s29, $0x1F;
	v9 =	vsel vm2, s21, v9;
	v10 =	vsel vm2, s22, v10;
	v6 =	vsel vm7, s23, v6  }
0x2d4: {  	s26 =	sshra.s32 s17, $0x6;
	v8 =	vsel vm8, s24, v8;
	v9 =	vcombine.low v10, v9;
	v6 =	vsel vm9, s25, v6  }
0x2d5: {  	v7 =	vperm.xlane v7, v3;
	v8 =	vperm.xlane v8, v4;
	v6 =	vsel vm8, s26, v6  }
0x2d6: {  	v9 =	vperm.xlane v9, v3;
	v6 =	vperm.xlane v6, v4  }
0x2d7: {  	v63 =	vld [tilespmem:s8+$0x30]  }
0x2d8: {  	v7 =	vsel vm3, v8, v7;
	v6 =	vsel vm3, v6, v9  }
0x2d9: {  	v6 =	vadd.s32 v7, v6  }
0x2da: {  	p1 =	slt.u32 s3, $0x7D0;
	v6 =	vmul.u32 $0xC8, v6  }
0x2db: {  	vm11 =	vmneg @p1 vm11;
	p1 =	seq.s32 s3, $0x7F0;
	s3 =	sadd.s32 $0x80, s3  }
0x2dc: {  	[smem:$0x7E6] =	sst s3;
	v5 =	vsub.s32 v5, v6;
	v6 =	vsub.s32 v63, v0  }
0x2dd: {  	s29 =	rddreg [dreg:$0x4];
	vm10 =	vlt.u32 v6, $0x1388;
	v6 =	vshll.u32 v6, $0x8  }
.Ltmp2:
0x2de: {  	s28 =	rddreg [dreg:$0x3];
	vm9 =	vmand vm11, vm10;
	v5 =	vadd.s32 v5, v6;
	(pc) =	sbr.rel @!p1 .LBB2_7-.Ltmp2, $4  }
0x2df: {  	s31 =	sld [smem:$0x7E5];
	v5 =	vnsel vm9, $0xFF, v5  }
0x2e0: {  	s30 =	rddreg [dreg:$0x1];
	[tilespmem:s0+$0x70] =	vst v5  }
0x2e1: {  	vm11 =	vcmask $0x3734;
	[spmem:s30] =	stream.indirect.scatter.add.f32 [tilespmem:s28], [sflag:$0x3], $0x1, s0, s29, $0xb8;
	[tilespmem:$0x1B100] =	vst v63  }
0x2e2: {  	s8 =	sadd.s32 $0x80, s8;
	s1 =	sadd.s32 $0x80, s31;
	vm9 =	vmmov vm3;
	vm3 =	vmmov vm12;
	vm12 =	vcmask $0xF0C;
	s0 =	sadd.s32 $0x80, s0  }
0x2e3: {  	s0 =	sld [smem:$0x7E7];
	_ =	sdelay $0x2  }
0x2e4: {  	p1 =	sne.s32 s0, $0xA  }
.Ltmp3:
0x2e5: {  	_ = 	snop;
	(pc) =	sbr.rel @p1 .LBB2_6-.Ltmp3, $2  }
0x2e6: {  	s4 =	sld [smem:$0x7E8];
	_ =	sdelay $0x2  }
0x2e7: {  	p0 =	por !p0, !p0;
	s4 =	sadd.s32 $0x800, s4  }
0x2e8: {  	s0 =	simm.s32 $0x3  }
0x2e9: {  	_ =	swait.ge [sflag:s0], $0x80  }
0x2ea: {  	[sflag:s0] =	ssyncset.done $0x0  }
0x2eb: {  	[sflag:s0] =	ssyncadd.s32 $0xFFFFFF80  }
0x2ec: {  	_ =	swait.ge [sflag:s0], $0x80  }
0x2ed: {  	[sflag:s0] =	ssyncset.done $0x0  }
0x2ee: {  	[sflag:s0] =	ssyncadd.s32 $0xFFFFFF80  }
0x2ef: {  	_ =	swait.ge [sflag:s0], $0x80  }
0x2f0: {  	[sflag:s0] =	ssyncset.done $0x0  }
0x2f1: {  	[sflag:s0] =	ssyncadd.s32 $0xFFFFFF80  }
0x2f2: {  	_ =	swait.ge [sflag:s0], $0x80  }
0x2f3: {  	[sflag:s0] =	ssyncset.done $0x0  }
0x2f4: {  	[sflag:s0] =	ssyncadd.s32 $0xFFFFFF80  }
0x2f5: {  	_ =	swait.ge [sflag:s0], $0x80  }
0x2f6: {  	[sflag:s0] =	ssyncset.done $0x0  }
0x2f7: {  	[sflag:s0] =	ssyncadd.s32 $0xFFFFFF80  }
0x2f8: {  	_ =	swait.ge [sflag:s0], $0x80  }
0x2f9: {  	[sflag:s0] =	ssyncset.done $0x0  }
0x2fa: {  	[sflag:s0] =	ssyncadd.s32 $0xFFFFFF80  }
0x2fb: {  	_ =	swait.ge [sflag:s0], $0x80  }
0x2fc: {  	[sflag:s0] =	ssyncset.done $0x0  }
0x2fd: {  	[sflag:s0] =	ssyncadd.s32 $0xFFFFFF80  }
0x2fe: {  	_ =	swait.ge [sflag:s0], $0x80  }
0x2ff: {  	[sflag:s0] =	ssyncset.done $0x0  }
0x300: {  	[sflag:s0] =	ssyncadd.s32 $0xFFFFFF80  }
0x301: {  	_ =	swait.ge [sflag:s0], $0x80  }
0x302: {  	[sflag:s0] =	ssyncset.done $0x0  }
0x303: {  	[sflag:s0] =	ssyncadd.s32 $0xFFFFFF80  }
0x304: {  	_ =	swait.ge [sflag:s0], $0x80  }
0x305: {  	[sflag:s0] =	ssyncset.done $0x0  }
0x306: {  	[sflag:s0] =	ssyncadd.s32 $0xFFFFFF80  }
0x307: {  	_ =	swait.ge [sflag:s0], $0x80  }
0x308: {  	[sflag:s0] =	ssyncset.done $0x0  }
0x309: {  	[sflag:s0] =	ssyncadd.s32 $0xFFFFFF80  }
0x30a: {  	_ =	swait.ge [sflag:s0], $0x80  }
0x30b: {  	[sflag:s0] =	ssyncset.done $0x0  }
0x30c: {  	[sflag:s0] =	ssyncadd.s32 $0xFFFFFF80  }
0x30d: {  	_ =	swait.ge [sflag:s0], $0x80  }
0x30e: {  	[sflag:s0] =	ssyncset.done $0x0  }
0x30f: {  	[sflag:s0] =	ssyncadd.s32 $0xFFFFFF80  }
0x310: {  	_ =	swait.ge [sflag:s0], $0x80  }
0x311: {  	[sflag:s0] =	ssyncset.done $0x0  }
0x312: {  	[sflag:s0] =	ssyncadd.s32 $0xFFFFFF80  }
0x313: {  	_ =	swait.ge [sflag:s0], $0x80  }
0x314: {  	[sflag:s0] =	ssyncset.done $0x0  }
0x315: {  	[sflag:s0] =	ssyncadd.s32 $0xFFFFFF80  }
0x316: {  	_ =	swait.ge [sflag:s0], $0x80  }
0x317: {  	[sflag:s0] =	ssyncset.done $0x0  }
0x318: {  	[sflag:s0] =	ssyncadd.s32 $0xFFFFFF80  }
0x319: {  	_ =	swait.ge [sflag:s0], $0x80  }
0x31a: {  	[sflag:s0] =	ssyncset.done $0x0  }
0x31b: {  	[sflag:s0] =	ssyncadd.s32 $0xFFFFFF80  }
0x31c: {  	_ =	swait.ge [sflag:s0], $0x80  }
0x31d: {  	[sflag:s0] =	ssyncset.done $0x0  }
0x31e: {  	[sflag:s0] =	ssyncadd.s32 $0xFFFFFF80  }
0x31f: {  	_ =	swait.ge [sflag:s0], $0x80  }
0x320: {  	[sflag:s0] =	ssyncset.done $0x0  }
0x321: {  	[sflag:s0] =	ssyncadd.s32 $0xFFFFFF80  }
0x322: {  	_ =	swait.ge [sflag:s0], $0x80  }
0x323: {  	[sflag:s0] =	ssyncset.done $0x0  }
0x324: {  	[sflag:s0] =	ssyncadd.s32 $0xFFFFFF80  }
0x325: {  	_ =	swait.ge [sflag:s0], $0x80  }
0x326: {  	[sflag:s0] =	ssyncset.done $0x0  }
0x327: {  	[sflag:s0] =	ssyncadd.s32 $0xFFFFFF80  }
0x328: {  	_ =	swait.ge [sflag:s0], $0x80  }
0x329: {  	[sflag:s0] =	ssyncset.done $0x0  }
0x32a: {  	[sflag:s0] =	ssyncadd.s32 $0xFFFFFF80  }
0x32b: {  	_ =	swait.ge [sflag:s0], $0x80  }
0x32c: {  	[sflag:s0] =	ssyncset.done $0x0  }
0x32d: {  	[sflag:s0] =	ssyncadd.s32 $0xFFFFFF80  }
0x32e: {  	_ =	swait.ge [sflag:s0], $0x80  }
0x32f: {  	[sflag:s0] =	ssyncset.done $0x0  }
0x330: {  	[sflag:s0] =	ssyncadd.s32 $0xFFFFFF80  }
0x331: {  	_ =	swait.ge [sflag:s0], $0x80  }
0x332: {  	[sflag:s0] =	ssyncset.done $0x0  }
0x333: {  	[sflag:s0] =	ssyncadd.s32 $0xFFFFFF80  }
0x334: {  	_ =	swait.ge [sflag:s0], $0x80  }
0x335: {  	[sflag:s0] =	ssyncset.done $0x0  }
0x336: {  	[sflag:s0] =	ssyncadd.s32 $0xFFFFFF80  }
0x337: {  	_ =	swait.ge [sflag:s0], $0x80  }
0x338: {  	[sflag:s0] =	ssyncset.done $0x0  }
0x339: {  	[sflag:s0] =	ssyncadd.s32 $0xFFFFFF80  }
0x33a: {  	_ =	swait.ge [sflag:s0], $0x80  }
0x33b: {  	[sflag:s0] =	ssyncset.done $0x0  }
0x33c: {  	[sflag:s0] =	ssyncadd.s32 $0xFFFFFF80  }
0x33d: {  	_ =	swait.ge [sflag:s0], $0x80  }
0x33e: {  	[sflag:s0] =	ssyncset.done $0x0  }
0x33f: {  	[sflag:s0] =	ssyncadd.s32 $0xFFFFFF80  }
0x340: {  	_ =	swait.ge [sflag:s0], $0x80  }
0x341: {  	[sflag:s0] =	ssyncset.done $0x0  }
0x342: {  	[sflag:s0] =	ssyncadd.s32 $0xFFFFFF80  }
0x343: {  	_ =	swait.ge [sflag:s0], $0x80  }
0x344: {  	[sflag:s0] =	ssyncset.done $0x0  }
0x345: {  	[sflag:s0] =	ssyncadd.s32 $0xFFFFFF80  }
0x346: {  	_ =	swait.ge [sflag:s0], $0x80  }
0x347: {  	[sflag:s0] =	ssyncset.done $0x0  }
0x348: {  	[sflag:s0] =	ssyncadd.s32 $0xFFFFFF80  }
0x349: {  	s28 =	stileid.u32;
	[bflag:$0x0] =	sbarrier.arrive $0xFFFF  }
0x34a: {  	s0 =	sshll.u32 s28, $0x6;
	s1 =	rddreg [dreg:$0xb]  }
0x34b: {  	s29 =	simm.s32 $0x4;
	s0 =	sor.u32 $0x1C04, s0;
	s2 =	rddreg [dreg:$0x19]  }
0x34c: {  	[hbm:s1], [sflag:s0] =	dma.local [spmem:s2], $0x2710  }
0x34d: {  	_ =	swait.ge [sflag:s29], $0x2710  }
0x34e: {  	s30 =	sld [smem:$0x7E9];
	_ =	sdelay $0x2  }
0x34f: {  	s31 =	rddreg [dreg:$0xc];
	s2 =	sadd.s32 $0x1, s30  }
0x350: {  	p0 =	seq.s32 s2, s31  }
.Ltmp4:
0x351: {  	_ = 	snop;
	(pc) =	sbr.rel @!p0 .LBB2_1-.Ltmp4, $3  }
0x352: {  	_ =	sdelay $0x1  }
0x353: {  	[sflag:s29] =	ssyncset.done $0x0  }
0x354: {  	s3 =	simm.s32 $0x1;
	[sflag:s29] =	ssyncadd.s32 $0xFFFFD8F0  }
0x355: {  	_ =	sfence.sel $0x180000  }
0x356: {  	[bflag:$0x0] =	sbarrier.arrive $0xFFFF  }
0x357: {  	_ =	strace $0x90000047  }
0x358: {  	s0 =	stileid.u32;
	[bflag:$0x2] =	sbarrier.arrive $0xFFFF  }
0x359: {  	p0 =	sne.s32 s0, $0x0;
	s0 =	rddreg [dreg:$0x2]  }
0x35a: {  	s0 =	sadd.s32 @!p0 $0x100000, s0  }
0x35b: {  	[sflag:s0] =	ssyncadd.tile.s32 @!p0 $0x1;
	_ =	shalt  }
.Lfunc_end2:
_tile_overlayer_lowered:
.L_overlay_start_2:
0x35c: {  	(tag) =	ssettag $0x2  }
0x35d: {  	s0 =	rddreg [dreg:$0x0];
	s2 =	stileid.u32  }
0x35e: {  	s1 =	rddreg [dreg:$0x1];
	p0 =	sne.s32 s2, $0x0  }
0x35f: {  	s3 =	rddreg [dreg:$0x2];
	[bflag:$0x3] =	sbarrier.arrive $0xFFFF;
	s2 =	simm.s32 @!p0 $0x1C04  }
0x360: {  	[timem:s3], [sflag:s2] =	dma.local @!p0 [hbm:s0], s1  }
0x361: {  	s0 =	simm.s32 @!p0 $0x4  }
0x362: {  	_ =	swait.ge @!p0 [sflag:s0], s1  }
0x363: {  	s1 =	ssub.s32 @!p0 $0x0, s1;
	[sflag:s0] =	ssyncset.done @!p0 $0x0  }
0x364: {  	[sflag:s0] =	ssyncadd.s32 @!p0 s1  }
0x365: {  	[bflag:$0x3] =	sbarrier.arrive $0xFFFF  }
0x366: {  	_ =	shalt  }

</sc_bundles>
